<compile_context>
chip_gen: v7x
topology: tpu7x:2x2x1
jax: 0.10.2.dev20260603
libtpu: 0.0.44.dev20260713+nightly
codegen_flags: <defaults>
</compile_context>

<pallas_src>
import functools

import jax
import jax.numpy as jnp
from jax import lax
from jax.experimental import pallas as pl
from jax.experimental.pallas import tpu as pltpu
from jax.experimental.pallas import tpu_sc as plsc

B, N, D = 8, 4096, 4
BM = 2048
RB = N // BM

_NC, _NS, _L = 2, 16, 16
_NW = _NC * _NS
_C = N // _NW
_OW = 48

_K = 24


def _trunc_bf(x):
    bits = lax.bitcast_convert_type(x, jnp.int32)
    return lax.bitcast_convert_type(bits & jnp.int32(-65536), jnp.float32)


def _split3(x):
    h = _trunc_bf(x)
    m = _trunc_bf(x - h)
    l = _trunc_bf(x - h - m)
    return h, m, l


def _operand_rows(xr, yr, width):
    s2 = xr * xr + yr * yr
    hx, mx, lx = _split3(xr)
    hy, my, ly = _split3(yr)
    s2h, s2m, s2l = _split3(s2)
    one = jnp.ones((1, width), jnp.float32)
    return hx, mx, lx, hy, my, ly, s2h, s2m, s2l, one


def _argmin_body(p4_ref, t4_ref, nnt_ref, nnp_ref,
                 colm_ref, cola_ref, rhs_ref):
    rb = pl.program_id(1)

    @pl.when(rb == 0)
    def _():
        tx = t4_ref[0, 0:1, :]
        ty = t4_ref[0, 1:2, :]
        hx, mx, lx, hy, my, ly, t2h, t2m, t2l, one = _operand_rows(tx, ty, N)
        zpad = jnp.zeros((_K - 18, N), jnp.float32)
        rhs_ref[...] = jnp.concatenate(
            [-2 * hx, -2 * hx, -2 * mx, -2 * hx, -2 * lx, -2 * mx,
             -2 * hy, -2 * hy, -2 * my, -2 * hy, -2 * ly, -2 * my,
             t2h, t2m, t2l, one, one, one, zpad], axis=0)

    px = p4_ref[0, 0:1, :]
    py = p4_ref[0, 1:2, :]
    hx, mx, lx, hy, my, ly, p2h, p2m, p2l, one = _operand_rows(px, py, BM)
    zpad = jnp.zeros((_K - 18, BM), jnp.float32)
    lhs_t = jnp.concatenate(
        [hx, mx, hx, lx, hx, mx,
         hy, my, hy, ly, hy, my,
         one, one, one, p2h, p2m, p2l, zpad], axis=0)

    d2 = lax.dot_general(lhs_t, rhs_ref[...], (((0,), (0,)), ((), ())),
                         preferred_element_type=jnp.float32)

    rarg = jnp.argmin(d2, axis=1).astype(jnp.int32)
    nnt_ref[0, 0] = rarg

    bcm = jnp.min(d2, axis=0, keepdims=True)
    bca = (jnp.argmin(d2, axis=0).astype(jnp.int32)[None, :]
           + rb * BM)

    @pl.when(rb == 0)
    def _():
        colm_ref[...] = bcm
        cola_ref[...] = bca

    @pl.when(rb > 0)
    def _():
        old_m = colm_ref[...]
        old_a = cola_ref[...]
        take_new = bcm < old_m
        colm_ref[...] = jnp.where(take_new, bcm, old_m)
        cola_ref[...] = jnp.where(take_new, bca, old_a)

    @pl.when(rb == RB - 1)
    def _():
        nnp_ref[0] = cola_ref[...]


def _argmins(p4, t4, interpret=False):
    return pl.pallas_call(
        _argmin_body,
        grid=(B, RB),
        in_specs=[
            pl.BlockSpec((1, D, BM), lambda b, rb: (b, 0, rb)),
            pl.BlockSpec((1, D, N), lambda b, rb: (b, 0, 0)),
        ],
        out_specs=[
            pl.BlockSpec((1, 1, BM), lambda b, rb: (b * RB + rb, 0, 0)),
            pl.BlockSpec((1, 1, N), lambda b, rb: (b, 0, 0)),
        ],
        out_shape=[
            jax.ShapeDtypeStruct((B * RB, 1, BM), jnp.int32),
            jax.ShapeDtypeStruct((B, 1, N), jnp.int32),
        ],
        scratch_shapes=[
            pltpu.VMEM((1, N), jnp.float32),
            pltpu.VMEM((1, N), jnp.int32),
            pltpu.VMEM((_K, N), jnp.float32),
        ],
        compiler_params=pltpu.CompilerParams(
            dimension_semantics=("arbitrary", "arbitrary"),
        ),
        interpret=interpret,
    )(p4, t4)


def _sc_body(px_hbm, py_hbm, tx_hbm, ty_hbm, nnt_hbm, nnp_hbm, out_hbm,
             v0, v1, idxv, cxv, cyv, stage):
    wid = lax.axis_index("c") * _NS + lax.axis_index("s")
    base = wid * _C
    accx = jnp.zeros((_L,), jnp.float32)
    accy = jnp.zeros((_L,), jnp.float32)
    acct = jnp.zeros((_L,), jnp.float32)

    pltpu.sync_copy(tx_hbm, v0)
    pltpu.sync_copy(ty_hbm, v1)
    for b in range(B):
        pltpu.sync_copy(nnt_hbm.at[pl.ds(b * N + base, _C)], idxv)
        pltpu.sync_copy(px_hbm.at[pl.ds(b * N + base, _C)], cxv)
        pltpu.sync_copy(py_hbm.at[pl.ds(b * N + base, _C)], cyv)
        for v in range(_C // _L):
            it = idxv[pl.ds(v * _L, _L)] + jnp.int32(b * N)
            gx = plsc.load_gather(v0, [it])
            gy = plsc.load_gather(v1, [it])
            accx = accx + jnp.abs(cxv[pl.ds(v * _L, _L)] - gx)
            accy = accy + jnp.abs(cyv[pl.ds(v * _L, _L)] - gy)

    pltpu.sync_copy(px_hbm, v0)
    pltpu.sync_copy(py_hbm, v1)
    for b in range(B):
        pltpu.sync_copy(nnp_hbm.at[pl.ds(b * N + base, _C)], idxv)
        pltpu.sync_copy(tx_hbm.at[pl.ds(b * N + base, _C)], cxv)
        pltpu.sync_copy(ty_hbm.at[pl.ds(b * N + base, _C)], cyv)
        for v in range(_C // _L):
            ip = idxv[pl.ds(v * _L, _L)] + jnp.int32(b * N)
            gx = plsc.load_gather(v0, [ip])
            gy = plsc.load_gather(v1, [ip])
            acct = (acct + jnp.abs(gx - cxv[pl.ds(v * _L, _L)])
                    + jnp.abs(gy - cyv[pl.ds(v * _L, _L)]))

    stage[pl.ds(0, _L)] = accx
    stage[pl.ds(_L, _L)] = accy
    stage[pl.ds(2 * _L, _L)] = acct
    pltpu.sync_copy(stage, out_hbm.at[pl.ds(wid * _OW, _OW)])


@functools.partial(jax.jit, static_argnames=())
def _sc_gather_l1(px, py, tx, ty, nnt, nnp):
    mesh = plsc.VectorSubcoreMesh(core_axis_name="c", subcore_axis_name="s")
    return pl.kernel(
        _sc_body,
        out_type=jax.ShapeDtypeStruct((_NW * _OW,), jnp.float32),
        mesh=mesh,
        scratch_types=[
            pltpu.VMEM((B * N,), jnp.float32),
            pltpu.VMEM((B * N,), jnp.float32),
            pltpu.VMEM((_C,), jnp.int32),
            pltpu.VMEM((_C,), jnp.float32),
            pltpu.VMEM((_C,), jnp.float32),
            pltpu.VMEM((_OW,), jnp.float32),
        ],
        compiler_params=pltpu.CompilerParams(needs_layout_passes=False),
    )(px, py, tx, ty, nnt, nnp)


def kernel(preds, targs, subcoef):
    p4 = jnp.transpose(preds, (0, 2, 1))
    t4 = jnp.transpose(targs, (0, 2, 1))
    nnt, nnp = _argmins(p4, t4)
    nnt = nnt.reshape(B * N)
    nnp = nnp.reshape(B * N)

    px = p4[:, 0, :].reshape(B * N)
    py = p4[:, 1, :].reshape(B * N)
    tx = t4[:, 0, :].reshape(B * N)
    ty = t4[:, 1, :].reshape(B * N)
    parts = _sc_gather_l1(px, py, tx, ty, nnt, nnp).reshape(_NW, 3, _L)
    sums = jnp.sum(parts, axis=(0, 2))
    return subcoef[0] * sums[0] + subcoef[1] * sums[1] + sums[2]

# --- scband reference (transcript-rebuilt; emitter-appended) ---
"""Pipeline reference for scband-nnloss-41377714929793 (READ-ONLY COPY).

The authoritative reference and input builder live on the scoring server;
editing this copy changes nothing except your own understanding.
"""

import jax, jax.numpy as jnp
import numpy as np

B, N_PRED, N_TARG, D = 8, 4096, 4096, 4


def setup_inputs(seed: int = 0) -> dict:
    key = jax.random.key(seed)
    k1, k2 = jax.random.split(key)
    preds = jax.random.normal(k1, (B, N_PRED, D), dtype=jnp.float32)
    targs = jax.random.normal(k2, (B, N_TARG, D), dtype=jnp.float32)
    # subcoef: learned/config coefficient vector, default ones(len(loss_indices))
    subcoef = jnp.ones((2,), dtype=jnp.float32)
    return {"preds": preds, "targs": targs, "subcoef": subcoef}


def _per_sample(pred, targ, subcoef):
    # loss_indices = [0, 1]: loss computed on first two coordinates (x, y)
    p = pred[:, :2]
    t = targ[:, :2]
    # brute-force replacement for scipy KDTree.query (exact 1-NN in 2D)
    d = jnp.sum((p[:, None, :] - t[None, :, :]) ** 2, axis=-1)  # [N_PRED, N_TARG]
    # item['kdtree'][i].query(pred): nearest GT for each pred point
    nn_t = jnp.argmin(d, axis=1)  # [N_PRED]
    move_preds_to_gt = jnp.sum(jnp.abs(p - t[nn_t]) * subcoef)
    # kdtrees[i].query(targ): nearest pred for each GT point (tree built on pred[:, :2])
    nn_p = jnp.argmin(d, axis=0)  # [N_TARG]
    move_gts_to_pred = jnp.sum(jnp.abs(p[nn_p] - t))
    return move_preds_to_gt + move_gts_to_pred


def reference(preds, targs, subcoef):
    total = jnp.float32(0.0)
    for i in range(preds.shape[0]):
        total = total + _per_sample(preds[i], targs[i], subcoef)
    return total

if __name__ == "__main__":
    import jax
    _d = setup_inputs()
    print(jax.jit(kernel)(*tuple(_d.values())))

</pallas_src>

<mosaic_0001>
#map = affine_map<(d0, d1) -> (0)>
module attributes {stable_mosaic.version = 14 : i64} {
  func.func @_sc_body(%arg0: i32, %arg1: i32, %arg2: memref<32768xf32, #tpu.memory_space<hbm>>, %arg3: memref<32768xf32, #tpu.memory_space<hbm>>, %arg4: memref<32768xf32, #tpu.memory_space<hbm>>, %arg5: memref<32768xf32, #tpu.memory_space<hbm>>, %arg6: memref<32768xi32, #tpu.memory_space<hbm>>, %arg7: memref<32768xi32, #tpu.memory_space<hbm>>, %arg8: memref<1536xf32, #tpu.memory_space<hbm>>, %arg9: memref<32768xf32, #tpu.memory_space<vmem>>, %arg10: memref<32768xf32, #tpu.memory_space<vmem>>, %arg11: memref<128xi32, #tpu.memory_space<vmem>>, %arg12: memref<128xf32, #tpu.memory_space<vmem>>, %arg13: memref<128xf32, #tpu.memory_space<vmem>>, %arg14: memref<48xf32, #tpu.memory_space<vmem>>) attributes {dimension_semantics = [#tpu.dimension_semantics<core_parallel>, #tpu.dimension_semantics<subcore_parallel>], iteration_bounds = array<i64: 2, 16>, scalar_prefetch = 0 : i64, scratch_operands = 6 : i64, tpu.core_type = #tpu.core_type<sc_vector_subcore>, window_params = [{transform_indices = #map}, {transform_indices = #map}, {transform_indices = #map}, {transform_indices = #map}, {transform_indices = #map}, {transform_indices = #map}, {transform_indices = #map}]} {
    %mul3A = arith.constant 16 : i32
    %mul3A_0 = arith.muli %arg0, %mul3A : i32
    %add3A = arith.addi %mul3A_0, %arg1 : i32
    %mul3A_1 = arith.constant 128 : i32
    %mul3A_2 = arith.muli %add3A, %mul3A_1 : i32
    %broadcast_in_dim3A = arith.constant 0.000000e+00 : f32
    %broadcast_in_dim3A_3 = vector.broadcast %broadcast_in_dim3A : f32 to vector<16xf32>
    %broadcast_in_dim3A_4 = arith.constant 0.000000e+00 : f32
    %broadcast_in_dim3A_5 = vector.broadcast %broadcast_in_dim3A_4 : f32 to vector<16xf32>
    %broadcast_in_dim3A_6 = arith.constant 0.000000e+00 : f32
    %broadcast_in_dim3A_7 = vector.broadcast %broadcast_in_dim3A_6 : f32 to vector<16xf32>
    "tpu.region"() ({
      %run_scoped3A = tpu.sem_alloc : memref<!tpu.dma_semaphore, #tpu.memory_space<semaphore_mem>>
      tpu.enqueue_dma source(%arg4 : memref<32768xf32, #tpu.memory_space<hbm>>) target(%arg9 : memref<32768xf32, #tpu.memory_space<vmem>>) target_semaphore(%run_scoped3A : memref<!tpu.dma_semaphore, #tpu.memory_space<semaphore_mem>>)
      tpu.wait_dma2 semaphore(%run_scoped3A : memref<!tpu.dma_semaphore, #tpu.memory_space<semaphore_mem>>) src(%arg4 : memref<32768xf32, #tpu.memory_space<hbm>>) dst(%arg9 : memref<32768xf32, #tpu.memory_space<vmem>>)
      tpu.yield
    }) : () -> ()
    "tpu.region"() ({
      %run_scoped3A = tpu.sem_alloc : memref<!tpu.dma_semaphore, #tpu.memory_space<semaphore_mem>>
      tpu.enqueue_dma source(%arg5 : memref<32768xf32, #tpu.memory_space<hbm>>) target(%arg10 : memref<32768xf32, #tpu.memory_space<vmem>>) target_semaphore(%run_scoped3A : memref<!tpu.dma_semaphore, #tpu.memory_space<semaphore_mem>>)
      tpu.wait_dma2 semaphore(%run_scoped3A : memref<!tpu.dma_semaphore, #tpu.memory_space<semaphore_mem>>) src(%arg5 : memref<32768xf32, #tpu.memory_space<hbm>>) dst(%arg10 : memref<32768xf32, #tpu.memory_space<vmem>>)
      tpu.yield
    }) : () -> ()
    %add3A_8 = arith.constant 0 : i32
    %add3A_9 = arith.addi %add3A_8, %mul3A_2 : i32
    "tpu.region"() ({
      %run_scoped3A = tpu.sem_alloc : memref<!tpu.dma_semaphore, #tpu.memory_space<semaphore_mem>>
      %dma_start3A = tpu.memref_slice %arg6[%add3A_9] : memref<32768xi32, #tpu.memory_space<hbm>> -> memref<128xi32, #tpu.memory_space<hbm>>
      %dma_start3A_2283 = tpu.memref_slice %arg6[%add3A_9] : memref<32768xi32, #tpu.memory_space<hbm>> -> memref<128xi32, #tpu.memory_space<hbm>>
      tpu.enqueue_dma source(%dma_start3A_2283 : memref<128xi32, #tpu.memory_space<hbm>>) target(%arg11 : memref<128xi32, #tpu.memory_space<vmem>>) target_semaphore(%run_scoped3A : memref<!tpu.dma_semaphore, #tpu.memory_space<semaphore_mem>>)
      %dma_wait3A = tpu.memref_slice %arg6[%add3A_9] : memref<32768xi32, #tpu.memory_space<hbm>> -> memref<128xi32, #tpu.memory_space<hbm>>
      %dma_wait3A_2284 = tpu.memref_slice %arg6[%add3A_9] : memref<32768xi32, #tpu.memory_space<hbm>> -> memref<128xi32, #tpu.memory_space<hbm>>
      tpu.wait_dma2 semaphore(%run_scoped3A : memref<!tpu.dma_semaphore, #tpu.memory_space<semaphore_mem>>) src(%dma_wait3A_2284 : memref<128xi32, #tpu.memory_space<hbm>>) dst(%arg11 : memref<128xi32, #tpu.memory_space<vmem>>)
      tpu.yield
    }) : () -> ()
    %add3A_10 = arith.constant 0 : i32
    %add3A_11 = arith.addi %add3A_10, %mul3A_2 : i32
    "tpu.region"() ({
      %run_scoped3A = tpu.sem_alloc : memref<!tpu.dma_semaphore, #tpu.memory_space<semaphore_mem>>
      %dma_start3A = tpu.memref_slice %arg2[%add3A_11] : memref<32768xf32, #tpu.memory_space<hbm>> -> memref<128xf32, #tpu.memory_space<hbm>>
      %dma_start3A_2283 = tpu.memref_slice %arg2[%add3A_11] : memref<32768xf32, #tpu.memory_space<hbm>> -> memref<128xf32, #tpu.memory_space<hbm>>
      tpu.enqueue_dma source(%dma_start3A_2283 : memref<128xf32, #tpu.memory_space<hbm>>) target(%arg12 : memref<128xf32, #tpu.memory_space<vmem>>) target_semaphore(%run_scoped3A : memref<!tpu.dma_semaphore, #tpu.memory_space<semaphore_mem>>)
      %dma_wait3A = tpu.memref_slice %arg2[%add3A_11] : memref<32768xf32, #tpu.memory_space<hbm>> -> memref<128xf32, #tpu.memory_space<hbm>>
      %dma_wait3A_2284 = tpu.memref_slice %arg2[%add3A_11] : memref<32768xf32, #tpu.memory_space<hbm>> -> memref<128xf32, #tpu.memory_space<hbm>>
      tpu.wait_dma2 semaphore(%run_scoped3A : memref<!tpu.dma_semaphore, #tpu.memory_space<semaphore_mem>>) src(%dma_wait3A_2284 : memref<128xf32, #tpu.memory_space<hbm>>) dst(%arg12 : memref<128xf32, #tpu.memory_space<vmem>>)
      tpu.yield
    }) : () -> ()
    %add3A_12 = arith.constant 0 : i32
    %add3A_13 = arith.addi %add3A_12, %mul3A_2 : i32
    "tpu.region"() ({
      %run_scoped3A = tpu.sem_alloc : memref<!tpu.dma_semaphore, #tpu.memory_space<semaphore_mem>>
      %dma_start3A = tpu.memref_slice %arg3[%add3A_13] : memref<32768xf32, #tpu.memory_space<hbm>> -> memref<128xf32, #tpu.memory_space<hbm>>
      %dma_start3A_2283 = tpu.memref_slice %arg3[%add3A_13] : memref<32768xf32, #tpu.memory_space<hbm>> -> memref<128xf32, #tpu.memory_space<hbm>>
      tpu.enqueue_dma source(%dma_start3A_2283 : memref<128xf32, #tpu.memory_space<hbm>>) target(%arg13 : memref<128xf32, #tpu.memory_space<vmem>>) target_semaphore(%run_scoped3A : memref<!tpu.dma_semaphore, #tpu.memory_space<semaphore_mem>>)
      %dma_wait3A = tpu.memref_slice %arg3[%add3A_13] : memref<32768xf32, #tpu.memory_space<hbm>> -> memref<128xf32, #tpu.memory_space<hbm>>
      %dma_wait3A_2284 = tpu.memref_slice %arg3[%add3A_13] : memref<32768xf32, #tpu.memory_space<hbm>> -> memref<128xf32, #tpu.memory_space<hbm>>
      tpu.wait_dma2 semaphore(%run_scoped3A : memref<!tpu.dma_semaphore, #tpu.memory_space<semaphore_mem>>) src(%dma_wait3A_2284 : memref<128xf32, #tpu.memory_space<hbm>>) dst(%arg13 : memref<128xf32, #tpu.memory_space<vmem>>)
      tpu.yield
    }) : () -> ()
    %get3A = arith.constant 0 : index
    %get3A_14 = tpu.vector_load %arg11[%get3A] {strides = array<i32>} : memref<128xi32, #tpu.memory_space<vmem>>, vector<16xi32>,
    %add3A_15 = arith.constant 0 : i32
    %add3A_16 = vector.broadcast %add3A_15 : i32 to vector<16xi32>
    %add3A_17 = arith.addi %get3A_14, %add3A_16 : vector<16xi32>
    %gather3A = tpu.vector_load_idx %arg9[%add3A_17] : memref<32768xf32, #tpu.memory_space<vmem>>[vector<16xi32>], vector<16xf32>,
    %gather3A_18 = tpu.vector_load_idx %arg10[%add3A_17] : memref<32768xf32, #tpu.memory_space<vmem>>[vector<16xi32>], vector<16xf32>,
    %get3A_19 = arith.constant 0 : index
    %get3A_20 = tpu.vector_load %arg12[%get3A_19] {strides = array<i32>} : memref<128xf32, #tpu.memory_space<vmem>>, vector<16xf32>,
    %sub3A = arith.subf %get3A_20, %gather3A : vector<16xf32>
    %abs3A = math.absf %sub3A : vector<16xf32>
    %add3A_21 = arith.addf %broadcast_in_dim3A_3, %abs3A : vector<16xf32>
    %get3A_22 = arith.constant 0 : index
    %get3A_23 = tpu.vector_load %arg13[%get3A_22] {strides = array<i32>} : memref<128xf32, #tpu.memory_space<vmem>>, vector<16xf32>,
    %sub3A_24 = arith.subf %get3A_23, %gather3A_18 : vector<16xf32>
    %abs3A_25 = math.absf %sub3A_24 : vector<16xf32>
    %add3A_26 = arith.addf %broadcast_in_dim3A_5, %abs3A_25 : vector<16xf32>
    %get3A_27 = arith.constant 16 : index
    %get3A_28 = tpu.vector_load %arg11[%get3A_27] {strides = array<i32>} : memref<128xi32, #tpu.memory_space<vmem>>, vector<16xi32>,
    %add3A_29 = arith.constant 0 : i32
    %add3A_30 = vector.broadcast %add3A_29 : i32 to vector<16xi32>
    %add3A_31 = arith.addi %get3A_28, %add3A_30 : vector<16xi32>
    %gather3A_32 = tpu.vector_load_idx %arg9[%add3A_31] : memref<32768xf32, #tpu.memory_space<vmem>>[vector<16xi32>], vector<16xf32>,
    %gather3A_33 = tpu.vector_load_idx %arg10[%add3A_31] : memref<32768xf32, #tpu.memory_space<vmem>>[vector<16xi32>], vector<16xf32>,
    %get3A_34 = arith.constant 16 : index
    %get3A_35 = tpu.vector_load %arg12[%get3A_34] {strides = array<i32>} : memref<128xf32, #tpu.memory_space<vmem>>, vector<16xf32>,
    %sub3A_36 = arith.subf %get3A_35, %gather3A_32 : vector<16xf32>
    %abs3A_37 = math.absf %sub3A_36 : vector<16xf32>
    %add3A_38 = arith.addf %add3A_21, %abs3A_37 : vector<16xf32>
    %get3A_39 = arith.constant 16 : index
    %get3A_40 = tpu.vector_load %arg13[%get3A_39] {strides = array<i32>} : memref<128xf32, #tpu.memory_space<vmem>>, vector<16xf32>,
    %sub3A_41 = arith.subf %get3A_40, %gather3A_33 : vector<16xf32>
    %abs3A_42 = math.absf %sub3A_41 : vector<16xf32>
    %add3A_43 = arith.addf %add3A_26, %abs3A_42 : vector<16xf32>
    %get3A_44 = arith.constant 32 : index
    %get3A_45 = tpu.vector_load %arg11[%get3A_44] {strides = array<i32>} : memref<128xi32, #tpu.memory_space<vmem>>, vector<16xi32>,
    %add3A_46 = arith.constant 0 : i32
    %add3A_47 = vector.broadcast %add3A_46 : i32 to vector<16xi32>
    %add3A_48 = arith.addi %get3A_45, %add3A_47 : vector<16xi32>
    %gather3A_49 = tpu.vector_load_idx %arg9[%add3A_48] : memref<32768xf32, #tpu.memory_space<vmem>>[vector<16xi32>], vector<16xf32>,
    %gather3A_50 = tpu.vector_load_idx %arg10[%add3A_48] : memref<32768xf32, #tpu.memory_space<vmem>>[vector<16xi32>], vector<16xf32>,
    %get3A_51 = arith.constant 32 : index
    %get3A_52 = tpu.vector_load %arg12[%get3A_51] {strides = array<i32>} : memref<128xf32, #tpu.memory_space<vmem>>, vector<16xf32>,
    %sub3A_53 = arith.subf %get3A_52, %gather3A_49 : vector<16xf32>
    %abs3A_54 = math.absf %sub3A_53 : vector<16xf32>
    %add3A_55 = arith.addf %add3A_38, %abs3A_54 : vector<16xf32>
    %get3A_56 = arith.constant 32 : index
    %get3A_57 = tpu.vector_load %arg13[%get3A_56] {strides = array<i32>} : memref<128xf32, #tpu.memory_space<vmem>>, vector<16xf32>,
    %sub3A_58 = arith.subf %get3A_57, %gather3A_50 : vector<16xf32>
    %abs3A_59 = math.absf %sub3A_58 : vector<16xf32>
    %add3A_60 = arith.addf %add3A_43, %abs3A_59 : vector<16xf32>
    %get3A_61 = arith.constant 48 : index
    %get3A_62 = tpu.vector_load %arg11[%get3A_61] {strides = array<i32>} : memref<128xi32, #tpu.memory_space<vmem>>, vector<16xi32>,
    %add3A_63 = arith.constant 0 : i32
    %add3A_64 = vector.broadcast %add3A_63 : i32 to vector<16xi32>
    %add3A_65 = arith.addi %get3A_62, %add3A_64 : vector<16xi32>
    %gather3A_66 = tpu.vector_load_idx %arg9[%add3A_65] : memref<32768xf32, #tpu.memory_space<vmem>>[vector<16xi32>], vector<16xf32>,
    %gather3A_67 = tpu.vector_load_idx %arg10[%add3A_65] : memref<32768xf32, #tpu.memory_space<vmem>>[vector<16xi32>], vector<16xf32>,
    %get3A_68 = arith.constant 48 : index
    %get3A_69 = tpu.vector_load %arg12[%get3A_68] {strides = array<i32>} : memref<128xf32, #tpu.memory_space<vmem>>, vector<16xf32>,
    %sub3A_70 = arith.subf %get3A_69, %gather3A_66 : vector<16xf32>
    %abs3A_71 = math.absf %sub3A_70 : vector<16xf32>
    %add3A_72 = arith.addf %add3A_55, %abs3A_71 : vector<16xf32>
    %get3A_73 = arith.constant 48 : index
    %get3A_74 = tpu.vector_load %arg13[%get3A_73] {strides = array<i32>} : memref<128xf32, #tpu.memory_space<vmem>>, vector<16xf32>,
    %sub3A_75 = arith.subf %get3A_74, %gather3A_67 : vector<16xf32>
    %abs3A_76 = math.absf %sub3A_75 : vector<16xf32>
    %add3A_77 = arith.addf %add3A_60, %abs3A_76 : vector<16xf32>
    %get3A_78 = arith.constant 64 : index
    %get3A_79 = tpu.vector_load %arg11[%get3A_78] {strides = array<i32>} : memref<128xi32, #tpu.memory_space<vmem>>, vector<16xi32>,
    %add3A_80 = arith.constant 0 : i32
    %add3A_81 = vector.broadcast %add3A_80 : i32 to vector<16xi32>
    %add3A_82 = arith.addi %get3A_79, %add3A_81 : vector<16xi32>
    %gather3A_83 = tpu.vector_load_idx %arg9[%add3A_82] : memref<32768xf32, #tpu.memory_space<vmem>>[vector<16xi32>], vector<16xf32>,
    %gather3A_84 = tpu.vector_load_idx %arg10[%add3A_82] : memref<32768xf32, #tpu.memory_space<vmem>>[vector<16xi32>], vector<16xf32>,
    %get3A_85 = arith.constant 64 : index
    %get3A_86 = tpu.vector_load %arg12[%get3A_85] {strides = array<i32>} : memref<128xf32, #tpu.memory_space<vmem>>, vector<16xf32>,
    %sub3A_87 = arith.subf %get3A_86, %gather3A_83 : vector<16xf32>
    %abs3A_88 = math.absf %sub3A_87 : vector<16xf32>
    %add3A_89 = arith.addf %add3A_72, %abs3A_88 : vector<16xf32>
    %get3A_90 = arith.constant 64 : index
    %get3A_91 = tpu.vector_load %arg13[%get3A_90] {strides = array<i32>} : memref<128xf32, #tpu.memory_space<vmem>>, vector<16xf32>,
    %sub3A_92 = arith.subf %get3A_91, %gather3A_84 : vector<16xf32>
    %abs3A_93 = math.absf %sub3A_92 : vector<16xf32>
    %add3A_94 = arith.addf %add3A_77, %abs3A_93 : vector<16xf32>
    %get3A_95 = arith.constant 80 : index
    %get3A_96 = tpu.vector_load %arg11[%get3A_95] {strides = array<i32>} : memref<128xi32, #tpu.memory_space<vmem>>, vector<16xi32>,
    %add3A_97 = arith.constant 0 : i32
    %add3A_98 = vector.broadcast %add3A_97 : i32 to vector<16xi32>
    %add3A_99 = arith.addi %get3A_96, %add3A_98 : vector<16xi32>
    %gather3A_100 = tpu.vector_load_idx %arg9[%add3A_99] : memref<32768xf32, #tpu.memory_space<vmem>>[vector<16xi32>], vector<16xf32>,
    %gather3A_101 = tpu.vector_load_idx %arg10[%add3A_99] : memref<32768xf32, #tpu.memory_space<vmem>>[vector<16xi32>], vector<16xf32>,
    %get3A_102 = arith.constant 80 : index
    %get3A_103 = tpu.vector_load %arg12[%get3A_102] {strides = array<i32>} : memref<128xf32, #tpu.memory_space<vmem>>, vector<16xf32>,
    %sub3A_104 = arith.subf %get3A_103, %gather3A_100 : vector<16xf32>
    %abs3A_105 = math.absf %sub3A_104 : vector<16xf32>
    %add3A_106 = arith.addf %add3A_89, %abs3A_105 : vector<16xf32>
    %get3A_107 = arith.constant 80 : index
    %get3A_108 = tpu.vector_load %arg13[%get3A_107] {strides = array<i32>} : memref<128xf32, #tpu.memory_space<vmem>>, vector<16xf32>,
    %sub3A_109 = arith.subf %get3A_108, %gather3A_101 : vector<16xf32>
    %abs3A_110 = math.absf %sub3A_109 : vector<16xf32>
    %add3A_111 = arith.addf %add3A_94, %abs3A_110 : vector<16xf32>
    %get3A_112 = arith.constant 96 : index
    %get3A_113 = tpu.vector_load %arg11[%get3A_112] {strides = array<i32>} : memref<128xi32, #tpu.memory_space<vmem>>, vector<16xi32>,
    %add3A_114 = arith.constant 0 : i32
    %add3A_115 = vector.broadcast %add3A_114 : i32 to vector<16xi32>
    %add3A_116 = arith.addi %get3A_113, %add3A_115 : vector<16xi32>
    %gather3A_117 = tpu.vector_load_idx %arg9[%add3A_116] : memref<32768xf32, #tpu.memory_space<vmem>>[vector<16xi32>], vector<16xf32>,
    %gather3A_118 = tpu.vector_load_idx %arg10[%add3A_116] : memref<32768xf32, #tpu.memory_space<vmem>>[vector<16xi32>], vector<16xf32>,
    %get3A_119 = arith.constant 96 : index
    %get3A_120 = tpu.vector_load %arg12[%get3A_119] {strides = array<i32>} : memref<128xf32, #tpu.memory_space<vmem>>, vector<16xf32>,
    %sub3A_121 = arith.subf %get3A_120, %gather3A_117 : vector<16xf32>
    %abs3A_122 = math.absf %sub3A_121 : vector<16xf32>
    %add3A_123 = arith.addf %add3A_106, %abs3A_122 : vector<16xf32>
    %get3A_124 = arith.constant 96 : index
    %get3A_125 = tpu.vector_load %arg13[%get3A_124] {strides = array<i32>} : memref<128xf32, #tpu.memory_space<vmem>>, vector<16xf32>,
    %sub3A_126 = arith.subf %get3A_125, %gather3A_118 : vector<16xf32>
    %abs3A_127 = math.absf %sub3A_126 : vector<16xf32>
    %add3A_128 = arith.addf %add3A_111, %abs3A_127 : vector<16xf32>
    %get3A_129 = arith.constant 112 : index
    %get3A_130 = tpu.vector_load %arg11[%get3A_129] {strides = array<i32>} : memref<128xi32, #tpu.memory_space<vmem>>, vector<16xi32>,
    %add3A_131 = arith.constant 0 : i32
    %add3A_132 = vector.broadcast %add3A_131 : i32 to vector<16xi32>
    %add3A_133 = arith.addi %get3A_130, %add3A_132 : vector<16xi32>
    %gather3A_134 = tpu.vector_load_idx %arg9[%add3A_133] : memref<32768xf32, #tpu.memory_space<vmem>>[vector<16xi32>], vector<16xf32>,
    %gather3A_135 = tpu.vector_load_idx %arg10[%add3A_133] : memref<32768xf32, #tpu.memory_space<vmem>>[vector<16xi32>], vector<16xf32>,
    %get3A_136 = arith.constant 112 : index
    %get3A_137 = tpu.vector_load %arg12[%get3A_136] {strides = array<i32>} : memref<128xf32, #tpu.memory_space<vmem>>, vector<16xf32>,
    %sub3A_138 = arith.subf %get3A_137, %gather3A_134 : vector<16xf32>
    %abs3A_139 = math.absf %sub3A_138 : vector<16xf32>
    %add3A_140 = arith.addf %add3A_123, %abs3A_139 : vector<16xf32>
    %get3A_141 = arith.constant 112 : index
    %get3A_142 = tpu.vector_load %arg13[%get3A_141] {strides = array<i32>} : memref<128xf32, #tpu.memory_space<vmem>>, vector<16xf32>,
    %sub3A_143 = arith.subf %get3A_142, %gather3A_135 : vector<16xf32>
    %abs3A_144 = math.absf %sub3A_143 : vector<16xf32>
    %add3A_145 = arith.addf %add3A_128, %abs3A_144 : vector<16xf32>
    %add3A_146 = arith.constant 4096 : i32
    %add3A_147 = arith.addi %add3A_146, %mul3A_2 : i32
    "tpu.region"() ({
      %run_scoped3A = tpu.sem_alloc : memref<!tpu.dma_semaphore, #tpu.memory_space<semaphore_mem>>
      %dma_start3A = tpu.memref_slice %arg6[%add3A_147] : memref<32768xi32, #tpu.memory_space<hbm>> -> memref<128xi32, #tpu.memory_space<hbm>>
      %dma_start3A_2283 = tpu.memref_slice %arg6[%add3A_147] : memref<32768xi32, #tpu.memory_space<hbm>> -> memref<128xi32, #tpu.memory_space<hbm>>
      tpu.enqueue_dma source(%dma_start3A_2283 : memref<128xi32, #tpu.memory_space<hbm>>) target(%arg11 : memref<128xi32, #tpu.memory_space<vmem>>) target_semaphore(%run_scoped3A : memref<!tpu.dma_semaphore, #tpu.memory_space<semaphore_mem>>)
      %dma_wait3A = tpu.memref_slice %arg6[%add3A_147] : memref<32768xi32, #tpu.memory_space<hbm>> -> memref<128xi32, #tpu.memory_space<hbm>>
      %dma_wait3A_2284 = tpu.memref_slice %arg6[%add3A_147] : memref<32768xi32, #tpu.memory_space<hbm>> -> memref<128xi32, #tpu.memory_space<hbm>>
      tpu.wait_dma2 semaphore(%run_scoped3A : memref<!tpu.dma_semaphore, #tpu.memory_space<semaphore_mem>>) src(%dma_wait3A_2284 : memref<128xi32, #tpu.memory_space<hbm>>) dst(%arg11 : memref<128xi32, #tpu.memory_space<vmem>>)
      tpu.yield
    }) : () -> ()
    %add3A_148 = arith.constant 4096 : i32
    %add3A_149 = arith.addi %add3A_148, %mul3A_2 : i32
    "tpu.region"() ({
      %run_scoped3A = tpu.sem_alloc : memref<!tpu.dma_semaphore, #tpu.memory_space<semaphore_mem>>
      %dma_start3A = tpu.memref_slice %arg2[%add3A_149] : memref<32768xf32, #tpu.memory_space<hbm>> -> memref<128xf32, #tpu.memory_space<hbm>>
      %dma_start3A_2283 = tpu.memref_slice %arg2[%add3A_149] : memref<32768xf32, #tpu.memory_space<hbm>> -> memref<128xf32, #tpu.memory_space<hbm>>
      tpu.enqueue_dma source(%dma_start3A_2283 : memref<128xf32, #tpu.memory_space<hbm>>) target(%arg12 : memref<128xf32, #tpu.memory_space<vmem>>) target_semaphore(%run_scoped3A : memref<!tpu.dma_semaphore, #tpu.memory_space<semaphore_mem>>)
      %dma_wait3A = tpu.memref_slice %arg2[%add3A_149] : memref<32768xf32, #tpu.memory_space<hbm>> -> memref<128xf32, #tpu.memory_space<hbm>>
      %dma_wait3A_2284 = tpu.memref_slice %arg2[%add3A_149] : memref<32768xf32, #tpu.memory_space<hbm>> -> memref<128xf32, #tpu.memory_space<hbm>>
      tpu.wait_dma2 semaphore(%run_scoped3A : memref<!tpu.dma_semaphore, #tpu.memory_space<semaphore_mem>>) src(%dma_wait3A_2284 : memref<128xf32, #tpu.memory_space<hbm>>) dst(%arg12 : memref<128xf32, #tpu.memory_space<vmem>>)
      tpu.yield
    }) : () -> ()
    %add3A_150 = arith.constant 4096 : i32
    %add3A_151 = arith.addi %add3A_150, %mul3A_2 : i32
    "tpu.region"() ({
      %run_scoped3A = tpu.sem_alloc : memref<!tpu.dma_semaphore, #tpu.memory_space<semaphore_mem>>
      %dma_start3A = tpu.memref_slice %arg3[%add3A_151] : memref<32768xf32, #tpu.memory_space<hbm>> -> memref<128xf32, #tpu.memory_space<hbm>>
      %dma_start3A_2283 = tpu.memref_slice %arg3[%add3A_151] : memref<32768xf32, #tpu.memory_space<hbm>> -> memref<128xf32, #tpu.memory_space<hbm>>
      tpu.enqueue_dma source(%dma_start3A_2283 : memref<128xf32, #tpu.memory_space<hbm>>) target(%arg13 : memref<128xf32, #tpu.memory_space<vmem>>) target_semaphore(%run_scoped3A : memref<!tpu.dma_semaphore, #tpu.memory_space<semaphore_mem>>)
      %dma_wait3A = tpu.memref_slice %arg3[%add3A_151] : memref<32768xf32, #tpu.memory_space<hbm>> -> memref<128xf32, #tpu.memory_space<hbm>>
      %dma_wait3A_2284 = tpu.memref_slice %arg3[%add3A_151] : memref<32768xf32, #tpu.memory_space<hbm>> -> memref<128xf32, #tpu.memory_space<hbm>>
      tpu.wait_dma2 semaphore(%run_scoped3A : memref<!tpu.dma_semaphore, #tpu.memory_space<semaphore_mem>>) src(%dma_wait3A_2284 : memref<128xf32, #tpu.memory_space<hbm>>) dst(%arg13 : memref<128xf32, #tpu.memory_space<vmem>>)
      tpu.yield
    }) : () -> ()
    %get3A_152 = arith.constant 0 : index
    %get3A_153 = tpu.vector_load %arg11[%get3A_152] {strides = array<i32>} : memref<128xi32, #tpu.memory_space<vmem>>, vector<16xi32>,
    %add3A_154 = arith.constant 4096 : i32
    %add3A_155 = vector.broadcast %add3A_154 : i32 to vector<16xi32>
    %add3A_156 = arith.addi %get3A_153, %add3A_155 : vector<16xi32>
    %gather3A_157 = tpu.vector_load_idx %arg9[%add3A_156] : memref<32768xf32, #tpu.memory_space<vmem>>[vector<16xi32>], vector<16xf32>,
    %gather3A_158 = tpu.vector_load_idx %arg10[%add3A_156] : memref<32768xf32, #tpu.memory_space<vmem>>[vector<16xi32>], vector<16xf32>,
    %get3A_159 = arith.constant 0 : index
    %get3A_160 = tpu.vector_load %arg12[%get3A_159] {strides = array<i32>} : memref<128xf32, #tpu.memory_space<vmem>>, vector<16xf32>,
    %sub3A_161 = arith.subf %get3A_160, %gather3A_157 : vector<16xf32>
    %abs3A_162 = math.absf %sub3A_161 : vector<16xf32>
    %add3A_163 = arith.addf %add3A_140, %abs3A_162 : vector<16xf32>
    %get3A_164 = arith.constant 0 : index
    %get3A_165 = tpu.vector_load %arg13[%get3A_164] {strides = array<i32>} : memref<128xf32, #tpu.memory_space<vmem>>, vector<16xf32>,
    %sub3A_166 = arith.subf %get3A_165, %gather3A_158 : vector<16xf32>
    %abs3A_167 = math.absf %sub3A_166 : vector<16xf32>
    %add3A_168 = arith.addf %add3A_145, %abs3A_167 : vector<16xf32>
    %get3A_169 = arith.constant 16 : index
    %get3A_170 = tpu.vector_load %arg11[%get3A_169] {strides = array<i32>} : memref<128xi32, #tpu.memory_space<vmem>>, vector<16xi32>,
    %add3A_171 = arith.constant 4096 : i32
    %add3A_172 = vector.broadcast %add3A_171 : i32 to vector<16xi32>
    %add3A_173 = arith.addi %get3A_170, %add3A_172 : vector<16xi32>
    %gather3A_174 = tpu.vector_load_idx %arg9[%add3A_173] : memref<32768xf32, #tpu.memory_space<vmem>>[vector<16xi32>], vector<16xf32>,
    %gather3A_175 = tpu.vector_load_idx %arg10[%add3A_173] : memref<32768xf32, #tpu.memory_space<vmem>>[vector<16xi32>], vector<16xf32>,
    %get3A_176 = arith.constant 16 : index
    %get3A_177 = tpu.vector_load %arg12[%get3A_176] {strides = array<i32>} : memref<128xf32, #tpu.memory_space<vmem>>, vector<16xf32>,
    %sub3A_178 = arith.subf %get3A_177, %gather3A_174 : vector<16xf32>
    %abs3A_179 = math.absf %sub3A_178 : vector<16xf32>
    %add3A_180 = arith.addf %add3A_163, %abs3A_179 : vector<16xf32>
    %get3A_181 = arith.constant 16 : index
    %get3A_182 = tpu.vector_load %arg13[%get3A_181] {strides = array<i32>} : memref<128xf32, #tpu.memory_space<vmem>>, vector<16xf32>,
    %sub3A_183 = arith.subf %get3A_182, %gather3A_175 : vector<16xf32>
    %abs3A_184 = math.absf %sub3A_183 : vector<16xf32>
    %add3A_185 = arith.addf %add3A_168, %abs3A_184 : vector<16xf32>
    %get3A_186 = arith.constant 32 : index
    %get3A_187 = tpu.vector_load %arg11[%get3A_186] {strides = array<i32>} : memref<128xi32, #tpu.memory_space<vmem>>, vector<16xi32>,
    %add3A_188 = arith.constant 4096 : i32
    %add3A_189 = vector.broadcast %add3A_188 : i32 to vector<16xi32>
    %add3A_190 = arith.addi %get3A_187, %add3A_189 : vector<16xi32>
    %gather3A_191 = tpu.vector_load_idx %arg9[%add3A_190] : memref<32768xf32, #tpu.memory_space<vmem>>[vector<16xi32>], vector<16xf32>,
    %gather3A_192 = tpu.vector_load_idx %arg10[%add3A_190] : memref<32768xf32, #tpu.memory_space<vmem>>[vector<16xi32>], vector<16xf32>,
    %get3A_193 = arith.constant 32 : index
    %get3A_194 = tpu.vector_load %arg12[%get3A_193] {strides = array<i32>} : memref<128xf32, #tpu.memory_space<vmem>>, vector<16xf32>,
    %sub3A_195 = arith.subf %get3A_194, %gather3A_191 : vector<16xf32>
    %abs3A_196 = math.absf %sub3A_195 : vector<16xf32>
    %add3A_197 = arith.addf %add3A_180, %abs3A_196 : vector<16xf32>
    %get3A_198 = arith.constant 32 : index
    %get3A_199 = tpu.vector_load %arg13[%get3A_198] {strides = array<i32>} : memref<128xf32, #tpu.memory_space<vmem>>, vector<16xf32>,
    %sub3A_200 = arith.subf %get3A_199, %gather3A_192 : vector<16xf32>
    %abs3A_201 = math.absf %sub3A_200 : vector<16xf32>
    %add3A_202 = arith.addf %add3A_185, %abs3A_201 : vector<16xf32>
    %get3A_203 = arith.constant 48 : index
    %get3A_204 = tpu.vector_load %arg11[%get3A_203] {strides = array<i32>} : memref<128xi32, #tpu.memory_space<vmem>>, vector<16xi32>,
    %add3A_205 = arith.constant 4096 : i32
    %add3A_206 = vector.broadcast %add3A_205 : i32 to vector<16xi32>
    %add3A_207 = arith.addi %get3A_204, %add3A_206 : vector<16xi32>
    %gather3A_208 = tpu.vector_load_idx %arg9[%add3A_207] : memref<32768xf32, #tpu.memory_space<vmem>>[vector<16xi32>], vector<16xf32>,
    %gather3A_209 = tpu.vector_load_idx %arg10[%add3A_207] : memref<32768xf32, #tpu.memory_space<vmem>>[vector<16xi32>], vector<16xf32>,
    %get3A_210 = arith.constant 48 : index
    %get3A_211 = tpu.vector_load %arg12[%get3A_210] {strides = array<i32>} : memref<128xf32, #tpu.memory_space<vmem>>, vector<16xf32>,
    %sub3A_212 = arith.subf %get3A_211, %gather3A_208 : vector<16xf32>
    %abs3A_213 = math.absf %sub3A_212 : vector<16xf32>
    %add3A_214 = arith.addf %add3A_197, %abs3A_213 : vector<16xf32>
    %get3A_215 = arith.constant 48 : index
    %get3A_216 = tpu.vector_load %arg13[%get3A_215] {strides = array<i32>} : memref<128xf32, #tpu.memory_space<vmem>>, vector<16xf32>,
    %sub3A_217 = arith.subf %get3A_216, %gather3A_209 : vector<16xf32>
    %abs3A_218 = math.absf %sub3A_217 : vector<16xf32>
    %add3A_219 = arith.addf %add3A_202, %abs3A_218 : vector<16xf32>
    %get3A_220 = arith.constant 64 : index
    %get3A_221 = tpu.vector_load %arg11[%get3A_220] {strides = array<i32>} : memref<128xi32, #tpu.memory_space<vmem>>, vector<16xi32>,
    %add3A_222 = arith.constant 4096 : i32
    %add3A_223 = vector.broadcast %add3A_222 : i32 to vector<16xi32>
    %add3A_224 = arith.addi %get3A_221, %add3A_223 : vector<16xi32>
    %gather3A_225 = tpu.vector_load_idx %arg9[%add3A_224] : memref<32768xf32, #tpu.memory_space<vmem>>[vector<16xi32>], vector<16xf32>,
    %gather3A_226 = tpu.vector_load_idx %arg10[%add3A_224] : memref<32768xf32, #tpu.memory_space<vmem>>[vector<16xi32>], vector<16xf32>,
    %get3A_227 = arith.constant 64 : index
    %get3A_228 = tpu.vector_load %arg12[%get3A_227] {strides = array<i32>} : memref<128xf32, #tpu.memory_space<vmem>>, vector<16xf32>,
    %sub3A_229 = arith.subf %get3A_228, %gather3A_225 : vector<16xf32>
    %abs3A_230 = math.absf %sub3A_229 : vector<16xf32>
    %add3A_231 = arith.addf %add3A_214, %abs3A_230 : vector<16xf32>
    %get3A_232 = arith.constant 64 : index
    %get3A_233 = tpu.vector_load %arg13[%get3A_232] {strides = array<i32>} : memref<128xf32, #tpu.memory_space<vmem>>, vector<16xf32>,
    %sub3A_234 = arith.subf %get3A_233, %gather3A_226 : vector<16xf32>
    %abs3A_235 = math.absf %sub3A_234 : vector<16xf32>
    %add3A_236 = arith.addf %add3A_219, %abs3A_235 : vector<16xf32>
    %get3A_237 = arith.constant 80 : index
    %get3A_238 = tpu.vector_load %arg11[%get3A_237] {strides = array<i32>} : memref<128xi32, #tpu.memory_space<vmem>>, vector<16xi32>,
    %add3A_239 = arith.constant 4096 : i32
    %add3A_240 = vector.broadcast %add3A_239 : i32 to vector<16xi32>
    %add3A_241 = arith.addi %get3A_238, %add3A_240 : vector<16xi32>
    %gather3A_242 = tpu.vector_load_idx %arg9[%add3A_241] : memref<32768xf32, #tpu.memory_space<vmem>>[vector<16xi32>], vector<16xf32>,
    %gather3A_243 = tpu.vector_load_idx %arg10[%add3A_241] : memref<32768xf32, #tpu.memory_space<vmem>>[vector<16xi32>], vector<16xf32>,
    %get3A_244 = arith.constant 80 : index
    %get3A_245 = tpu.vector_load %arg12[%get3A_244] {strides = array<i32>} : memref<128xf32, #tpu.memory_space<vmem>>, vector<16xf32>,
    %sub3A_246 = arith.subf %get3A_245, %gather3A_242 : vector<16xf32>
    %abs3A_247 = math.absf %sub3A_246 : vector<16xf32>
    %add3A_248 = arith.addf %add3A_231, %abs3A_247 : vector<16xf32>
    %get3A_249 = arith.constant 80 : index
    %get3A_250 = tpu.vector_load %arg13[%get3A_249] {strides = array<i32>} : memref<128xf32, #tpu.memory_space<vmem>>, vector<16xf32>,
    %sub3A_251 = arith.subf %get3A_250, %gather3A_243 : vector<16xf32>
    %abs3A_252 = math.absf %sub3A_251 : vector<16xf32>
    %add3A_253 = arith.addf %add3A_236, %abs3A_252 : vector<16xf32>
    %get3A_254 = arith.constant 96 : index
    %get3A_255 = tpu.vector_load %arg11[%get3A_254] {strides = array<i32>} : memref<128xi32, #tpu.memory_space<vmem>>, vector<16xi32>,
    %add3A_256 = arith.constant 4096 : i32
    %add3A_257 = vector.broadcast %add3A_256 : i32 to vector<16xi32>
    %add3A_258 = arith.addi %get3A_255, %add3A_257 : vector<16xi32>
    %gather3A_259 = tpu.vector_load_idx %arg9[%add3A_258] : memref<32768xf32, #tpu.memory_space<vmem>>[vector<16xi32>], vector<16xf32>,
    %gather3A_260 = tpu.vector_load_idx %arg10[%add3A_258] : memref<32768xf32, #tpu.memory_space<vmem>>[vector<16xi32>], vector<16xf32>,
    %get3A_261 = arith.constant 96 : index
    %get3A_262 = tpu.vector_load %arg12[%get3A_261] {strides = array<i32>} : memref<128xf32, #tpu.memory_space<vmem>>, vector<16xf32>,
    %sub3A_263 = arith.subf %get3A_262, %gather3A_259 : vector<16xf32>
    %abs3A_264 = math.absf %sub3A_263 : vector<16xf32>
    %add3A_265 = arith.addf %add3A_248, %abs3A_264 : vector<16xf32>
    %get3A_266 = arith.constant 96 : index
    %get3A_267 = tpu.vector_load %arg13[%get3A_266] {strides = array<i32>} : memref<128xf32, #tpu.memory_space<vmem>>, vector<16xf32>,
    %sub3A_268 = arith.subf %get3A_267, %gather3A_260 : vector<16xf32>
    %abs3A_269 = math.absf %sub3A_268 : vector<16xf32>
    %add3A_270 = arith.addf %add3A_253, %abs3A_269 : vector<16xf32>
    %get3A_271 = arith.constant 112 : index
    %get3A_272 = tpu.vector_load %arg11[%get3A_271] {strides = array<i32>} : memref<128xi32, #tpu.memory_space<vmem>>, vector<16xi32>,
    %add3A_273 = arith.constant 4096 : i32
    %add3A_274 = vector.broadcast %add3A_273 : i32 to vector<16xi32>
    %add3A_275 = arith.addi %get3A_272, %add3A_274 : vector<16xi32>
    %gather3A_276 = tpu.vector_load_idx %arg9[%add3A_275] : memref<32768xf32, #tpu.memory_space<vmem>>[vector<16xi32>], vector<16xf32>,
    %gather3A_277 = tpu.vector_load_idx %arg10[%add3A_275] : memref<32768xf32, #tpu.memory_space<vmem>>[vector<16xi32>], vector<16xf32>,
    %get3A_278 = arith.constant 112 : index
    %get3A_279 = tpu.vector_load %arg12[%get3A_278] {strides = array<i32>} : memref<128xf32, #tpu.memory_space<vmem>>, vector<16xf32>,
    %sub3A_280 = arith.subf %get3A_279, %gather3A_276 : vector<16xf32>
    %abs3A_281 = math.absf %sub3A_280 : vector<16xf32>
    %add3A_282 = arith.addf %add3A_265, %abs3A_281 : vector<16xf32>
    %get3A_283 = arith.constant 112 : index
    %get3A_284 = tpu.vector_load %arg13[%get3A_283] {strides = array<i32>} : memref<128xf32, #tpu.memory_space<vmem>>, vector<16xf32>,
    %sub3A_285 = arith.subf %get3A_284, %gather3A_277 : vector<16xf32>
    %abs3A_286 = math.absf %sub3A_285 : vector<16xf32>
    %add3A_287 = arith.addf %add3A_270, %abs3A_286 : vector<16xf32>
    %add3A_288 = arith.constant 8192 : i32
    %add3A_289 = arith.addi %add3A_288, %mul3A_2 : i32
    "tpu.region"() ({
      %run_scoped3A = tpu.sem_alloc : memref<!tpu.dma_semaphore, #tpu.memory_space<semaphore_mem>>
      %dma_start3A = tpu.memref_slice %arg6[%add3A_289] : memref<32768xi32, #tpu.memory_space<hbm>> -> memref<128xi32, #tpu.memory_space<hbm>>
      %dma_start3A_2283 = tpu.memref_slice %arg6[%add3A_289] : memref<32768xi32, #tpu.memory_space<hbm>> -> memref<128xi32, #tpu.memory_space<hbm>>
      tpu.enqueue_dma source(%dma_start3A_2283 : memref<128xi32, #tpu.memory_space<hbm>>) target(%arg11 : memref<128xi32, #tpu.memory_space<vmem>>) target_semaphore(%run_scoped3A : memref<!tpu.dma_semaphore, #tpu.memory_space<semaphore_mem>>)
      %dma_wait3A = tpu.memref_slice %arg6[%add3A_289] : memref<32768xi32, #tpu.memory_space<hbm>> -> memref<128xi32, #tpu.memory_space<hbm>>
      %dma_wait3A_2284 = tpu.memref_slice %arg6[%add3A_289] : memref<32768xi32, #tpu.memory_space<hbm>> -> memref<128xi32, #tpu.memory_space<hbm>>
      tpu.wait_dma2 semaphore(%run_scoped3A : memref<!tpu.dma_semaphore, #tpu.memory_space<semaphore_mem>>) src(%dma_wait3A_2284 : memref<128xi32, #tpu.memory_space<hbm>>) dst(%arg11 : memref<128xi32, #tpu.memory_space<vmem>>)
      tpu.yield
    }) : () -> ()
    %add3A_290 = arith.constant 8192 : i32
    %add3A_291 = arith.addi %add3A_290, %mul3A_2 : i32
    "tpu.region"() ({
      %run_scoped3A = tpu.sem_alloc : memref<!tpu.dma_semaphore, #tpu.memory_space<semaphore_mem>>
      %dma_start3A = tpu.memref_slice %arg2[%add3A_291] : memref<32768xf32, #tpu.memory_space<hbm>> -> memref<128xf32, #tpu.memory_space<hbm>>
      %dma_start3A_2283 = tpu.memref_slice %arg2[%add3A_291] : memref<32768xf32, #tpu.memory_space<hbm>> -> memref<128xf32, #tpu.memory_space<hbm>>
      tpu.enqueue_dma source(%dma_start3A_2283 : memref<128xf32, #tpu.memory_space<hbm>>) target(%arg12 : memref<128xf32, #tpu.memory_space<vmem>>) target_semaphore(%run_scoped3A : memref<!tpu.dma_semaphore, #tpu.memory_space<semaphore_mem>>)
      %dma_wait3A = tpu.memref_slice %arg2[%add3A_291] : memref<32768xf32, #tpu.memory_space<hbm>> -> memref<128xf32, #tpu.memory_space<hbm>>
      %dma_wait3A_2284 = tpu.memref_slice %arg2[%add3A_291] : memref<32768xf32, #tpu.memory_space<hbm>> -> memref<128xf32, #tpu.memory_space<hbm>>
      tpu.wait_dma2 semaphore(%run_scoped3A : memref<!tpu.dma_semaphore, #tpu.memory_space<semaphore_mem>>) src(%dma_wait3A_2284 : memref<128xf32, #tpu.memory_space<hbm>>) dst(%arg12 : memref<128xf32, #tpu.memory_space<vmem>>)
      tpu.yield
    }) : () -> ()
    %add3A_292 = arith.constant 8192 : i32
    %add3A_293 = arith.addi %add3A_292, %mul3A_2 : i32
    "tpu.region"() ({
      %run_scoped3A = tpu.sem_alloc : memref<!tpu.dma_semaphore, #tpu.memory_space<semaphore_mem>>
      %dma_start3A = tpu.memref_slice %arg3[%add3A_293] : memref<32768xf32, #tpu.memory_space<hbm>> -> memref<128xf32, #tpu.memory_space<hbm>>
      %dma_start3A_2283 = tpu.memref_slice %arg3[%add3A_293] : memref<32768xf32, #tpu.memory_space<hbm>> -> memref<128xf32, #tpu.memory_space<hbm>>
      tpu.enqueue_dma source(%dma_start3A_2283 : memref<128xf32, #tpu.memory_space<hbm>>) target(%arg13 : memref<128xf32, #tpu.memory_space<vmem>>) target_semaphore(%run_scoped3A : memref<!tpu.dma_semaphore, #tpu.memory_space<semaphore_mem>>)
      %dma_wait3A = tpu.memref_slice %arg3[%add3A_293] : memref<32768xf32, #tpu.memory_space<hbm>> -> memref<128xf32, #tpu.memory_space<hbm>>
      %dma_wait3A_2284 = tpu.memref_slice %arg3[%add3A_293] : memref<32768xf32, #tpu.memory_space<hbm>> -> memref<128xf32, #tpu.memory_space<hbm>>
      tpu.wait_dma2 semaphore(%run_scoped3A : memref<!tpu.dma_semaphore, #tpu.memory_space<semaphore_mem>>) src(%dma_wait3A_2284 : memref<128xf32, #tpu.memory_space<hbm>>) dst(%arg13 : memref<128xf32, #tpu.memory_space<vmem>>)
      tpu.yield
    }) : () -> ()
    %get3A_294 = arith.constant 0 : index
    %get3A_295 = tpu.vector_load %arg11[%get3A_294] {strides = array<i32>} : memref<128xi32, #tpu.memory_space<vmem>>, vector<16xi32>,
    %add3A_296 = arith.constant 8192 : i32
    %add3A_297 = vector.broadcast %add3A_296 : i32 to vector<16xi32>
    %add3A_298 = arith.addi %get3A_295, %add3A_297 : vector<16xi32>
    %gather3A_299 = tpu.vector_load_idx %arg9[%add3A_298] : memref<32768xf32, #tpu.memory_space<vmem>>[vector<16xi32>], vector<16xf32>,
    %gather3A_300 = tpu.vector_load_idx %arg10[%add3A_298] : memref<32768xf32, #tpu.memory_space<vmem>>[vector<16xi32>], vector<16xf32>,
    %get3A_301 = arith.constant 0 : index
    %get3A_302 = tpu.vector_load %arg12[%get3A_301] {strides = array<i32>} : memref<128xf32, #tpu.memory_space<vmem>>, vector<16xf32>,
    %sub3A_303 = arith.subf %get3A_302, %gather3A_299 : vector<16xf32>
    %abs3A_304 = math.absf %sub3A_303 : vector<16xf32>
    %add3A_305 = arith.addf %add3A_282, %abs3A_304 : vector<16xf32>
    %get3A_306 = arith.constant 0 : index
    %get3A_307 = tpu.vector_load %arg13[%get3A_306] {strides = array<i32>} : memref<128xf32, #tpu.memory_space<vmem>>, vector<16xf32>,
    %sub3A_308 = arith.subf %get3A_307, %gather3A_300 : vector<16xf32>
    %abs3A_309 = math.absf %sub3A_308 : vector<16xf32>
    %add3A_310 = arith.addf %add3A_287, %abs3A_309 : vector<16xf32>
    %get3A_311 = arith.constant 16 : index
    %get3A_312 = tpu.vector_load %arg11[%get3A_311] {strides = array<i32>} : memref<128xi32, #tpu.memory_space<vmem>>, vector<16xi32>,
    %add3A_313 = arith.constant 8192 : i32
    %add3A_314 = vector.broadcast %add3A_313 : i32 to vector<16xi32>
    %add3A_315 = arith.addi %get3A_312, %add3A_314 : vector<16xi32>
    %gather3A_316 = tpu.vector_load_idx %arg9[%add3A_315] : memref<32768xf32, #tpu.memory_space<vmem>>[vector<16xi32>], vector<16xf32>,
    %gather3A_317 = tpu.vector_load_idx %arg10[%add3A_315] : memref<32768xf32, #tpu.memory_space<vmem>>[vector<16xi32>], vector<16xf32>,
    %get3A_318 = arith.constant 16 : index
    %get3A_319 = tpu.vector_load %arg12[%get3A_318] {strides = array<i32>} : memref<128xf32, #tpu.memory_space<vmem>>, vector<16xf32>,
    %sub3A_320 = arith.subf %get3A_319, %gather3A_316 : vector<16xf32>
    %abs3A_321 = math.absf %sub3A_320 : vector<16xf32>
    %add3A_322 = arith.addf %add3A_305, %abs3A_321 : vector<16xf32>
    %get3A_323 = arith.constant 16 : index
    %get3A_324 = tpu.vector_load %arg13[%get3A_323] {strides = array<i32>} : memref<128xf32, #tpu.memory_space<vmem>>, vector<16xf32>,
    %sub3A_325 = arith.subf %get3A_324, %gather3A_317 : vector<16xf32>
    %abs3A_326 = math.absf %sub3A_325 : vector<16xf32>
    %add3A_327 = arith.addf %add3A_310, %abs3A_326 : vector<16xf32>
    %get3A_328 = arith.constant 32 : index
    %get3A_329 = tpu.vector_load %arg11[%get3A_328] {strides = array<i32>} : memref<128xi32, #tpu.memory_space<vmem>>, vector<16xi32>,
    %add3A_330 = arith.constant 8192 : i32
    %add3A_331 = vector.broadcast %add3A_330 : i32 to vector<16xi32>
    %add3A_332 = arith.addi %get3A_329, %add3A_331 : vector<16xi32>
    %gather3A_333 = tpu.vector_load_idx %arg9[%add3A_332] : memref<32768xf32, #tpu.memory_space<vmem>>[vector<16xi32>], vector<16xf32>,
    %gather3A_334 = tpu.vector_load_idx %arg10[%add3A_332] : memref<32768xf32, #tpu.memory_space<vmem>>[vector<16xi32>], vector<16xf32>,
    %get3A_335 = arith.constant 32 : index
    %get3A_336 = tpu.vector_load %arg12[%get3A_335] {strides = array<i32>} : memref<128xf32, #tpu.memory_space<vmem>>, vector<16xf32>,
    %sub3A_337 = arith.subf %get3A_336, %gather3A_333 : vector<16xf32>
    %abs3A_338 = math.absf %sub3A_337 : vector<16xf32>
    %add3A_339 = arith.addf %add3A_322, %abs3A_338 : vector<16xf32>
    %get3A_340 = arith.constant 32 : index
    %get3A_341 = tpu.vector_load %arg13[%get3A_340] {strides = array<i32>} : memref<128xf32, #tpu.memory_space<vmem>>, vector<16xf32>,
    %sub3A_342 = arith.subf %get3A_341, %gather3A_334 : vector<16xf32>
    %abs3A_343 = math.absf %sub3A_342 : vector<16xf32>
    %add3A_344 = arith.addf %add3A_327, %abs3A_343 : vector<16xf32>
    %get3A_345 = arith.constant 48 : index
    %get3A_346 = tpu.vector_load %arg11[%get3A_345] {strides = array<i32>} : memref<128xi32, #tpu.memory_space<vmem>>, vector<16xi32>,
    %add3A_347 = arith.constant 8192 : i32
    %add3A_348 = vector.broadcast %add3A_347 : i32 to vector<16xi32>
    %add3A_349 = arith.addi %get3A_346, %add3A_348 : vector<16xi32>
    %gather3A_350 = tpu.vector_load_idx %arg9[%add3A_349] : memref<32768xf32, #tpu.memory_space<vmem>>[vector<16xi32>], vector<16xf32>,
    %gather3A_351 = tpu.vector_load_idx %arg10[%add3A_349] : memref<32768xf32, #tpu.memory_space<vmem>>[vector<16xi32>], vector<16xf32>,
    %get3A_352 = arith.constant 48 : index
    %get3A_353 = tpu.vector_load %arg12[%get3A_352] {strides = array<i32>} : memref<128xf32, #tpu.memory_space<vmem>>, vector<16xf32>,
    %sub3A_354 = arith.subf %get3A_353, %gather3A_350 : vector<16xf32>
    %abs3A_355 = math.absf %sub3A_354 : vector<16xf32>
    %add3A_356 = arith.addf %add3A_339, %abs3A_355 : vector<16xf32>
    %get3A_357 = arith.constant 48 : index
    %get3A_358 = tpu.vector_load %arg13[%get3A_357] {strides = array<i32>} : memref<128xf32, #tpu.memory_space<vmem>>, vector<16xf32>,
    %sub3A_359 = arith.subf %get3A_358, %gather3A_351 : vector<16xf32>
    %abs3A_360 = math.absf %sub3A_359 : vector<16xf32>
    %add3A_361 = arith.addf %add3A_344, %abs3A_360 : vector<16xf32>
    %get3A_362 = arith.constant 64 : index
    %get3A_363 = tpu.vector_load %arg11[%get3A_362] {strides = array<i32>} : memref<128xi32, #tpu.memory_space<vmem>>, vector<16xi32>,
    %add3A_364 = arith.constant 8192 : i32
    %add3A_365 = vector.broadcast %add3A_364 : i32 to vector<16xi32>
    %add3A_366 = arith.addi %get3A_363, %add3A_365 : vector<16xi32>
    %gather3A_367 = tpu.vector_load_idx %arg9[%add3A_366] : memref<32768xf32, #tpu.memory_space<vmem>>[vector<16xi32>], vector<16xf32>,
    %gather3A_368 = tpu.vector_load_idx %arg10[%add3A_366] : memref<32768xf32, #tpu.memory_space<vmem>>[vector<16xi32>], vector<16xf32>,
    %get3A_369 = arith.constant 64 : index
    %get3A_370 = tpu.vector_load %arg12[%get3A_369] {strides = array<i32>} : memref<128xf32, #tpu.memory_space<vmem>>, vector<16xf32>,
    %sub3A_371 = arith.subf %get3A_370, %gather3A_367 : vector<16xf32>
    %abs3A_372 = math.absf %sub3A_371 : vector<16xf32>
    %add3A_373 = arith.addf %add3A_356, %abs3A_372 : vector<16xf32>
    %get3A_374 = arith.constant 64 : index
    %get3A_375 = tpu.vector_load %arg13[%get3A_374] {strides = array<i32>} : memref<128xf32, #tpu.memory_space<vmem>>, vector<16xf32>,
    %sub3A_376 = arith.subf %get3A_375, %gather3A_368 : vector<16xf32>
    %abs3A_377 = math.absf %sub3A_376 : vector<16xf32>
    %add3A_378 = arith.addf %add3A_361, %abs3A_377 : vector<16xf32>
    %get3A_379 = arith.constant 80 : index
    %get3A_380 = tpu.vector_load %arg11[%get3A_379] {strides = array<i32>} : memref<128xi32, #tpu.memory_space<vmem>>, vector<16xi32>,
    %add3A_381 = arith.constant 8192 : i32
    %add3A_382 = vector.broadcast %add3A_381 : i32 to vector<16xi32>
    %add3A_383 = arith.addi %get3A_380, %add3A_382 : vector<16xi32>
    %gather3A_384 = tpu.vector_load_idx %arg9[%add3A_383] : memref<32768xf32, #tpu.memory_space<vmem>>[vector<16xi32>], vector<16xf32>,
    %gather3A_385 = tpu.vector_load_idx %arg10[%add3A_383] : memref<32768xf32, #tpu.memory_space<vmem>>[vector<16xi32>], vector<16xf32>,
    %get3A_386 = arith.constant 80 : index
    %get3A_387 = tpu.vector_load %arg12[%get3A_386] {strides = array<i32>} : memref<128xf32, #tpu.memory_space<vmem>>, vector<16xf32>,
    %sub3A_388 = arith.subf %get3A_387, %gather3A_384 : vector<16xf32>
    %abs3A_389 = math.absf %sub3A_388 : vector<16xf32>
    %add3A_390 = arith.addf %add3A_373, %abs3A_389 : vector<16xf32>
    %get3A_391 = arith.constant 80 : index
    %get3A_392 = tpu.vector_load %arg13[%get3A_391] {strides = array<i32>} : memref<128xf32, #tpu.memory_space<vmem>>, vector<16xf32>,
    %sub3A_393 = arith.subf %get3A_392, %gather3A_385 : vector<16xf32>
    %abs3A_394 = math.absf %sub3A_393 : vector<16xf32>
    %add3A_395 = arith.addf %add3A_378, %abs3A_394 : vector<16xf32>
    %get3A_396 = arith.constant 96 : index
    %get3A_397 = tpu.vector_load %arg11[%get3A_396] {strides = array<i32>} : memref<128xi32, #tpu.memory_space<vmem>>, vector<16xi32>,
    %add3A_398 = arith.constant 8192 : i32
    %add3A_399 = vector.broadcast %add3A_398 : i32 to vector<16xi32>
    %add3A_400 = arith.addi %get3A_397, %add3A_399 : vector<16xi32>
    %gather3A_401 = tpu.vector_load_idx %arg9[%add3A_400] : memref<32768xf32, #tpu.memory_space<vmem>>[vector<16xi32>], vector<16xf32>,
    %gather3A_402 = tpu.vector_load_idx %arg10[%add3A_400] : memref<32768xf32, #tpu.memory_space<vmem>>[vector<16xi32>], vector<16xf32>,
    %get3A_403 = arith.constant 96 : index
    %get3A_404 = tpu.vector_load %arg12[%get3A_403] {strides = array<i32>} : memref<128xf32, #tpu.memory_space<vmem>>, vector<16xf32>,
    %sub3A_405 = arith.subf %get3A_404, %gather3A_401 : vector<16xf32>
    %abs3A_406 = math.absf %sub3A_405 : vector<16xf32>
    %add3A_407 = arith.addf %add3A_390, %abs3A_406 : vector<16xf32>
    %get3A_408 = arith.constant 96 : index
    %get3A_409 = tpu.vector_load %arg13[%get3A_408] {strides = array<i32>} : memref<128xf32, #tpu.memory_space<vmem>>, vector<16xf32>,
    %sub3A_410 = arith.subf %get3A_409, %gather3A_402 : vector<16xf32>
    %abs3A_411 = math.absf %sub3A_410 : vector<16xf32>
    %add3A_412 = arith.addf %add3A_395, %abs3A_411 : vector<16xf32>
    %get3A_413 = arith.constant 112 : index
    %get3A_414 = tpu.vector_load %arg11[%get3A_413] {strides = array<i32>} : memref<128xi32, #tpu.memory_space<vmem>>, vector<16xi32>,
    %add3A_415 = arith.constant 8192 : i32
    %add3A_416 = vector.broadcast %add3A_415 : i32 to vector<16xi32>
    %add3A_417 = arith.addi %get3A_414, %add3A_416 : vector<16xi32>
    %gather3A_418 = tpu.vector_load_idx %arg9[%add3A_417] : memref<32768xf32, #tpu.memory_space<vmem>>[vector<16xi32>], vector<16xf32>,
    %gather3A_419 = tpu.vector_load_idx %arg10[%add3A_417] : memref<32768xf32, #tpu.memory_space<vmem>>[vector<16xi32>], vector<16xf32>,
    %get3A_420 = arith.constant 112 : index
    %get3A_421 = tpu.vector_load %arg12[%get3A_420] {strides = array<i32>} : memref<128xf32, #tpu.memory_space<vmem>>, vector<16xf32>,
    %sub3A_422 = arith.subf %get3A_421, %gather3A_418 : vector<16xf32>
    %abs3A_423 = math.absf %sub3A_422 : vector<16xf32>
    %add3A_424 = arith.addf %add3A_407, %abs3A_423 : vector<16xf32>
    %get3A_425 = arith.constant 112 : index
    %get3A_426 = tpu.vector_load %arg13[%get3A_425] {strides = array<i32>} : memref<128xf32, #tpu.memory_space<vmem>>, vector<16xf32>,
    %sub3A_427 = arith.subf %get3A_426, %gather3A_419 : vector<16xf32>
    %abs3A_428 = math.absf %sub3A_427 : vector<16xf32>
    %add3A_429 = arith.addf %add3A_412, %abs3A_428 : vector<16xf32>
    %add3A_430 = arith.constant 12288 : i32
    %add3A_431 = arith.addi %add3A_430, %mul3A_2 : i32
    "tpu.region"() ({
      %run_scoped3A = tpu.sem_alloc : memref<!tpu.dma_semaphore, #tpu.memory_space<semaphore_mem>>
      %dma_start3A = tpu.memref_slice %arg6[%add3A_431] : memref<32768xi32, #tpu.memory_space<hbm>> -> memref<128xi32, #tpu.memory_space<hbm>>
      %dma_start3A_2283 = tpu.memref_slice %arg6[%add3A_431] : memref<32768xi32, #tpu.memory_space<hbm>> -> memref<128xi32, #tpu.memory_space<hbm>>
      tpu.enqueue_dma source(%dma_start3A_2283 : memref<128xi32, #tpu.memory_space<hbm>>) target(%arg11 : memref<128xi32, #tpu.memory_space<vmem>>) target_semaphore(%run_scoped3A : memref<!tpu.dma_semaphore, #tpu.memory_space<semaphore_mem>>)
      %dma_wait3A = tpu.memref_slice %arg6[%add3A_431] : memref<32768xi32, #tpu.memory_space<hbm>> -> memref<128xi32, #tpu.memory_space<hbm>>
      %dma_wait3A_2284 = tpu.memref_slice %arg6[%add3A_431] : memref<32768xi32, #tpu.memory_space<hbm>> -> memref<128xi32, #tpu.memory_space<hbm>>
      tpu.wait_dma2 semaphore(%run_scoped3A : memref<!tpu.dma_semaphore, #tpu.memory_space<semaphore_mem>>) src(%dma_wait3A_2284 : memref<128xi32, #tpu.memory_space<hbm>>) dst(%arg11 : memref<128xi32, #tpu.memory_space<vmem>>)
      tpu.yield
    }) : () -> ()
    %add3A_432 = arith.constant 12288 : i32
    %add3A_433 = arith.addi %add3A_432, %mul3A_2 : i32
    "tpu.region"() ({
      %run_scoped3A = tpu.sem_alloc : memref<!tpu.dma_semaphore, #tpu.memory_space<semaphore_mem>>
      %dma_start3A = tpu.memref_slice %arg2[%add3A_433] : memref<32768xf32, #tpu.memory_space<hbm>> -> memref<128xf32, #tpu.memory_space<hbm>>
      %dma_start3A_2283 = tpu.memref_slice %arg2[%add3A_433] : memref<32768xf32, #tpu.memory_space<hbm>> -> memref<128xf32, #tpu.memory_space<hbm>>
      tpu.enqueue_dma source(%dma_start3A_2283 : memref<128xf32, #tpu.memory_space<hbm>>) target(%arg12 : memref<128xf32, #tpu.memory_space<vmem>>) target_semaphore(%run_scoped3A : memref<!tpu.dma_semaphore, #tpu.memory_space<semaphore_mem>>)
      %dma_wait3A = tpu.memref_slice %arg2[%add3A_433] : memref<32768xf32, #tpu.memory_space<hbm>> -> memref<128xf32, #tpu.memory_space<hbm>>
      %dma_wait3A_2284 = tpu.memref_slice %arg2[%add3A_433] : memref<32768xf32, #tpu.memory_space<hbm>> -> memref<128xf32, #tpu.memory_space<hbm>>
      tpu.wait_dma2 semaphore(%run_scoped3A : memref<!tpu.dma_semaphore, #tpu.memory_space<semaphore_mem>>) src(%dma_wait3A_2284 : memref<128xf32, #tpu.memory_space<hbm>>) dst(%arg12 : memref<128xf32, #tpu.memory_space<vmem>>)
      tpu.yield
    }) : () -> ()
    %add3A_434 = arith.constant 12288 : i32
    %add3A_435 = arith.addi %add3A_434, %mul3A_2 : i32
    "tpu.region"() ({
      %run_scoped3A = tpu.sem_alloc : memref<!tpu.dma_semaphore, #tpu.memory_space<semaphore_mem>>
      %dma_start3A = tpu.memref_slice %arg3[%add3A_435] : memref<32768xf32, #tpu.memory_space<hbm>> -> memref<128xf32, #tpu.memory_space<hbm>>
      %dma_start3A_2283 = tpu.memref_slice %arg3[%add3A_435] : memref<32768xf32, #tpu.memory_space<hbm>> -> memref<128xf32, #tpu.memory_space<hbm>>
      tpu.enqueue_dma source(%dma_start3A_2283 : memref<128xf32, #tpu.memory_space<hbm>>) target(%arg13 : memref<128xf32, #tpu.memory_space<vmem>>) target_semaphore(%run_scoped3A : memref<!tpu.dma_semaphore, #tpu.memory_space<semaphore_mem>>)
      %dma_wait3A = tpu.memref_slice %arg3[%add3A_435] : memref<32768xf32, #tpu.memory_space<hbm>> -> memref<128xf32, #tpu.memory_space<hbm>>
      %dma_wait3A_2284 = tpu.memref_slice %arg3[%add3A_435] : memref<32768xf32, #tpu.memory_space<hbm>> -> memref<128xf32, #tpu.memory_space<hbm>>
      tpu.wait_dma2 semaphore(%run_scoped3A : memref<!tpu.dma_semaphore, #tpu.memory_space<semaphore_mem>>) src(%dma_wait3A_2284 : memref<128xf32, #tpu.memory_space<hbm>>) dst(%arg13 : memref<128xf32, #tpu.memory_space<vmem>>)
      tpu.yield
    }) : () -> ()
    %get3A_436 = arith.constant 0 : index
    %get3A_437 = tpu.vector_load %arg11[%get3A_436] {strides = array<i32>} : memref<128xi32, #tpu.memory_space<vmem>>, vector<16xi32>,
    %add3A_438 = arith.constant 12288 : i32
    %add3A_439 = vector.broadcast %add3A_438 : i32 to vector<16xi32>
    %add3A_440 = arith.addi %get3A_437, %add3A_439 : vector<16xi32>
    %gather3A_441 = tpu.vector_load_idx %arg9[%add3A_440] : memref<32768xf32, #tpu.memory_space<vmem>>[vector<16xi32>], vector<16xf32>,
    %gather3A_442 = tpu.vector_load_idx %arg10[%add3A_440] : memref<32768xf32, #tpu.memory_space<vmem>>[vector<16xi32>], vector<16xf32>,
    %get3A_443 = arith.constant 0 : index
    %get3A_444 = tpu.vector_load %arg12[%get3A_443] {strides = array<i32>} : memref<128xf32, #tpu.memory_space<vmem>>, vector<16xf32>,
    %sub3A_445 = arith.subf %get3A_444, %gather3A_441 : vector<16xf32>
    %abs3A_446 = math.absf %sub3A_445 : vector<16xf32>
    %add3A_447 = arith.addf %add3A_424, %abs3A_446 : vector<16xf32>
    %get3A_448 = arith.constant 0 : index
    %get3A_449 = tpu.vector_load %arg13[%get3A_448] {strides = array<i32>} : memref<128xf32, #tpu.memory_space<vmem>>, vector<16xf32>,
    %sub3A_450 = arith.subf %get3A_449, %gather3A_442 : vector<16xf32>
    %abs3A_451 = math.absf %sub3A_450 : vector<16xf32>
    %add3A_452 = arith.addf %add3A_429, %abs3A_451 : vector<16xf32>
    %get3A_453 = arith.constant 16 : index
    %get3A_454 = tpu.vector_load %arg11[%get3A_453] {strides = array<i32>} : memref<128xi32, #tpu.memory_space<vmem>>, vector<16xi32>,
    %add3A_455 = arith.constant 12288 : i32
    %add3A_456 = vector.broadcast %add3A_455 : i32 to vector<16xi32>
    %add3A_457 = arith.addi %get3A_454, %add3A_456 : vector<16xi32>
    %gather3A_458 = tpu.vector_load_idx %arg9[%add3A_457] : memref<32768xf32, #tpu.memory_space<vmem>>[vector<16xi32>], vector<16xf32>,
    %gather3A_459 = tpu.vector_load_idx %arg10[%add3A_457] : memref<32768xf32, #tpu.memory_space<vmem>>[vector<16xi32>], vector<16xf32>,
    %get3A_460 = arith.constant 16 : index
    %get3A_461 = tpu.vector_load %arg12[%get3A_460] {strides = array<i32>} : memref<128xf32, #tpu.memory_space<vmem>>, vector<16xf32>,
    %sub3A_462 = arith.subf %get3A_461, %gather3A_458 : vector<16xf32>
    %abs3A_463 = math.absf %sub3A_462 : vector<16xf32>
    %add3A_464 = arith.addf %add3A_447, %abs3A_463 : vector<16xf32>
    %get3A_465 = arith.constant 16 : index
    %get3A_466 = tpu.vector_load %arg13[%get3A_465] {strides = array<i32>} : memref<128xf32, #tpu.memory_space<vmem>>, vector<16xf32>,
    %sub3A_467 = arith.subf %get3A_466, %gather3A_459 : vector<16xf32>
    %abs3A_468 = math.absf %sub3A_467 : vector<16xf32>
    %add3A_469 = arith.addf %add3A_452, %abs3A_468 : vector<16xf32>
    %get3A_470 = arith.constant 32 : index
    %get3A_471 = tpu.vector_load %arg11[%get3A_470] {strides = array<i32>} : memref<128xi32, #tpu.memory_space<vmem>>, vector<16xi32>,
    %add3A_472 = arith.constant 12288 : i32
    %add3A_473 = vector.broadcast %add3A_472 : i32 to vector<16xi32>
    %add3A_474 = arith.addi %get3A_471, %add3A_473 : vector<16xi32>
    %gather3A_475 = tpu.vector_load_idx %arg9[%add3A_474] : memref<32768xf32, #tpu.memory_space<vmem>>[vector<16xi32>], vector<16xf32>,
    %gather3A_476 = tpu.vector_load_idx %arg10[%add3A_474] : memref<32768xf32, #tpu.memory_space<vmem>>[vector<16xi32>], vector<16xf32>,
    %get3A_477 = arith.constant 32 : index
    %get3A_478 = tpu.vector_load %arg12[%get3A_477] {strides = array<i32>} : memref<128xf32, #tpu.memory_space<vmem>>, vector<16xf32>,
    %sub3A_479 = arith.subf %get3A_478, %gather3A_475 : vector<16xf32>
    %abs3A_480 = math.absf %sub3A_479 : vector<16xf32>
    %add3A_481 = arith.addf %add3A_464, %abs3A_480 : vector<16xf32>
    %get3A_482 = arith.constant 32 : index
    %get3A_483 = tpu.vector_load %arg13[%get3A_482] {strides = array<i32>} : memref<128xf32, #tpu.memory_space<vmem>>, vector<16xf32>,
    %sub3A_484 = arith.subf %get3A_483, %gather3A_476 : vector<16xf32>
    %abs3A_485 = math.absf %sub3A_484 : vector<16xf32>
    %add3A_486 = arith.addf %add3A_469, %abs3A_485 : vector<16xf32>
    %get3A_487 = arith.constant 48 : index
    %get3A_488 = tpu.vector_load %arg11[%get3A_487] {strides = array<i32>} : memref<128xi32, #tpu.memory_space<vmem>>, vector<16xi32>,
    %add3A_489 = arith.constant 12288 : i32
    %add3A_490 = vector.broadcast %add3A_489 : i32 to vector<16xi32>
    %add3A_491 = arith.addi %get3A_488, %add3A_490 : vector<16xi32>
    %gather3A_492 = tpu.vector_load_idx %arg9[%add3A_491] : memref<32768xf32, #tpu.memory_space<vmem>>[vector<16xi32>], vector<16xf32>,
    %gather3A_493 = tpu.vector_load_idx %arg10[%add3A_491] : memref<32768xf32, #tpu.memory_space<vmem>>[vector<16xi32>], vector<16xf32>,
    %get3A_494 = arith.constant 48 : index
    %get3A_495 = tpu.vector_load %arg12[%get3A_494] {strides = array<i32>} : memref<128xf32, #tpu.memory_space<vmem>>, vector<16xf32>,
    %sub3A_496 = arith.subf %get3A_495, %gather3A_492 : vector<16xf32>
    %abs3A_497 = math.absf %sub3A_496 : vector<16xf32>
    %add3A_498 = arith.addf %add3A_481, %abs3A_497 : vector<16xf32>
    %get3A_499 = arith.constant 48 : index
    %get3A_500 = tpu.vector_load %arg13[%get3A_499] {strides = array<i32>} : memref<128xf32, #tpu.memory_space<vmem>>, vector<16xf32>,
    %sub3A_501 = arith.subf %get3A_500, %gather3A_493 : vector<16xf32>
    %abs3A_502 = math.absf %sub3A_501 : vector<16xf32>
    %add3A_503 = arith.addf %add3A_486, %abs3A_502 : vector<16xf32>
    %get3A_504 = arith.constant 64 : index
    %get3A_505 = tpu.vector_load %arg11[%get3A_504] {strides = array<i32>} : memref<128xi32, #tpu.memory_space<vmem>>, vector<16xi32>,
    %add3A_506 = arith.constant 12288 : i32
    %add3A_507 = vector.broadcast %add3A_506 : i32 to vector<16xi32>
    %add3A_508 = arith.addi %get3A_505, %add3A_507 : vector<16xi32>
    %gather3A_509 = tpu.vector_load_idx %arg9[%add3A_508] : memref<32768xf32, #tpu.memory_space<vmem>>[vector<16xi32>], vector<16xf32>,
    %gather3A_510 = tpu.vector_load_idx %arg10[%add3A_508] : memref<32768xf32, #tpu.memory_space<vmem>>[vector<16xi32>], vector<16xf32>,
    %get3A_511 = arith.constant 64 : index
    %get3A_512 = tpu.vector_load %arg12[%get3A_511] {strides = array<i32>} : memref<128xf32, #tpu.memory_space<vmem>>, vector<16xf32>,
    %sub3A_513 = arith.subf %get3A_512, %gather3A_509 : vector<16xf32>
    %abs3A_514 = math.absf %sub3A_513 : vector<16xf32>
    %add3A_515 = arith.addf %add3A_498, %abs3A_514 : vector<16xf32>
    %get3A_516 = arith.constant 64 : index
    %get3A_517 = tpu.vector_load %arg13[%get3A_516] {strides = array<i32>} : memref<128xf32, #tpu.memory_space<vmem>>, vector<16xf32>,
    %sub3A_518 = arith.subf %get3A_517, %gather3A_510 : vector<16xf32>
    %abs3A_519 = math.absf %sub3A_518 : vector<16xf32>
    %add3A_520 = arith.addf %add3A_503, %abs3A_519 : vector<16xf32>
    %get3A_521 = arith.constant 80 : index
    %get3A_522 = tpu.vector_load %arg11[%get3A_521] {strides = array<i32>} : memref<128xi32, #tpu.memory_space<vmem>>, vector<16xi32>,
    %add3A_523 = arith.constant 12288 : i32
    %add3A_524 = vector.broadcast %add3A_523 : i32 to vector<16xi32>
    %add3A_525 = arith.addi %get3A_522, %add3A_524 : vector<16xi32>
    %gather3A_526 = tpu.vector_load_idx %arg9[%add3A_525] : memref<32768xf32, #tpu.memory_space<vmem>>[vector<16xi32>], vector<16xf32>,
    %gather3A_527 = tpu.vector_load_idx %arg10[%add3A_525] : memref<32768xf32, #tpu.memory_space<vmem>>[vector<16xi32>], vector<16xf32>,
    %get3A_528 = arith.constant 80 : index
    %get3A_529 = tpu.vector_load %arg12[%get3A_528] {strides = array<i32>} : memref<128xf32, #tpu.memory_space<vmem>>, vector<16xf32>,
    %sub3A_530 = arith.subf %get3A_529, %gather3A_526 : vector<16xf32>
    %abs3A_531 = math.absf %sub3A_530 : vector<16xf32>
    %add3A_532 = arith.addf %add3A_515, %abs3A_531 : vector<16xf32>
    %get3A_533 = arith.constant 80 : index
    %get3A_534 = tpu.vector_load %arg13[%get3A_533] {strides = array<i32>} : memref<128xf32, #tpu.memory_space<vmem>>, vector<16xf32>,
    %sub3A_535 = arith.subf %get3A_534, %gather3A_527 : vector<16xf32>
    %abs3A_536 = math.absf %sub3A_535 : vector<16xf32>
    %add3A_537 = arith.addf %add3A_520, %abs3A_536 : vector<16xf32>
    %get3A_538 = arith.constant 96 : index
    %get3A_539 = tpu.vector_load %arg11[%get3A_538] {strides = array<i32>} : memref<128xi32, #tpu.memory_space<vmem>>, vector<16xi32>,
    %add3A_540 = arith.constant 12288 : i32
    %add3A_541 = vector.broadcast %add3A_540 : i32 to vector<16xi32>
    %add3A_542 = arith.addi %get3A_539, %add3A_541 : vector<16xi32>
    %gather3A_543 = tpu.vector_load_idx %arg9[%add3A_542] : memref<32768xf32, #tpu.memory_space<vmem>>[vector<16xi32>], vector<16xf32>,
    %gather3A_544 = tpu.vector_load_idx %arg10[%add3A_542] : memref<32768xf32, #tpu.memory_space<vmem>>[vector<16xi32>], vector<16xf32>,
    %get3A_545 = arith.constant 96 : index
    %get3A_546 = tpu.vector_load %arg12[%get3A_545] {strides = array<i32>} : memref<128xf32, #tpu.memory_space<vmem>>, vector<16xf32>,
    %sub3A_547 = arith.subf %get3A_546, %gather3A_543 : vector<16xf32>
    %abs3A_548 = math.absf %sub3A_547 : vector<16xf32>
    %add3A_549 = arith.addf %add3A_532, %abs3A_548 : vector<16xf32>
    %get3A_550 = arith.constant 96 : index
    %get3A_551 = tpu.vector_load %arg13[%get3A_550] {strides = array<i32>} : memref<128xf32, #tpu.memory_space<vmem>>, vector<16xf32>,
    %sub3A_552 = arith.subf %get3A_551, %gather3A_544 : vector<16xf32>
    %abs3A_553 = math.absf %sub3A_552 : vector<16xf32>
    %add3A_554 = arith.addf %add3A_537, %abs3A_553 : vector<16xf32>
    %get3A_555 = arith.constant 112 : index
    %get3A_556 = tpu.vector_load %arg11[%get3A_555] {strides = array<i32>} : memref<128xi32, #tpu.memory_space<vmem>>, vector<16xi32>,
    %add3A_557 = arith.constant 12288 : i32
    %add3A_558 = vector.broadcast %add3A_557 : i32 to vector<16xi32>
    %add3A_559 = arith.addi %get3A_556, %add3A_558 : vector<16xi32>
    %gather3A_560 = tpu.vector_load_idx %arg9[%add3A_559] : memref<32768xf32, #tpu.memory_space<vmem>>[vector<16xi32>], vector<16xf32>,
    %gather3A_561 = tpu.vector_load_idx %arg10[%add3A_559] : memref<32768xf32, #tpu.memory_space<vmem>>[vector<16xi32>], vector<16xf32>,
    %get3A_562 = arith.constant 112 : index
    %get3A_563 = tpu.vector_load %arg12[%get3A_562] {strides = array<i32>} : memref<128xf32, #tpu.memory_space<vmem>>, vector<16xf32>,
    %sub3A_564 = arith.subf %get3A_563, %gather3A_560 : vector<16xf32>
    %abs3A_565 = math.absf %sub3A_564 : vector<16xf32>
    %add3A_566 = arith.addf %add3A_549, %abs3A_565 : vector<16xf32>
    %get3A_567 = arith.constant 112 : index
    %get3A_568 = tpu.vector_load %arg13[%get3A_567] {strides = array<i32>} : memref<128xf32, #tpu.memory_space<vmem>>, vector<16xf32>,
    %sub3A_569 = arith.subf %get3A_568, %gather3A_561 : vector<16xf32>
    %abs3A_570 = math.absf %sub3A_569 : vector<16xf32>
    %add3A_571 = arith.addf %add3A_554, %abs3A_570 : vector<16xf32>
    %add3A_572 = arith.constant 16384 : i32
    %add3A_573 = arith.addi %add3A_572, %mul3A_2 : i32
    "tpu.region"() ({
      %run_scoped3A = tpu.sem_alloc : memref<!tpu.dma_semaphore, #tpu.memory_space<semaphore_mem>>
      %dma_start3A = tpu.memref_slice %arg6[%add3A_573] : memref<32768xi32, #tpu.memory_space<hbm>> -> memref<128xi32, #tpu.memory_space<hbm>>
      %dma_start3A_2283 = tpu.memref_slice %arg6[%add3A_573] : memref<32768xi32, #tpu.memory_space<hbm>> -> memref<128xi32, #tpu.memory_space<hbm>>
      tpu.enqueue_dma source(%dma_start3A_2283 : memref<128xi32, #tpu.memory_space<hbm>>) target(%arg11 : memref<128xi32, #tpu.memory_space<vmem>>) target_semaphore(%run_scoped3A : memref<!tpu.dma_semaphore, #tpu.memory_space<semaphore_mem>>)
      %dma_wait3A = tpu.memref_slice %arg6[%add3A_573] : memref<32768xi32, #tpu.memory_space<hbm>> -> memref<128xi32, #tpu.memory_space<hbm>>
      %dma_wait3A_2284 = tpu.memref_slice %arg6[%add3A_573] : memref<32768xi32, #tpu.memory_space<hbm>> -> memref<128xi32, #tpu.memory_space<hbm>>
      tpu.wait_dma2 semaphore(%run_scoped3A : memref<!tpu.dma_semaphore, #tpu.memory_space<semaphore_mem>>) src(%dma_wait3A_2284 : memref<128xi32, #tpu.memory_space<hbm>>) dst(%arg11 : memref<128xi32, #tpu.memory_space<vmem>>)
      tpu.yield
    }) : () -> ()
    %add3A_574 = arith.constant 16384 : i32
    %add3A_575 = arith.addi %add3A_574, %mul3A_2 : i32
    "tpu.region"() ({
      %run_scoped3A = tpu.sem_alloc : memref<!tpu.dma_semaphore, #tpu.memory_space<semaphore_mem>>
      %dma_start3A = tpu.memref_slice %arg2[%add3A_575] : memref<32768xf32, #tpu.memory_space<hbm>> -> memref<128xf32, #tpu.memory_space<hbm>>
      %dma_start3A_2283 = tpu.memref_slice %arg2[%add3A_575] : memref<32768xf32, #tpu.memory_space<hbm>> -> memref<128xf32, #tpu.memory_space<hbm>>
      tpu.enqueue_dma source(%dma_start3A_2283 : memref<128xf32, #tpu.memory_space<hbm>>) target(%arg12 : memref<128xf32, #tpu.memory_space<vmem>>) target_semaphore(%run_scoped3A : memref<!tpu.dma_semaphore, #tpu.memory_space<semaphore_mem>>)
      %dma_wait3A = tpu.memref_slice %arg2[%add3A_575] : memref<32768xf32, #tpu.memory_space<hbm>> -> memref<128xf32, #tpu.memory_space<hbm>>
      %dma_wait3A_2284 = tpu.memref_slice %arg2[%add3A_575] : memref<32768xf32, #tpu.memory_space<hbm>> -> memref<128xf32, #tpu.memory_space<hbm>>
      tpu.wait_dma2 semaphore(%run_scoped3A : memref<!tpu.dma_semaphore, #tpu.memory_space<semaphore_mem>>) src(%dma_wait3A_2284 : memref<128xf32, #tpu.memory_space<hbm>>) dst(%arg12 : memref<128xf32, #tpu.memory_space<vmem>>)
      tpu.yield
    }) : () -> ()
    %add3A_576 = arith.constant 16384 : i32
    %add3A_577 = arith.addi %add3A_576, %mul3A_2 : i32
    "tpu.region"() ({
      %run_scoped3A = tpu.sem_alloc : memref<!tpu.dma_semaphore, #tpu.memory_space<semaphore_mem>>
      %dma_start3A = tpu.memref_slice %arg3[%add3A_577] : memref<32768xf32, #tpu.memory_space<hbm>> -> memref<128xf32, #tpu.memory_space<hbm>>
      %dma_start3A_2283 = tpu.memref_slice %arg3[%add3A_577] : memref<32768xf32, #tpu.memory_space<hbm>> -> memref<128xf32, #tpu.memory_space<hbm>>
      tpu.enqueue_dma source(%dma_start3A_2283 : memref<128xf32, #tpu.memory_space<hbm>>) target(%arg13 : memref<128xf32, #tpu.memory_space<vmem>>) target_semaphore(%run_scoped3A : memref<!tpu.dma_semaphore, #tpu.memory_space<semaphore_mem>>)
      %dma_wait3A = tpu.memref_slice %arg3[%add3A_577] : memref<32768xf32, #tpu.memory_space<hbm>> -> memref<128xf32, #tpu.memory_space<hbm>>
      %dma_wait3A_2284 = tpu.memref_slice %arg3[%add3A_577] : memref<32768xf32, #tpu.memory_space<hbm>> -> memref<128xf32, #tpu.memory_space<hbm>>
      tpu.wait_dma2 semaphore(%run_scoped3A : memref<!tpu.dma_semaphore, #tpu.memory_space<semaphore_mem>>) src(%dma_wait3A_2284 : memref<128xf32, #tpu.memory_space<hbm>>) dst(%arg13 : memref<128xf32, #tpu.memory_space<vmem>>)
      tpu.yield
    }) : () -> ()
    %get3A_578 = arith.constant 0 : index
    %get3A_579 = tpu.vector_load %arg11[%get3A_578] {strides = array<i32>} : memref<128xi32, #tpu.memory_space<vmem>>, vector<16xi32>,
    %add3A_580 = arith.constant 16384 : i32
    %add3A_581 = vector.broadcast %add3A_580 : i32 to vector<16xi32>
    %add3A_582 = arith.addi %get3A_579, %add3A_581 : vector<16xi32>
    %gather3A_583 = tpu.vector_load_idx %arg9[%add3A_582] : memref<32768xf32, #tpu.memory_space<vmem>>[vector<16xi32>], vector<16xf32>,
    %gather3A_584 = tpu.vector_load_idx %arg10[%add3A_582] : memref<32768xf32, #tpu.memory_space<vmem>>[vector<16xi32>], vector<16xf32>,
    %get3A_585 = arith.constant 0 : index
    %get3A_586 = tpu.vector_load %arg12[%get3A_585] {strides = array<i32>} : memref<128xf32, #tpu.memory_space<vmem>>, vector<16xf32>,
    %sub3A_587 = arith.subf %get3A_586, %gather3A_583 : vector<16xf32>
    %abs3A_588 = math.absf %sub3A_587 : vector<16xf32>
    %add3A_589 = arith.addf %add3A_566, %abs3A_588 : vector<16xf32>
    %get3A_590 = arith.constant 0 : index
    %get3A_591 = tpu.vector_load %arg13[%get3A_590] {strides = array<i32>} : memref<128xf32, #tpu.memory_space<vmem>>, vector<16xf32>,
    %sub3A_592 = arith.subf %get3A_591, %gather3A_584 : vector<16xf32>
    %abs3A_593 = math.absf %sub3A_592 : vector<16xf32>
    %add3A_594 = arith.addf %add3A_571, %abs3A_593 : vector<16xf32>
    %get3A_595 = arith.constant 16 : index
    %get3A_596 = tpu.vector_load %arg11[%get3A_595] {strides = array<i32>} : memref<128xi32, #tpu.memory_space<vmem>>, vector<16xi32>,
    %add3A_597 = arith.constant 16384 : i32
    %add3A_598 = vector.broadcast %add3A_597 : i32 to vector<16xi32>
    %add3A_599 = arith.addi %get3A_596, %add3A_598 : vector<16xi32>
    %gather3A_600 = tpu.vector_load_idx %arg9[%add3A_599] : memref<32768xf32, #tpu.memory_space<vmem>>[vector<16xi32>], vector<16xf32>,
    %gather3A_601 = tpu.vector_load_idx %arg10[%add3A_599] : memref<32768xf32, #tpu.memory_space<vmem>>[vector<16xi32>], vector<16xf32>,
    %get3A_602 = arith.constant 16 : index
    %get3A_603 = tpu.vector_load %arg12[%get3A_602] {strides = array<i32>} : memref<128xf32, #tpu.memory_space<vmem>>, vector<16xf32>,
    %sub3A_604 = arith.subf %get3A_603, %gather3A_600 : vector<16xf32>
    %abs3A_605 = math.absf %sub3A_604 : vector<16xf32>
    %add3A_606 = arith.addf %add3A_589, %abs3A_605 : vector<16xf32>
    %get3A_607 = arith.constant 16 : index
    %get3A_608 = tpu.vector_load %arg13[%get3A_607] {strides = array<i32>} : memref<128xf32, #tpu.memory_space<vmem>>, vector<16xf32>,
    %sub3A_609 = arith.subf %get3A_608, %gather3A_601 : vector<16xf32>
    %abs3A_610 = math.absf %sub3A_609 : vector<16xf32>
    %add3A_611 = arith.addf %add3A_594, %abs3A_610 : vector<16xf32>
    %get3A_612 = arith.constant 32 : index
    %get3A_613 = tpu.vector_load %arg11[%get3A_612] {strides = array<i32>} : memref<128xi32, #tpu.memory_space<vmem>>, vector<16xi32>,
    %add3A_614 = arith.constant 16384 : i32
    %add3A_615 = vector.broadcast %add3A_614 : i32 to vector<16xi32>
    %add3A_616 = arith.addi %get3A_613, %add3A_615 : vector<16xi32>
    %gather3A_617 = tpu.vector_load_idx %arg9[%add3A_616] : memref<32768xf32, #tpu.memory_space<vmem>>[vector<16xi32>], vector<16xf32>,
    %gather3A_618 = tpu.vector_load_idx %arg10[%add3A_616] : memref<32768xf32, #tpu.memory_space<vmem>>[vector<16xi32>], vector<16xf32>,
    %get3A_619 = arith.constant 32 : index
    %get3A_620 = tpu.vector_load %arg12[%get3A_619] {strides = array<i32>} : memref<128xf32, #tpu.memory_space<vmem>>, vector<16xf32>,
    %sub3A_621 = arith.subf %get3A_620, %gather3A_617 : vector<16xf32>
    %abs3A_622 = math.absf %sub3A_621 : vector<16xf32>
    %add3A_623 = arith.addf %add3A_606, %abs3A_622 : vector<16xf32>
    %get3A_624 = arith.constant 32 : index
    %get3A_625 = tpu.vector_load %arg13[%get3A_624] {strides = array<i32>} : memref<128xf32, #tpu.memory_space<vmem>>, vector<16xf32>,
    %sub3A_626 = arith.subf %get3A_625, %gather3A_618 : vector<16xf32>
    %abs3A_627 = math.absf %sub3A_626 : vector<16xf32>
    %add3A_628 = arith.addf %add3A_611, %abs3A_627 : vector<16xf32>
    %get3A_629 = arith.constant 48 : index
    %get3A_630 = tpu.vector_load %arg11[%get3A_629] {strides = array<i32>} : memref<128xi32, #tpu.memory_space<vmem>>, vector<16xi32>,
    %add3A_631 = arith.constant 16384 : i32
    %add3A_632 = vector.broadcast %add3A_631 : i32 to vector<16xi32>
    %add3A_633 = arith.addi %get3A_630, %add3A_632 : vector<16xi32>
    %gather3A_634 = tpu.vector_load_idx %arg9[%add3A_633] : memref<32768xf32, #tpu.memory_space<vmem>>[vector<16xi32>], vector<16xf32>,
    %gather3A_635 = tpu.vector_load_idx %arg10[%add3A_633] : memref<32768xf32, #tpu.memory_space<vmem>>[vector<16xi32>], vector<16xf32>,
    %get3A_636 = arith.constant 48 : index
    %get3A_637 = tpu.vector_load %arg12[%get3A_636] {strides = array<i32>} : memref<128xf32, #tpu.memory_space<vmem>>, vector<16xf32>,
    %sub3A_638 = arith.subf %get3A_637, %gather3A_634 : vector<16xf32>
    %abs3A_639 = math.absf %sub3A_638 : vector<16xf32>
    %add3A_640 = arith.addf %add3A_623, %abs3A_639 : vector<16xf32>
    %get3A_641 = arith.constant 48 : index
    %get3A_642 = tpu.vector_load %arg13[%get3A_641] {strides = array<i32>} : memref<128xf32, #tpu.memory_space<vmem>>, vector<16xf32>,
    %sub3A_643 = arith.subf %get3A_642, %gather3A_635 : vector<16xf32>
    %abs3A_644 = math.absf %sub3A_643 : vector<16xf32>
    %add3A_645 = arith.addf %add3A_628, %abs3A_644 : vector<16xf32>
    %get3A_646 = arith.constant 64 : index
    %get3A_647 = tpu.vector_load %arg11[%get3A_646] {strides = array<i32>} : memref<128xi32, #tpu.memory_space<vmem>>, vector<16xi32>,
    %add3A_648 = arith.constant 16384 : i32
    %add3A_649 = vector.broadcast %add3A_648 : i32 to vector<16xi32>
    %add3A_650 = arith.addi %get3A_647, %add3A_649 : vector<16xi32>
    %gather3A_651 = tpu.vector_load_idx %arg9[%add3A_650] : memref<32768xf32, #tpu.memory_space<vmem>>[vector<16xi32>], vector<16xf32>,
    %gather3A_652 = tpu.vector_load_idx %arg10[%add3A_650] : memref<32768xf32, #tpu.memory_space<vmem>>[vector<16xi32>], vector<16xf32>,
    %get3A_653 = arith.constant 64 : index
    %get3A_654 = tpu.vector_load %arg12[%get3A_653] {strides = array<i32>} : memref<128xf32, #tpu.memory_space<vmem>>, vector<16xf32>,
    %sub3A_655 = arith.subf %get3A_654, %gather3A_651 : vector<16xf32>
    %abs3A_656 = math.absf %sub3A_655 : vector<16xf32>
    %add3A_657 = arith.addf %add3A_640, %abs3A_656 : vector<16xf32>
    %get3A_658 = arith.constant 64 : index
    %get3A_659 = tpu.vector_load %arg13[%get3A_658] {strides = array<i32>} : memref<128xf32, #tpu.memory_space<vmem>>, vector<16xf32>,
    %sub3A_660 = arith.subf %get3A_659, %gather3A_652 : vector<16xf32>
    %abs3A_661 = math.absf %sub3A_660 : vector<16xf32>
    %add3A_662 = arith.addf %add3A_645, %abs3A_661 : vector<16xf32>
    %get3A_663 = arith.constant 80 : index
    %get3A_664 = tpu.vector_load %arg11[%get3A_663] {strides = array<i32>} : memref<128xi32, #tpu.memory_space<vmem>>, vector<16xi32>,
    %add3A_665 = arith.constant 16384 : i32
    %add3A_666 = vector.broadcast %add3A_665 : i32 to vector<16xi32>
    %add3A_667 = arith.addi %get3A_664, %add3A_666 : vector<16xi32>
    %gather3A_668 = tpu.vector_load_idx %arg9[%add3A_667] : memref<32768xf32, #tpu.memory_space<vmem>>[vector<16xi32>], vector<16xf32>,
    %gather3A_669 = tpu.vector_load_idx %arg10[%add3A_667] : memref<32768xf32, #tpu.memory_space<vmem>>[vector<16xi32>], vector<16xf32>,
    %get3A_670 = arith.constant 80 : index
    %get3A_671 = tpu.vector_load %arg12[%get3A_670] {strides = array<i32>} : memref<128xf32, #tpu.memory_space<vmem>>, vector<16xf32>,
    %sub3A_672 = arith.subf %get3A_671, %gather3A_668 : vector<16xf32>
    %abs3A_673 = math.absf %sub3A_672 : vector<16xf32>
    %add3A_674 = arith.addf %add3A_657, %abs3A_673 : vector<16xf32>
    %get3A_675 = arith.constant 80 : index
    %get3A_676 = tpu.vector_load %arg13[%get3A_675] {strides = array<i32>} : memref<128xf32, #tpu.memory_space<vmem>>, vector<16xf32>,
    %sub3A_677 = arith.subf %get3A_676, %gather3A_669 : vector<16xf32>
    %abs3A_678 = math.absf %sub3A_677 : vector<16xf32>
    %add3A_679 = arith.addf %add3A_662, %abs3A_678 : vector<16xf32>
    %get3A_680 = arith.constant 96 : index
    %get3A_681 = tpu.vector_load %arg11[%get3A_680] {strides = array<i32>} : memref<128xi32, #tpu.memory_space<vmem>>, vector<16xi32>,
    %add3A_682 = arith.constant 16384 : i32
    %add3A_683 = vector.broadcast %add3A_682 : i32 to vector<16xi32>
    %add3A_684 = arith.addi %get3A_681, %add3A_683 : vector<16xi32>
    %gather3A_685 = tpu.vector_load_idx %arg9[%add3A_684] : memref<32768xf32, #tpu.memory_space<vmem>>[vector<16xi32>], vector<16xf32>,
    %gather3A_686 = tpu.vector_load_idx %arg10[%add3A_684] : memref<32768xf32, #tpu.memory_space<vmem>>[vector<16xi32>], vector<16xf32>,
    %get3A_687 = arith.constant 96 : index
    %get3A_688 = tpu.vector_load %arg12[%get3A_687] {strides = array<i32>} : memref<128xf32, #tpu.memory_space<vmem>>, vector<16xf32>,
    %sub3A_689 = arith.subf %get3A_688, %gather3A_685 : vector<16xf32>
    %abs3A_690 = math.absf %sub3A_689 : vector<16xf32>
    %add3A_691 = arith.addf %add3A_674, %abs3A_690 : vector<16xf32>
    %get3A_692 = arith.constant 96 : index
    %get3A_693 = tpu.vector_load %arg13[%get3A_692] {strides = array<i32>} : memref<128xf32, #tpu.memory_space<vmem>>, vector<16xf32>,
    %sub3A_694 = arith.subf %get3A_693, %gather3A_686 : vector<16xf32>
    %abs3A_695 = math.absf %sub3A_694 : vector<16xf32>
    %add3A_696 = arith.addf %add3A_679, %abs3A_695 : vector<16xf32>
    %get3A_697 = arith.constant 112 : index
    %get3A_698 = tpu.vector_load %arg11[%get3A_697] {strides = array<i32>} : memref<128xi32, #tpu.memory_space<vmem>>, vector<16xi32>,
    %add3A_699 = arith.constant 16384 : i32
    %add3A_700 = vector.broadcast %add3A_699 : i32 to vector<16xi32>
    %add3A_701 = arith.addi %get3A_698, %add3A_700 : vector<16xi32>
    %gather3A_702 = tpu.vector_load_idx %arg9[%add3A_701] : memref<32768xf32, #tpu.memory_space<vmem>>[vector<16xi32>], vector<16xf32>,
    %gather3A_703 = tpu.vector_load_idx %arg10[%add3A_701] : memref<32768xf32, #tpu.memory_space<vmem>>[vector<16xi32>], vector<16xf32>,
    %get3A_704 = arith.constant 112 : index
    %get3A_705 = tpu.vector_load %arg12[%get3A_704] {strides = array<i32>} : memref<128xf32, #tpu.memory_space<vmem>>, vector<16xf32>,
    %sub3A_706 = arith.subf %get3A_705, %gather3A_702 : vector<16xf32>
    %abs3A_707 = math.absf %sub3A_706 : vector<16xf32>
    %add3A_708 = arith.addf %add3A_691, %abs3A_707 : vector<16xf32>
    %get3A_709 = arith.constant 112 : index
    %get3A_710 = tpu.vector_load %arg13[%get3A_709] {strides = array<i32>} : memref<128xf32, #tpu.memory_space<vmem>>, vector<16xf32>,
    %sub3A_711 = arith.subf %get3A_710, %gather3A_703 : vector<16xf32>
    %abs3A_712 = math.absf %sub3A_711 : vector<16xf32>
    %add3A_713 = arith.addf %add3A_696, %abs3A_712 : vector<16xf32>
    %add3A_714 = arith.constant 20480 : i32
    %add3A_715 = arith.addi %add3A_714, %mul3A_2 : i32
    "tpu.region"() ({
      %run_scoped3A = tpu.sem_alloc : memref<!tpu.dma_semaphore, #tpu.memory_space<semaphore_mem>>
      %dma_start3A = tpu.memref_slice %arg6[%add3A_715] : memref<32768xi32, #tpu.memory_space<hbm>> -> memref<128xi32, #tpu.memory_space<hbm>>
      %dma_start3A_2283 = tpu.memref_slice %arg6[%add3A_715] : memref<32768xi32, #tpu.memory_space<hbm>> -> memref<128xi32, #tpu.memory_space<hbm>>
      tpu.enqueue_dma source(%dma_start3A_2283 : memref<128xi32, #tpu.memory_space<hbm>>) target(%arg11 : memref<128xi32, #tpu.memory_space<vmem>>) target_semaphore(%run_scoped3A : memref<!tpu.dma_semaphore, #tpu.memory_space<semaphore_mem>>)
      %dma_wait3A = tpu.memref_slice %arg6[%add3A_715] : memref<32768xi32, #tpu.memory_space<hbm>> -> memref<128xi32, #tpu.memory_space<hbm>>
      %dma_wait3A_2284 = tpu.memref_slice %arg6[%add3A_715] : memref<32768xi32, #tpu.memory_space<hbm>> -> memref<128xi32, #tpu.memory_space<hbm>>
      tpu.wait_dma2 semaphore(%run_scoped3A : memref<!tpu.dma_semaphore, #tpu.memory_space<semaphore_mem>>) src(%dma_wait3A_2284 : memref<128xi32, #tpu.memory_space<hbm>>) dst(%arg11 : memref<128xi32, #tpu.memory_space<vmem>>)
      tpu.yield
    }) : () -> ()
    %add3A_716 = arith.constant 20480 : i32
    %add3A_717 = arith.addi %add3A_716, %mul3A_2 : i32
    "tpu.region"() ({
      %run_scoped3A = tpu.sem_alloc : memref<!tpu.dma_semaphore, #tpu.memory_space<semaphore_mem>>
      %dma_start3A = tpu.memref_slice %arg2[%add3A_717] : memref<32768xf32, #tpu.memory_space<hbm>> -> memref<128xf32, #tpu.memory_space<hbm>>
      %dma_start3A_2283 = tpu.memref_slice %arg2[%add3A_717] : memref<32768xf32, #tpu.memory_space<hbm>> -> memref<128xf32, #tpu.memory_space<hbm>>
      tpu.enqueue_dma source(%dma_start3A_2283 : memref<128xf32, #tpu.memory_space<hbm>>) target(%arg12 : memref<128xf32, #tpu.memory_space<vmem>>) target_semaphore(%run_scoped3A : memref<!tpu.dma_semaphore, #tpu.memory_space<semaphore_mem>>)
      %dma_wait3A = tpu.memref_slice %arg2[%add3A_717] : memref<32768xf32, #tpu.memory_space<hbm>> -> memref<128xf32, #tpu.memory_space<hbm>>
      %dma_wait3A_2284 = tpu.memref_slice %arg2[%add3A_717] : memref<32768xf32, #tpu.memory_space<hbm>> -> memref<128xf32, #tpu.memory_space<hbm>>
      tpu.wait_dma2 semaphore(%run_scoped3A : memref<!tpu.dma_semaphore, #tpu.memory_space<semaphore_mem>>) src(%dma_wait3A_2284 : memref<128xf32, #tpu.memory_space<hbm>>) dst(%arg12 : memref<128xf32, #tpu.memory_space<vmem>>)
      tpu.yield
    }) : () -> ()
    %add3A_718 = arith.constant 20480 : i32
    %add3A_719 = arith.addi %add3A_718, %mul3A_2 : i32
    "tpu.region"() ({
      %run_scoped3A = tpu.sem_alloc : memref<!tpu.dma_semaphore, #tpu.memory_space<semaphore_mem>>
      %dma_start3A = tpu.memref_slice %arg3[%add3A_719] : memref<32768xf32, #tpu.memory_space<hbm>> -> memref<128xf32, #tpu.memory_space<hbm>>
      %dma_start3A_2283 = tpu.memref_slice %arg3[%add3A_719] : memref<32768xf32, #tpu.memory_space<hbm>> -> memref<128xf32, #tpu.memory_space<hbm>>
      tpu.enqueue_dma source(%dma_start3A_2283 : memref<128xf32, #tpu.memory_space<hbm>>) target(%arg13 : memref<128xf32, #tpu.memory_space<vmem>>) target_semaphore(%run_scoped3A : memref<!tpu.dma_semaphore, #tpu.memory_space<semaphore_mem>>)
      %dma_wait3A = tpu.memref_slice %arg3[%add3A_719] : memref<32768xf32, #tpu.memory_space<hbm>> -> memref<128xf32, #tpu.memory_space<hbm>>
      %dma_wait3A_2284 = tpu.memref_slice %arg3[%add3A_719] : memref<32768xf32, #tpu.memory_space<hbm>> -> memref<128xf32, #tpu.memory_space<hbm>>
      tpu.wait_dma2 semaphore(%run_scoped3A : memref<!tpu.dma_semaphore, #tpu.memory_space<semaphore_mem>>) src(%dma_wait3A_2284 : memref<128xf32, #tpu.memory_space<hbm>>) dst(%arg13 : memref<128xf32, #tpu.memory_space<vmem>>)
      tpu.yield
    }) : () -> ()
    %get3A_720 = arith.constant 0 : index
    %get3A_721 = tpu.vector_load %arg11[%get3A_720] {strides = array<i32>} : memref<128xi32, #tpu.memory_space<vmem>>, vector<16xi32>,
    %add3A_722 = arith.constant 20480 : i32
    %add3A_723 = vector.broadcast %add3A_722 : i32 to vector<16xi32>
    %add3A_724 = arith.addi %get3A_721, %add3A_723 : vector<16xi32>
    %gather3A_725 = tpu.vector_load_idx %arg9[%add3A_724] : memref<32768xf32, #tpu.memory_space<vmem>>[vector<16xi32>], vector<16xf32>,
    %gather3A_726 = tpu.vector_load_idx %arg10[%add3A_724] : memref<32768xf32, #tpu.memory_space<vmem>>[vector<16xi32>], vector<16xf32>,
    %get3A_727 = arith.constant 0 : index
    %get3A_728 = tpu.vector_load %arg12[%get3A_727] {strides = array<i32>} : memref<128xf32, #tpu.memory_space<vmem>>, vector<16xf32>,
    %sub3A_729 = arith.subf %get3A_728, %gather3A_725 : vector<16xf32>
    %abs3A_730 = math.absf %sub3A_729 : vector<16xf32>
    %add3A_731 = arith.addf %add3A_708, %abs3A_730 : vector<16xf32>
    %get3A_732 = arith.constant 0 : index
    %get3A_733 = tpu.vector_load %arg13[%get3A_732] {strides = array<i32>} : memref<128xf32, #tpu.memory_space<vmem>>, vector<16xf32>,
    %sub3A_734 = arith.subf %get3A_733, %gather3A_726 : vector<16xf32>
    %abs3A_735 = math.absf %sub3A_734 : vector<16xf32>
    %add3A_736 = arith.addf %add3A_713, %abs3A_735 : vector<16xf32>
    %get3A_737 = arith.constant 16 : index
    %get3A_738 = tpu.vector_load %arg11[%get3A_737] {strides = array<i32>} : memref<128xi32, #tpu.memory_space<vmem>>, vector<16xi32>,
    %add3A_739 = arith.constant 20480 : i32
    %add3A_740 = vector.broadcast %add3A_739 : i32 to vector<16xi32>
    %add3A_741 = arith.addi %get3A_738, %add3A_740 : vector<16xi32>
    %gather3A_742 = tpu.vector_load_idx %arg9[%add3A_741] : memref<32768xf32, #tpu.memory_space<vmem>>[vector<16xi32>], vector<16xf32>,
    %gather3A_743 = tpu.vector_load_idx %arg10[%add3A_741] : memref<32768xf32, #tpu.memory_space<vmem>>[vector<16xi32>], vector<16xf32>,
    %get3A_744 = arith.constant 16 : index
    %get3A_745 = tpu.vector_load %arg12[%get3A_744] {strides = array<i32>} : memref<128xf32, #tpu.memory_space<vmem>>, vector<16xf32>,
    %sub3A_746 = arith.subf %get3A_745, %gather3A_742 : vector<16xf32>
    %abs3A_747 = math.absf %sub3A_746 : vector<16xf32>
    %add3A_748 = arith.addf %add3A_731, %abs3A_747 : vector<16xf32>
    %get3A_749 = arith.constant 16 : index
    %get3A_750 = tpu.vector_load %arg13[%get3A_749] {strides = array<i32>} : memref<128xf32, #tpu.memory_space<vmem>>, vector<16xf32>,
    %sub3A_751 = arith.subf %get3A_750, %gather3A_743 : vector<16xf32>
    %abs3A_752 = math.absf %sub3A_751 : vector<16xf32>
    %add3A_753 = arith.addf %add3A_736, %abs3A_752 : vector<16xf32>
    %get3A_754 = arith.constant 32 : index
    %get3A_755 = tpu.vector_load %arg11[%get3A_754] {strides = array<i32>} : memref<128xi32, #tpu.memory_space<vmem>>, vector<16xi32>,
    %add3A_756 = arith.constant 20480 : i32
    %add3A_757 = vector.broadcast %add3A_756 : i32 to vector<16xi32>
    %add3A_758 = arith.addi %get3A_755, %add3A_757 : vector<16xi32>
    %gather3A_759 = tpu.vector_load_idx %arg9[%add3A_758] : memref<32768xf32, #tpu.memory_space<vmem>>[vector<16xi32>], vector<16xf32>,
    %gather3A_760 = tpu.vector_load_idx %arg10[%add3A_758] : memref<32768xf32, #tpu.memory_space<vmem>>[vector<16xi32>], vector<16xf32>,
    %get3A_761 = arith.constant 32 : index
    %get3A_762 = tpu.vector_load %arg12[%get3A_761] {strides = array<i32>} : memref<128xf32, #tpu.memory_space<vmem>>, vector<16xf32>,
    %sub3A_763 = arith.subf %get3A_762, %gather3A_759 : vector<16xf32>
    %abs3A_764 = math.absf %sub3A_763 : vector<16xf32>
    %add3A_765 = arith.addf %add3A_748, %abs3A_764 : vector<16xf32>
    %get3A_766 = arith.constant 32 : index
    %get3A_767 = tpu.vector_load %arg13[%get3A_766] {strides = array<i32>} : memref<128xf32, #tpu.memory_space<vmem>>, vector<16xf32>,
    %sub3A_768 = arith.subf %get3A_767, %gather3A_760 : vector<16xf32>
    %abs3A_769 = math.absf %sub3A_768 : vector<16xf32>
    %add3A_770 = arith.addf %add3A_753, %abs3A_769 : vector<16xf32>
    %get3A_771 = arith.constant 48 : index
    %get3A_772 = tpu.vector_load %arg11[%get3A_771] {strides = array<i32>} : memref<128xi32, #tpu.memory_space<vmem>>, vector<16xi32>,
    %add3A_773 = arith.constant 20480 : i32
    %add3A_774 = vector.broadcast %add3A_773 : i32 to vector<16xi32>
    %add3A_775 = arith.addi %get3A_772, %add3A_774 : vector<16xi32>
    %gather3A_776 = tpu.vector_load_idx %arg9[%add3A_775] : memref<32768xf32, #tpu.memory_space<vmem>>[vector<16xi32>], vector<16xf32>,
    %gather3A_777 = tpu.vector_load_idx %arg10[%add3A_775] : memref<32768xf32, #tpu.memory_space<vmem>>[vector<16xi32>], vector<16xf32>,
    %get3A_778 = arith.constant 48 : index
    %get3A_779 = tpu.vector_load %arg12[%get3A_778] {strides = array<i32>} : memref<128xf32, #tpu.memory_space<vmem>>, vector<16xf32>,
    %sub3A_780 = arith.subf %get3A_779, %gather3A_776 : vector<16xf32>
    %abs3A_781 = math.absf %sub3A_780 : vector<16xf32>
    %add3A_782 = arith.addf %add3A_765, %abs3A_781 : vector<16xf32>
    %get3A_783 = arith.constant 48 : index
    %get3A_784 = tpu.vector_load %arg13[%get3A_783] {strides = array<i32>} : memref<128xf32, #tpu.memory_space<vmem>>, vector<16xf32>,
    %sub3A_785 = arith.subf %get3A_784, %gather3A_777 : vector<16xf32>
    %abs3A_786 = math.absf %sub3A_785 : vector<16xf32>
    %add3A_787 = arith.addf %add3A_770, %abs3A_786 : vector<16xf32>
    %get3A_788 = arith.constant 64 : index
    %get3A_789 = tpu.vector_load %arg11[%get3A_788] {strides = array<i32>} : memref<128xi32, #tpu.memory_space<vmem>>, vector<16xi32>,
    %add3A_790 = arith.constant 20480 : i32
    %add3A_791 = vector.broadcast %add3A_790 : i32 to vector<16xi32>
    %add3A_792 = arith.addi %get3A_789, %add3A_791 : vector<16xi32>
    %gather3A_793 = tpu.vector_load_idx %arg9[%add3A_792] : memref<32768xf32, #tpu.memory_space<vmem>>[vector<16xi32>], vector<16xf32>,
    %gather3A_794 = tpu.vector_load_idx %arg10[%add3A_792] : memref<32768xf32, #tpu.memory_space<vmem>>[vector<16xi32>], vector<16xf32>,
    %get3A_795 = arith.constant 64 : index
    %get3A_796 = tpu.vector_load %arg12[%get3A_795] {strides = array<i32>} : memref<128xf32, #tpu.memory_space<vmem>>, vector<16xf32>,
    %sub3A_797 = arith.subf %get3A_796, %gather3A_793 : vector<16xf32>
    %abs3A_798 = math.absf %sub3A_797 : vector<16xf32>
    %add3A_799 = arith.addf %add3A_782, %abs3A_798 : vector<16xf32>
    %get3A_800 = arith.constant 64 : index
    %get3A_801 = tpu.vector_load %arg13[%get3A_800] {strides = array<i32>} : memref<128xf32, #tpu.memory_space<vmem>>, vector<16xf32>,
    %sub3A_802 = arith.subf %get3A_801, %gather3A_794 : vector<16xf32>
    %abs3A_803 = math.absf %sub3A_802 : vector<16xf32>
    %add3A_804 = arith.addf %add3A_787, %abs3A_803 : vector<16xf32>
    %get3A_805 = arith.constant 80 : index
    %get3A_806 = tpu.vector_load %arg11[%get3A_805] {strides = array<i32>} : memref<128xi32, #tpu.memory_space<vmem>>, vector<16xi32>,
    %add3A_807 = arith.constant 20480 : i32
    %add3A_808 = vector.broadcast %add3A_807 : i32 to vector<16xi32>
    %add3A_809 = arith.addi %get3A_806, %add3A_808 : vector<16xi32>
    %gather3A_810 = tpu.vector_load_idx %arg9[%add3A_809] : memref<32768xf32, #tpu.memory_space<vmem>>[vector<16xi32>], vector<16xf32>,
    %gather3A_811 = tpu.vector_load_idx %arg10[%add3A_809] : memref<32768xf32, #tpu.memory_space<vmem>>[vector<16xi32>], vector<16xf32>,
    %get3A_812 = arith.constant 80 : index
    %get3A_813 = tpu.vector_load %arg12[%get3A_812] {strides = array<i32>} : memref<128xf32, #tpu.memory_space<vmem>>, vector<16xf32>,
    %sub3A_814 = arith.subf %get3A_813, %gather3A_810 : vector<16xf32>
    %abs3A_815 = math.absf %sub3A_814 : vector<16xf32>
    %add3A_816 = arith.addf %add3A_799, %abs3A_815 : vector<16xf32>
    %get3A_817 = arith.constant 80 : index
    %get3A_818 = tpu.vector_load %arg13[%get3A_817] {strides = array<i32>} : memref<128xf32, #tpu.memory_space<vmem>>, vector<16xf32>,
    %sub3A_819 = arith.subf %get3A_818, %gather3A_811 : vector<16xf32>
    %abs3A_820 = math.absf %sub3A_819 : vector<16xf32>
    %add3A_821 = arith.addf %add3A_804, %abs3A_820 : vector<16xf32>
    %get3A_822 = arith.constant 96 : index
    %get3A_823 = tpu.vector_load %arg11[%get3A_822] {strides = array<i32>} : memref<128xi32, #tpu.memory_space<vmem>>, vector<16xi32>,
    %add3A_824 = arith.constant 20480 : i32
    %add3A_825 = vector.broadcast %add3A_824 : i32 to vector<16xi32>
    %add3A_826 = arith.addi %get3A_823, %add3A_825 : vector<16xi32>
    %gather3A_827 = tpu.vector_load_idx %arg9[%add3A_826] : memref<32768xf32, #tpu.memory_space<vmem>>[vector<16xi32>], vector<16xf32>,
    %gather3A_828 = tpu.vector_load_idx %arg10[%add3A_826] : memref<32768xf32, #tpu.memory_space<vmem>>[vector<16xi32>], vector<16xf32>,
    %get3A_829 = arith.constant 96 : index
    %get3A_830 = tpu.vector_load %arg12[%get3A_829] {strides = array<i32>} : memref<128xf32, #tpu.memory_space<vmem>>, vector<16xf32>,
    %sub3A_831 = arith.subf %get3A_830, %gather3A_827 : vector<16xf32>
    %abs3A_832 = math.absf %sub3A_831 : vector<16xf32>
    %add3A_833 = arith.addf %add3A_816, %abs3A_832 : vector<16xf32>
    %get3A_834 = arith.constant 96 : index
    %get3A_835 = tpu.vector_load %arg13[%get3A_834] {strides = array<i32>} : memref<128xf32, #tpu.memory_space<vmem>>, vector<16xf32>,
    %sub3A_836 = arith.subf %get3A_835, %gather3A_828 : vector<16xf32>
    %abs3A_837 = math.absf %sub3A_836 : vector<16xf32>
    %add3A_838 = arith.addf %add3A_821, %abs3A_837 : vector<16xf32>
    %get3A_839 = arith.constant 112 : index
    %get3A_840 = tpu.vector_load %arg11[%get3A_839] {strides = array<i32>} : memref<128xi32, #tpu.memory_space<vmem>>, vector<16xi32>,
    %add3A_841 = arith.constant 20480 : i32
    %add3A_842 = vector.broadcast %add3A_841 : i32 to vector<16xi32>
    %add3A_843 = arith.addi %get3A_840, %add3A_842 : vector<16xi32>
    %gather3A_844 = tpu.vector_load_idx %arg9[%add3A_843] : memref<32768xf32, #tpu.memory_space<vmem>>[vector<16xi32>], vector<16xf32>,
    %gather3A_845 = tpu.vector_load_idx %arg10[%add3A_843] : memref<32768xf32, #tpu.memory_space<vmem>>[vector<16xi32>], vector<16xf32>,
    %get3A_846 = arith.constant 112 : index
    %get3A_847 = tpu.vector_load %arg12[%get3A_846] {strides = array<i32>} : memref<128xf32, #tpu.memory_space<vmem>>, vector<16xf32>,
    %sub3A_848 = arith.subf %get3A_847, %gather3A_844 : vector<16xf32>
    %abs3A_849 = math.absf %sub3A_848 : vector<16xf32>
    %add3A_850 = arith.addf %add3A_833, %abs3A_849 : vector<16xf32>
    %get3A_851 = arith.constant 112 : index
    %get3A_852 = tpu.vector_load %arg13[%get3A_851] {strides = array<i32>} : memref<128xf32, #tpu.memory_space<vmem>>, vector<16xf32>,
    %sub3A_853 = arith.subf %get3A_852, %gather3A_845 : vector<16xf32>
    %abs3A_854 = math.absf %sub3A_853 : vector<16xf32>
    %add3A_855 = arith.addf %add3A_838, %abs3A_854 : vector<16xf32>
    %add3A_856 = arith.constant 24576 : i32
    %add3A_857 = arith.addi %add3A_856, %mul3A_2 : i32
    "tpu.region"() ({
      %run_scoped3A = tpu.sem_alloc : memref<!tpu.dma_semaphore, #tpu.memory_space<semaphore_mem>>
      %dma_start3A = tpu.memref_slice %arg6[%add3A_857] : memref<32768xi32, #tpu.memory_space<hbm>> -> memref<128xi32, #tpu.memory_space<hbm>>
      %dma_start3A_2283 = tpu.memref_slice %arg6[%add3A_857] : memref<32768xi32, #tpu.memory_space<hbm>> -> memref<128xi32, #tpu.memory_space<hbm>>
      tpu.enqueue_dma source(%dma_start3A_2283 : memref<128xi32, #tpu.memory_space<hbm>>) target(%arg11 : memref<128xi32, #tpu.memory_space<vmem>>) target_semaphore(%run_scoped3A : memref<!tpu.dma_semaphore, #tpu.memory_space<semaphore_mem>>)
      %dma_wait3A = tpu.memref_slice %arg6[%add3A_857] : memref<32768xi32, #tpu.memory_space<hbm>> -> memref<128xi32, #tpu.memory_space<hbm>>
      %dma_wait3A_2284 = tpu.memref_slice %arg6[%add3A_857] : memref<32768xi32, #tpu.memory_space<hbm>> -> memref<128xi32, #tpu.memory_space<hbm>>
      tpu.wait_dma2 semaphore(%run_scoped3A : memref<!tpu.dma_semaphore, #tpu.memory_space<semaphore_mem>>) src(%dma_wait3A_2284 : memref<128xi32, #tpu.memory_space<hbm>>) dst(%arg11 : memref<128xi32, #tpu.memory_space<vmem>>)
      tpu.yield
    }) : () -> ()
    %add3A_858 = arith.constant 24576 : i32
    %add3A_859 = arith.addi %add3A_858, %mul3A_2 : i32
    "tpu.region"() ({
      %run_scoped3A = tpu.sem_alloc : memref<!tpu.dma_semaphore, #tpu.memory_space<semaphore_mem>>
      %dma_start3A = tpu.memref_slice %arg2[%add3A_859] : memref<32768xf32, #tpu.memory_space<hbm>> -> memref<128xf32, #tpu.memory_space<hbm>>
      %dma_start3A_2283 = tpu.memref_slice %arg2[%add3A_859] : memref<32768xf32, #tpu.memory_space<hbm>> -> memref<128xf32, #tpu.memory_space<hbm>>
      tpu.enqueue_dma source(%dma_start3A_2283 : memref<128xf32, #tpu.memory_space<hbm>>) target(%arg12 : memref<128xf32, #tpu.memory_space<vmem>>) target_semaphore(%run_scoped3A : memref<!tpu.dma_semaphore, #tpu.memory_space<semaphore_mem>>)
      %dma_wait3A = tpu.memref_slice %arg2[%add3A_859] : memref<32768xf32, #tpu.memory_space<hbm>> -> memref<128xf32, #tpu.memory_space<hbm>>
      %dma_wait3A_2284 = tpu.memref_slice %arg2[%add3A_859] : memref<32768xf32, #tpu.memory_space<hbm>> -> memref<128xf32, #tpu.memory_space<hbm>>
      tpu.wait_dma2 semaphore(%run_scoped3A : memref<!tpu.dma_semaphore, #tpu.memory_space<semaphore_mem>>) src(%dma_wait3A_2284 : memref<128xf32, #tpu.memory_space<hbm>>) dst(%arg12 : memref<128xf32, #tpu.memory_space<vmem>>)
      tpu.yield
    }) : () -> ()
    %add3A_860 = arith.constant 24576 : i32
    %add3A_861 = arith.addi %add3A_860, %mul3A_2 : i32
    "tpu.region"() ({
      %run_scoped3A = tpu.sem_alloc : memref<!tpu.dma_semaphore, #tpu.memory_space<semaphore_mem>>
      %dma_start3A = tpu.memref_slice %arg3[%add3A_861] : memref<32768xf32, #tpu.memory_space<hbm>> -> memref<128xf32, #tpu.memory_space<hbm>>
      %dma_start3A_2283 = tpu.memref_slice %arg3[%add3A_861] : memref<32768xf32, #tpu.memory_space<hbm>> -> memref<128xf32, #tpu.memory_space<hbm>>
      tpu.enqueue_dma source(%dma_start3A_2283 : memref<128xf32, #tpu.memory_space<hbm>>) target(%arg13 : memref<128xf32, #tpu.memory_space<vmem>>) target_semaphore(%run_scoped3A : memref<!tpu.dma_semaphore, #tpu.memory_space<semaphore_mem>>)
      %dma_wait3A = tpu.memref_slice %arg3[%add3A_861] : memref<32768xf32, #tpu.memory_space<hbm>> -> memref<128xf32, #tpu.memory_space<hbm>>
      %dma_wait3A_2284 = tpu.memref_slice %arg3[%add3A_861] : memref<32768xf32, #tpu.memory_space<hbm>> -> memref<128xf32, #tpu.memory_space<hbm>>
      tpu.wait_dma2 semaphore(%run_scoped3A : memref<!tpu.dma_semaphore, #tpu.memory_space<semaphore_mem>>) src(%dma_wait3A_2284 : memref<128xf32, #tpu.memory_space<hbm>>) dst(%arg13 : memref<128xf32, #tpu.memory_space<vmem>>)
      tpu.yield
    }) : () -> ()
    %get3A_862 = arith.constant 0 : index
    %get3A_863 = tpu.vector_load %arg11[%get3A_862] {strides = array<i32>} : memref<128xi32, #tpu.memory_space<vmem>>, vector<16xi32>,
    %add3A_864 = arith.constant 24576 : i32
    %add3A_865 = vector.broadcast %add3A_864 : i32 to vector<16xi32>
    %add3A_866 = arith.addi %get3A_863, %add3A_865 : vector<16xi32>
    %gather3A_867 = tpu.vector_load_idx %arg9[%add3A_866] : memref<32768xf32, #tpu.memory_space<vmem>>[vector<16xi32>], vector<16xf32>,
    %gather3A_868 = tpu.vector_load_idx %arg10[%add3A_866] : memref<32768xf32, #tpu.memory_space<vmem>>[vector<16xi32>], vector<16xf32>,
    %get3A_869 = arith.constant 0 : index
    %get3A_870 = tpu.vector_load %arg12[%get3A_869] {strides = array<i32>} : memref<128xf32, #tpu.memory_space<vmem>>, vector<16xf32>,
    %sub3A_871 = arith.subf %get3A_870, %gather3A_867 : vector<16xf32>
    %abs3A_872 = math.absf %sub3A_871 : vector<16xf32>
    %add3A_873 = arith.addf %add3A_850, %abs3A_872 : vector<16xf32>
    %get3A_874 = arith.constant 0 : index
    %get3A_875 = tpu.vector_load %arg13[%get3A_874] {strides = array<i32>} : memref<128xf32, #tpu.memory_space<vmem>>, vector<16xf32>,
    %sub3A_876 = arith.subf %get3A_875, %gather3A_868 : vector<16xf32>
    %abs3A_877 = math.absf %sub3A_876 : vector<16xf32>
    %add3A_878 = arith.addf %add3A_855, %abs3A_877 : vector<16xf32>
    %get3A_879 = arith.constant 16 : index
    %get3A_880 = tpu.vector_load %arg11[%get3A_879] {strides = array<i32>} : memref<128xi32, #tpu.memory_space<vmem>>, vector<16xi32>,
    %add3A_881 = arith.constant 24576 : i32
    %add3A_882 = vector.broadcast %add3A_881 : i32 to vector<16xi32>
    %add3A_883 = arith.addi %get3A_880, %add3A_882 : vector<16xi32>
    %gather3A_884 = tpu.vector_load_idx %arg9[%add3A_883] : memref<32768xf32, #tpu.memory_space<vmem>>[vector<16xi32>], vector<16xf32>,
    %gather3A_885 = tpu.vector_load_idx %arg10[%add3A_883] : memref<32768xf32, #tpu.memory_space<vmem>>[vector<16xi32>], vector<16xf32>,
    %get3A_886 = arith.constant 16 : index
    %get3A_887 = tpu.vector_load %arg12[%get3A_886] {strides = array<i32>} : memref<128xf32, #tpu.memory_space<vmem>>, vector<16xf32>,
    %sub3A_888 = arith.subf %get3A_887, %gather3A_884 : vector<16xf32>
    %abs3A_889 = math.absf %sub3A_888 : vector<16xf32>
    %add3A_890 = arith.addf %add3A_873, %abs3A_889 : vector<16xf32>
    %get3A_891 = arith.constant 16 : index
    %get3A_892 = tpu.vector_load %arg13[%get3A_891] {strides = array<i32>} : memref<128xf32, #tpu.memory_space<vmem>>, vector<16xf32>,
    %sub3A_893 = arith.subf %get3A_892, %gather3A_885 : vector<16xf32>
    %abs3A_894 = math.absf %sub3A_893 : vector<16xf32>
    %add3A_895 = arith.addf %add3A_878, %abs3A_894 : vector<16xf32>
    %get3A_896 = arith.constant 32 : index
    %get3A_897 = tpu.vector_load %arg11[%get3A_896] {strides = array<i32>} : memref<128xi32, #tpu.memory_space<vmem>>, vector<16xi32>,
    %add3A_898 = arith.constant 24576 : i32
    %add3A_899 = vector.broadcast %add3A_898 : i32 to vector<16xi32>
    %add3A_900 = arith.addi %get3A_897, %add3A_899 : vector<16xi32>
    %gather3A_901 = tpu.vector_load_idx %arg9[%add3A_900] : memref<32768xf32, #tpu.memory_space<vmem>>[vector<16xi32>], vector<16xf32>,
    %gather3A_902 = tpu.vector_load_idx %arg10[%add3A_900] : memref<32768xf32, #tpu.memory_space<vmem>>[vector<16xi32>], vector<16xf32>,
    %get3A_903 = arith.constant 32 : index
    %get3A_904 = tpu.vector_load %arg12[%get3A_903] {strides = array<i32>} : memref<128xf32, #tpu.memory_space<vmem>>, vector<16xf32>,
    %sub3A_905 = arith.subf %get3A_904, %gather3A_901 : vector<16xf32>
    %abs3A_906 = math.absf %sub3A_905 : vector<16xf32>
    %add3A_907 = arith.addf %add3A_890, %abs3A_906 : vector<16xf32>
    %get3A_908 = arith.constant 32 : index
    %get3A_909 = tpu.vector_load %arg13[%get3A_908] {strides = array<i32>} : memref<128xf32, #tpu.memory_space<vmem>>, vector<16xf32>,
    %sub3A_910 = arith.subf %get3A_909, %gather3A_902 : vector<16xf32>
    %abs3A_911 = math.absf %sub3A_910 : vector<16xf32>
    %add3A_912 = arith.addf %add3A_895, %abs3A_911 : vector<16xf32>
    %get3A_913 = arith.constant 48 : index
    %get3A_914 = tpu.vector_load %arg11[%get3A_913] {strides = array<i32>} : memref<128xi32, #tpu.memory_space<vmem>>, vector<16xi32>,
    %add3A_915 = arith.constant 24576 : i32
    %add3A_916 = vector.broadcast %add3A_915 : i32 to vector<16xi32>
    %add3A_917 = arith.addi %get3A_914, %add3A_916 : vector<16xi32>
    %gather3A_918 = tpu.vector_load_idx %arg9[%add3A_917] : memref<32768xf32, #tpu.memory_space<vmem>>[vector<16xi32>], vector<16xf32>,
    %gather3A_919 = tpu.vector_load_idx %arg10[%add3A_917] : memref<32768xf32, #tpu.memory_space<vmem>>[vector<16xi32>], vector<16xf32>,
    %get3A_920 = arith.constant 48 : index
    %get3A_921 = tpu.vector_load %arg12[%get3A_920] {strides = array<i32>} : memref<128xf32, #tpu.memory_space<vmem>>, vector<16xf32>,
    %sub3A_922 = arith.subf %get3A_921, %gather3A_918 : vector<16xf32>
    %abs3A_923 = math.absf %sub3A_922 : vector<16xf32>
    %add3A_924 = arith.addf %add3A_907, %abs3A_923 : vector<16xf32>
    %get3A_925 = arith.constant 48 : index
    %get3A_926 = tpu.vector_load %arg13[%get3A_925] {strides = array<i32>} : memref<128xf32, #tpu.memory_space<vmem>>, vector<16xf32>,
    %sub3A_927 = arith.subf %get3A_926, %gather3A_919 : vector<16xf32>
    %abs3A_928 = math.absf %sub3A_927 : vector<16xf32>
    %add3A_929 = arith.addf %add3A_912, %abs3A_928 : vector<16xf32>
    %get3A_930 = arith.constant 64 : index
    %get3A_931 = tpu.vector_load %arg11[%get3A_930] {strides = array<i32>} : memref<128xi32, #tpu.memory_space<vmem>>, vector<16xi32>,
    %add3A_932 = arith.constant 24576 : i32
    %add3A_933 = vector.broadcast %add3A_932 : i32 to vector<16xi32>
    %add3A_934 = arith.addi %get3A_931, %add3A_933 : vector<16xi32>
    %gather3A_935 = tpu.vector_load_idx %arg9[%add3A_934] : memref<32768xf32, #tpu.memory_space<vmem>>[vector<16xi32>], vector<16xf32>,
    %gather3A_936 = tpu.vector_load_idx %arg10[%add3A_934] : memref<32768xf32, #tpu.memory_space<vmem>>[vector<16xi32>], vector<16xf32>,
    %get3A_937 = arith.constant 64 : index
    %get3A_938 = tpu.vector_load %arg12[%get3A_937] {strides = array<i32>} : memref<128xf32, #tpu.memory_space<vmem>>, vector<16xf32>,
    %sub3A_939 = arith.subf %get3A_938, %gather3A_935 : vector<16xf32>
    %abs3A_940 = math.absf %sub3A_939 : vector<16xf32>
    %add3A_941 = arith.addf %add3A_924, %abs3A_940 : vector<16xf32>
    %get3A_942 = arith.constant 64 : index
    %get3A_943 = tpu.vector_load %arg13[%get3A_942] {strides = array<i32>} : memref<128xf32, #tpu.memory_space<vmem>>, vector<16xf32>,
    %sub3A_944 = arith.subf %get3A_943, %gather3A_936 : vector<16xf32>
    %abs3A_945 = math.absf %sub3A_944 : vector<16xf32>
    %add3A_946 = arith.addf %add3A_929, %abs3A_945 : vector<16xf32>
    %get3A_947 = arith.constant 80 : index
    %get3A_948 = tpu.vector_load %arg11[%get3A_947] {strides = array<i32>} : memref<128xi32, #tpu.memory_space<vmem>>, vector<16xi32>,
    %add3A_949 = arith.constant 24576 : i32
    %add3A_950 = vector.broadcast %add3A_949 : i32 to vector<16xi32>
    %add3A_951 = arith.addi %get3A_948, %add3A_950 : vector<16xi32>
    %gather3A_952 = tpu.vector_load_idx %arg9[%add3A_951] : memref<32768xf32, #tpu.memory_space<vmem>>[vector<16xi32>], vector<16xf32>,
    %gather3A_953 = tpu.vector_load_idx %arg10[%add3A_951] : memref<32768xf32, #tpu.memory_space<vmem>>[vector<16xi32>], vector<16xf32>,
    %get3A_954 = arith.constant 80 : index
    %get3A_955 = tpu.vector_load %arg12[%get3A_954] {strides = array<i32>} : memref<128xf32, #tpu.memory_space<vmem>>, vector<16xf32>,
    %sub3A_956 = arith.subf %get3A_955, %gather3A_952 : vector<16xf32>
    %abs3A_957 = math.absf %sub3A_956 : vector<16xf32>
    %add3A_958 = arith.addf %add3A_941, %abs3A_957 : vector<16xf32>
    %get3A_959 = arith.constant 80 : index
    %get3A_960 = tpu.vector_load %arg13[%get3A_959] {strides = array<i32>} : memref<128xf32, #tpu.memory_space<vmem>>, vector<16xf32>,
    %sub3A_961 = arith.subf %get3A_960, %gather3A_953 : vector<16xf32>
    %abs3A_962 = math.absf %sub3A_961 : vector<16xf32>
    %add3A_963 = arith.addf %add3A_946, %abs3A_962 : vector<16xf32>
    %get3A_964 = arith.constant 96 : index
    %get3A_965 = tpu.vector_load %arg11[%get3A_964] {strides = array<i32>} : memref<128xi32, #tpu.memory_space<vmem>>, vector<16xi32>,
    %add3A_966 = arith.constant 24576 : i32
    %add3A_967 = vector.broadcast %add3A_966 : i32 to vector<16xi32>
    %add3A_968 = arith.addi %get3A_965, %add3A_967 : vector<16xi32>
    %gather3A_969 = tpu.vector_load_idx %arg9[%add3A_968] : memref<32768xf32, #tpu.memory_space<vmem>>[vector<16xi32>], vector<16xf32>,
    %gather3A_970 = tpu.vector_load_idx %arg10[%add3A_968] : memref<32768xf32, #tpu.memory_space<vmem>>[vector<16xi32>], vector<16xf32>,
    %get3A_971 = arith.constant 96 : index
    %get3A_972 = tpu.vector_load %arg12[%get3A_971] {strides = array<i32>} : memref<128xf32, #tpu.memory_space<vmem>>, vector<16xf32>,
    %sub3A_973 = arith.subf %get3A_972, %gather3A_969 : vector<16xf32>
    %abs3A_974 = math.absf %sub3A_973 : vector<16xf32>
    %add3A_975 = arith.addf %add3A_958, %abs3A_974 : vector<16xf32>
    %get3A_976 = arith.constant 96 : index
    %get3A_977 = tpu.vector_load %arg13[%get3A_976] {strides = array<i32>} : memref<128xf32, #tpu.memory_space<vmem>>, vector<16xf32>,
    %sub3A_978 = arith.subf %get3A_977, %gather3A_970 : vector<16xf32>
    %abs3A_979 = math.absf %sub3A_978 : vector<16xf32>
    %add3A_980 = arith.addf %add3A_963, %abs3A_979 : vector<16xf32>
    %get3A_981 = arith.constant 112 : index
    %get3A_982 = tpu.vector_load %arg11[%get3A_981] {strides = array<i32>} : memref<128xi32, #tpu.memory_space<vmem>>, vector<16xi32>,
    %add3A_983 = arith.constant 24576 : i32
    %add3A_984 = vector.broadcast %add3A_983 : i32 to vector<16xi32>
    %add3A_985 = arith.addi %get3A_982, %add3A_984 : vector<16xi32>
    %gather3A_986 = tpu.vector_load_idx %arg9[%add3A_985] : memref<32768xf32, #tpu.memory_space<vmem>>[vector<16xi32>], vector<16xf32>,
    %gather3A_987 = tpu.vector_load_idx %arg10[%add3A_985] : memref<32768xf32, #tpu.memory_space<vmem>>[vector<16xi32>], vector<16xf32>,
    %get3A_988 = arith.constant 112 : index
    %get3A_989 = tpu.vector_load %arg12[%get3A_988] {strides = array<i32>} : memref<128xf32, #tpu.memory_space<vmem>>, vector<16xf32>,
    %sub3A_990 = arith.subf %get3A_989, %gather3A_986 : vector<16xf32>
    %abs3A_991 = math.absf %sub3A_990 : vector<16xf32>
    %add3A_992 = arith.addf %add3A_975, %abs3A_991 : vector<16xf32>
    %get3A_993 = arith.constant 112 : index
    %get3A_994 = tpu.vector_load %arg13[%get3A_993] {strides = array<i32>} : memref<128xf32, #tpu.memory_space<vmem>>, vector<16xf32>,
    %sub3A_995 = arith.subf %get3A_994, %gather3A_987 : vector<16xf32>
    %abs3A_996 = math.absf %sub3A_995 : vector<16xf32>
    %add3A_997 = arith.addf %add3A_980, %abs3A_996 : vector<16xf32>
    %add3A_998 = arith.constant 28672 : i32
    %add3A_999 = arith.addi %add3A_998, %mul3A_2 : i32
    "tpu.region"() ({
      %run_scoped3A = tpu.sem_alloc : memref<!tpu.dma_semaphore, #tpu.memory_space<semaphore_mem>>
      %dma_start3A = tpu.memref_slice %arg6[%add3A_999] : memref<32768xi32, #tpu.memory_space<hbm>> -> memref<128xi32, #tpu.memory_space<hbm>>
      %dma_start3A_2283 = tpu.memref_slice %arg6[%add3A_999] : memref<32768xi32, #tpu.memory_space<hbm>> -> memref<128xi32, #tpu.memory_space<hbm>>
      tpu.enqueue_dma source(%dma_start3A_2283 : memref<128xi32, #tpu.memory_space<hbm>>) target(%arg11 : memref<128xi32, #tpu.memory_space<vmem>>) target_semaphore(%run_scoped3A : memref<!tpu.dma_semaphore, #tpu.memory_space<semaphore_mem>>)
      %dma_wait3A = tpu.memref_slice %arg6[%add3A_999] : memref<32768xi32, #tpu.memory_space<hbm>> -> memref<128xi32, #tpu.memory_space<hbm>>
      %dma_wait3A_2284 = tpu.memref_slice %arg6[%add3A_999] : memref<32768xi32, #tpu.memory_space<hbm>> -> memref<128xi32, #tpu.memory_space<hbm>>
      tpu.wait_dma2 semaphore(%run_scoped3A : memref<!tpu.dma_semaphore, #tpu.memory_space<semaphore_mem>>) src(%dma_wait3A_2284 : memref<128xi32, #tpu.memory_space<hbm>>) dst(%arg11 : memref<128xi32, #tpu.memory_space<vmem>>)
      tpu.yield
    }) : () -> ()
    %add3A_1000 = arith.constant 28672 : i32
    %add3A_1001 = arith.addi %add3A_1000, %mul3A_2 : i32
    "tpu.region"() ({
      %run_scoped3A = tpu.sem_alloc : memref<!tpu.dma_semaphore, #tpu.memory_space<semaphore_mem>>
      %dma_start3A = tpu.memref_slice %arg2[%add3A_1001] : memref<32768xf32, #tpu.memory_space<hbm>> -> memref<128xf32, #tpu.memory_space<hbm>>
      %dma_start3A_2283 = tpu.memref_slice %arg2[%add3A_1001] : memref<32768xf32, #tpu.memory_space<hbm>> -> memref<128xf32, #tpu.memory_space<hbm>>
      tpu.enqueue_dma source(%dma_start3A_2283 : memref<128xf32, #tpu.memory_space<hbm>>) target(%arg12 : memref<128xf32, #tpu.memory_space<vmem>>) target_semaphore(%run_scoped3A : memref<!tpu.dma_semaphore, #tpu.memory_space<semaphore_mem>>)
      %dma_wait3A = tpu.memref_slice %arg2[%add3A_1001] : memref<32768xf32, #tpu.memory_space<hbm>> -> memref<128xf32, #tpu.memory_space<hbm>>
      %dma_wait3A_2284 = tpu.memref_slice %arg2[%add3A_1001] : memref<32768xf32, #tpu.memory_space<hbm>> -> memref<128xf32, #tpu.memory_space<hbm>>
      tpu.wait_dma2 semaphore(%run_scoped3A : memref<!tpu.dma_semaphore, #tpu.memory_space<semaphore_mem>>) src(%dma_wait3A_2284 : memref<128xf32, #tpu.memory_space<hbm>>) dst(%arg12 : memref<128xf32, #tpu.memory_space<vmem>>)
      tpu.yield
    }) : () -> ()
    %add3A_1002 = arith.constant 28672 : i32
    %add3A_1003 = arith.addi %add3A_1002, %mul3A_2 : i32
    "tpu.region"() ({
      %run_scoped3A = tpu.sem_alloc : memref<!tpu.dma_semaphore, #tpu.memory_space<semaphore_mem>>
      %dma_start3A = tpu.memref_slice %arg3[%add3A_1003] : memref<32768xf32, #tpu.memory_space<hbm>> -> memref<128xf32, #tpu.memory_space<hbm>>
      %dma_start3A_2283 = tpu.memref_slice %arg3[%add3A_1003] : memref<32768xf32, #tpu.memory_space<hbm>> -> memref<128xf32, #tpu.memory_space<hbm>>
      tpu.enqueue_dma source(%dma_start3A_2283 : memref<128xf32, #tpu.memory_space<hbm>>) target(%arg13 : memref<128xf32, #tpu.memory_space<vmem>>) target_semaphore(%run_scoped3A : memref<!tpu.dma_semaphore, #tpu.memory_space<semaphore_mem>>)
      %dma_wait3A = tpu.memref_slice %arg3[%add3A_1003] : memref<32768xf32, #tpu.memory_space<hbm>> -> memref<128xf32, #tpu.memory_space<hbm>>
      %dma_wait3A_2284 = tpu.memref_slice %arg3[%add3A_1003] : memref<32768xf32, #tpu.memory_space<hbm>> -> memref<128xf32, #tpu.memory_space<hbm>>
      tpu.wait_dma2 semaphore(%run_scoped3A : memref<!tpu.dma_semaphore, #tpu.memory_space<semaphore_mem>>) src(%dma_wait3A_2284 : memref<128xf32, #tpu.memory_space<hbm>>) dst(%arg13 : memref<128xf32, #tpu.memory_space<vmem>>)
      tpu.yield
    }) : () -> ()
    %get3A_1004 = arith.constant 0 : index
    %get3A_1005 = tpu.vector_load %arg11[%get3A_1004] {strides = array<i32>} : memref<128xi32, #tpu.memory_space<vmem>>, vector<16xi32>,
    %add3A_1006 = arith.constant 28672 : i32
    %add3A_1007 = vector.broadcast %add3A_1006 : i32 to vector<16xi32>
    %add3A_1008 = arith.addi %get3A_1005, %add3A_1007 : vector<16xi32>
    %gather3A_1009 = tpu.vector_load_idx %arg9[%add3A_1008] : memref<32768xf32, #tpu.memory_space<vmem>>[vector<16xi32>], vector<16xf32>,
    %gather3A_1010 = tpu.vector_load_idx %arg10[%add3A_1008] : memref<32768xf32, #tpu.memory_space<vmem>>[vector<16xi32>], vector<16xf32>,
    %get3A_1011 = arith.constant 0 : index
    %get3A_1012 = tpu.vector_load %arg12[%get3A_1011] {strides = array<i32>} : memref<128xf32, #tpu.memory_space<vmem>>, vector<16xf32>,
    %sub3A_1013 = arith.subf %get3A_1012, %gather3A_1009 : vector<16xf32>
    %abs3A_1014 = math.absf %sub3A_1013 : vector<16xf32>
    %add3A_1015 = arith.addf %add3A_992, %abs3A_1014 : vector<16xf32>
    %get3A_1016 = arith.constant 0 : index
    %get3A_1017 = tpu.vector_load %arg13[%get3A_1016] {strides = array<i32>} : memref<128xf32, #tpu.memory_space<vmem>>, vector<16xf32>,
    %sub3A_1018 = arith.subf %get3A_1017, %gather3A_1010 : vector<16xf32>
    %abs3A_1019 = math.absf %sub3A_1018 : vector<16xf32>
    %add3A_1020 = arith.addf %add3A_997, %abs3A_1019 : vector<16xf32>
    %get3A_1021 = arith.constant 16 : index
    %get3A_1022 = tpu.vector_load %arg11[%get3A_1021] {strides = array<i32>} : memref<128xi32, #tpu.memory_space<vmem>>, vector<16xi32>,
    %add3A_1023 = arith.constant 28672 : i32
    %add3A_1024 = vector.broadcast %add3A_1023 : i32 to vector<16xi32>
    %add3A_1025 = arith.addi %get3A_1022, %add3A_1024 : vector<16xi32>
    %gather3A_1026 = tpu.vector_load_idx %arg9[%add3A_1025] : memref<32768xf32, #tpu.memory_space<vmem>>[vector<16xi32>], vector<16xf32>,
    %gather3A_1027 = tpu.vector_load_idx %arg10[%add3A_1025] : memref<32768xf32, #tpu.memory_space<vmem>>[vector<16xi32>], vector<16xf32>,
    %get3A_1028 = arith.constant 16 : index
    %get3A_1029 = tpu.vector_load %arg12[%get3A_1028] {strides = array<i32>} : memref<128xf32, #tpu.memory_space<vmem>>, vector<16xf32>,
    %sub3A_1030 = arith.subf %get3A_1029, %gather3A_1026 : vector<16xf32>
    %abs3A_1031 = math.absf %sub3A_1030 : vector<16xf32>
    %add3A_1032 = arith.addf %add3A_1015, %abs3A_1031 : vector<16xf32>
    %get3A_1033 = arith.constant 16 : index
    %get3A_1034 = tpu.vector_load %arg13[%get3A_1033] {strides = array<i32>} : memref<128xf32, #tpu.memory_space<vmem>>, vector<16xf32>,
    %sub3A_1035 = arith.subf %get3A_1034, %gather3A_1027 : vector<16xf32>
    %abs3A_1036 = math.absf %sub3A_1035 : vector<16xf32>
    %add3A_1037 = arith.addf %add3A_1020, %abs3A_1036 : vector<16xf32>
    %get3A_1038 = arith.constant 32 : index
    %get3A_1039 = tpu.vector_load %arg11[%get3A_1038] {strides = array<i32>} : memref<128xi32, #tpu.memory_space<vmem>>, vector<16xi32>,
    %add3A_1040 = arith.constant 28672 : i32
    %add3A_1041 = vector.broadcast %add3A_1040 : i32 to vector<16xi32>
    %add3A_1042 = arith.addi %get3A_1039, %add3A_1041 : vector<16xi32>
    %gather3A_1043 = tpu.vector_load_idx %arg9[%add3A_1042] : memref<32768xf32, #tpu.memory_space<vmem>>[vector<16xi32>], vector<16xf32>,
    %gather3A_1044 = tpu.vector_load_idx %arg10[%add3A_1042] : memref<32768xf32, #tpu.memory_space<vmem>>[vector<16xi32>], vector<16xf32>,
    %get3A_1045 = arith.constant 32 : index
    %get3A_1046 = tpu.vector_load %arg12[%get3A_1045] {strides = array<i32>} : memref<128xf32, #tpu.memory_space<vmem>>, vector<16xf32>,
    %sub3A_1047 = arith.subf %get3A_1046, %gather3A_1043 : vector<16xf32>
    %abs3A_1048 = math.absf %sub3A_1047 : vector<16xf32>
    %add3A_1049 = arith.addf %add3A_1032, %abs3A_1048 : vector<16xf32>
    %get3A_1050 = arith.constant 32 : index
    %get3A_1051 = tpu.vector_load %arg13[%get3A_1050] {strides = array<i32>} : memref<128xf32, #tpu.memory_space<vmem>>, vector<16xf32>,
    %sub3A_1052 = arith.subf %get3A_1051, %gather3A_1044 : vector<16xf32>
    %abs3A_1053 = math.absf %sub3A_1052 : vector<16xf32>
    %add3A_1054 = arith.addf %add3A_1037, %abs3A_1053 : vector<16xf32>
    %get3A_1055 = arith.constant 48 : index
    %get3A_1056 = tpu.vector_load %arg11[%get3A_1055] {strides = array<i32>} : memref<128xi32, #tpu.memory_space<vmem>>, vector<16xi32>,
    %add3A_1057 = arith.constant 28672 : i32
    %add3A_1058 = vector.broadcast %add3A_1057 : i32 to vector<16xi32>
    %add3A_1059 = arith.addi %get3A_1056, %add3A_1058 : vector<16xi32>
    %gather3A_1060 = tpu.vector_load_idx %arg9[%add3A_1059] : memref<32768xf32, #tpu.memory_space<vmem>>[vector<16xi32>], vector<16xf32>,
    %gather3A_1061 = tpu.vector_load_idx %arg10[%add3A_1059] : memref<32768xf32, #tpu.memory_space<vmem>>[vector<16xi32>], vector<16xf32>,
    %get3A_1062 = arith.constant 48 : index
    %get3A_1063 = tpu.vector_load %arg12[%get3A_1062] {strides = array<i32>} : memref<128xf32, #tpu.memory_space<vmem>>, vector<16xf32>,
    %sub3A_1064 = arith.subf %get3A_1063, %gather3A_1060 : vector<16xf32>
    %abs3A_1065 = math.absf %sub3A_1064 : vector<16xf32>
    %add3A_1066 = arith.addf %add3A_1049, %abs3A_1065 : vector<16xf32>
    %get3A_1067 = arith.constant 48 : index
    %get3A_1068 = tpu.vector_load %arg13[%get3A_1067] {strides = array<i32>} : memref<128xf32, #tpu.memory_space<vmem>>, vector<16xf32>,
    %sub3A_1069 = arith.subf %get3A_1068, %gather3A_1061 : vector<16xf32>
    %abs3A_1070 = math.absf %sub3A_1069 : vector<16xf32>
    %add3A_1071 = arith.addf %add3A_1054, %abs3A_1070 : vector<16xf32>
    %get3A_1072 = arith.constant 64 : index
    %get3A_1073 = tpu.vector_load %arg11[%get3A_1072] {strides = array<i32>} : memref<128xi32, #tpu.memory_space<vmem>>, vector<16xi32>,
    %add3A_1074 = arith.constant 28672 : i32
    %add3A_1075 = vector.broadcast %add3A_1074 : i32 to vector<16xi32>
    %add3A_1076 = arith.addi %get3A_1073, %add3A_1075 : vector<16xi32>
    %gather3A_1077 = tpu.vector_load_idx %arg9[%add3A_1076] : memref<32768xf32, #tpu.memory_space<vmem>>[vector<16xi32>], vector<16xf32>,
    %gather3A_1078 = tpu.vector_load_idx %arg10[%add3A_1076] : memref<32768xf32, #tpu.memory_space<vmem>>[vector<16xi32>], vector<16xf32>,
    %get3A_1079 = arith.constant 64 : index
    %get3A_1080 = tpu.vector_load %arg12[%get3A_1079] {strides = array<i32>} : memref<128xf32, #tpu.memory_space<vmem>>, vector<16xf32>,
    %sub3A_1081 = arith.subf %get3A_1080, %gather3A_1077 : vector<16xf32>
    %abs3A_1082 = math.absf %sub3A_1081 : vector<16xf32>
    %add3A_1083 = arith.addf %add3A_1066, %abs3A_1082 : vector<16xf32>
    %get3A_1084 = arith.constant 64 : index
    %get3A_1085 = tpu.vector_load %arg13[%get3A_1084] {strides = array<i32>} : memref<128xf32, #tpu.memory_space<vmem>>, vector<16xf32>,
    %sub3A_1086 = arith.subf %get3A_1085, %gather3A_1078 : vector<16xf32>
    %abs3A_1087 = math.absf %sub3A_1086 : vector<16xf32>
    %add3A_1088 = arith.addf %add3A_1071, %abs3A_1087 : vector<16xf32>
    %get3A_1089 = arith.constant 80 : index
    %get3A_1090 = tpu.vector_load %arg11[%get3A_1089] {strides = array<i32>} : memref<128xi32, #tpu.memory_space<vmem>>, vector<16xi32>,
    %add3A_1091 = arith.constant 28672 : i32
    %add3A_1092 = vector.broadcast %add3A_1091 : i32 to vector<16xi32>
    %add3A_1093 = arith.addi %get3A_1090, %add3A_1092 : vector<16xi32>
    %gather3A_1094 = tpu.vector_load_idx %arg9[%add3A_1093] : memref<32768xf32, #tpu.memory_space<vmem>>[vector<16xi32>], vector<16xf32>,
    %gather3A_1095 = tpu.vector_load_idx %arg10[%add3A_1093] : memref<32768xf32, #tpu.memory_space<vmem>>[vector<16xi32>], vector<16xf32>,
    %get3A_1096 = arith.constant 80 : index
    %get3A_1097 = tpu.vector_load %arg12[%get3A_1096] {strides = array<i32>} : memref<128xf32, #tpu.memory_space<vmem>>, vector<16xf32>,
    %sub3A_1098 = arith.subf %get3A_1097, %gather3A_1094 : vector<16xf32>
    %abs3A_1099 = math.absf %sub3A_1098 : vector<16xf32>
    %add3A_1100 = arith.addf %add3A_1083, %abs3A_1099 : vector<16xf32>
    %get3A_1101 = arith.constant 80 : index
    %get3A_1102 = tpu.vector_load %arg13[%get3A_1101] {strides = array<i32>} : memref<128xf32, #tpu.memory_space<vmem>>, vector<16xf32>,
    %sub3A_1103 = arith.subf %get3A_1102, %gather3A_1095 : vector<16xf32>
    %abs3A_1104 = math.absf %sub3A_1103 : vector<16xf32>
    %add3A_1105 = arith.addf %add3A_1088, %abs3A_1104 : vector<16xf32>
    %get3A_1106 = arith.constant 96 : index
    %get3A_1107 = tpu.vector_load %arg11[%get3A_1106] {strides = array<i32>} : memref<128xi32, #tpu.memory_space<vmem>>, vector<16xi32>,
    %add3A_1108 = arith.constant 28672 : i32
    %add3A_1109 = vector.broadcast %add3A_1108 : i32 to vector<16xi32>
    %add3A_1110 = arith.addi %get3A_1107, %add3A_1109 : vector<16xi32>
    %gather3A_1111 = tpu.vector_load_idx %arg9[%add3A_1110] : memref<32768xf32, #tpu.memory_space<vmem>>[vector<16xi32>], vector<16xf32>,
    %gather3A_1112 = tpu.vector_load_idx %arg10[%add3A_1110] : memref<32768xf32, #tpu.memory_space<vmem>>[vector<16xi32>], vector<16xf32>,
    %get3A_1113 = arith.constant 96 : index
    %get3A_1114 = tpu.vector_load %arg12[%get3A_1113] {strides = array<i32>} : memref<128xf32, #tpu.memory_space<vmem>>, vector<16xf32>,
    %sub3A_1115 = arith.subf %get3A_1114, %gather3A_1111 : vector<16xf32>
    %abs3A_1116 = math.absf %sub3A_1115 : vector<16xf32>
    %add3A_1117 = arith.addf %add3A_1100, %abs3A_1116 : vector<16xf32>
    %get3A_1118 = arith.constant 96 : index
    %get3A_1119 = tpu.vector_load %arg13[%get3A_1118] {strides = array<i32>} : memref<128xf32, #tpu.memory_space<vmem>>, vector<16xf32>,
    %sub3A_1120 = arith.subf %get3A_1119, %gather3A_1112 : vector<16xf32>
    %abs3A_1121 = math.absf %sub3A_1120 : vector<16xf32>
    %add3A_1122 = arith.addf %add3A_1105, %abs3A_1121 : vector<16xf32>
    %get3A_1123 = arith.constant 112 : index
    %get3A_1124 = tpu.vector_load %arg11[%get3A_1123] {strides = array<i32>} : memref<128xi32, #tpu.memory_space<vmem>>, vector<16xi32>,
    %add3A_1125 = arith.constant 28672 : i32
    %add3A_1126 = vector.broadcast %add3A_1125 : i32 to vector<16xi32>
    %add3A_1127 = arith.addi %get3A_1124, %add3A_1126 : vector<16xi32>
    %gather3A_1128 = tpu.vector_load_idx %arg9[%add3A_1127] : memref<32768xf32, #tpu.memory_space<vmem>>[vector<16xi32>], vector<16xf32>,
    %gather3A_1129 = tpu.vector_load_idx %arg10[%add3A_1127] : memref<32768xf32, #tpu.memory_space<vmem>>[vector<16xi32>], vector<16xf32>,
    %get3A_1130 = arith.constant 112 : index
    %get3A_1131 = tpu.vector_load %arg12[%get3A_1130] {strides = array<i32>} : memref<128xf32, #tpu.memory_space<vmem>>, vector<16xf32>,
    %sub3A_1132 = arith.subf %get3A_1131, %gather3A_1128 : vector<16xf32>
    %abs3A_1133 = math.absf %sub3A_1132 : vector<16xf32>
    %add3A_1134 = arith.addf %add3A_1117, %abs3A_1133 : vector<16xf32>
    %get3A_1135 = arith.constant 112 : index
    %get3A_1136 = tpu.vector_load %arg13[%get3A_1135] {strides = array<i32>} : memref<128xf32, #tpu.memory_space<vmem>>, vector<16xf32>,
    %sub3A_1137 = arith.subf %get3A_1136, %gather3A_1129 : vector<16xf32>
    %abs3A_1138 = math.absf %sub3A_1137 : vector<16xf32>
    %add3A_1139 = arith.addf %add3A_1122, %abs3A_1138 : vector<16xf32>
    "tpu.region"() ({
      %run_scoped3A = tpu.sem_alloc : memref<!tpu.dma_semaphore, #tpu.memory_space<semaphore_mem>>
      tpu.enqueue_dma source(%arg2 : memref<32768xf32, #tpu.memory_space<hbm>>) target(%arg9 : memref<32768xf32, #tpu.memory_space<vmem>>) target_semaphore(%run_scoped3A : memref<!tpu.dma_semaphore, #tpu.memory_space<semaphore_mem>>)
      tpu.wait_dma2 semaphore(%run_scoped3A : memref<!tpu.dma_semaphore, #tpu.memory_space<semaphore_mem>>) src(%arg2 : memref<32768xf32, #tpu.memory_space<hbm>>) dst(%arg9 : memref<32768xf32, #tpu.memory_space<vmem>>)
      tpu.yield
    }) : () -> ()
    "tpu.region"() ({
      %run_scoped3A = tpu.sem_alloc : memref<!tpu.dma_semaphore, #tpu.memory_space<semaphore_mem>>
      tpu.enqueue_dma source(%arg3 : memref<32768xf32, #tpu.memory_space<hbm>>) target(%arg10 : memref<32768xf32, #tpu.memory_space<vmem>>) target_semaphore(%run_scoped3A : memref<!tpu.dma_semaphore, #tpu.memory_space<semaphore_mem>>)
      tpu.wait_dma2 semaphore(%run_scoped3A : memref<!tpu.dma_semaphore, #tpu.memory_space<semaphore_mem>>) src(%arg3 : memref<32768xf32, #tpu.memory_space<hbm>>) dst(%arg10 : memref<32768xf32, #tpu.memory_space<vmem>>)
      tpu.yield
    }) : () -> ()
    %add3A_1140 = arith.constant 0 : i32
    %add3A_1141 = arith.addi %add3A_1140, %mul3A_2 : i32
    "tpu.region"() ({
      %run_scoped3A = tpu.sem_alloc : memref<!tpu.dma_semaphore, #tpu.memory_space<semaphore_mem>>
      %dma_start3A = tpu.memref_slice %arg7[%add3A_1141] : memref<32768xi32, #tpu.memory_space<hbm>> -> memref<128xi32, #tpu.memory_space<hbm>>
      %dma_start3A_2283 = tpu.memref_slice %arg7[%add3A_1141] : memref<32768xi32, #tpu.memory_space<hbm>> -> memref<128xi32, #tpu.memory_space<hbm>>
      tpu.enqueue_dma source(%dma_start3A_2283 : memref<128xi32, #tpu.memory_space<hbm>>) target(%arg11 : memref<128xi32, #tpu.memory_space<vmem>>) target_semaphore(%run_scoped3A : memref<!tpu.dma_semaphore, #tpu.memory_space<semaphore_mem>>)
      %dma_wait3A = tpu.memref_slice %arg7[%add3A_1141] : memref<32768xi32, #tpu.memory_space<hbm>> -> memref<128xi32, #tpu.memory_space<hbm>>
      %dma_wait3A_2284 = tpu.memref_slice %arg7[%add3A_1141] : memref<32768xi32, #tpu.memory_space<hbm>> -> memref<128xi32, #tpu.memory_space<hbm>>
      tpu.wait_dma2 semaphore(%run_scoped3A : memref<!tpu.dma_semaphore, #tpu.memory_space<semaphore_mem>>) src(%dma_wait3A_2284 : memref<128xi32, #tpu.memory_space<hbm>>) dst(%arg11 : memref<128xi32, #tpu.memory_space<vmem>>)
      tpu.yield
    }) : () -> ()
    %add3A_1142 = arith.constant 0 : i32
    %add3A_1143 = arith.addi %add3A_1142, %mul3A_2 : i32
    "tpu.region"() ({
      %run_scoped3A = tpu.sem_alloc : memref<!tpu.dma_semaphore, #tpu.memory_space<semaphore_mem>>
      %dma_start3A = tpu.memref_slice %arg4[%add3A_1143] : memref<32768xf32, #tpu.memory_space<hbm>> -> memref<128xf32, #tpu.memory_space<hbm>>
      %dma_start3A_2283 = tpu.memref_slice %arg4[%add3A_1143] : memref<32768xf32, #tpu.memory_space<hbm>> -> memref<128xf32, #tpu.memory_space<hbm>>
      tpu.enqueue_dma source(%dma_start3A_2283 : memref<128xf32, #tpu.memory_space<hbm>>) target(%arg12 : memref<128xf32, #tpu.memory_space<vmem>>) target_semaphore(%run_scoped3A : memref<!tpu.dma_semaphore, #tpu.memory_space<semaphore_mem>>)
      %dma_wait3A = tpu.memref_slice %arg4[%add3A_1143] : memref<32768xf32, #tpu.memory_space<hbm>> -> memref<128xf32, #tpu.memory_space<hbm>>
      %dma_wait3A_2284 = tpu.memref_slice %arg4[%add3A_1143] : memref<32768xf32, #tpu.memory_space<hbm>> -> memref<128xf32, #tpu.memory_space<hbm>>
      tpu.wait_dma2 semaphore(%run_scoped3A : memref<!tpu.dma_semaphore, #tpu.memory_space<semaphore_mem>>) src(%dma_wait3A_2284 : memref<128xf32, #tpu.memory_space<hbm>>) dst(%arg12 : memref<128xf32, #tpu.memory_space<vmem>>)
      tpu.yield
    }) : () -> ()
    %add3A_1144 = arith.constant 0 : i32
    %add3A_1145 = arith.addi %add3A_1144, %mul3A_2 : i32
    "tpu.region"() ({
      %run_scoped3A = tpu.sem_alloc : memref<!tpu.dma_semaphore, #tpu.memory_space<semaphore_mem>>
      %dma_start3A = tpu.memref_slice %arg5[%add3A_1145] : memref<32768xf32, #tpu.memory_space<hbm>> -> memref<128xf32, #tpu.memory_space<hbm>>
      %dma_start3A_2283 = tpu.memref_slice %arg5[%add3A_1145] : memref<32768xf32, #tpu.memory_space<hbm>> -> memref<128xf32, #tpu.memory_space<hbm>>
      tpu.enqueue_dma source(%dma_start3A_2283 : memref<128xf32, #tpu.memory_space<hbm>>) target(%arg13 : memref<128xf32, #tpu.memory_space<vmem>>) target_semaphore(%run_scoped3A : memref<!tpu.dma_semaphore, #tpu.memory_space<semaphore_mem>>)
      %dma_wait3A = tpu.memref_slice %arg5[%add3A_1145] : memref<32768xf32, #tpu.memory_space<hbm>> -> memref<128xf32, #tpu.memory_space<hbm>>
      %dma_wait3A_2284 = tpu.memref_slice %arg5[%add3A_1145] : memref<32768xf32, #tpu.memory_space<hbm>> -> memref<128xf32, #tpu.memory_space<hbm>>
      tpu.wait_dma2 semaphore(%run_scoped3A : memref<!tpu.dma_semaphore, #tpu.memory_space<semaphore_mem>>) src(%dma_wait3A_2284 : memref<128xf32, #tpu.memory_space<hbm>>) dst(%arg13 : memref<128xf32, #tpu.memory_space<vmem>>)
      tpu.yield
    }) : () -> ()
    %get3A_1146 = arith.constant 0 : index
    %get3A_1147 = tpu.vector_load %arg11[%get3A_1146] {strides = array<i32>} : memref<128xi32, #tpu.memory_space<vmem>>, vector<16xi32>,
    %add3A_1148 = arith.constant 0 : i32
    %add3A_1149 = vector.broadcast %add3A_1148 : i32 to vector<16xi32>
    %add3A_1150 = arith.addi %get3A_1147, %add3A_1149 : vector<16xi32>
    %gather3A_1151 = tpu.vector_load_idx %arg9[%add3A_1150] : memref<32768xf32, #tpu.memory_space<vmem>>[vector<16xi32>], vector<16xf32>,
    %gather3A_1152 = tpu.vector_load_idx %arg10[%add3A_1150] : memref<32768xf32, #tpu.memory_space<vmem>>[vector<16xi32>], vector<16xf32>,
    %get3A_1153 = arith.constant 0 : index
    %get3A_1154 = tpu.vector_load %arg12[%get3A_1153] {strides = array<i32>} : memref<128xf32, #tpu.memory_space<vmem>>, vector<16xf32>,
    %sub3A_1155 = arith.subf %gather3A_1151, %get3A_1154 : vector<16xf32>
    %abs3A_1156 = math.absf %sub3A_1155 : vector<16xf32>
    %add3A_1157 = arith.addf %broadcast_in_dim3A_7, %abs3A_1156 : vector<16xf32>
    %get3A_1158 = arith.constant 0 : index
    %get3A_1159 = tpu.vector_load %arg13[%get3A_1158] {strides = array<i32>} : memref<128xf32, #tpu.memory_space<vmem>>, vector<16xf32>,
    %sub3A_1160 = arith.subf %gather3A_1152, %get3A_1159 : vector<16xf32>
    %abs3A_1161 = math.absf %sub3A_1160 : vector<16xf32>
    %add3A_1162 = arith.addf %add3A_1157, %abs3A_1161 : vector<16xf32>
    %get3A_1163 = arith.constant 16 : index
    %get3A_1164 = tpu.vector_load %arg11[%get3A_1163] {strides = array<i32>} : memref<128xi32, #tpu.memory_space<vmem>>, vector<16xi32>,
    %add3A_1165 = arith.constant 0 : i32
    %add3A_1166 = vector.broadcast %add3A_1165 : i32 to vector<16xi32>
    %add3A_1167 = arith.addi %get3A_1164, %add3A_1166 : vector<16xi32>
    %gather3A_1168 = tpu.vector_load_idx %arg9[%add3A_1167] : memref<32768xf32, #tpu.memory_space<vmem>>[vector<16xi32>], vector<16xf32>,
    %gather3A_1169 = tpu.vector_load_idx %arg10[%add3A_1167] : memref<32768xf32, #tpu.memory_space<vmem>>[vector<16xi32>], vector<16xf32>,
    %get3A_1170 = arith.constant 16 : index
    %get3A_1171 = tpu.vector_load %arg12[%get3A_1170] {strides = array<i32>} : memref<128xf32, #tpu.memory_space<vmem>>, vector<16xf32>,
    %sub3A_1172 = arith.subf %gather3A_1168, %get3A_1171 : vector<16xf32>
    %abs3A_1173 = math.absf %sub3A_1172 : vector<16xf32>
    %add3A_1174 = arith.addf %add3A_1162, %abs3A_1173 : vector<16xf32>
    %get3A_1175 = arith.constant 16 : index
    %get3A_1176 = tpu.vector_load %arg13[%get3A_1175] {strides = array<i32>} : memref<128xf32, #tpu.memory_space<vmem>>, vector<16xf32>,
    %sub3A_1177 = arith.subf %gather3A_1169, %get3A_1176 : vector<16xf32>
    %abs3A_1178 = math.absf %sub3A_1177 : vector<16xf32>
    %add3A_1179 = arith.addf %add3A_1174, %abs3A_1178 : vector<16xf32>
    %get3A_1180 = arith.constant 32 : index
    %get3A_1181 = tpu.vector_load %arg11[%get3A_1180] {strides = array<i32>} : memref<128xi32, #tpu.memory_space<vmem>>, vector<16xi32>,
    %add3A_1182 = arith.constant 0 : i32
    %add3A_1183 = vector.broadcast %add3A_1182 : i32 to vector<16xi32>
    %add3A_1184 = arith.addi %get3A_1181, %add3A_1183 : vector<16xi32>
    %gather3A_1185 = tpu.vector_load_idx %arg9[%add3A_1184] : memref<32768xf32, #tpu.memory_space<vmem>>[vector<16xi32>], vector<16xf32>,
    %gather3A_1186 = tpu.vector_load_idx %arg10[%add3A_1184] : memref<32768xf32, #tpu.memory_space<vmem>>[vector<16xi32>], vector<16xf32>,
    %get3A_1187 = arith.constant 32 : index
    %get3A_1188 = tpu.vector_load %arg12[%get3A_1187] {strides = array<i32>} : memref<128xf32, #tpu.memory_space<vmem>>, vector<16xf32>,
    %sub3A_1189 = arith.subf %gather3A_1185, %get3A_1188 : vector<16xf32>
    %abs3A_1190 = math.absf %sub3A_1189 : vector<16xf32>
    %add3A_1191 = arith.addf %add3A_1179, %abs3A_1190 : vector<16xf32>
    %get3A_1192 = arith.constant 32 : index
    %get3A_1193 = tpu.vector_load %arg13[%get3A_1192] {strides = array<i32>} : memref<128xf32, #tpu.memory_space<vmem>>, vector<16xf32>,
    %sub3A_1194 = arith.subf %gather3A_1186, %get3A_1193 : vector<16xf32>
    %abs3A_1195 = math.absf %sub3A_1194 : vector<16xf32>
    %add3A_1196 = arith.addf %add3A_1191, %abs3A_1195 : vector<16xf32>
    %get3A_1197 = arith.constant 48 : index
    %get3A_1198 = tpu.vector_load %arg11[%get3A_1197] {strides = array<i32>} : memref<128xi32, #tpu.memory_space<vmem>>, vector<16xi32>,
    %add3A_1199 = arith.constant 0 : i32
    %add3A_1200 = vector.broadcast %add3A_1199 : i32 to vector<16xi32>
    %add3A_1201 = arith.addi %get3A_1198, %add3A_1200 : vector<16xi32>
    %gather3A_1202 = tpu.vector_load_idx %arg9[%add3A_1201] : memref<32768xf32, #tpu.memory_space<vmem>>[vector<16xi32>], vector<16xf32>,
    %gather3A_1203 = tpu.vector_load_idx %arg10[%add3A_1201] : memref<32768xf32, #tpu.memory_space<vmem>>[vector<16xi32>], vector<16xf32>,
    %get3A_1204 = arith.constant 48 : index
    %get3A_1205 = tpu.vector_load %arg12[%get3A_1204] {strides = array<i32>} : memref<128xf32, #tpu.memory_space<vmem>>, vector<16xf32>,
    %sub3A_1206 = arith.subf %gather3A_1202, %get3A_1205 : vector<16xf32>
    %abs3A_1207 = math.absf %sub3A_1206 : vector<16xf32>
    %add3A_1208 = arith.addf %add3A_1196, %abs3A_1207 : vector<16xf32>
    %get3A_1209 = arith.constant 48 : index
    %get3A_1210 = tpu.vector_load %arg13[%get3A_1209] {strides = array<i32>} : memref<128xf32, #tpu.memory_space<vmem>>, vector<16xf32>,
    %sub3A_1211 = arith.subf %gather3A_1203, %get3A_1210 : vector<16xf32>
    %abs3A_1212 = math.absf %sub3A_1211 : vector<16xf32>
    %add3A_1213 = arith.addf %add3A_1208, %abs3A_1212 : vector<16xf32>
    %get3A_1214 = arith.constant 64 : index
    %get3A_1215 = tpu.vector_load %arg11[%get3A_1214] {strides = array<i32>} : memref<128xi32, #tpu.memory_space<vmem>>, vector<16xi32>,
    %add3A_1216 = arith.constant 0 : i32
    %add3A_1217 = vector.broadcast %add3A_1216 : i32 to vector<16xi32>
    %add3A_1218 = arith.addi %get3A_1215, %add3A_1217 : vector<16xi32>
    %gather3A_1219 = tpu.vector_load_idx %arg9[%add3A_1218] : memref<32768xf32, #tpu.memory_space<vmem>>[vector<16xi32>], vector<16xf32>,
    %gather3A_1220 = tpu.vector_load_idx %arg10[%add3A_1218] : memref<32768xf32, #tpu.memory_space<vmem>>[vector<16xi32>], vector<16xf32>,
    %get3A_1221 = arith.constant 64 : index
    %get3A_1222 = tpu.vector_load %arg12[%get3A_1221] {strides = array<i32>} : memref<128xf32, #tpu.memory_space<vmem>>, vector<16xf32>,
    %sub3A_1223 = arith.subf %gather3A_1219, %get3A_1222 : vector<16xf32>
    %abs3A_1224 = math.absf %sub3A_1223 : vector<16xf32>
    %add3A_1225 = arith.addf %add3A_1213, %abs3A_1224 : vector<16xf32>
    %get3A_1226 = arith.constant 64 : index
    %get3A_1227 = tpu.vector_load %arg13[%get3A_1226] {strides = array<i32>} : memref<128xf32, #tpu.memory_space<vmem>>, vector<16xf32>,
    %sub3A_1228 = arith.subf %gather3A_1220, %get3A_1227 : vector<16xf32>
    %abs3A_1229 = math.absf %sub3A_1228 : vector<16xf32>
    %add3A_1230 = arith.addf %add3A_1225, %abs3A_1229 : vector<16xf32>
    %get3A_1231 = arith.constant 80 : index
    %get3A_1232 = tpu.vector_load %arg11[%get3A_1231] {strides = array<i32>} : memref<128xi32, #tpu.memory_space<vmem>>, vector<16xi32>,
    %add3A_1233 = arith.constant 0 : i32
    %add3A_1234 = vector.broadcast %add3A_1233 : i32 to vector<16xi32>
    %add3A_1235 = arith.addi %get3A_1232, %add3A_1234 : vector<16xi32>
    %gather3A_1236 = tpu.vector_load_idx %arg9[%add3A_1235] : memref<32768xf32, #tpu.memory_space<vmem>>[vector<16xi32>], vector<16xf32>,
    %gather3A_1237 = tpu.vector_load_idx %arg10[%add3A_1235] : memref<32768xf32, #tpu.memory_space<vmem>>[vector<16xi32>], vector<16xf32>,
    %get3A_1238 = arith.constant 80 : index
    %get3A_1239 = tpu.vector_load %arg12[%get3A_1238] {strides = array<i32>} : memref<128xf32, #tpu.memory_space<vmem>>, vector<16xf32>,
    %sub3A_1240 = arith.subf %gather3A_1236, %get3A_1239 : vector<16xf32>
    %abs3A_1241 = math.absf %sub3A_1240 : vector<16xf32>
    %add3A_1242 = arith.addf %add3A_1230, %abs3A_1241 : vector<16xf32>
    %get3A_1243 = arith.constant 80 : index
    %get3A_1244 = tpu.vector_load %arg13[%get3A_1243] {strides = array<i32>} : memref<128xf32, #tpu.memory_space<vmem>>, vector<16xf32>,
    %sub3A_1245 = arith.subf %gather3A_1237, %get3A_1244 : vector<16xf32>
    %abs3A_1246 = math.absf %sub3A_1245 : vector<16xf32>
    %add3A_1247 = arith.addf %add3A_1242, %abs3A_1246 : vector<16xf32>
    %get3A_1248 = arith.constant 96 : index
    %get3A_1249 = tpu.vector_load %arg11[%get3A_1248] {strides = array<i32>} : memref<128xi32, #tpu.memory_space<vmem>>, vector<16xi32>,
    %add3A_1250 = arith.constant 0 : i32
    %add3A_1251 = vector.broadcast %add3A_1250 : i32 to vector<16xi32>
    %add3A_1252 = arith.addi %get3A_1249, %add3A_1251 : vector<16xi32>
    %gather3A_1253 = tpu.vector_load_idx %arg9[%add3A_1252] : memref<32768xf32, #tpu.memory_space<vmem>>[vector<16xi32>], vector<16xf32>,
    %gather3A_1254 = tpu.vector_load_idx %arg10[%add3A_1252] : memref<32768xf32, #tpu.memory_space<vmem>>[vector<16xi32>], vector<16xf32>,
    %get3A_1255 = arith.constant 96 : index
    %get3A_1256 = tpu.vector_load %arg12[%get3A_1255] {strides = array<i32>} : memref<128xf32, #tpu.memory_space<vmem>>, vector<16xf32>,
    %sub3A_1257 = arith.subf %gather3A_1253, %get3A_1256 : vector<16xf32>
    %abs3A_1258 = math.absf %sub3A_1257 : vector<16xf32>
    %add3A_1259 = arith.addf %add3A_1247, %abs3A_1258 : vector<16xf32>
    %get3A_1260 = arith.constant 96 : index
    %get3A_1261 = tpu.vector_load %arg13[%get3A_1260] {strides = array<i32>} : memref<128xf32, #tpu.memory_space<vmem>>, vector<16xf32>,
    %sub3A_1262 = arith.subf %gather3A_1254, %get3A_1261 : vector<16xf32>
    %abs3A_1263 = math.absf %sub3A_1262 : vector<16xf32>
    %add3A_1264 = arith.addf %add3A_1259, %abs3A_1263 : vector<16xf32>
    %get3A_1265 = arith.constant 112 : index
    %get3A_1266 = tpu.vector_load %arg11[%get3A_1265] {strides = array<i32>} : memref<128xi32, #tpu.memory_space<vmem>>, vector<16xi32>,
    %add3A_1267 = arith.constant 0 : i32
    %add3A_1268 = vector.broadcast %add3A_1267 : i32 to vector<16xi32>
    %add3A_1269 = arith.addi %get3A_1266, %add3A_1268 : vector<16xi32>
    %gather3A_1270 = tpu.vector_load_idx %arg9[%add3A_1269] : memref<32768xf32, #tpu.memory_space<vmem>>[vector<16xi32>], vector<16xf32>,
    %gather3A_1271 = tpu.vector_load_idx %arg10[%add3A_1269] : memref<32768xf32, #tpu.memory_space<vmem>>[vector<16xi32>], vector<16xf32>,
    %get3A_1272 = arith.constant 112 : index
    %get3A_1273 = tpu.vector_load %arg12[%get3A_1272] {strides = array<i32>} : memref<128xf32, #tpu.memory_space<vmem>>, vector<16xf32>,
    %sub3A_1274 = arith.subf %gather3A_1270, %get3A_1273 : vector<16xf32>
    %abs3A_1275 = math.absf %sub3A_1274 : vector<16xf32>
    %add3A_1276 = arith.addf %add3A_1264, %abs3A_1275 : vector<16xf32>
    %get3A_1277 = arith.constant 112 : index
    %get3A_1278 = tpu.vector_load %arg13[%get3A_1277] {strides = array<i32>} : memref<128xf32, #tpu.memory_space<vmem>>, vector<16xf32>,
    %sub3A_1279 = arith.subf %gather3A_1271, %get3A_1278 : vector<16xf32>
    %abs3A_1280 = math.absf %sub3A_1279 : vector<16xf32>
    %add3A_1281 = arith.addf %add3A_1276, %abs3A_1280 : vector<16xf32>
    %add3A_1282 = arith.constant 4096 : i32
    %add3A_1283 = arith.addi %add3A_1282, %mul3A_2 : i32
    "tpu.region"() ({
      %run_scoped3A = tpu.sem_alloc : memref<!tpu.dma_semaphore, #tpu.memory_space<semaphore_mem>>
      %dma_start3A = tpu.memref_slice %arg7[%add3A_1283] : memref<32768xi32, #tpu.memory_space<hbm>> -> memref<128xi32, #tpu.memory_space<hbm>>
      %dma_start3A_2283 = tpu.memref_slice %arg7[%add3A_1283] : memref<32768xi32, #tpu.memory_space<hbm>> -> memref<128xi32, #tpu.memory_space<hbm>>
      tpu.enqueue_dma source(%dma_start3A_2283 : memref<128xi32, #tpu.memory_space<hbm>>) target(%arg11 : memref<128xi32, #tpu.memory_space<vmem>>) target_semaphore(%run_scoped3A : memref<!tpu.dma_semaphore, #tpu.memory_space<semaphore_mem>>)
      %dma_wait3A = tpu.memref_slice %arg7[%add3A_1283] : memref<32768xi32, #tpu.memory_space<hbm>> -> memref<128xi32, #tpu.memory_space<hbm>>
      %dma_wait3A_2284 = tpu.memref_slice %arg7[%add3A_1283] : memref<32768xi32, #tpu.memory_space<hbm>> -> memref<128xi32, #tpu.memory_space<hbm>>
      tpu.wait_dma2 semaphore(%run_scoped3A : memref<!tpu.dma_semaphore, #tpu.memory_space<semaphore_mem>>) src(%dma_wait3A_2284 : memref<128xi32, #tpu.memory_space<hbm>>) dst(%arg11 : memref<128xi32, #tpu.memory_space<vmem>>)
      tpu.yield
    }) : () -> ()
    %add3A_1284 = arith.constant 4096 : i32
    %add3A_1285 = arith.addi %add3A_1284, %mul3A_2 : i32
    "tpu.region"() ({
      %run_scoped3A = tpu.sem_alloc : memref<!tpu.dma_semaphore, #tpu.memory_space<semaphore_mem>>
      %dma_start3A = tpu.memref_slice %arg4[%add3A_1285] : memref<32768xf32, #tpu.memory_space<hbm>> -> memref<128xf32, #tpu.memory_space<hbm>>
      %dma_start3A_2283 = tpu.memref_slice %arg4[%add3A_1285] : memref<32768xf32, #tpu.memory_space<hbm>> -> memref<128xf32, #tpu.memory_space<hbm>>
      tpu.enqueue_dma source(%dma_start3A_2283 : memref<128xf32, #tpu.memory_space<hbm>>) target(%arg12 : memref<128xf32, #tpu.memory_space<vmem>>) target_semaphore(%run_scoped3A : memref<!tpu.dma_semaphore, #tpu.memory_space<semaphore_mem>>)
      %dma_wait3A = tpu.memref_slice %arg4[%add3A_1285] : memref<32768xf32, #tpu.memory_space<hbm>> -> memref<128xf32, #tpu.memory_space<hbm>>
      %dma_wait3A_2284 = tpu.memref_slice %arg4[%add3A_1285] : memref<32768xf32, #tpu.memory_space<hbm>> -> memref<128xf32, #tpu.memory_space<hbm>>
      tpu.wait_dma2 semaphore(%run_scoped3A : memref<!tpu.dma_semaphore, #tpu.memory_space<semaphore_mem>>) src(%dma_wait3A_2284 : memref<128xf32, #tpu.memory_space<hbm>>) dst(%arg12 : memref<128xf32, #tpu.memory_space<vmem>>)
      tpu.yield
    }) : () -> ()
    %add3A_1286 = arith.constant 4096 : i32
    %add3A_1287 = arith.addi %add3A_1286, %mul3A_2 : i32
    "tpu.region"() ({
      %run_scoped3A = tpu.sem_alloc : memref<!tpu.dma_semaphore, #tpu.memory_space<semaphore_mem>>
      %dma_start3A = tpu.memref_slice %arg5[%add3A_1287] : memref<32768xf32, #tpu.memory_space<hbm>> -> memref<128xf32, #tpu.memory_space<hbm>>
      %dma_start3A_2283 = tpu.memref_slice %arg5[%add3A_1287] : memref<32768xf32, #tpu.memory_space<hbm>> -> memref<128xf32, #tpu.memory_space<hbm>>
      tpu.enqueue_dma source(%dma_start3A_2283 : memref<128xf32, #tpu.memory_space<hbm>>) target(%arg13 : memref<128xf32, #tpu.memory_space<vmem>>) target_semaphore(%run_scoped3A : memref<!tpu.dma_semaphore, #tpu.memory_space<semaphore_mem>>)
      %dma_wait3A = tpu.memref_slice %arg5[%add3A_1287] : memref<32768xf32, #tpu.memory_space<hbm>> -> memref<128xf32, #tpu.memory_space<hbm>>
      %dma_wait3A_2284 = tpu.memref_slice %arg5[%add3A_1287] : memref<32768xf32, #tpu.memory_space<hbm>> -> memref<128xf32, #tpu.memory_space<hbm>>
      tpu.wait_dma2 semaphore(%run_scoped3A : memref<!tpu.dma_semaphore, #tpu.memory_space<semaphore_mem>>) src(%dma_wait3A_2284 : memref<128xf32, #tpu.memory_space<hbm>>) dst(%arg13 : memref<128xf32, #tpu.memory_space<vmem>>)
      tpu.yield
    }) : () -> ()
    %get3A_1288 = arith.constant 0 : index
    %get3A_1289 = tpu.vector_load %arg11[%get3A_1288] {strides = array<i32>} : memref<128xi32, #tpu.memory_space<vmem>>, vector<16xi32>,
    %add3A_1290 = arith.constant 4096 : i32
    %add3A_1291 = vector.broadcast %add3A_1290 : i32 to vector<16xi32>
    %add3A_1292 = arith.addi %get3A_1289, %add3A_1291 : vector<16xi32>
    %gather3A_1293 = tpu.vector_load_idx %arg9[%add3A_1292] : memref<32768xf32, #tpu.memory_space<vmem>>[vector<16xi32>], vector<16xf32>,
    %gather3A_1294 = tpu.vector_load_idx %arg10[%add3A_1292] : memref<32768xf32, #tpu.memory_space<vmem>>[vector<16xi32>], vector<16xf32>,
    %get3A_1295 = arith.constant 0 : index
    %get3A_1296 = tpu.vector_load %arg12[%get3A_1295] {strides = array<i32>} : memref<128xf32, #tpu.memory_space<vmem>>, vector<16xf32>,
    %sub3A_1297 = arith.subf %gather3A_1293, %get3A_1296 : vector<16xf32>
    %abs3A_1298 = math.absf %sub3A_1297 : vector<16xf32>
    %add3A_1299 = arith.addf %add3A_1281, %abs3A_1298 : vector<16xf32>
    %get3A_1300 = arith.constant 0 : index
    %get3A_1301 = tpu.vector_load %arg13[%get3A_1300] {strides = array<i32>} : memref<128xf32, #tpu.memory_space<vmem>>, vector<16xf32>,
    %sub3A_1302 = arith.subf %gather3A_1294, %get3A_1301 : vector<16xf32>
    %abs3A_1303 = math.absf %sub3A_1302 : vector<16xf32>
    %add3A_1304 = arith.addf %add3A_1299, %abs3A_1303 : vector<16xf32>
    %get3A_1305 = arith.constant 16 : index
    %get3A_1306 = tpu.vector_load %arg11[%get3A_1305] {strides = array<i32>} : memref<128xi32, #tpu.memory_space<vmem>>, vector<16xi32>,
    %add3A_1307 = arith.constant 4096 : i32
    %add3A_1308 = vector.broadcast %add3A_1307 : i32 to vector<16xi32>
    %add3A_1309 = arith.addi %get3A_1306, %add3A_1308 : vector<16xi32>
    %gather3A_1310 = tpu.vector_load_idx %arg9[%add3A_1309] : memref<32768xf32, #tpu.memory_space<vmem>>[vector<16xi32>], vector<16xf32>,
    %gather3A_1311 = tpu.vector_load_idx %arg10[%add3A_1309] : memref<32768xf32, #tpu.memory_space<vmem>>[vector<16xi32>], vector<16xf32>,
    %get3A_1312 = arith.constant 16 : index
    %get3A_1313 = tpu.vector_load %arg12[%get3A_1312] {strides = array<i32>} : memref<128xf32, #tpu.memory_space<vmem>>, vector<16xf32>,
    %sub3A_1314 = arith.subf %gather3A_1310, %get3A_1313 : vector<16xf32>
    %abs3A_1315 = math.absf %sub3A_1314 : vector<16xf32>
    %add3A_1316 = arith.addf %add3A_1304, %abs3A_1315 : vector<16xf32>
    %get3A_1317 = arith.constant 16 : index
    %get3A_1318 = tpu.vector_load %arg13[%get3A_1317] {strides = array<i32>} : memref<128xf32, #tpu.memory_space<vmem>>, vector<16xf32>,
    %sub3A_1319 = arith.subf %gather3A_1311, %get3A_1318 : vector<16xf32>
    %abs3A_1320 = math.absf %sub3A_1319 : vector<16xf32>
    %add3A_1321 = arith.addf %add3A_1316, %abs3A_1320 : vector<16xf32>
    %get3A_1322 = arith.constant 32 : index
    %get3A_1323 = tpu.vector_load %arg11[%get3A_1322] {strides = array<i32>} : memref<128xi32, #tpu.memory_space<vmem>>, vector<16xi32>,
    %add3A_1324 = arith.constant 4096 : i32
    %add3A_1325 = vector.broadcast %add3A_1324 : i32 to vector<16xi32>
    %add3A_1326 = arith.addi %get3A_1323, %add3A_1325 : vector<16xi32>
    %gather3A_1327 = tpu.vector_load_idx %arg9[%add3A_1326] : memref<32768xf32, #tpu.memory_space<vmem>>[vector<16xi32>], vector<16xf32>,
    %gather3A_1328 = tpu.vector_load_idx %arg10[%add3A_1326] : memref<32768xf32, #tpu.memory_space<vmem>>[vector<16xi32>], vector<16xf32>,
    %get3A_1329 = arith.constant 32 : index
    %get3A_1330 = tpu.vector_load %arg12[%get3A_1329] {strides = array<i32>} : memref<128xf32, #tpu.memory_space<vmem>>, vector<16xf32>,
    %sub3A_1331 = arith.subf %gather3A_1327, %get3A_1330 : vector<16xf32>
    %abs3A_1332 = math.absf %sub3A_1331 : vector<16xf32>
    %add3A_1333 = arith.addf %add3A_1321, %abs3A_1332 : vector<16xf32>
    %get3A_1334 = arith.constant 32 : index
    %get3A_1335 = tpu.vector_load %arg13[%get3A_1334] {strides = array<i32>} : memref<128xf32, #tpu.memory_space<vmem>>, vector<16xf32>,
    %sub3A_1336 = arith.subf %gather3A_1328, %get3A_1335 : vector<16xf32>
    %abs3A_1337 = math.absf %sub3A_1336 : vector<16xf32>
    %add3A_1338 = arith.addf %add3A_1333, %abs3A_1337 : vector<16xf32>
    %get3A_1339 = arith.constant 48 : index
    %get3A_1340 = tpu.vector_load %arg11[%get3A_1339] {strides = array<i32>} : memref<128xi32, #tpu.memory_space<vmem>>, vector<16xi32>,
    %add3A_1341 = arith.constant 4096 : i32
    %add3A_1342 = vector.broadcast %add3A_1341 : i32 to vector<16xi32>
    %add3A_1343 = arith.addi %get3A_1340, %add3A_1342 : vector<16xi32>
    %gather3A_1344 = tpu.vector_load_idx %arg9[%add3A_1343] : memref<32768xf32, #tpu.memory_space<vmem>>[vector<16xi32>], vector<16xf32>,
    %gather3A_1345 = tpu.vector_load_idx %arg10[%add3A_1343] : memref<32768xf32, #tpu.memory_space<vmem>>[vector<16xi32>], vector<16xf32>,
    %get3A_1346 = arith.constant 48 : index
    %get3A_1347 = tpu.vector_load %arg12[%get3A_1346] {strides = array<i32>} : memref<128xf32, #tpu.memory_space<vmem>>, vector<16xf32>,
    %sub3A_1348 = arith.subf %gather3A_1344, %get3A_1347 : vector<16xf32>
    %abs3A_1349 = math.absf %sub3A_1348 : vector<16xf32>
    %add3A_1350 = arith.addf %add3A_1338, %abs3A_1349 : vector<16xf32>
    %get3A_1351 = arith.constant 48 : index
    %get3A_1352 = tpu.vector_load %arg13[%get3A_1351] {strides = array<i32>} : memref<128xf32, #tpu.memory_space<vmem>>, vector<16xf32>,
    %sub3A_1353 = arith.subf %gather3A_1345, %get3A_1352 : vector<16xf32>
    %abs3A_1354 = math.absf %sub3A_1353 : vector<16xf32>
    %add3A_1355 = arith.addf %add3A_1350, %abs3A_1354 : vector<16xf32>
    %get3A_1356 = arith.constant 64 : index
    %get3A_1357 = tpu.vector_load %arg11[%get3A_1356] {strides = array<i32>} : memref<128xi32, #tpu.memory_space<vmem>>, vector<16xi32>,
    %add3A_1358 = arith.constant 4096 : i32
    %add3A_1359 = vector.broadcast %add3A_1358 : i32 to vector<16xi32>
    %add3A_1360 = arith.addi %get3A_1357, %add3A_1359 : vector<16xi32>
    %gather3A_1361 = tpu.vector_load_idx %arg9[%add3A_1360] : memref<32768xf32, #tpu.memory_space<vmem>>[vector<16xi32>], vector<16xf32>,
    %gather3A_1362 = tpu.vector_load_idx %arg10[%add3A_1360] : memref<32768xf32, #tpu.memory_space<vmem>>[vector<16xi32>], vector<16xf32>,
    %get3A_1363 = arith.constant 64 : index
    %get3A_1364 = tpu.vector_load %arg12[%get3A_1363] {strides = array<i32>} : memref<128xf32, #tpu.memory_space<vmem>>, vector<16xf32>,
    %sub3A_1365 = arith.subf %gather3A_1361, %get3A_1364 : vector<16xf32>
    %abs3A_1366 = math.absf %sub3A_1365 : vector<16xf32>
    %add3A_1367 = arith.addf %add3A_1355, %abs3A_1366 : vector<16xf32>
    %get3A_1368 = arith.constant 64 : index
    %get3A_1369 = tpu.vector_load %arg13[%get3A_1368] {strides = array<i32>} : memref<128xf32, #tpu.memory_space<vmem>>, vector<16xf32>,
    %sub3A_1370 = arith.subf %gather3A_1362, %get3A_1369 : vector<16xf32>
    %abs3A_1371 = math.absf %sub3A_1370 : vector<16xf32>
    %add3A_1372 = arith.addf %add3A_1367, %abs3A_1371 : vector<16xf32>
    %get3A_1373 = arith.constant 80 : index
    %get3A_1374 = tpu.vector_load %arg11[%get3A_1373] {strides = array<i32>} : memref<128xi32, #tpu.memory_space<vmem>>, vector<16xi32>,
    %add3A_1375 = arith.constant 4096 : i32
    %add3A_1376 = vector.broadcast %add3A_1375 : i32 to vector<16xi32>
    %add3A_1377 = arith.addi %get3A_1374, %add3A_1376 : vector<16xi32>
    %gather3A_1378 = tpu.vector_load_idx %arg9[%add3A_1377] : memref<32768xf32, #tpu.memory_space<vmem>>[vector<16xi32>], vector<16xf32>,
    %gather3A_1379 = tpu.vector_load_idx %arg10[%add3A_1377] : memref<32768xf32, #tpu.memory_space<vmem>>[vector<16xi32>], vector<16xf32>,
    %get3A_1380 = arith.constant 80 : index
    %get3A_1381 = tpu.vector_load %arg12[%get3A_1380] {strides = array<i32>} : memref<128xf32, #tpu.memory_space<vmem>>, vector<16xf32>,
    %sub3A_1382 = arith.subf %gather3A_1378, %get3A_1381 : vector<16xf32>
    %abs3A_1383 = math.absf %sub3A_1382 : vector<16xf32>
    %add3A_1384 = arith.addf %add3A_1372, %abs3A_1383 : vector<16xf32>
    %get3A_1385 = arith.constant 80 : index
    %get3A_1386 = tpu.vector_load %arg13[%get3A_1385] {strides = array<i32>} : memref<128xf32, #tpu.memory_space<vmem>>, vector<16xf32>,
    %sub3A_1387 = arith.subf %gather3A_1379, %get3A_1386 : vector<16xf32>
    %abs3A_1388 = math.absf %sub3A_1387 : vector<16xf32>
    %add3A_1389 = arith.addf %add3A_1384, %abs3A_1388 : vector<16xf32>
    %get3A_1390 = arith.constant 96 : index
    %get3A_1391 = tpu.vector_load %arg11[%get3A_1390] {strides = array<i32>} : memref<128xi32, #tpu.memory_space<vmem>>, vector<16xi32>,
    %add3A_1392 = arith.constant 4096 : i32
    %add3A_1393 = vector.broadcast %add3A_1392 : i32 to vector<16xi32>
    %add3A_1394 = arith.addi %get3A_1391, %add3A_1393 : vector<16xi32>
    %gather3A_1395 = tpu.vector_load_idx %arg9[%add3A_1394] : memref<32768xf32, #tpu.memory_space<vmem>>[vector<16xi32>], vector<16xf32>,
    %gather3A_1396 = tpu.vector_load_idx %arg10[%add3A_1394] : memref<32768xf32, #tpu.memory_space<vmem>>[vector<16xi32>], vector<16xf32>,
    %get3A_1397 = arith.constant 96 : index
    %get3A_1398 = tpu.vector_load %arg12[%get3A_1397] {strides = array<i32>} : memref<128xf32, #tpu.memory_space<vmem>>, vector<16xf32>,
    %sub3A_1399 = arith.subf %gather3A_1395, %get3A_1398 : vector<16xf32>
    %abs3A_1400 = math.absf %sub3A_1399 : vector<16xf32>
    %add3A_1401 = arith.addf %add3A_1389, %abs3A_1400 : vector<16xf32>
    %get3A_1402 = arith.constant 96 : index
    %get3A_1403 = tpu.vector_load %arg13[%get3A_1402] {strides = array<i32>} : memref<128xf32, #tpu.memory_space<vmem>>, vector<16xf32>,
    %sub3A_1404 = arith.subf %gather3A_1396, %get3A_1403 : vector<16xf32>
    %abs3A_1405 = math.absf %sub3A_1404 : vector<16xf32>
    %add3A_1406 = arith.addf %add3A_1401, %abs3A_1405 : vector<16xf32>
    %get3A_1407 = arith.constant 112 : index
    %get3A_1408 = tpu.vector_load %arg11[%get3A_1407] {strides = array<i32>} : memref<128xi32, #tpu.memory_space<vmem>>, vector<16xi32>,
    %add3A_1409 = arith.constant 4096 : i32
    %add3A_1410 = vector.broadcast %add3A_1409 : i32 to vector<16xi32>
    %add3A_1411 = arith.addi %get3A_1408, %add3A_1410 : vector<16xi32>
    %gather3A_1412 = tpu.vector_load_idx %arg9[%add3A_1411] : memref<32768xf32, #tpu.memory_space<vmem>>[vector<16xi32>], vector<16xf32>,
    %gather3A_1413 = tpu.vector_load_idx %arg10[%add3A_1411] : memref<32768xf32, #tpu.memory_space<vmem>>[vector<16xi32>], vector<16xf32>,
    %get3A_1414 = arith.constant 112 : index
    %get3A_1415 = tpu.vector_load %arg12[%get3A_1414] {strides = array<i32>} : memref<128xf32, #tpu.memory_space<vmem>>, vector<16xf32>,
    %sub3A_1416 = arith.subf %gather3A_1412, %get3A_1415 : vector<16xf32>
    %abs3A_1417 = math.absf %sub3A_1416 : vector<16xf32>
    %add3A_1418 = arith.addf %add3A_1406, %abs3A_1417 : vector<16xf32>
    %get3A_1419 = arith.constant 112 : index
    %get3A_1420 = tpu.vector_load %arg13[%get3A_1419] {strides = array<i32>} : memref<128xf32, #tpu.memory_space<vmem>>, vector<16xf32>,
    %sub3A_1421 = arith.subf %gather3A_1413, %get3A_1420 : vector<16xf32>
    %abs3A_1422 = math.absf %sub3A_1421 : vector<16xf32>
    %add3A_1423 = arith.addf %add3A_1418, %abs3A_1422 : vector<16xf32>
    %add3A_1424 = arith.constant 8192 : i32
    %add3A_1425 = arith.addi %add3A_1424, %mul3A_2 : i32
    "tpu.region"() ({
      %run_scoped3A = tpu.sem_alloc : memref<!tpu.dma_semaphore, #tpu.memory_space<semaphore_mem>>
      %dma_start3A = tpu.memref_slice %arg7[%add3A_1425] : memref<32768xi32, #tpu.memory_space<hbm>> -> memref<128xi32, #tpu.memory_space<hbm>>
      %dma_start3A_2283 = tpu.memref_slice %arg7[%add3A_1425] : memref<32768xi32, #tpu.memory_space<hbm>> -> memref<128xi32, #tpu.memory_space<hbm>>
      tpu.enqueue_dma source(%dma_start3A_2283 : memref<128xi32, #tpu.memory_space<hbm>>) target(%arg11 : memref<128xi32, #tpu.memory_space<vmem>>) target_semaphore(%run_scoped3A : memref<!tpu.dma_semaphore, #tpu.memory_space<semaphore_mem>>)
      %dma_wait3A = tpu.memref_slice %arg7[%add3A_1425] : memref<32768xi32, #tpu.memory_space<hbm>> -> memref<128xi32, #tpu.memory_space<hbm>>
      %dma_wait3A_2284 = tpu.memref_slice %arg7[%add3A_1425] : memref<32768xi32, #tpu.memory_space<hbm>> -> memref<128xi32, #tpu.memory_space<hbm>>
      tpu.wait_dma2 semaphore(%run_scoped3A : memref<!tpu.dma_semaphore, #tpu.memory_space<semaphore_mem>>) src(%dma_wait3A_2284 : memref<128xi32, #tpu.memory_space<hbm>>) dst(%arg11 : memref<128xi32, #tpu.memory_space<vmem>>)
      tpu.yield
    }) : () -> ()
    %add3A_1426 = arith.constant 8192 : i32
    %add3A_1427 = arith.addi %add3A_1426, %mul3A_2 : i32
    "tpu.region"() ({
      %run_scoped3A = tpu.sem_alloc : memref<!tpu.dma_semaphore, #tpu.memory_space<semaphore_mem>>
      %dma_start3A = tpu.memref_slice %arg4[%add3A_1427] : memref<32768xf32, #tpu.memory_space<hbm>> -> memref<128xf32, #tpu.memory_space<hbm>>
      %dma_start3A_2283 = tpu.memref_slice %arg4[%add3A_1427] : memref<32768xf32, #tpu.memory_space<hbm>> -> memref<128xf32, #tpu.memory_space<hbm>>
      tpu.enqueue_dma source(%dma_start3A_2283 : memref<128xf32, #tpu.memory_space<hbm>>) target(%arg12 : memref<128xf32, #tpu.memory_space<vmem>>) target_semaphore(%run_scoped3A : memref<!tpu.dma_semaphore, #tpu.memory_space<semaphore_mem>>)
      %dma_wait3A = tpu.memref_slice %arg4[%add3A_1427] : memref<32768xf32, #tpu.memory_space<hbm>> -> memref<128xf32, #tpu.memory_space<hbm>>
      %dma_wait3A_2284 = tpu.memref_slice %arg4[%add3A_1427] : memref<32768xf32, #tpu.memory_space<hbm>> -> memref<128xf32, #tpu.memory_space<hbm>>
      tpu.wait_dma2 semaphore(%run_scoped3A : memref<!tpu.dma_semaphore, #tpu.memory_space<semaphore_mem>>) src(%dma_wait3A_2284 : memref<128xf32, #tpu.memory_space<hbm>>) dst(%arg12 : memref<128xf32, #tpu.memory_space<vmem>>)
      tpu.yield
    }) : () -> ()
    %add3A_1428 = arith.constant 8192 : i32
    %add3A_1429 = arith.addi %add3A_1428, %mul3A_2 : i32
    "tpu.region"() ({
      %run_scoped3A = tpu.sem_alloc : memref<!tpu.dma_semaphore, #tpu.memory_space<semaphore_mem>>
      %dma_start3A = tpu.memref_slice %arg5[%add3A_1429] : memref<32768xf32, #tpu.memory_space<hbm>> -> memref<128xf32, #tpu.memory_space<hbm>>
      %dma_start3A_2283 = tpu.memref_slice %arg5[%add3A_1429] : memref<32768xf32, #tpu.memory_space<hbm>> -> memref<128xf32, #tpu.memory_space<hbm>>
      tpu.enqueue_dma source(%dma_start3A_2283 : memref<128xf32, #tpu.memory_space<hbm>>) target(%arg13 : memref<128xf32, #tpu.memory_space<vmem>>) target_semaphore(%run_scoped3A : memref<!tpu.dma_semaphore, #tpu.memory_space<semaphore_mem>>)
      %dma_wait3A = tpu.memref_slice %arg5[%add3A_1429] : memref<32768xf32, #tpu.memory_space<hbm>> -> memref<128xf32, #tpu.memory_space<hbm>>
      %dma_wait3A_2284 = tpu.memref_slice %arg5[%add3A_1429] : memref<32768xf32, #tpu.memory_space<hbm>> -> memref<128xf32, #tpu.memory_space<hbm>>
      tpu.wait_dma2 semaphore(%run_scoped3A : memref<!tpu.dma_semaphore, #tpu.memory_space<semaphore_mem>>) src(%dma_wait3A_2284 : memref<128xf32, #tpu.memory_space<hbm>>) dst(%arg13 : memref<128xf32, #tpu.memory_space<vmem>>)
      tpu.yield
    }) : () -> ()
    %get3A_1430 = arith.constant 0 : index
    %get3A_1431 = tpu.vector_load %arg11[%get3A_1430] {strides = array<i32>} : memref<128xi32, #tpu.memory_space<vmem>>, vector<16xi32>,
    %add3A_1432 = arith.constant 8192 : i32
    %add3A_1433 = vector.broadcast %add3A_1432 : i32 to vector<16xi32>
    %add3A_1434 = arith.addi %get3A_1431, %add3A_1433 : vector<16xi32>
    %gather3A_1435 = tpu.vector_load_idx %arg9[%add3A_1434] : memref<32768xf32, #tpu.memory_space<vmem>>[vector<16xi32>], vector<16xf32>,
    %gather3A_1436 = tpu.vector_load_idx %arg10[%add3A_1434] : memref<32768xf32, #tpu.memory_space<vmem>>[vector<16xi32>], vector<16xf32>,
    %get3A_1437 = arith.constant 0 : index
    %get3A_1438 = tpu.vector_load %arg12[%get3A_1437] {strides = array<i32>} : memref<128xf32, #tpu.memory_space<vmem>>, vector<16xf32>,
    %sub3A_1439 = arith.subf %gather3A_1435, %get3A_1438 : vector<16xf32>
    %abs3A_1440 = math.absf %sub3A_1439 : vector<16xf32>
    %add3A_1441 = arith.addf %add3A_1423, %abs3A_1440 : vector<16xf32>
    %get3A_1442 = arith.constant 0 : index
    %get3A_1443 = tpu.vector_load %arg13[%get3A_1442] {strides = array<i32>} : memref<128xf32, #tpu.memory_space<vmem>>, vector<16xf32>,
    %sub3A_1444 = arith.subf %gather3A_1436, %get3A_1443 : vector<16xf32>
    %abs3A_1445 = math.absf %sub3A_1444 : vector<16xf32>
    %add3A_1446 = arith.addf %add3A_1441, %abs3A_1445 : vector<16xf32>
    %get3A_1447 = arith.constant 16 : index
    %get3A_1448 = tpu.vector_load %arg11[%get3A_1447] {strides = array<i32>} : memref<128xi32, #tpu.memory_space<vmem>>, vector<16xi32>,
    %add3A_1449 = arith.constant 8192 : i32
    %add3A_1450 = vector.broadcast %add3A_1449 : i32 to vector<16xi32>
    %add3A_1451 = arith.addi %get3A_1448, %add3A_1450 : vector<16xi32>
    %gather3A_1452 = tpu.vector_load_idx %arg9[%add3A_1451] : memref<32768xf32, #tpu.memory_space<vmem>>[vector<16xi32>], vector<16xf32>,
    %gather3A_1453 = tpu.vector_load_idx %arg10[%add3A_1451] : memref<32768xf32, #tpu.memory_space<vmem>>[vector<16xi32>], vector<16xf32>,
    %get3A_1454 = arith.constant 16 : index
    %get3A_1455 = tpu.vector_load %arg12[%get3A_1454] {strides = array<i32>} : memref<128xf32, #tpu.memory_space<vmem>>, vector<16xf32>,
    %sub3A_1456 = arith.subf %gather3A_1452, %get3A_1455 : vector<16xf32>
    %abs3A_1457 = math.absf %sub3A_1456 : vector<16xf32>
    %add3A_1458 = arith.addf %add3A_1446, %abs3A_1457 : vector<16xf32>
    %get3A_1459 = arith.constant 16 : index
    %get3A_1460 = tpu.vector_load %arg13[%get3A_1459] {strides = array<i32>} : memref<128xf32, #tpu.memory_space<vmem>>, vector<16xf32>,
    %sub3A_1461 = arith.subf %gather3A_1453, %get3A_1460 : vector<16xf32>
    %abs3A_1462 = math.absf %sub3A_1461 : vector<16xf32>
    %add3A_1463 = arith.addf %add3A_1458, %abs3A_1462 : vector<16xf32>
    %get3A_1464 = arith.constant 32 : index
    %get3A_1465 = tpu.vector_load %arg11[%get3A_1464] {strides = array<i32>} : memref<128xi32, #tpu.memory_space<vmem>>, vector<16xi32>,
    %add3A_1466 = arith.constant 8192 : i32
    %add3A_1467 = vector.broadcast %add3A_1466 : i32 to vector<16xi32>
    %add3A_1468 = arith.addi %get3A_1465, %add3A_1467 : vector<16xi32>
    %gather3A_1469 = tpu.vector_load_idx %arg9[%add3A_1468] : memref<32768xf32, #tpu.memory_space<vmem>>[vector<16xi32>], vector<16xf32>,
    %gather3A_1470 = tpu.vector_load_idx %arg10[%add3A_1468] : memref<32768xf32, #tpu.memory_space<vmem>>[vector<16xi32>], vector<16xf32>,
    %get3A_1471 = arith.constant 32 : index
    %get3A_1472 = tpu.vector_load %arg12[%get3A_1471] {strides = array<i32>} : memref<128xf32, #tpu.memory_space<vmem>>, vector<16xf32>,
    %sub3A_1473 = arith.subf %gather3A_1469, %get3A_1472 : vector<16xf32>
    %abs3A_1474 = math.absf %sub3A_1473 : vector<16xf32>
    %add3A_1475 = arith.addf %add3A_1463, %abs3A_1474 : vector<16xf32>
    %get3A_1476 = arith.constant 32 : index
    %get3A_1477 = tpu.vector_load %arg13[%get3A_1476] {strides = array<i32>} : memref<128xf32, #tpu.memory_space<vmem>>, vector<16xf32>,
    %sub3A_1478 = arith.subf %gather3A_1470, %get3A_1477 : vector<16xf32>
    %abs3A_1479 = math.absf %sub3A_1478 : vector<16xf32>
    %add3A_1480 = arith.addf %add3A_1475, %abs3A_1479 : vector<16xf32>
    %get3A_1481 = arith.constant 48 : index
    %get3A_1482 = tpu.vector_load %arg11[%get3A_1481] {strides = array<i32>} : memref<128xi32, #tpu.memory_space<vmem>>, vector<16xi32>,
    %add3A_1483 = arith.constant 8192 : i32
    %add3A_1484 = vector.broadcast %add3A_1483 : i32 to vector<16xi32>
    %add3A_1485 = arith.addi %get3A_1482, %add3A_1484 : vector<16xi32>
    %gather3A_1486 = tpu.vector_load_idx %arg9[%add3A_1485] : memref<32768xf32, #tpu.memory_space<vmem>>[vector<16xi32>], vector<16xf32>,
    %gather3A_1487 = tpu.vector_load_idx %arg10[%add3A_1485] : memref<32768xf32, #tpu.memory_space<vmem>>[vector<16xi32>], vector<16xf32>,
    %get3A_1488 = arith.constant 48 : index
    %get3A_1489 = tpu.vector_load %arg12[%get3A_1488] {strides = array<i32>} : memref<128xf32, #tpu.memory_space<vmem>>, vector<16xf32>,
    %sub3A_1490 = arith.subf %gather3A_1486, %get3A_1489 : vector<16xf32>
    %abs3A_1491 = math.absf %sub3A_1490 : vector<16xf32>
    %add3A_1492 = arith.addf %add3A_1480, %abs3A_1491 : vector<16xf32>
    %get3A_1493 = arith.constant 48 : index
    %get3A_1494 = tpu.vector_load %arg13[%get3A_1493] {strides = array<i32>} : memref<128xf32, #tpu.memory_space<vmem>>, vector<16xf32>,
    %sub3A_1495 = arith.subf %gather3A_1487, %get3A_1494 : vector<16xf32>
    %abs3A_1496 = math.absf %sub3A_1495 : vector<16xf32>
    %add3A_1497 = arith.addf %add3A_1492, %abs3A_1496 : vector<16xf32>
    %get3A_1498 = arith.constant 64 : index
    %get3A_1499 = tpu.vector_load %arg11[%get3A_1498] {strides = array<i32>} : memref<128xi32, #tpu.memory_space<vmem>>, vector<16xi32>,
    %add3A_1500 = arith.constant 8192 : i32
    %add3A_1501 = vector.broadcast %add3A_1500 : i32 to vector<16xi32>
    %add3A_1502 = arith.addi %get3A_1499, %add3A_1501 : vector<16xi32>
    %gather3A_1503 = tpu.vector_load_idx %arg9[%add3A_1502] : memref<32768xf32, #tpu.memory_space<vmem>>[vector<16xi32>], vector<16xf32>,
    %gather3A_1504 = tpu.vector_load_idx %arg10[%add3A_1502] : memref<32768xf32, #tpu.memory_space<vmem>>[vector<16xi32>], vector<16xf32>,
    %get3A_1505 = arith.constant 64 : index
    %get3A_1506 = tpu.vector_load %arg12[%get3A_1505] {strides = array<i32>} : memref<128xf32, #tpu.memory_space<vmem>>, vector<16xf32>,
    %sub3A_1507 = arith.subf %gather3A_1503, %get3A_1506 : vector<16xf32>
    %abs3A_1508 = math.absf %sub3A_1507 : vector<16xf32>
    %add3A_1509 = arith.addf %add3A_1497, %abs3A_1508 : vector<16xf32>
    %get3A_1510 = arith.constant 64 : index
    %get3A_1511 = tpu.vector_load %arg13[%get3A_1510] {strides = array<i32>} : memref<128xf32, #tpu.memory_space<vmem>>, vector<16xf32>,
    %sub3A_1512 = arith.subf %gather3A_1504, %get3A_1511 : vector<16xf32>
    %abs3A_1513 = math.absf %sub3A_1512 : vector<16xf32>
    %add3A_1514 = arith.addf %add3A_1509, %abs3A_1513 : vector<16xf32>
    %get3A_1515 = arith.constant 80 : index
    %get3A_1516 = tpu.vector_load %arg11[%get3A_1515] {strides = array<i32>} : memref<128xi32, #tpu.memory_space<vmem>>, vector<16xi32>,
    %add3A_1517 = arith.constant 8192 : i32
    %add3A_1518 = vector.broadcast %add3A_1517 : i32 to vector<16xi32>
    %add3A_1519 = arith.addi %get3A_1516, %add3A_1518 : vector<16xi32>
    %gather3A_1520 = tpu.vector_load_idx %arg9[%add3A_1519] : memref<32768xf32, #tpu.memory_space<vmem>>[vector<16xi32>], vector<16xf32>,
    %gather3A_1521 = tpu.vector_load_idx %arg10[%add3A_1519] : memref<32768xf32, #tpu.memory_space<vmem>>[vector<16xi32>], vector<16xf32>,
    %get3A_1522 = arith.constant 80 : index
    %get3A_1523 = tpu.vector_load %arg12[%get3A_1522] {strides = array<i32>} : memref<128xf32, #tpu.memory_space<vmem>>, vector<16xf32>,
    %sub3A_1524 = arith.subf %gather3A_1520, %get3A_1523 : vector<16xf32>
    %abs3A_1525 = math.absf %sub3A_1524 : vector<16xf32>
    %add3A_1526 = arith.addf %add3A_1514, %abs3A_1525 : vector<16xf32>
    %get3A_1527 = arith.constant 80 : index
    %get3A_1528 = tpu.vector_load %arg13[%get3A_1527] {strides = array<i32>} : memref<128xf32, #tpu.memory_space<vmem>>, vector<16xf32>,
    %sub3A_1529 = arith.subf %gather3A_1521, %get3A_1528 : vector<16xf32>
    %abs3A_1530 = math.absf %sub3A_1529 : vector<16xf32>
    %add3A_1531 = arith.addf %add3A_1526, %abs3A_1530 : vector<16xf32>
    %get3A_1532 = arith.constant 96 : index
    %get3A_1533 = tpu.vector_load %arg11[%get3A_1532] {strides = array<i32>} : memref<128xi32, #tpu.memory_space<vmem>>, vector<16xi32>,
    %add3A_1534 = arith.constant 8192 : i32
    %add3A_1535 = vector.broadcast %add3A_1534 : i32 to vector<16xi32>
    %add3A_1536 = arith.addi %get3A_1533, %add3A_1535 : vector<16xi32>
    %gather3A_1537 = tpu.vector_load_idx %arg9[%add3A_1536] : memref<32768xf32, #tpu.memory_space<vmem>>[vector<16xi32>], vector<16xf32>,
    %gather3A_1538 = tpu.vector_load_idx %arg10[%add3A_1536] : memref<32768xf32, #tpu.memory_space<vmem>>[vector<16xi32>], vector<16xf32>,
    %get3A_1539 = arith.constant 96 : index
    %get3A_1540 = tpu.vector_load %arg12[%get3A_1539] {strides = array<i32>} : memref<128xf32, #tpu.memory_space<vmem>>, vector<16xf32>,
    %sub3A_1541 = arith.subf %gather3A_1537, %get3A_1540 : vector<16xf32>
    %abs3A_1542 = math.absf %sub3A_1541 : vector<16xf32>
    %add3A_1543 = arith.addf %add3A_1531, %abs3A_1542 : vector<16xf32>
    %get3A_1544 = arith.constant 96 : index
    %get3A_1545 = tpu.vector_load %arg13[%get3A_1544] {strides = array<i32>} : memref<128xf32, #tpu.memory_space<vmem>>, vector<16xf32>,
    %sub3A_1546 = arith.subf %gather3A_1538, %get3A_1545 : vector<16xf32>
    %abs3A_1547 = math.absf %sub3A_1546 : vector<16xf32>
    %add3A_1548 = arith.addf %add3A_1543, %abs3A_1547 : vector<16xf32>
    %get3A_1549 = arith.constant 112 : index
    %get3A_1550 = tpu.vector_load %arg11[%get3A_1549] {strides = array<i32>} : memref<128xi32, #tpu.memory_space<vmem>>, vector<16xi32>,
    %add3A_1551 = arith.constant 8192 : i32
    %add3A_1552 = vector.broadcast %add3A_1551 : i32 to vector<16xi32>
    %add3A_1553 = arith.addi %get3A_1550, %add3A_1552 : vector<16xi32>
    %gather3A_1554 = tpu.vector_load_idx %arg9[%add3A_1553] : memref<32768xf32, #tpu.memory_space<vmem>>[vector<16xi32>], vector<16xf32>,
    %gather3A_1555 = tpu.vector_load_idx %arg10[%add3A_1553] : memref<32768xf32, #tpu.memory_space<vmem>>[vector<16xi32>], vector<16xf32>,
    %get3A_1556 = arith.constant 112 : index
    %get3A_1557 = tpu.vector_load %arg12[%get3A_1556] {strides = array<i32>} : memref<128xf32, #tpu.memory_space<vmem>>, vector<16xf32>,
    %sub3A_1558 = arith.subf %gather3A_1554, %get3A_1557 : vector<16xf32>
    %abs3A_1559 = math.absf %sub3A_1558 : vector<16xf32>
    %add3A_1560 = arith.addf %add3A_1548, %abs3A_1559 : vector<16xf32>
    %get3A_1561 = arith.constant 112 : index
    %get3A_1562 = tpu.vector_load %arg13[%get3A_1561] {strides = array<i32>} : memref<128xf32, #tpu.memory_space<vmem>>, vector<16xf32>,
    %sub3A_1563 = arith.subf %gather3A_1555, %get3A_1562 : vector<16xf32>
    %abs3A_1564 = math.absf %sub3A_1563 : vector<16xf32>
    %add3A_1565 = arith.addf %add3A_1560, %abs3A_1564 : vector<16xf32>
    %add3A_1566 = arith.constant 12288 : i32
    %add3A_1567 = arith.addi %add3A_1566, %mul3A_2 : i32
    "tpu.region"() ({
      %run_scoped3A = tpu.sem_alloc : memref<!tpu.dma_semaphore, #tpu.memory_space<semaphore_mem>>
      %dma_start3A = tpu.memref_slice %arg7[%add3A_1567] : memref<32768xi32, #tpu.memory_space<hbm>> -> memref<128xi32, #tpu.memory_space<hbm>>
      %dma_start3A_2283 = tpu.memref_slice %arg7[%add3A_1567] : memref<32768xi32, #tpu.memory_space<hbm>> -> memref<128xi32, #tpu.memory_space<hbm>>
      tpu.enqueue_dma source(%dma_start3A_2283 : memref<128xi32, #tpu.memory_space<hbm>>) target(%arg11 : memref<128xi32, #tpu.memory_space<vmem>>) target_semaphore(%run_scoped3A : memref<!tpu.dma_semaphore, #tpu.memory_space<semaphore_mem>>)
      %dma_wait3A = tpu.memref_slice %arg7[%add3A_1567] : memref<32768xi32, #tpu.memory_space<hbm>> -> memref<128xi32, #tpu.memory_space<hbm>>
      %dma_wait3A_2284 = tpu.memref_slice %arg7[%add3A_1567] : memref<32768xi32, #tpu.memory_space<hbm>> -> memref<128xi32, #tpu.memory_space<hbm>>
      tpu.wait_dma2 semaphore(%run_scoped3A : memref<!tpu.dma_semaphore, #tpu.memory_space<semaphore_mem>>) src(%dma_wait3A_2284 : memref<128xi32, #tpu.memory_space<hbm>>) dst(%arg11 : memref<128xi32, #tpu.memory_space<vmem>>)
      tpu.yield
    }) : () -> ()
    %add3A_1568 = arith.constant 12288 : i32
    %add3A_1569 = arith.addi %add3A_1568, %mul3A_2 : i32
    "tpu.region"() ({
      %run_scoped3A = tpu.sem_alloc : memref<!tpu.dma_semaphore, #tpu.memory_space<semaphore_mem>>
      %dma_start3A = tpu.memref_slice %arg4[%add3A_1569] : memref<32768xf32, #tpu.memory_space<hbm>> -> memref<128xf32, #tpu.memory_space<hbm>>
      %dma_start3A_2283 = tpu.memref_slice %arg4[%add3A_1569] : memref<32768xf32, #tpu.memory_space<hbm>> -> memref<128xf32, #tpu.memory_space<hbm>>
      tpu.enqueue_dma source(%dma_start3A_2283 : memref<128xf32, #tpu.memory_space<hbm>>) target(%arg12 : memref<128xf32, #tpu.memory_space<vmem>>) target_semaphore(%run_scoped3A : memref<!tpu.dma_semaphore, #tpu.memory_space<semaphore_mem>>)
      %dma_wait3A = tpu.memref_slice %arg4[%add3A_1569] : memref<32768xf32, #tpu.memory_space<hbm>> -> memref<128xf32, #tpu.memory_space<hbm>>
      %dma_wait3A_2284 = tpu.memref_slice %arg4[%add3A_1569] : memref<32768xf32, #tpu.memory_space<hbm>> -> memref<128xf32, #tpu.memory_space<hbm>>
      tpu.wait_dma2 semaphore(%run_scoped3A : memref<!tpu.dma_semaphore, #tpu.memory_space<semaphore_mem>>) src(%dma_wait3A_2284 : memref<128xf32, #tpu.memory_space<hbm>>) dst(%arg12 : memref<128xf32, #tpu.memory_space<vmem>>)
      tpu.yield
    }) : () -> ()
    %add3A_1570 = arith.constant 12288 : i32
    %add3A_1571 = arith.addi %add3A_1570, %mul3A_2 : i32
    "tpu.region"() ({
      %run_scoped3A = tpu.sem_alloc : memref<!tpu.dma_semaphore, #tpu.memory_space<semaphore_mem>>
      %dma_start3A = tpu.memref_slice %arg5[%add3A_1571] : memref<32768xf32, #tpu.memory_space<hbm>> -> memref<128xf32, #tpu.memory_space<hbm>>
      %dma_start3A_2283 = tpu.memref_slice %arg5[%add3A_1571] : memref<32768xf32, #tpu.memory_space<hbm>> -> memref<128xf32, #tpu.memory_space<hbm>>
      tpu.enqueue_dma source(%dma_start3A_2283 : memref<128xf32, #tpu.memory_space<hbm>>) target(%arg13 : memref<128xf32, #tpu.memory_space<vmem>>) target_semaphore(%run_scoped3A : memref<!tpu.dma_semaphore, #tpu.memory_space<semaphore_mem>>)
      %dma_wait3A = tpu.memref_slice %arg5[%add3A_1571] : memref<32768xf32, #tpu.memory_space<hbm>> -> memref<128xf32, #tpu.memory_space<hbm>>
      %dma_wait3A_2284 = tpu.memref_slice %arg5[%add3A_1571] : memref<32768xf32, #tpu.memory_space<hbm>> -> memref<128xf32, #tpu.memory_space<hbm>>
      tpu.wait_dma2 semaphore(%run_scoped3A : memref<!tpu.dma_semaphore, #tpu.memory_space<semaphore_mem>>) src(%dma_wait3A_2284 : memref<128xf32, #tpu.memory_space<hbm>>) dst(%arg13 : memref<128xf32, #tpu.memory_space<vmem>>)
      tpu.yield
    }) : () -> ()
    %get3A_1572 = arith.constant 0 : index
    %get3A_1573 = tpu.vector_load %arg11[%get3A_1572] {strides = array<i32>} : memref<128xi32, #tpu.memory_space<vmem>>, vector<16xi32>,
    %add3A_1574 = arith.constant 12288 : i32
    %add3A_1575 = vector.broadcast %add3A_1574 : i32 to vector<16xi32>
    %add3A_1576 = arith.addi %get3A_1573, %add3A_1575 : vector<16xi32>
    %gather3A_1577 = tpu.vector_load_idx %arg9[%add3A_1576] : memref<32768xf32, #tpu.memory_space<vmem>>[vector<16xi32>], vector<16xf32>,
    %gather3A_1578 = tpu.vector_load_idx %arg10[%add3A_1576] : memref<32768xf32, #tpu.memory_space<vmem>>[vector<16xi32>], vector<16xf32>,
    %get3A_1579 = arith.constant 0 : index
    %get3A_1580 = tpu.vector_load %arg12[%get3A_1579] {strides = array<i32>} : memref<128xf32, #tpu.memory_space<vmem>>, vector<16xf32>,
    %sub3A_1581 = arith.subf %gather3A_1577, %get3A_1580 : vector<16xf32>
    %abs3A_1582 = math.absf %sub3A_1581 : vector<16xf32>
    %add3A_1583 = arith.addf %add3A_1565, %abs3A_1582 : vector<16xf32>
    %get3A_1584 = arith.constant 0 : index
    %get3A_1585 = tpu.vector_load %arg13[%get3A_1584] {strides = array<i32>} : memref<128xf32, #tpu.memory_space<vmem>>, vector<16xf32>,
    %sub3A_1586 = arith.subf %gather3A_1578, %get3A_1585 : vector<16xf32>
    %abs3A_1587 = math.absf %sub3A_1586 : vector<16xf32>
    %add3A_1588 = arith.addf %add3A_1583, %abs3A_1587 : vector<16xf32>
    %get3A_1589 = arith.constant 16 : index
    %get3A_1590 = tpu.vector_load %arg11[%get3A_1589] {strides = array<i32>} : memref<128xi32, #tpu.memory_space<vmem>>, vector<16xi32>,
    %add3A_1591 = arith.constant 12288 : i32
    %add3A_1592 = vector.broadcast %add3A_1591 : i32 to vector<16xi32>
    %add3A_1593 = arith.addi %get3A_1590, %add3A_1592 : vector<16xi32>
    %gather3A_1594 = tpu.vector_load_idx %arg9[%add3A_1593] : memref<32768xf32, #tpu.memory_space<vmem>>[vector<16xi32>], vector<16xf32>,
    %gather3A_1595 = tpu.vector_load_idx %arg10[%add3A_1593] : memref<32768xf32, #tpu.memory_space<vmem>>[vector<16xi32>], vector<16xf32>,
    %get3A_1596 = arith.constant 16 : index
    %get3A_1597 = tpu.vector_load %arg12[%get3A_1596] {strides = array<i32>} : memref<128xf32, #tpu.memory_space<vmem>>, vector<16xf32>,
    %sub3A_1598 = arith.subf %gather3A_1594, %get3A_1597 : vector<16xf32>
    %abs3A_1599 = math.absf %sub3A_1598 : vector<16xf32>
    %add3A_1600 = arith.addf %add3A_1588, %abs3A_1599 : vector<16xf32>
    %get3A_1601 = arith.constant 16 : index
    %get3A_1602 = tpu.vector_load %arg13[%get3A_1601] {strides = array<i32>} : memref<128xf32, #tpu.memory_space<vmem>>, vector<16xf32>,
    %sub3A_1603 = arith.subf %gather3A_1595, %get3A_1602 : vector<16xf32>
    %abs3A_1604 = math.absf %sub3A_1603 : vector<16xf32>
    %add3A_1605 = arith.addf %add3A_1600, %abs3A_1604 : vector<16xf32>
    %get3A_1606 = arith.constant 32 : index
    %get3A_1607 = tpu.vector_load %arg11[%get3A_1606] {strides = array<i32>} : memref<128xi32, #tpu.memory_space<vmem>>, vector<16xi32>,
    %add3A_1608 = arith.constant 12288 : i32
    %add3A_1609 = vector.broadcast %add3A_1608 : i32 to vector<16xi32>
    %add3A_1610 = arith.addi %get3A_1607, %add3A_1609 : vector<16xi32>
    %gather3A_1611 = tpu.vector_load_idx %arg9[%add3A_1610] : memref<32768xf32, #tpu.memory_space<vmem>>[vector<16xi32>], vector<16xf32>,
    %gather3A_1612 = tpu.vector_load_idx %arg10[%add3A_1610] : memref<32768xf32, #tpu.memory_space<vmem>>[vector<16xi32>], vector<16xf32>,
    %get3A_1613 = arith.constant 32 : index
    %get3A_1614 = tpu.vector_load %arg12[%get3A_1613] {strides = array<i32>} : memref<128xf32, #tpu.memory_space<vmem>>, vector<16xf32>,
    %sub3A_1615 = arith.subf %gather3A_1611, %get3A_1614 : vector<16xf32>
    %abs3A_1616 = math.absf %sub3A_1615 : vector<16xf32>
    %add3A_1617 = arith.addf %add3A_1605, %abs3A_1616 : vector<16xf32>
    %get3A_1618 = arith.constant 32 : index
    %get3A_1619 = tpu.vector_load %arg13[%get3A_1618] {strides = array<i32>} : memref<128xf32, #tpu.memory_space<vmem>>, vector<16xf32>,
    %sub3A_1620 = arith.subf %gather3A_1612, %get3A_1619 : vector<16xf32>
    %abs3A_1621 = math.absf %sub3A_1620 : vector<16xf32>
    %add3A_1622 = arith.addf %add3A_1617, %abs3A_1621 : vector<16xf32>
    %get3A_1623 = arith.constant 48 : index
    %get3A_1624 = tpu.vector_load %arg11[%get3A_1623] {strides = array<i32>} : memref<128xi32, #tpu.memory_space<vmem>>, vector<16xi32>,
    %add3A_1625 = arith.constant 12288 : i32
    %add3A_1626 = vector.broadcast %add3A_1625 : i32 to vector<16xi32>
    %add3A_1627 = arith.addi %get3A_1624, %add3A_1626 : vector<16xi32>
    %gather3A_1628 = tpu.vector_load_idx %arg9[%add3A_1627] : memref<32768xf32, #tpu.memory_space<vmem>>[vector<16xi32>], vector<16xf32>,
    %gather3A_1629 = tpu.vector_load_idx %arg10[%add3A_1627] : memref<32768xf32, #tpu.memory_space<vmem>>[vector<16xi32>], vector<16xf32>,
    %get3A_1630 = arith.constant 48 : index
    %get3A_1631 = tpu.vector_load %arg12[%get3A_1630] {strides = array<i32>} : memref<128xf32, #tpu.memory_space<vmem>>, vector<16xf32>,
    %sub3A_1632 = arith.subf %gather3A_1628, %get3A_1631 : vector<16xf32>
    %abs3A_1633 = math.absf %sub3A_1632 : vector<16xf32>
    %add3A_1634 = arith.addf %add3A_1622, %abs3A_1633 : vector<16xf32>
    %get3A_1635 = arith.constant 48 : index
    %get3A_1636 = tpu.vector_load %arg13[%get3A_1635] {strides = array<i32>} : memref<128xf32, #tpu.memory_space<vmem>>, vector<16xf32>,
    %sub3A_1637 = arith.subf %gather3A_1629, %get3A_1636 : vector<16xf32>
    %abs3A_1638 = math.absf %sub3A_1637 : vector<16xf32>
    %add3A_1639 = arith.addf %add3A_1634, %abs3A_1638 : vector<16xf32>
    %get3A_1640 = arith.constant 64 : index
    %get3A_1641 = tpu.vector_load %arg11[%get3A_1640] {strides = array<i32>} : memref<128xi32, #tpu.memory_space<vmem>>, vector<16xi32>,
    %add3A_1642 = arith.constant 12288 : i32
    %add3A_1643 = vector.broadcast %add3A_1642 : i32 to vector<16xi32>
    %add3A_1644 = arith.addi %get3A_1641, %add3A_1643 : vector<16xi32>
    %gather3A_1645 = tpu.vector_load_idx %arg9[%add3A_1644] : memref<32768xf32, #tpu.memory_space<vmem>>[vector<16xi32>], vector<16xf32>,
    %gather3A_1646 = tpu.vector_load_idx %arg10[%add3A_1644] : memref<32768xf32, #tpu.memory_space<vmem>>[vector<16xi32>], vector<16xf32>,
    %get3A_1647 = arith.constant 64 : index
    %get3A_1648 = tpu.vector_load %arg12[%get3A_1647] {strides = array<i32>} : memref<128xf32, #tpu.memory_space<vmem>>, vector<16xf32>,
    %sub3A_1649 = arith.subf %gather3A_1645, %get3A_1648 : vector<16xf32>
    %abs3A_1650 = math.absf %sub3A_1649 : vector<16xf32>
    %add3A_1651 = arith.addf %add3A_1639, %abs3A_1650 : vector<16xf32>
    %get3A_1652 = arith.constant 64 : index
    %get3A_1653 = tpu.vector_load %arg13[%get3A_1652] {strides = array<i32>} : memref<128xf32, #tpu.memory_space<vmem>>, vector<16xf32>,
    %sub3A_1654 = arith.subf %gather3A_1646, %get3A_1653 : vector<16xf32>
    %abs3A_1655 = math.absf %sub3A_1654 : vector<16xf32>
    %add3A_1656 = arith.addf %add3A_1651, %abs3A_1655 : vector<16xf32>
    %get3A_1657 = arith.constant 80 : index
    %get3A_1658 = tpu.vector_load %arg11[%get3A_1657] {strides = array<i32>} : memref<128xi32, #tpu.memory_space<vmem>>, vector<16xi32>,
    %add3A_1659 = arith.constant 12288 : i32
    %add3A_1660 = vector.broadcast %add3A_1659 : i32 to vector<16xi32>
    %add3A_1661 = arith.addi %get3A_1658, %add3A_1660 : vector<16xi32>
    %gather3A_1662 = tpu.vector_load_idx %arg9[%add3A_1661] : memref<32768xf32, #tpu.memory_space<vmem>>[vector<16xi32>], vector<16xf32>,
    %gather3A_1663 = tpu.vector_load_idx %arg10[%add3A_1661] : memref<32768xf32, #tpu.memory_space<vmem>>[vector<16xi32>], vector<16xf32>,
    %get3A_1664 = arith.constant 80 : index
    %get3A_1665 = tpu.vector_load %arg12[%get3A_1664] {strides = array<i32>} : memref<128xf32, #tpu.memory_space<vmem>>, vector<16xf32>,
    %sub3A_1666 = arith.subf %gather3A_1662, %get3A_1665 : vector<16xf32>
    %abs3A_1667 = math.absf %sub3A_1666 : vector<16xf32>
    %add3A_1668 = arith.addf %add3A_1656, %abs3A_1667 : vector<16xf32>
    %get3A_1669 = arith.constant 80 : index
    %get3A_1670 = tpu.vector_load %arg13[%get3A_1669] {strides = array<i32>} : memref<128xf32, #tpu.memory_space<vmem>>, vector<16xf32>,
    %sub3A_1671 = arith.subf %gather3A_1663, %get3A_1670 : vector<16xf32>
    %abs3A_1672 = math.absf %sub3A_1671 : vector<16xf32>
    %add3A_1673 = arith.addf %add3A_1668, %abs3A_1672 : vector<16xf32>
    %get3A_1674 = arith.constant 96 : index
    %get3A_1675 = tpu.vector_load %arg11[%get3A_1674] {strides = array<i32>} : memref<128xi32, #tpu.memory_space<vmem>>, vector<16xi32>,
    %add3A_1676 = arith.constant 12288 : i32
    %add3A_1677 = vector.broadcast %add3A_1676 : i32 to vector<16xi32>
    %add3A_1678 = arith.addi %get3A_1675, %add3A_1677 : vector<16xi32>
    %gather3A_1679 = tpu.vector_load_idx %arg9[%add3A_1678] : memref<32768xf32, #tpu.memory_space<vmem>>[vector<16xi32>], vector<16xf32>,
    %gather3A_1680 = tpu.vector_load_idx %arg10[%add3A_1678] : memref<32768xf32, #tpu.memory_space<vmem>>[vector<16xi32>], vector<16xf32>,
    %get3A_1681 = arith.constant 96 : index
    %get3A_1682 = tpu.vector_load %arg12[%get3A_1681] {strides = array<i32>} : memref<128xf32, #tpu.memory_space<vmem>>, vector<16xf32>,
    %sub3A_1683 = arith.subf %gather3A_1679, %get3A_1682 : vector<16xf32>
    %abs3A_1684 = math.absf %sub3A_1683 : vector<16xf32>
    %add3A_1685 = arith.addf %add3A_1673, %abs3A_1684 : vector<16xf32>
    %get3A_1686 = arith.constant 96 : index
    %get3A_1687 = tpu.vector_load %arg13[%get3A_1686] {strides = array<i32>} : memref<128xf32, #tpu.memory_space<vmem>>, vector<16xf32>,
    %sub3A_1688 = arith.subf %gather3A_1680, %get3A_1687 : vector<16xf32>
    %abs3A_1689 = math.absf %sub3A_1688 : vector<16xf32>
    %add3A_1690 = arith.addf %add3A_1685, %abs3A_1689 : vector<16xf32>
    %get3A_1691 = arith.constant 112 : index
    %get3A_1692 = tpu.vector_load %arg11[%get3A_1691] {strides = array<i32>} : memref<128xi32, #tpu.memory_space<vmem>>, vector<16xi32>,
    %add3A_1693 = arith.constant 12288 : i32
    %add3A_1694 = vector.broadcast %add3A_1693 : i32 to vector<16xi32>
    %add3A_1695 = arith.addi %get3A_1692, %add3A_1694 : vector<16xi32>
    %gather3A_1696 = tpu.vector_load_idx %arg9[%add3A_1695] : memref<32768xf32, #tpu.memory_space<vmem>>[vector<16xi32>], vector<16xf32>,
    %gather3A_1697 = tpu.vector_load_idx %arg10[%add3A_1695] : memref<32768xf32, #tpu.memory_space<vmem>>[vector<16xi32>], vector<16xf32>,
    %get3A_1698 = arith.constant 112 : index
    %get3A_1699 = tpu.vector_load %arg12[%get3A_1698] {strides = array<i32>} : memref<128xf32, #tpu.memory_space<vmem>>, vector<16xf32>,
    %sub3A_1700 = arith.subf %gather3A_1696, %get3A_1699 : vector<16xf32>
    %abs3A_1701 = math.absf %sub3A_1700 : vector<16xf32>
    %add3A_1702 = arith.addf %add3A_1690, %abs3A_1701 : vector<16xf32>
    %get3A_1703 = arith.constant 112 : index
    %get3A_1704 = tpu.vector_load %arg13[%get3A_1703] {strides = array<i32>} : memref<128xf32, #tpu.memory_space<vmem>>, vector<16xf32>,
    %sub3A_1705 = arith.subf %gather3A_1697, %get3A_1704 : vector<16xf32>
    %abs3A_1706 = math.absf %sub3A_1705 : vector<16xf32>
    %add3A_1707 = arith.addf %add3A_1702, %abs3A_1706 : vector<16xf32>
    %add3A_1708 = arith.constant 16384 : i32
    %add3A_1709 = arith.addi %add3A_1708, %mul3A_2 : i32
    "tpu.region"() ({
      %run_scoped3A = tpu.sem_alloc : memref<!tpu.dma_semaphore, #tpu.memory_space<semaphore_mem>>
      %dma_start3A = tpu.memref_slice %arg7[%add3A_1709] : memref<32768xi32, #tpu.memory_space<hbm>> -> memref<128xi32, #tpu.memory_space<hbm>>
      %dma_start3A_2283 = tpu.memref_slice %arg7[%add3A_1709] : memref<32768xi32, #tpu.memory_space<hbm>> -> memref<128xi32, #tpu.memory_space<hbm>>
      tpu.enqueue_dma source(%dma_start3A_2283 : memref<128xi32, #tpu.memory_space<hbm>>) target(%arg11 : memref<128xi32, #tpu.memory_space<vmem>>) target_semaphore(%run_scoped3A : memref<!tpu.dma_semaphore, #tpu.memory_space<semaphore_mem>>)
      %dma_wait3A = tpu.memref_slice %arg7[%add3A_1709] : memref<32768xi32, #tpu.memory_space<hbm>> -> memref<128xi32, #tpu.memory_space<hbm>>
      %dma_wait3A_2284 = tpu.memref_slice %arg7[%add3A_1709] : memref<32768xi32, #tpu.memory_space<hbm>> -> memref<128xi32, #tpu.memory_space<hbm>>
      tpu.wait_dma2 semaphore(%run_scoped3A : memref<!tpu.dma_semaphore, #tpu.memory_space<semaphore_mem>>) src(%dma_wait3A_2284 : memref<128xi32, #tpu.memory_space<hbm>>) dst(%arg11 : memref<128xi32, #tpu.memory_space<vmem>>)
      tpu.yield
    }) : () -> ()
    %add3A_1710 = arith.constant 16384 : i32
    %add3A_1711 = arith.addi %add3A_1710, %mul3A_2 : i32
    "tpu.region"() ({
      %run_scoped3A = tpu.sem_alloc : memref<!tpu.dma_semaphore, #tpu.memory_space<semaphore_mem>>
      %dma_start3A = tpu.memref_slice %arg4[%add3A_1711] : memref<32768xf32, #tpu.memory_space<hbm>> -> memref<128xf32, #tpu.memory_space<hbm>>
      %dma_start3A_2283 = tpu.memref_slice %arg4[%add3A_1711] : memref<32768xf32, #tpu.memory_space<hbm>> -> memref<128xf32, #tpu.memory_space<hbm>>
      tpu.enqueue_dma source(%dma_start3A_2283 : memref<128xf32, #tpu.memory_space<hbm>>) target(%arg12 : memref<128xf32, #tpu.memory_space<vmem>>) target_semaphore(%run_scoped3A : memref<!tpu.dma_semaphore, #tpu.memory_space<semaphore_mem>>)
      %dma_wait3A = tpu.memref_slice %arg4[%add3A_1711] : memref<32768xf32, #tpu.memory_space<hbm>> -> memref<128xf32, #tpu.memory_space<hbm>>
      %dma_wait3A_2284 = tpu.memref_slice %arg4[%add3A_1711] : memref<32768xf32, #tpu.memory_space<hbm>> -> memref<128xf32, #tpu.memory_space<hbm>>
      tpu.wait_dma2 semaphore(%run_scoped3A : memref<!tpu.dma_semaphore, #tpu.memory_space<semaphore_mem>>) src(%dma_wait3A_2284 : memref<128xf32, #tpu.memory_space<hbm>>) dst(%arg12 : memref<128xf32, #tpu.memory_space<vmem>>)
      tpu.yield
    }) : () -> ()
    %add3A_1712 = arith.constant 16384 : i32
    %add3A_1713 = arith.addi %add3A_1712, %mul3A_2 : i32
    "tpu.region"() ({
      %run_scoped3A = tpu.sem_alloc : memref<!tpu.dma_semaphore, #tpu.memory_space<semaphore_mem>>
      %dma_start3A = tpu.memref_slice %arg5[%add3A_1713] : memref<32768xf32, #tpu.memory_space<hbm>> -> memref<128xf32, #tpu.memory_space<hbm>>
      %dma_start3A_2283 = tpu.memref_slice %arg5[%add3A_1713] : memref<32768xf32, #tpu.memory_space<hbm>> -> memref<128xf32, #tpu.memory_space<hbm>>
      tpu.enqueue_dma source(%dma_start3A_2283 : memref<128xf32, #tpu.memory_space<hbm>>) target(%arg13 : memref<128xf32, #tpu.memory_space<vmem>>) target_semaphore(%run_scoped3A : memref<!tpu.dma_semaphore, #tpu.memory_space<semaphore_mem>>)
      %dma_wait3A = tpu.memref_slice %arg5[%add3A_1713] : memref<32768xf32, #tpu.memory_space<hbm>> -> memref<128xf32, #tpu.memory_space<hbm>>
      %dma_wait3A_2284 = tpu.memref_slice %arg5[%add3A_1713] : memref<32768xf32, #tpu.memory_space<hbm>> -> memref<128xf32, #tpu.memory_space<hbm>>
      tpu.wait_dma2 semaphore(%run_scoped3A : memref<!tpu.dma_semaphore, #tpu.memory_space<semaphore_mem>>) src(%dma_wait3A_2284 : memref<128xf32, #tpu.memory_space<hbm>>) dst(%arg13 : memref<128xf32, #tpu.memory_space<vmem>>)
      tpu.yield
    }) : () -> ()
    %get3A_1714 = arith.constant 0 : index
    %get3A_1715 = tpu.vector_load %arg11[%get3A_1714] {strides = array<i32>} : memref<128xi32, #tpu.memory_space<vmem>>, vector<16xi32>,
    %add3A_1716 = arith.constant 16384 : i32
    %add3A_1717 = vector.broadcast %add3A_1716 : i32 to vector<16xi32>
    %add3A_1718 = arith.addi %get3A_1715, %add3A_1717 : vector<16xi32>
    %gather3A_1719 = tpu.vector_load_idx %arg9[%add3A_1718] : memref<32768xf32, #tpu.memory_space<vmem>>[vector<16xi32>], vector<16xf32>,
    %gather3A_1720 = tpu.vector_load_idx %arg10[%add3A_1718] : memref<32768xf32, #tpu.memory_space<vmem>>[vector<16xi32>], vector<16xf32>,
    %get3A_1721 = arith.constant 0 : index
    %get3A_1722 = tpu.vector_load %arg12[%get3A_1721] {strides = array<i32>} : memref<128xf32, #tpu.memory_space<vmem>>, vector<16xf32>,
    %sub3A_1723 = arith.subf %gather3A_1719, %get3A_1722 : vector<16xf32>
    %abs3A_1724 = math.absf %sub3A_1723 : vector<16xf32>
    %add3A_1725 = arith.addf %add3A_1707, %abs3A_1724 : vector<16xf32>
    %get3A_1726 = arith.constant 0 : index
    %get3A_1727 = tpu.vector_load %arg13[%get3A_1726] {strides = array<i32>} : memref<128xf32, #tpu.memory_space<vmem>>, vector<16xf32>,
    %sub3A_1728 = arith.subf %gather3A_1720, %get3A_1727 : vector<16xf32>
    %abs3A_1729 = math.absf %sub3A_1728 : vector<16xf32>
    %add3A_1730 = arith.addf %add3A_1725, %abs3A_1729 : vector<16xf32>
    %get3A_1731 = arith.constant 16 : index
    %get3A_1732 = tpu.vector_load %arg11[%get3A_1731] {strides = array<i32>} : memref<128xi32, #tpu.memory_space<vmem>>, vector<16xi32>,
    %add3A_1733 = arith.constant 16384 : i32
    %add3A_1734 = vector.broadcast %add3A_1733 : i32 to vector<16xi32>
    %add3A_1735 = arith.addi %get3A_1732, %add3A_1734 : vector<16xi32>
    %gather3A_1736 = tpu.vector_load_idx %arg9[%add3A_1735] : memref<32768xf32, #tpu.memory_space<vmem>>[vector<16xi32>], vector<16xf32>,
    %gather3A_1737 = tpu.vector_load_idx %arg10[%add3A_1735] : memref<32768xf32, #tpu.memory_space<vmem>>[vector<16xi32>], vector<16xf32>,
    %get3A_1738 = arith.constant 16 : index
    %get3A_1739 = tpu.vector_load %arg12[%get3A_1738] {strides = array<i32>} : memref<128xf32, #tpu.memory_space<vmem>>, vector<16xf32>,
    %sub3A_1740 = arith.subf %gather3A_1736, %get3A_1739 : vector<16xf32>
    %abs3A_1741 = math.absf %sub3A_1740 : vector<16xf32>
    %add3A_1742 = arith.addf %add3A_1730, %abs3A_1741 : vector<16xf32>
    %get3A_1743 = arith.constant 16 : index
    %get3A_1744 = tpu.vector_load %arg13[%get3A_1743] {strides = array<i32>} : memref<128xf32, #tpu.memory_space<vmem>>, vector<16xf32>,
    %sub3A_1745 = arith.subf %gather3A_1737, %get3A_1744 : vector<16xf32>
    %abs3A_1746 = math.absf %sub3A_1745 : vector<16xf32>
    %add3A_1747 = arith.addf %add3A_1742, %abs3A_1746 : vector<16xf32>
    %get3A_1748 = arith.constant 32 : index
    %get3A_1749 = tpu.vector_load %arg11[%get3A_1748] {strides = array<i32>} : memref<128xi32, #tpu.memory_space<vmem>>, vector<16xi32>,
    %add3A_1750 = arith.constant 16384 : i32
    %add3A_1751 = vector.broadcast %add3A_1750 : i32 to vector<16xi32>
    %add3A_1752 = arith.addi %get3A_1749, %add3A_1751 : vector<16xi32>
    %gather3A_1753 = tpu.vector_load_idx %arg9[%add3A_1752] : memref<32768xf32, #tpu.memory_space<vmem>>[vector<16xi32>], vector<16xf32>,
    %gather3A_1754 = tpu.vector_load_idx %arg10[%add3A_1752] : memref<32768xf32, #tpu.memory_space<vmem>>[vector<16xi32>], vector<16xf32>,
    %get3A_1755 = arith.constant 32 : index
    %get3A_1756 = tpu.vector_load %arg12[%get3A_1755] {strides = array<i32>} : memref<128xf32, #tpu.memory_space<vmem>>, vector<16xf32>,
    %sub3A_1757 = arith.subf %gather3A_1753, %get3A_1756 : vector<16xf32>
    %abs3A_1758 = math.absf %sub3A_1757 : vector<16xf32>
    %add3A_1759 = arith.addf %add3A_1747, %abs3A_1758 : vector<16xf32>
    %get3A_1760 = arith.constant 32 : index
    %get3A_1761 = tpu.vector_load %arg13[%get3A_1760] {strides = array<i32>} : memref<128xf32, #tpu.memory_space<vmem>>, vector<16xf32>,
    %sub3A_1762 = arith.subf %gather3A_1754, %get3A_1761 : vector<16xf32>
    %abs3A_1763 = math.absf %sub3A_1762 : vector<16xf32>
    %add3A_1764 = arith.addf %add3A_1759, %abs3A_1763 : vector<16xf32>
    %get3A_1765 = arith.constant 48 : index
    %get3A_1766 = tpu.vector_load %arg11[%get3A_1765] {strides = array<i32>} : memref<128xi32, #tpu.memory_space<vmem>>, vector<16xi32>,
    %add3A_1767 = arith.constant 16384 : i32
    %add3A_1768 = vector.broadcast %add3A_1767 : i32 to vector<16xi32>
    %add3A_1769 = arith.addi %get3A_1766, %add3A_1768 : vector<16xi32>
    %gather3A_1770 = tpu.vector_load_idx %arg9[%add3A_1769] : memref<32768xf32, #tpu.memory_space<vmem>>[vector<16xi32>], vector<16xf32>,
    %gather3A_1771 = tpu.vector_load_idx %arg10[%add3A_1769] : memref<32768xf32, #tpu.memory_space<vmem>>[vector<16xi32>], vector<16xf32>,
    %get3A_1772 = arith.constant 48 : index
    %get3A_1773 = tpu.vector_load %arg12[%get3A_1772] {strides = array<i32>} : memref<128xf32, #tpu.memory_space<vmem>>, vector<16xf32>,
    %sub3A_1774 = arith.subf %gather3A_1770, %get3A_1773 : vector<16xf32>
    %abs3A_1775 = math.absf %sub3A_1774 : vector<16xf32>
    %add3A_1776 = arith.addf %add3A_1764, %abs3A_1775 : vector<16xf32>
    %get3A_1777 = arith.constant 48 : index
    %get3A_1778 = tpu.vector_load %arg13[%get3A_1777] {strides = array<i32>} : memref<128xf32, #tpu.memory_space<vmem>>, vector<16xf32>,
    %sub3A_1779 = arith.subf %gather3A_1771, %get3A_1778 : vector<16xf32>
    %abs3A_1780 = math.absf %sub3A_1779 : vector<16xf32>
    %add3A_1781 = arith.addf %add3A_1776, %abs3A_1780 : vector<16xf32>
    %get3A_1782 = arith.constant 64 : index
    %get3A_1783 = tpu.vector_load %arg11[%get3A_1782] {strides = array<i32>} : memref<128xi32, #tpu.memory_space<vmem>>, vector<16xi32>,
    %add3A_1784 = arith.constant 16384 : i32
    %add3A_1785 = vector.broadcast %add3A_1784 : i32 to vector<16xi32>
    %add3A_1786 = arith.addi %get3A_1783, %add3A_1785 : vector<16xi32>
    %gather3A_1787 = tpu.vector_load_idx %arg9[%add3A_1786] : memref<32768xf32, #tpu.memory_space<vmem>>[vector<16xi32>], vector<16xf32>,
    %gather3A_1788 = tpu.vector_load_idx %arg10[%add3A_1786] : memref<32768xf32, #tpu.memory_space<vmem>>[vector<16xi32>], vector<16xf32>,
    %get3A_1789 = arith.constant 64 : index
    %get3A_1790 = tpu.vector_load %arg12[%get3A_1789] {strides = array<i32>} : memref<128xf32, #tpu.memory_space<vmem>>, vector<16xf32>,
    %sub3A_1791 = arith.subf %gather3A_1787, %get3A_1790 : vector<16xf32>
    %abs3A_1792 = math.absf %sub3A_1791 : vector<16xf32>
    %add3A_1793 = arith.addf %add3A_1781, %abs3A_1792 : vector<16xf32>
    %get3A_1794 = arith.constant 64 : index
    %get3A_1795 = tpu.vector_load %arg13[%get3A_1794] {strides = array<i32>} : memref<128xf32, #tpu.memory_space<vmem>>, vector<16xf32>,
    %sub3A_1796 = arith.subf %gather3A_1788, %get3A_1795 : vector<16xf32>
    %abs3A_1797 = math.absf %sub3A_1796 : vector<16xf32>
    %add3A_1798 = arith.addf %add3A_1793, %abs3A_1797 : vector<16xf32>
    %get3A_1799 = arith.constant 80 : index
    %get3A_1800 = tpu.vector_load %arg11[%get3A_1799] {strides = array<i32>} : memref<128xi32, #tpu.memory_space<vmem>>, vector<16xi32>,
    %add3A_1801 = arith.constant 16384 : i32
    %add3A_1802 = vector.broadcast %add3A_1801 : i32 to vector<16xi32>
    %add3A_1803 = arith.addi %get3A_1800, %add3A_1802 : vector<16xi32>
    %gather3A_1804 = tpu.vector_load_idx %arg9[%add3A_1803] : memref<32768xf32, #tpu.memory_space<vmem>>[vector<16xi32>], vector<16xf32>,
    %gather3A_1805 = tpu.vector_load_idx %arg10[%add3A_1803] : memref<32768xf32, #tpu.memory_space<vmem>>[vector<16xi32>], vector<16xf32>,
    %get3A_1806 = arith.constant 80 : index
    %get3A_1807 = tpu.vector_load %arg12[%get3A_1806] {strides = array<i32>} : memref<128xf32, #tpu.memory_space<vmem>>, vector<16xf32>,
    %sub3A_1808 = arith.subf %gather3A_1804, %get3A_1807 : vector<16xf32>
    %abs3A_1809 = math.absf %sub3A_1808 : vector<16xf32>
    %add3A_1810 = arith.addf %add3A_1798, %abs3A_1809 : vector<16xf32>
    %get3A_1811 = arith.constant 80 : index
    %get3A_1812 = tpu.vector_load %arg13[%get3A_1811] {strides = array<i32>} : memref<128xf32, #tpu.memory_space<vmem>>, vector<16xf32>,
    %sub3A_1813 = arith.subf %gather3A_1805, %get3A_1812 : vector<16xf32>
    %abs3A_1814 = math.absf %sub3A_1813 : vector<16xf32>
    %add3A_1815 = arith.addf %add3A_1810, %abs3A_1814 : vector<16xf32>
    %get3A_1816 = arith.constant 96 : index
    %get3A_1817 = tpu.vector_load %arg11[%get3A_1816] {strides = array<i32>} : memref<128xi32, #tpu.memory_space<vmem>>, vector<16xi32>,
    %add3A_1818 = arith.constant 16384 : i32
    %add3A_1819 = vector.broadcast %add3A_1818 : i32 to vector<16xi32>
    %add3A_1820 = arith.addi %get3A_1817, %add3A_1819 : vector<16xi32>
    %gather3A_1821 = tpu.vector_load_idx %arg9[%add3A_1820] : memref<32768xf32, #tpu.memory_space<vmem>>[vector<16xi32>], vector<16xf32>,
    %gather3A_1822 = tpu.vector_load_idx %arg10[%add3A_1820] : memref<32768xf32, #tpu.memory_space<vmem>>[vector<16xi32>], vector<16xf32>,
    %get3A_1823 = arith.constant 96 : index
    %get3A_1824 = tpu.vector_load %arg12[%get3A_1823] {strides = array<i32>} : memref<128xf32, #tpu.memory_space<vmem>>, vector<16xf32>,
    %sub3A_1825 = arith.subf %gather3A_1821, %get3A_1824 : vector<16xf32>
    %abs3A_1826 = math.absf %sub3A_1825 : vector<16xf32>
    %add3A_1827 = arith.addf %add3A_1815, %abs3A_1826 : vector<16xf32>
    %get3A_1828 = arith.constant 96 : index
    %get3A_1829 = tpu.vector_load %arg13[%get3A_1828] {strides = array<i32>} : memref<128xf32, #tpu.memory_space<vmem>>, vector<16xf32>,
    %sub3A_1830 = arith.subf %gather3A_1822, %get3A_1829 : vector<16xf32>
    %abs3A_1831 = math.absf %sub3A_1830 : vector<16xf32>
    %add3A_1832 = arith.addf %add3A_1827, %abs3A_1831 : vector<16xf32>
    %get3A_1833 = arith.constant 112 : index
    %get3A_1834 = tpu.vector_load %arg11[%get3A_1833] {strides = array<i32>} : memref<128xi32, #tpu.memory_space<vmem>>, vector<16xi32>,
    %add3A_1835 = arith.constant 16384 : i32
    %add3A_1836 = vector.broadcast %add3A_1835 : i32 to vector<16xi32>
    %add3A_1837 = arith.addi %get3A_1834, %add3A_1836 : vector<16xi32>
    %gather3A_1838 = tpu.vector_load_idx %arg9[%add3A_1837] : memref<32768xf32, #tpu.memory_space<vmem>>[vector<16xi32>], vector<16xf32>,
    %gather3A_1839 = tpu.vector_load_idx %arg10[%add3A_1837] : memref<32768xf32, #tpu.memory_space<vmem>>[vector<16xi32>], vector<16xf32>,
    %get3A_1840 = arith.constant 112 : index
    %get3A_1841 = tpu.vector_load %arg12[%get3A_1840] {strides = array<i32>} : memref<128xf32, #tpu.memory_space<vmem>>, vector<16xf32>,
    %sub3A_1842 = arith.subf %gather3A_1838, %get3A_1841 : vector<16xf32>
    %abs3A_1843 = math.absf %sub3A_1842 : vector<16xf32>
    %add3A_1844 = arith.addf %add3A_1832, %abs3A_1843 : vector<16xf32>
    %get3A_1845 = arith.constant 112 : index
    %get3A_1846 = tpu.vector_load %arg13[%get3A_1845] {strides = array<i32>} : memref<128xf32, #tpu.memory_space<vmem>>, vector<16xf32>,
    %sub3A_1847 = arith.subf %gather3A_1839, %get3A_1846 : vector<16xf32>
    %abs3A_1848 = math.absf %sub3A_1847 : vector<16xf32>
    %add3A_1849 = arith.addf %add3A_1844, %abs3A_1848 : vector<16xf32>
    %add3A_1850 = arith.constant 20480 : i32
    %add3A_1851 = arith.addi %add3A_1850, %mul3A_2 : i32
    "tpu.region"() ({
      %run_scoped3A = tpu.sem_alloc : memref<!tpu.dma_semaphore, #tpu.memory_space<semaphore_mem>>
      %dma_start3A = tpu.memref_slice %arg7[%add3A_1851] : memref<32768xi32, #tpu.memory_space<hbm>> -> memref<128xi32, #tpu.memory_space<hbm>>
      %dma_start3A_2283 = tpu.memref_slice %arg7[%add3A_1851] : memref<32768xi32, #tpu.memory_space<hbm>> -> memref<128xi32, #tpu.memory_space<hbm>>
      tpu.enqueue_dma source(%dma_start3A_2283 : memref<128xi32, #tpu.memory_space<hbm>>) target(%arg11 : memref<128xi32, #tpu.memory_space<vmem>>) target_semaphore(%run_scoped3A : memref<!tpu.dma_semaphore, #tpu.memory_space<semaphore_mem>>)
      %dma_wait3A = tpu.memref_slice %arg7[%add3A_1851] : memref<32768xi32, #tpu.memory_space<hbm>> -> memref<128xi32, #tpu.memory_space<hbm>>
      %dma_wait3A_2284 = tpu.memref_slice %arg7[%add3A_1851] : memref<32768xi32, #tpu.memory_space<hbm>> -> memref<128xi32, #tpu.memory_space<hbm>>
      tpu.wait_dma2 semaphore(%run_scoped3A : memref<!tpu.dma_semaphore, #tpu.memory_space<semaphore_mem>>) src(%dma_wait3A_2284 : memref<128xi32, #tpu.memory_space<hbm>>) dst(%arg11 : memref<128xi32, #tpu.memory_space<vmem>>)
      tpu.yield
    }) : () -> ()
    %add3A_1852 = arith.constant 20480 : i32
    %add3A_1853 = arith.addi %add3A_1852, %mul3A_2 : i32
    "tpu.region"() ({
      %run_scoped3A = tpu.sem_alloc : memref<!tpu.dma_semaphore, #tpu.memory_space<semaphore_mem>>
      %dma_start3A = tpu.memref_slice %arg4[%add3A_1853] : memref<32768xf32, #tpu.memory_space<hbm>> -> memref<128xf32, #tpu.memory_space<hbm>>
      %dma_start3A_2283 = tpu.memref_slice %arg4[%add3A_1853] : memref<32768xf32, #tpu.memory_space<hbm>> -> memref<128xf32, #tpu.memory_space<hbm>>
      tpu.enqueue_dma source(%dma_start3A_2283 : memref<128xf32, #tpu.memory_space<hbm>>) target(%arg12 : memref<128xf32, #tpu.memory_space<vmem>>) target_semaphore(%run_scoped3A : memref<!tpu.dma_semaphore, #tpu.memory_space<semaphore_mem>>)
      %dma_wait3A = tpu.memref_slice %arg4[%add3A_1853] : memref<32768xf32, #tpu.memory_space<hbm>> -> memref<128xf32, #tpu.memory_space<hbm>>
      %dma_wait3A_2284 = tpu.memref_slice %arg4[%add3A_1853] : memref<32768xf32, #tpu.memory_space<hbm>> -> memref<128xf32, #tpu.memory_space<hbm>>
      tpu.wait_dma2 semaphore(%run_scoped3A : memref<!tpu.dma_semaphore, #tpu.memory_space<semaphore_mem>>) src(%dma_wait3A_2284 : memref<128xf32, #tpu.memory_space<hbm>>) dst(%arg12 : memref<128xf32, #tpu.memory_space<vmem>>)
      tpu.yield
    }) : () -> ()
    %add3A_1854 = arith.constant 20480 : i32
    %add3A_1855 = arith.addi %add3A_1854, %mul3A_2 : i32
    "tpu.region"() ({
      %run_scoped3A = tpu.sem_alloc : memref<!tpu.dma_semaphore, #tpu.memory_space<semaphore_mem>>
      %dma_start3A = tpu.memref_slice %arg5[%add3A_1855] : memref<32768xf32, #tpu.memory_space<hbm>> -> memref<128xf32, #tpu.memory_space<hbm>>
      %dma_start3A_2283 = tpu.memref_slice %arg5[%add3A_1855] : memref<32768xf32, #tpu.memory_space<hbm>> -> memref<128xf32, #tpu.memory_space<hbm>>
      tpu.enqueue_dma source(%dma_start3A_2283 : memref<128xf32, #tpu.memory_space<hbm>>) target(%arg13 : memref<128xf32, #tpu.memory_space<vmem>>) target_semaphore(%run_scoped3A : memref<!tpu.dma_semaphore, #tpu.memory_space<semaphore_mem>>)
      %dma_wait3A = tpu.memref_slice %arg5[%add3A_1855] : memref<32768xf32, #tpu.memory_space<hbm>> -> memref<128xf32, #tpu.memory_space<hbm>>
      %dma_wait3A_2284 = tpu.memref_slice %arg5[%add3A_1855] : memref<32768xf32, #tpu.memory_space<hbm>> -> memref<128xf32, #tpu.memory_space<hbm>>
      tpu.wait_dma2 semaphore(%run_scoped3A : memref<!tpu.dma_semaphore, #tpu.memory_space<semaphore_mem>>) src(%dma_wait3A_2284 : memref<128xf32, #tpu.memory_space<hbm>>) dst(%arg13 : memref<128xf32, #tpu.memory_space<vmem>>)
      tpu.yield
    }) : () -> ()
    %get3A_1856 = arith.constant 0 : index
    %get3A_1857 = tpu.vector_load %arg11[%get3A_1856] {strides = array<i32>} : memref<128xi32, #tpu.memory_space<vmem>>, vector<16xi32>,
    %add3A_1858 = arith.constant 20480 : i32
    %add3A_1859 = vector.broadcast %add3A_1858 : i32 to vector<16xi32>
    %add3A_1860 = arith.addi %get3A_1857, %add3A_1859 : vector<16xi32>
    %gather3A_1861 = tpu.vector_load_idx %arg9[%add3A_1860] : memref<32768xf32, #tpu.memory_space<vmem>>[vector<16xi32>], vector<16xf32>,
    %gather3A_1862 = tpu.vector_load_idx %arg10[%add3A_1860] : memref<32768xf32, #tpu.memory_space<vmem>>[vector<16xi32>], vector<16xf32>,
    %get3A_1863 = arith.constant 0 : index
    %get3A_1864 = tpu.vector_load %arg12[%get3A_1863] {strides = array<i32>} : memref<128xf32, #tpu.memory_space<vmem>>, vector<16xf32>,
    %sub3A_1865 = arith.subf %gather3A_1861, %get3A_1864 : vector<16xf32>
    %abs3A_1866 = math.absf %sub3A_1865 : vector<16xf32>
    %add3A_1867 = arith.addf %add3A_1849, %abs3A_1866 : vector<16xf32>
    %get3A_1868 = arith.constant 0 : index
    %get3A_1869 = tpu.vector_load %arg13[%get3A_1868] {strides = array<i32>} : memref<128xf32, #tpu.memory_space<vmem>>, vector<16xf32>,
    %sub3A_1870 = arith.subf %gather3A_1862, %get3A_1869 : vector<16xf32>
    %abs3A_1871 = math.absf %sub3A_1870 : vector<16xf32>
    %add3A_1872 = arith.addf %add3A_1867, %abs3A_1871 : vector<16xf32>
    %get3A_1873 = arith.constant 16 : index
    %get3A_1874 = tpu.vector_load %arg11[%get3A_1873] {strides = array<i32>} : memref<128xi32, #tpu.memory_space<vmem>>, vector<16xi32>,
    %add3A_1875 = arith.constant 20480 : i32
    %add3A_1876 = vector.broadcast %add3A_1875 : i32 to vector<16xi32>
    %add3A_1877 = arith.addi %get3A_1874, %add3A_1876 : vector<16xi32>
    %gather3A_1878 = tpu.vector_load_idx %arg9[%add3A_1877] : memref<32768xf32, #tpu.memory_space<vmem>>[vector<16xi32>], vector<16xf32>,
    %gather3A_1879 = tpu.vector_load_idx %arg10[%add3A_1877] : memref<32768xf32, #tpu.memory_space<vmem>>[vector<16xi32>], vector<16xf32>,
    %get3A_1880 = arith.constant 16 : index
    %get3A_1881 = tpu.vector_load %arg12[%get3A_1880] {strides = array<i32>} : memref<128xf32, #tpu.memory_space<vmem>>, vector<16xf32>,
    %sub3A_1882 = arith.subf %gather3A_1878, %get3A_1881 : vector<16xf32>
    %abs3A_1883 = math.absf %sub3A_1882 : vector<16xf32>
    %add3A_1884 = arith.addf %add3A_1872, %abs3A_1883 : vector<16xf32>
    %get3A_1885 = arith.constant 16 : index
    %get3A_1886 = tpu.vector_load %arg13[%get3A_1885] {strides = array<i32>} : memref<128xf32, #tpu.memory_space<vmem>>, vector<16xf32>,
    %sub3A_1887 = arith.subf %gather3A_1879, %get3A_1886 : vector<16xf32>
    %abs3A_1888 = math.absf %sub3A_1887 : vector<16xf32>
    %add3A_1889 = arith.addf %add3A_1884, %abs3A_1888 : vector<16xf32>
    %get3A_1890 = arith.constant 32 : index
    %get3A_1891 = tpu.vector_load %arg11[%get3A_1890] {strides = array<i32>} : memref<128xi32, #tpu.memory_space<vmem>>, vector<16xi32>,
    %add3A_1892 = arith.constant 20480 : i32
    %add3A_1893 = vector.broadcast %add3A_1892 : i32 to vector<16xi32>
    %add3A_1894 = arith.addi %get3A_1891, %add3A_1893 : vector<16xi32>
    %gather3A_1895 = tpu.vector_load_idx %arg9[%add3A_1894] : memref<32768xf32, #tpu.memory_space<vmem>>[vector<16xi32>], vector<16xf32>,
    %gather3A_1896 = tpu.vector_load_idx %arg10[%add3A_1894] : memref<32768xf32, #tpu.memory_space<vmem>>[vector<16xi32>], vector<16xf32>,
    %get3A_1897 = arith.constant 32 : index
    %get3A_1898 = tpu.vector_load %arg12[%get3A_1897] {strides = array<i32>} : memref<128xf32, #tpu.memory_space<vmem>>, vector<16xf32>,
    %sub3A_1899 = arith.subf %gather3A_1895, %get3A_1898 : vector<16xf32>
    %abs3A_1900 = math.absf %sub3A_1899 : vector<16xf32>
    %add3A_1901 = arith.addf %add3A_1889, %abs3A_1900 : vector<16xf32>
    %get3A_1902 = arith.constant 32 : index
    %get3A_1903 = tpu.vector_load %arg13[%get3A_1902] {strides = array<i32>} : memref<128xf32, #tpu.memory_space<vmem>>, vector<16xf32>,
    %sub3A_1904 = arith.subf %gather3A_1896, %get3A_1903 : vector<16xf32>
    %abs3A_1905 = math.absf %sub3A_1904 : vector<16xf32>
    %add3A_1906 = arith.addf %add3A_1901, %abs3A_1905 : vector<16xf32>
    %get3A_1907 = arith.constant 48 : index
    %get3A_1908 = tpu.vector_load %arg11[%get3A_1907] {strides = array<i32>} : memref<128xi32, #tpu.memory_space<vmem>>, vector<16xi32>,
    %add3A_1909 = arith.constant 20480 : i32
    %add3A_1910 = vector.broadcast %add3A_1909 : i32 to vector<16xi32>
    %add3A_1911 = arith.addi %get3A_1908, %add3A_1910 : vector<16xi32>
    %gather3A_1912 = tpu.vector_load_idx %arg9[%add3A_1911] : memref<32768xf32, #tpu.memory_space<vmem>>[vector<16xi32>], vector<16xf32>,
    %gather3A_1913 = tpu.vector_load_idx %arg10[%add3A_1911] : memref<32768xf32, #tpu.memory_space<vmem>>[vector<16xi32>], vector<16xf32>,
    %get3A_1914 = arith.constant 48 : index
    %get3A_1915 = tpu.vector_load %arg12[%get3A_1914] {strides = array<i32>} : memref<128xf32, #tpu.memory_space<vmem>>, vector<16xf32>,
    %sub3A_1916 = arith.subf %gather3A_1912, %get3A_1915 : vector<16xf32>
    %abs3A_1917 = math.absf %sub3A_1916 : vector<16xf32>
    %add3A_1918 = arith.addf %add3A_1906, %abs3A_1917 : vector<16xf32>
    %get3A_1919 = arith.constant 48 : index
    %get3A_1920 = tpu.vector_load %arg13[%get3A_1919] {strides = array<i32>} : memref<128xf32, #tpu.memory_space<vmem>>, vector<16xf32>,
    %sub3A_1921 = arith.subf %gather3A_1913, %get3A_1920 : vector<16xf32>
    %abs3A_1922 = math.absf %sub3A_1921 : vector<16xf32>
    %add3A_1923 = arith.addf %add3A_1918, %abs3A_1922 : vector<16xf32>
    %get3A_1924 = arith.constant 64 : index
    %get3A_1925 = tpu.vector_load %arg11[%get3A_1924] {strides = array<i32>} : memref<128xi32, #tpu.memory_space<vmem>>, vector<16xi32>,
    %add3A_1926 = arith.constant 20480 : i32
    %add3A_1927 = vector.broadcast %add3A_1926 : i32 to vector<16xi32>
    %add3A_1928 = arith.addi %get3A_1925, %add3A_1927 : vector<16xi32>
    %gather3A_1929 = tpu.vector_load_idx %arg9[%add3A_1928] : memref<32768xf32, #tpu.memory_space<vmem>>[vector<16xi32>], vector<16xf32>,
    %gather3A_1930 = tpu.vector_load_idx %arg10[%add3A_1928] : memref<32768xf32, #tpu.memory_space<vmem>>[vector<16xi32>], vector<16xf32>,
    %get3A_1931 = arith.constant 64 : index
    %get3A_1932 = tpu.vector_load %arg12[%get3A_1931] {strides = array<i32>} : memref<128xf32, #tpu.memory_space<vmem>>, vector<16xf32>,
    %sub3A_1933 = arith.subf %gather3A_1929, %get3A_1932 : vector<16xf32>
    %abs3A_1934 = math.absf %sub3A_1933 : vector<16xf32>
    %add3A_1935 = arith.addf %add3A_1923, %abs3A_1934 : vector<16xf32>
    %get3A_1936 = arith.constant 64 : index
    %get3A_1937 = tpu.vector_load %arg13[%get3A_1936] {strides = array<i32>} : memref<128xf32, #tpu.memory_space<vmem>>, vector<16xf32>,
    %sub3A_1938 = arith.subf %gather3A_1930, %get3A_1937 : vector<16xf32>
    %abs3A_1939 = math.absf %sub3A_1938 : vector<16xf32>
    %add3A_1940 = arith.addf %add3A_1935, %abs3A_1939 : vector<16xf32>
    %get3A_1941 = arith.constant 80 : index
    %get3A_1942 = tpu.vector_load %arg11[%get3A_1941] {strides = array<i32>} : memref<128xi32, #tpu.memory_space<vmem>>, vector<16xi32>,
    %add3A_1943 = arith.constant 20480 : i32
    %add3A_1944 = vector.broadcast %add3A_1943 : i32 to vector<16xi32>
    %add3A_1945 = arith.addi %get3A_1942, %add3A_1944 : vector<16xi32>
    %gather3A_1946 = tpu.vector_load_idx %arg9[%add3A_1945] : memref<32768xf32, #tpu.memory_space<vmem>>[vector<16xi32>], vector<16xf32>,
    %gather3A_1947 = tpu.vector_load_idx %arg10[%add3A_1945] : memref<32768xf32, #tpu.memory_space<vmem>>[vector<16xi32>], vector<16xf32>,
    %get3A_1948 = arith.constant 80 : index
    %get3A_1949 = tpu.vector_load %arg12[%get3A_1948] {strides = array<i32>} : memref<128xf32, #tpu.memory_space<vmem>>, vector<16xf32>,
    %sub3A_1950 = arith.subf %gather3A_1946, %get3A_1949 : vector<16xf32>
    %abs3A_1951 = math.absf %sub3A_1950 : vector<16xf32>
    %add3A_1952 = arith.addf %add3A_1940, %abs3A_1951 : vector<16xf32>
    %get3A_1953 = arith.constant 80 : index
    %get3A_1954 = tpu.vector_load %arg13[%get3A_1953] {strides = array<i32>} : memref<128xf32, #tpu.memory_space<vmem>>, vector<16xf32>,
    %sub3A_1955 = arith.subf %gather3A_1947, %get3A_1954 : vector<16xf32>
    %abs3A_1956 = math.absf %sub3A_1955 : vector<16xf32>
    %add3A_1957 = arith.addf %add3A_1952, %abs3A_1956 : vector<16xf32>
    %get3A_1958 = arith.constant 96 : index
    %get3A_1959 = tpu.vector_load %arg11[%get3A_1958] {strides = array<i32>} : memref<128xi32, #tpu.memory_space<vmem>>, vector<16xi32>,
    %add3A_1960 = arith.constant 20480 : i32
    %add3A_1961 = vector.broadcast %add3A_1960 : i32 to vector<16xi32>
    %add3A_1962 = arith.addi %get3A_1959, %add3A_1961 : vector<16xi32>
    %gather3A_1963 = tpu.vector_load_idx %arg9[%add3A_1962] : memref<32768xf32, #tpu.memory_space<vmem>>[vector<16xi32>], vector<16xf32>,
    %gather3A_1964 = tpu.vector_load_idx %arg10[%add3A_1962] : memref<32768xf32, #tpu.memory_space<vmem>>[vector<16xi32>], vector<16xf32>,
    %get3A_1965 = arith.constant 96 : index
    %get3A_1966 = tpu.vector_load %arg12[%get3A_1965] {strides = array<i32>} : memref<128xf32, #tpu.memory_space<vmem>>, vector<16xf32>,
    %sub3A_1967 = arith.subf %gather3A_1963, %get3A_1966 : vector<16xf32>
    %abs3A_1968 = math.absf %sub3A_1967 : vector<16xf32>
    %add3A_1969 = arith.addf %add3A_1957, %abs3A_1968 : vector<16xf32>
    %get3A_1970 = arith.constant 96 : index
    %get3A_1971 = tpu.vector_load %arg13[%get3A_1970] {strides = array<i32>} : memref<128xf32, #tpu.memory_space<vmem>>, vector<16xf32>,
    %sub3A_1972 = arith.subf %gather3A_1964, %get3A_1971 : vector<16xf32>
    %abs3A_1973 = math.absf %sub3A_1972 : vector<16xf32>
    %add3A_1974 = arith.addf %add3A_1969, %abs3A_1973 : vector<16xf32>
    %get3A_1975 = arith.constant 112 : index
    %get3A_1976 = tpu.vector_load %arg11[%get3A_1975] {strides = array<i32>} : memref<128xi32, #tpu.memory_space<vmem>>, vector<16xi32>,
    %add3A_1977 = arith.constant 20480 : i32
    %add3A_1978 = vector.broadcast %add3A_1977 : i32 to vector<16xi32>
    %add3A_1979 = arith.addi %get3A_1976, %add3A_1978 : vector<16xi32>
    %gather3A_1980 = tpu.vector_load_idx %arg9[%add3A_1979] : memref<32768xf32, #tpu.memory_space<vmem>>[vector<16xi32>], vector<16xf32>,
    %gather3A_1981 = tpu.vector_load_idx %arg10[%add3A_1979] : memref<32768xf32, #tpu.memory_space<vmem>>[vector<16xi32>], vector<16xf32>,
    %get3A_1982 = arith.constant 112 : index
    %get3A_1983 = tpu.vector_load %arg12[%get3A_1982] {strides = array<i32>} : memref<128xf32, #tpu.memory_space<vmem>>, vector<16xf32>,
    %sub3A_1984 = arith.subf %gather3A_1980, %get3A_1983 : vector<16xf32>
    %abs3A_1985 = math.absf %sub3A_1984 : vector<16xf32>
    %add3A_1986 = arith.addf %add3A_1974, %abs3A_1985 : vector<16xf32>
    %get3A_1987 = arith.constant 112 : index
    %get3A_1988 = tpu.vector_load %arg13[%get3A_1987] {strides = array<i32>} : memref<128xf32, #tpu.memory_space<vmem>>, vector<16xf32>,
    %sub3A_1989 = arith.subf %gather3A_1981, %get3A_1988 : vector<16xf32>
    %abs3A_1990 = math.absf %sub3A_1989 : vector<16xf32>
    %add3A_1991 = arith.addf %add3A_1986, %abs3A_1990 : vector<16xf32>
    %add3A_1992 = arith.constant 24576 : i32
    %add3A_1993 = arith.addi %add3A_1992, %mul3A_2 : i32
    "tpu.region"() ({
      %run_scoped3A = tpu.sem_alloc : memref<!tpu.dma_semaphore, #tpu.memory_space<semaphore_mem>>
      %dma_start3A = tpu.memref_slice %arg7[%add3A_1993] : memref<32768xi32, #tpu.memory_space<hbm>> -> memref<128xi32, #tpu.memory_space<hbm>>
      %dma_start3A_2283 = tpu.memref_slice %arg7[%add3A_1993] : memref<32768xi32, #tpu.memory_space<hbm>> -> memref<128xi32, #tpu.memory_space<hbm>>
      tpu.enqueue_dma source(%dma_start3A_2283 : memref<128xi32, #tpu.memory_space<hbm>>) target(%arg11 : memref<128xi32, #tpu.memory_space<vmem>>) target_semaphore(%run_scoped3A : memref<!tpu.dma_semaphore, #tpu.memory_space<semaphore_mem>>)
      %dma_wait3A = tpu.memref_slice %arg7[%add3A_1993] : memref<32768xi32, #tpu.memory_space<hbm>> -> memref<128xi32, #tpu.memory_space<hbm>>
      %dma_wait3A_2284 = tpu.memref_slice %arg7[%add3A_1993] : memref<32768xi32, #tpu.memory_space<hbm>> -> memref<128xi32, #tpu.memory_space<hbm>>
      tpu.wait_dma2 semaphore(%run_scoped3A : memref<!tpu.dma_semaphore, #tpu.memory_space<semaphore_mem>>) src(%dma_wait3A_2284 : memref<128xi32, #tpu.memory_space<hbm>>) dst(%arg11 : memref<128xi32, #tpu.memory_space<vmem>>)
      tpu.yield
    }) : () -> ()
    %add3A_1994 = arith.constant 24576 : i32
    %add3A_1995 = arith.addi %add3A_1994, %mul3A_2 : i32
    "tpu.region"() ({
      %run_scoped3A = tpu.sem_alloc : memref<!tpu.dma_semaphore, #tpu.memory_space<semaphore_mem>>
      %dma_start3A = tpu.memref_slice %arg4[%add3A_1995] : memref<32768xf32, #tpu.memory_space<hbm>> -> memref<128xf32, #tpu.memory_space<hbm>>
      %dma_start3A_2283 = tpu.memref_slice %arg4[%add3A_1995] : memref<32768xf32, #tpu.memory_space<hbm>> -> memref<128xf32, #tpu.memory_space<hbm>>
      tpu.enqueue_dma source(%dma_start3A_2283 : memref<128xf32, #tpu.memory_space<hbm>>) target(%arg12 : memref<128xf32, #tpu.memory_space<vmem>>) target_semaphore(%run_scoped3A : memref<!tpu.dma_semaphore, #tpu.memory_space<semaphore_mem>>)
      %dma_wait3A = tpu.memref_slice %arg4[%add3A_1995] : memref<32768xf32, #tpu.memory_space<hbm>> -> memref<128xf32, #tpu.memory_space<hbm>>
      %dma_wait3A_2284 = tpu.memref_slice %arg4[%add3A_1995] : memref<32768xf32, #tpu.memory_space<hbm>> -> memref<128xf32, #tpu.memory_space<hbm>>
      tpu.wait_dma2 semaphore(%run_scoped3A : memref<!tpu.dma_semaphore, #tpu.memory_space<semaphore_mem>>) src(%dma_wait3A_2284 : memref<128xf32, #tpu.memory_space<hbm>>) dst(%arg12 : memref<128xf32, #tpu.memory_space<vmem>>)
      tpu.yield
    }) : () -> ()
    %add3A_1996 = arith.constant 24576 : i32
    %add3A_1997 = arith.addi %add3A_1996, %mul3A_2 : i32
    "tpu.region"() ({
      %run_scoped3A = tpu.sem_alloc : memref<!tpu.dma_semaphore, #tpu.memory_space<semaphore_mem>>
      %dma_start3A = tpu.memref_slice %arg5[%add3A_1997] : memref<32768xf32, #tpu.memory_space<hbm>> -> memref<128xf32, #tpu.memory_space<hbm>>
      %dma_start3A_2283 = tpu.memref_slice %arg5[%add3A_1997] : memref<32768xf32, #tpu.memory_space<hbm>> -> memref<128xf32, #tpu.memory_space<hbm>>
      tpu.enqueue_dma source(%dma_start3A_2283 : memref<128xf32, #tpu.memory_space<hbm>>) target(%arg13 : memref<128xf32, #tpu.memory_space<vmem>>) target_semaphore(%run_scoped3A : memref<!tpu.dma_semaphore, #tpu.memory_space<semaphore_mem>>)
      %dma_wait3A = tpu.memref_slice %arg5[%add3A_1997] : memref<32768xf32, #tpu.memory_space<hbm>> -> memref<128xf32, #tpu.memory_space<hbm>>
      %dma_wait3A_2284 = tpu.memref_slice %arg5[%add3A_1997] : memref<32768xf32, #tpu.memory_space<hbm>> -> memref<128xf32, #tpu.memory_space<hbm>>
      tpu.wait_dma2 semaphore(%run_scoped3A : memref<!tpu.dma_semaphore, #tpu.memory_space<semaphore_mem>>) src(%dma_wait3A_2284 : memref<128xf32, #tpu.memory_space<hbm>>) dst(%arg13 : memref<128xf32, #tpu.memory_space<vmem>>)
      tpu.yield
    }) : () -> ()
    %get3A_1998 = arith.constant 0 : index
    %get3A_1999 = tpu.vector_load %arg11[%get3A_1998] {strides = array<i32>} : memref<128xi32, #tpu.memory_space<vmem>>, vector<16xi32>,
    %add3A_2000 = arith.constant 24576 : i32
    %add3A_2001 = vector.broadcast %add3A_2000 : i32 to vector<16xi32>
    %add3A_2002 = arith.addi %get3A_1999, %add3A_2001 : vector<16xi32>
    %gather3A_2003 = tpu.vector_load_idx %arg9[%add3A_2002] : memref<32768xf32, #tpu.memory_space<vmem>>[vector<16xi32>], vector<16xf32>,
    %gather3A_2004 = tpu.vector_load_idx %arg10[%add3A_2002] : memref<32768xf32, #tpu.memory_space<vmem>>[vector<16xi32>], vector<16xf32>,
    %get3A_2005 = arith.constant 0 : index
    %get3A_2006 = tpu.vector_load %arg12[%get3A_2005] {strides = array<i32>} : memref<128xf32, #tpu.memory_space<vmem>>, vector<16xf32>,
    %sub3A_2007 = arith.subf %gather3A_2003, %get3A_2006 : vector<16xf32>
    %abs3A_2008 = math.absf %sub3A_2007 : vector<16xf32>
    %add3A_2009 = arith.addf %add3A_1991, %abs3A_2008 : vector<16xf32>
    %get3A_2010 = arith.constant 0 : index
    %get3A_2011 = tpu.vector_load %arg13[%get3A_2010] {strides = array<i32>} : memref<128xf32, #tpu.memory_space<vmem>>, vector<16xf32>,
    %sub3A_2012 = arith.subf %gather3A_2004, %get3A_2011 : vector<16xf32>
    %abs3A_2013 = math.absf %sub3A_2012 : vector<16xf32>
    %add3A_2014 = arith.addf %add3A_2009, %abs3A_2013 : vector<16xf32>
    %get3A_2015 = arith.constant 16 : index
    %get3A_2016 = tpu.vector_load %arg11[%get3A_2015] {strides = array<i32>} : memref<128xi32, #tpu.memory_space<vmem>>, vector<16xi32>,
    %add3A_2017 = arith.constant 24576 : i32
    %add3A_2018 = vector.broadcast %add3A_2017 : i32 to vector<16xi32>
    %add3A_2019 = arith.addi %get3A_2016, %add3A_2018 : vector<16xi32>
    %gather3A_2020 = tpu.vector_load_idx %arg9[%add3A_2019] : memref<32768xf32, #tpu.memory_space<vmem>>[vector<16xi32>], vector<16xf32>,
    %gather3A_2021 = tpu.vector_load_idx %arg10[%add3A_2019] : memref<32768xf32, #tpu.memory_space<vmem>>[vector<16xi32>], vector<16xf32>,
    %get3A_2022 = arith.constant 16 : index
    %get3A_2023 = tpu.vector_load %arg12[%get3A_2022] {strides = array<i32>} : memref<128xf32, #tpu.memory_space<vmem>>, vector<16xf32>,
    %sub3A_2024 = arith.subf %gather3A_2020, %get3A_2023 : vector<16xf32>
    %abs3A_2025 = math.absf %sub3A_2024 : vector<16xf32>
    %add3A_2026 = arith.addf %add3A_2014, %abs3A_2025 : vector<16xf32>
    %get3A_2027 = arith.constant 16 : index
    %get3A_2028 = tpu.vector_load %arg13[%get3A_2027] {strides = array<i32>} : memref<128xf32, #tpu.memory_space<vmem>>, vector<16xf32>,
    %sub3A_2029 = arith.subf %gather3A_2021, %get3A_2028 : vector<16xf32>
    %abs3A_2030 = math.absf %sub3A_2029 : vector<16xf32>
    %add3A_2031 = arith.addf %add3A_2026, %abs3A_2030 : vector<16xf32>
    %get3A_2032 = arith.constant 32 : index
    %get3A_2033 = tpu.vector_load %arg11[%get3A_2032] {strides = array<i32>} : memref<128xi32, #tpu.memory_space<vmem>>, vector<16xi32>,
    %add3A_2034 = arith.constant 24576 : i32
    %add3A_2035 = vector.broadcast %add3A_2034 : i32 to vector<16xi32>
    %add3A_2036 = arith.addi %get3A_2033, %add3A_2035 : vector<16xi32>
    %gather3A_2037 = tpu.vector_load_idx %arg9[%add3A_2036] : memref<32768xf32, #tpu.memory_space<vmem>>[vector<16xi32>], vector<16xf32>,
    %gather3A_2038 = tpu.vector_load_idx %arg10[%add3A_2036] : memref<32768xf32, #tpu.memory_space<vmem>>[vector<16xi32>], vector<16xf32>,
    %get3A_2039 = arith.constant 32 : index
    %get3A_2040 = tpu.vector_load %arg12[%get3A_2039] {strides = array<i32>} : memref<128xf32, #tpu.memory_space<vmem>>, vector<16xf32>,
    %sub3A_2041 = arith.subf %gather3A_2037, %get3A_2040 : vector<16xf32>
    %abs3A_2042 = math.absf %sub3A_2041 : vector<16xf32>
    %add3A_2043 = arith.addf %add3A_2031, %abs3A_2042 : vector<16xf32>
    %get3A_2044 = arith.constant 32 : index
    %get3A_2045 = tpu.vector_load %arg13[%get3A_2044] {strides = array<i32>} : memref<128xf32, #tpu.memory_space<vmem>>, vector<16xf32>,
    %sub3A_2046 = arith.subf %gather3A_2038, %get3A_2045 : vector<16xf32>
    %abs3A_2047 = math.absf %sub3A_2046 : vector<16xf32>
    %add3A_2048 = arith.addf %add3A_2043, %abs3A_2047 : vector<16xf32>
    %get3A_2049 = arith.constant 48 : index
    %get3A_2050 = tpu.vector_load %arg11[%get3A_2049] {strides = array<i32>} : memref<128xi32, #tpu.memory_space<vmem>>, vector<16xi32>,
    %add3A_2051 = arith.constant 24576 : i32
    %add3A_2052 = vector.broadcast %add3A_2051 : i32 to vector<16xi32>
    %add3A_2053 = arith.addi %get3A_2050, %add3A_2052 : vector<16xi32>
    %gather3A_2054 = tpu.vector_load_idx %arg9[%add3A_2053] : memref<32768xf32, #tpu.memory_space<vmem>>[vector<16xi32>], vector<16xf32>,
    %gather3A_2055 = tpu.vector_load_idx %arg10[%add3A_2053] : memref<32768xf32, #tpu.memory_space<vmem>>[vector<16xi32>], vector<16xf32>,
    %get3A_2056 = arith.constant 48 : index
    %get3A_2057 = tpu.vector_load %arg12[%get3A_2056] {strides = array<i32>} : memref<128xf32, #tpu.memory_space<vmem>>, vector<16xf32>,
    %sub3A_2058 = arith.subf %gather3A_2054, %get3A_2057 : vector<16xf32>
    %abs3A_2059 = math.absf %sub3A_2058 : vector<16xf32>
    %add3A_2060 = arith.addf %add3A_2048, %abs3A_2059 : vector<16xf32>
    %get3A_2061 = arith.constant 48 : index
    %get3A_2062 = tpu.vector_load %arg13[%get3A_2061] {strides = array<i32>} : memref<128xf32, #tpu.memory_space<vmem>>, vector<16xf32>,
    %sub3A_2063 = arith.subf %gather3A_2055, %get3A_2062 : vector<16xf32>
    %abs3A_2064 = math.absf %sub3A_2063 : vector<16xf32>
    %add3A_2065 = arith.addf %add3A_2060, %abs3A_2064 : vector<16xf32>
    %get3A_2066 = arith.constant 64 : index
    %get3A_2067 = tpu.vector_load %arg11[%get3A_2066] {strides = array<i32>} : memref<128xi32, #tpu.memory_space<vmem>>, vector<16xi32>,
    %add3A_2068 = arith.constant 24576 : i32
    %add3A_2069 = vector.broadcast %add3A_2068 : i32 to vector<16xi32>
    %add3A_2070 = arith.addi %get3A_2067, %add3A_2069 : vector<16xi32>
    %gather3A_2071 = tpu.vector_load_idx %arg9[%add3A_2070] : memref<32768xf32, #tpu.memory_space<vmem>>[vector<16xi32>], vector<16xf32>,
    %gather3A_2072 = tpu.vector_load_idx %arg10[%add3A_2070] : memref<32768xf32, #tpu.memory_space<vmem>>[vector<16xi32>], vector<16xf32>,
    %get3A_2073 = arith.constant 64 : index
    %get3A_2074 = tpu.vector_load %arg12[%get3A_2073] {strides = array<i32>} : memref<128xf32, #tpu.memory_space<vmem>>, vector<16xf32>,
    %sub3A_2075 = arith.subf %gather3A_2071, %get3A_2074 : vector<16xf32>
    %abs3A_2076 = math.absf %sub3A_2075 : vector<16xf32>
    %add3A_2077 = arith.addf %add3A_2065, %abs3A_2076 : vector<16xf32>
    %get3A_2078 = arith.constant 64 : index
    %get3A_2079 = tpu.vector_load %arg13[%get3A_2078] {strides = array<i32>} : memref<128xf32, #tpu.memory_space<vmem>>, vector<16xf32>,
    %sub3A_2080 = arith.subf %gather3A_2072, %get3A_2079 : vector<16xf32>
    %abs3A_2081 = math.absf %sub3A_2080 : vector<16xf32>
    %add3A_2082 = arith.addf %add3A_2077, %abs3A_2081 : vector<16xf32>
    %get3A_2083 = arith.constant 80 : index
    %get3A_2084 = tpu.vector_load %arg11[%get3A_2083] {strides = array<i32>} : memref<128xi32, #tpu.memory_space<vmem>>, vector<16xi32>,
    %add3A_2085 = arith.constant 24576 : i32
    %add3A_2086 = vector.broadcast %add3A_2085 : i32 to vector<16xi32>
    %add3A_2087 = arith.addi %get3A_2084, %add3A_2086 : vector<16xi32>
    %gather3A_2088 = tpu.vector_load_idx %arg9[%add3A_2087] : memref<32768xf32, #tpu.memory_space<vmem>>[vector<16xi32>], vector<16xf32>,
    %gather3A_2089 = tpu.vector_load_idx %arg10[%add3A_2087] : memref<32768xf32, #tpu.memory_space<vmem>>[vector<16xi32>], vector<16xf32>,
    %get3A_2090 = arith.constant 80 : index
    %get3A_2091 = tpu.vector_load %arg12[%get3A_2090] {strides = array<i32>} : memref<128xf32, #tpu.memory_space<vmem>>, vector<16xf32>,
    %sub3A_2092 = arith.subf %gather3A_2088, %get3A_2091 : vector<16xf32>
    %abs3A_2093 = math.absf %sub3A_2092 : vector<16xf32>
    %add3A_2094 = arith.addf %add3A_2082, %abs3A_2093 : vector<16xf32>
    %get3A_2095 = arith.constant 80 : index
    %get3A_2096 = tpu.vector_load %arg13[%get3A_2095] {strides = array<i32>} : memref<128xf32, #tpu.memory_space<vmem>>, vector<16xf32>,
    %sub3A_2097 = arith.subf %gather3A_2089, %get3A_2096 : vector<16xf32>
    %abs3A_2098 = math.absf %sub3A_2097 : vector<16xf32>
    %add3A_2099 = arith.addf %add3A_2094, %abs3A_2098 : vector<16xf32>
    %get3A_2100 = arith.constant 96 : index
    %get3A_2101 = tpu.vector_load %arg11[%get3A_2100] {strides = array<i32>} : memref<128xi32, #tpu.memory_space<vmem>>, vector<16xi32>,
    %add3A_2102 = arith.constant 24576 : i32
    %add3A_2103 = vector.broadcast %add3A_2102 : i32 to vector<16xi32>
    %add3A_2104 = arith.addi %get3A_2101, %add3A_2103 : vector<16xi32>
    %gather3A_2105 = tpu.vector_load_idx %arg9[%add3A_2104] : memref<32768xf32, #tpu.memory_space<vmem>>[vector<16xi32>], vector<16xf32>,
    %gather3A_2106 = tpu.vector_load_idx %arg10[%add3A_2104] : memref<32768xf32, #tpu.memory_space<vmem>>[vector<16xi32>], vector<16xf32>,
    %get3A_2107 = arith.constant 96 : index
    %get3A_2108 = tpu.vector_load %arg12[%get3A_2107] {strides = array<i32>} : memref<128xf32, #tpu.memory_space<vmem>>, vector<16xf32>,
    %sub3A_2109 = arith.subf %gather3A_2105, %get3A_2108 : vector<16xf32>
    %abs3A_2110 = math.absf %sub3A_2109 : vector<16xf32>
    %add3A_2111 = arith.addf %add3A_2099, %abs3A_2110 : vector<16xf32>
    %get3A_2112 = arith.constant 96 : index
    %get3A_2113 = tpu.vector_load %arg13[%get3A_2112] {strides = array<i32>} : memref<128xf32, #tpu.memory_space<vmem>>, vector<16xf32>,
    %sub3A_2114 = arith.subf %gather3A_2106, %get3A_2113 : vector<16xf32>
    %abs3A_2115 = math.absf %sub3A_2114 : vector<16xf32>
    %add3A_2116 = arith.addf %add3A_2111, %abs3A_2115 : vector<16xf32>
    %get3A_2117 = arith.constant 112 : index
    %get3A_2118 = tpu.vector_load %arg11[%get3A_2117] {strides = array<i32>} : memref<128xi32, #tpu.memory_space<vmem>>, vector<16xi32>,
    %add3A_2119 = arith.constant 24576 : i32
    %add3A_2120 = vector.broadcast %add3A_2119 : i32 to vector<16xi32>
    %add3A_2121 = arith.addi %get3A_2118, %add3A_2120 : vector<16xi32>
    %gather3A_2122 = tpu.vector_load_idx %arg9[%add3A_2121] : memref<32768xf32, #tpu.memory_space<vmem>>[vector<16xi32>], vector<16xf32>,
    %gather3A_2123 = tpu.vector_load_idx %arg10[%add3A_2121] : memref<32768xf32, #tpu.memory_space<vmem>>[vector<16xi32>], vector<16xf32>,
    %get3A_2124 = arith.constant 112 : index
    %get3A_2125 = tpu.vector_load %arg12[%get3A_2124] {strides = array<i32>} : memref<128xf32, #tpu.memory_space<vmem>>, vector<16xf32>,
    %sub3A_2126 = arith.subf %gather3A_2122, %get3A_2125 : vector<16xf32>
    %abs3A_2127 = math.absf %sub3A_2126 : vector<16xf32>
    %add3A_2128 = arith.addf %add3A_2116, %abs3A_2127 : vector<16xf32>
    %get3A_2129 = arith.constant 112 : index
    %get3A_2130 = tpu.vector_load %arg13[%get3A_2129] {strides = array<i32>} : memref<128xf32, #tpu.memory_space<vmem>>, vector<16xf32>,
    %sub3A_2131 = arith.subf %gather3A_2123, %get3A_2130 : vector<16xf32>
    %abs3A_2132 = math.absf %sub3A_2131 : vector<16xf32>
    %add3A_2133 = arith.addf %add3A_2128, %abs3A_2132 : vector<16xf32>
    %add3A_2134 = arith.constant 28672 : i32
    %add3A_2135 = arith.addi %add3A_2134, %mul3A_2 : i32
    "tpu.region"() ({
      %run_scoped3A = tpu.sem_alloc : memref<!tpu.dma_semaphore, #tpu.memory_space<semaphore_mem>>
      %dma_start3A = tpu.memref_slice %arg7[%add3A_2135] : memref<32768xi32, #tpu.memory_space<hbm>> -> memref<128xi32, #tpu.memory_space<hbm>>
      %dma_start3A_2283 = tpu.memref_slice %arg7[%add3A_2135] : memref<32768xi32, #tpu.memory_space<hbm>> -> memref<128xi32, #tpu.memory_space<hbm>>
      tpu.enqueue_dma source(%dma_start3A_2283 : memref<128xi32, #tpu.memory_space<hbm>>) target(%arg11 : memref<128xi32, #tpu.memory_space<vmem>>) target_semaphore(%run_scoped3A : memref<!tpu.dma_semaphore, #tpu.memory_space<semaphore_mem>>)
      %dma_wait3A = tpu.memref_slice %arg7[%add3A_2135] : memref<32768xi32, #tpu.memory_space<hbm>> -> memref<128xi32, #tpu.memory_space<hbm>>
      %dma_wait3A_2284 = tpu.memref_slice %arg7[%add3A_2135] : memref<32768xi32, #tpu.memory_space<hbm>> -> memref<128xi32, #tpu.memory_space<hbm>>
      tpu.wait_dma2 semaphore(%run_scoped3A : memref<!tpu.dma_semaphore, #tpu.memory_space<semaphore_mem>>) src(%dma_wait3A_2284 : memref<128xi32, #tpu.memory_space<hbm>>) dst(%arg11 : memref<128xi32, #tpu.memory_space<vmem>>)
      tpu.yield
    }) : () -> ()
    %add3A_2136 = arith.constant 28672 : i32
    %add3A_2137 = arith.addi %add3A_2136, %mul3A_2 : i32
    "tpu.region"() ({
      %run_scoped3A = tpu.sem_alloc : memref<!tpu.dma_semaphore, #tpu.memory_space<semaphore_mem>>
      %dma_start3A = tpu.memref_slice %arg4[%add3A_2137] : memref<32768xf32, #tpu.memory_space<hbm>> -> memref<128xf32, #tpu.memory_space<hbm>>
      %dma_start3A_2283 = tpu.memref_slice %arg4[%add3A_2137] : memref<32768xf32, #tpu.memory_space<hbm>> -> memref<128xf32, #tpu.memory_space<hbm>>
      tpu.enqueue_dma source(%dma_start3A_2283 : memref<128xf32, #tpu.memory_space<hbm>>) target(%arg12 : memref<128xf32, #tpu.memory_space<vmem>>) target_semaphore(%run_scoped3A : memref<!tpu.dma_semaphore, #tpu.memory_space<semaphore_mem>>)
      %dma_wait3A = tpu.memref_slice %arg4[%add3A_2137] : memref<32768xf32, #tpu.memory_space<hbm>> -> memref<128xf32, #tpu.memory_space<hbm>>
      %dma_wait3A_2284 = tpu.memref_slice %arg4[%add3A_2137] : memref<32768xf32, #tpu.memory_space<hbm>> -> memref<128xf32, #tpu.memory_space<hbm>>
      tpu.wait_dma2 semaphore(%run_scoped3A : memref<!tpu.dma_semaphore, #tpu.memory_space<semaphore_mem>>) src(%dma_wait3A_2284 : memref<128xf32, #tpu.memory_space<hbm>>) dst(%arg12 : memref<128xf32, #tpu.memory_space<vmem>>)
      tpu.yield
    }) : () -> ()
    %add3A_2138 = arith.constant 28672 : i32
    %add3A_2139 = arith.addi %add3A_2138, %mul3A_2 : i32
    "tpu.region"() ({
      %run_scoped3A = tpu.sem_alloc : memref<!tpu.dma_semaphore, #tpu.memory_space<semaphore_mem>>
      %dma_start3A = tpu.memref_slice %arg5[%add3A_2139] : memref<32768xf32, #tpu.memory_space<hbm>> -> memref<128xf32, #tpu.memory_space<hbm>>
      %dma_start3A_2283 = tpu.memref_slice %arg5[%add3A_2139] : memref<32768xf32, #tpu.memory_space<hbm>> -> memref<128xf32, #tpu.memory_space<hbm>>
      tpu.enqueue_dma source(%dma_start3A_2283 : memref<128xf32, #tpu.memory_space<hbm>>) target(%arg13 : memref<128xf32, #tpu.memory_space<vmem>>) target_semaphore(%run_scoped3A : memref<!tpu.dma_semaphore, #tpu.memory_space<semaphore_mem>>)
      %dma_wait3A = tpu.memref_slice %arg5[%add3A_2139] : memref<32768xf32, #tpu.memory_space<hbm>> -> memref<128xf32, #tpu.memory_space<hbm>>
      %dma_wait3A_2284 = tpu.memref_slice %arg5[%add3A_2139] : memref<32768xf32, #tpu.memory_space<hbm>> -> memref<128xf32, #tpu.memory_space<hbm>>
      tpu.wait_dma2 semaphore(%run_scoped3A : memref<!tpu.dma_semaphore, #tpu.memory_space<semaphore_mem>>) src(%dma_wait3A_2284 : memref<128xf32, #tpu.memory_space<hbm>>) dst(%arg13 : memref<128xf32, #tpu.memory_space<vmem>>)
      tpu.yield
    }) : () -> ()
    %get3A_2140 = arith.constant 0 : index
    %get3A_2141 = tpu.vector_load %arg11[%get3A_2140] {strides = array<i32>} : memref<128xi32, #tpu.memory_space<vmem>>, vector<16xi32>,
    %add3A_2142 = arith.constant 28672 : i32
    %add3A_2143 = vector.broadcast %add3A_2142 : i32 to vector<16xi32>
    %add3A_2144 = arith.addi %get3A_2141, %add3A_2143 : vector<16xi32>
    %gather3A_2145 = tpu.vector_load_idx %arg9[%add3A_2144] : memref<32768xf32, #tpu.memory_space<vmem>>[vector<16xi32>], vector<16xf32>,
    %gather3A_2146 = tpu.vector_load_idx %arg10[%add3A_2144] : memref<32768xf32, #tpu.memory_space<vmem>>[vector<16xi32>], vector<16xf32>,
    %get3A_2147 = arith.constant 0 : index
    %get3A_2148 = tpu.vector_load %arg12[%get3A_2147] {strides = array<i32>} : memref<128xf32, #tpu.memory_space<vmem>>, vector<16xf32>,
    %sub3A_2149 = arith.subf %gather3A_2145, %get3A_2148 : vector<16xf32>
    %abs3A_2150 = math.absf %sub3A_2149 : vector<16xf32>
    %add3A_2151 = arith.addf %add3A_2133, %abs3A_2150 : vector<16xf32>
    %get3A_2152 = arith.constant 0 : index
    %get3A_2153 = tpu.vector_load %arg13[%get3A_2152] {strides = array<i32>} : memref<128xf32, #tpu.memory_space<vmem>>, vector<16xf32>,
    %sub3A_2154 = arith.subf %gather3A_2146, %get3A_2153 : vector<16xf32>
    %abs3A_2155 = math.absf %sub3A_2154 : vector<16xf32>
    %add3A_2156 = arith.addf %add3A_2151, %abs3A_2155 : vector<16xf32>
    %get3A_2157 = arith.constant 16 : index
    %get3A_2158 = tpu.vector_load %arg11[%get3A_2157] {strides = array<i32>} : memref<128xi32, #tpu.memory_space<vmem>>, vector<16xi32>,
    %add3A_2159 = arith.constant 28672 : i32
    %add3A_2160 = vector.broadcast %add3A_2159 : i32 to vector<16xi32>
    %add3A_2161 = arith.addi %get3A_2158, %add3A_2160 : vector<16xi32>
    %gather3A_2162 = tpu.vector_load_idx %arg9[%add3A_2161] : memref<32768xf32, #tpu.memory_space<vmem>>[vector<16xi32>], vector<16xf32>,
    %gather3A_2163 = tpu.vector_load_idx %arg10[%add3A_2161] : memref<32768xf32, #tpu.memory_space<vmem>>[vector<16xi32>], vector<16xf32>,
    %get3A_2164 = arith.constant 16 : index
    %get3A_2165 = tpu.vector_load %arg12[%get3A_2164] {strides = array<i32>} : memref<128xf32, #tpu.memory_space<vmem>>, vector<16xf32>,
    %sub3A_2166 = arith.subf %gather3A_2162, %get3A_2165 : vector<16xf32>
    %abs3A_2167 = math.absf %sub3A_2166 : vector<16xf32>
    %add3A_2168 = arith.addf %add3A_2156, %abs3A_2167 : vector<16xf32>
    %get3A_2169 = arith.constant 16 : index
    %get3A_2170 = tpu.vector_load %arg13[%get3A_2169] {strides = array<i32>} : memref<128xf32, #tpu.memory_space<vmem>>, vector<16xf32>,
    %sub3A_2171 = arith.subf %gather3A_2163, %get3A_2170 : vector<16xf32>
    %abs3A_2172 = math.absf %sub3A_2171 : vector<16xf32>
    %add3A_2173 = arith.addf %add3A_2168, %abs3A_2172 : vector<16xf32>
    %get3A_2174 = arith.constant 32 : index
    %get3A_2175 = tpu.vector_load %arg11[%get3A_2174] {strides = array<i32>} : memref<128xi32, #tpu.memory_space<vmem>>, vector<16xi32>,
    %add3A_2176 = arith.constant 28672 : i32
    %add3A_2177 = vector.broadcast %add3A_2176 : i32 to vector<16xi32>
    %add3A_2178 = arith.addi %get3A_2175, %add3A_2177 : vector<16xi32>
    %gather3A_2179 = tpu.vector_load_idx %arg9[%add3A_2178] : memref<32768xf32, #tpu.memory_space<vmem>>[vector<16xi32>], vector<16xf32>,
    %gather3A_2180 = tpu.vector_load_idx %arg10[%add3A_2178] : memref<32768xf32, #tpu.memory_space<vmem>>[vector<16xi32>], vector<16xf32>,
    %get3A_2181 = arith.constant 32 : index
    %get3A_2182 = tpu.vector_load %arg12[%get3A_2181] {strides = array<i32>} : memref<128xf32, #tpu.memory_space<vmem>>, vector<16xf32>,
    %sub3A_2183 = arith.subf %gather3A_2179, %get3A_2182 : vector<16xf32>
    %abs3A_2184 = math.absf %sub3A_2183 : vector<16xf32>
    %add3A_2185 = arith.addf %add3A_2173, %abs3A_2184 : vector<16xf32>
    %get3A_2186 = arith.constant 32 : index
    %get3A_2187 = tpu.vector_load %arg13[%get3A_2186] {strides = array<i32>} : memref<128xf32, #tpu.memory_space<vmem>>, vector<16xf32>,
    %sub3A_2188 = arith.subf %gather3A_2180, %get3A_2187 : vector<16xf32>
    %abs3A_2189 = math.absf %sub3A_2188 : vector<16xf32>
    %add3A_2190 = arith.addf %add3A_2185, %abs3A_2189 : vector<16xf32>
    %get3A_2191 = arith.constant 48 : index
    %get3A_2192 = tpu.vector_load %arg11[%get3A_2191] {strides = array<i32>} : memref<128xi32, #tpu.memory_space<vmem>>, vector<16xi32>,
    %add3A_2193 = arith.constant 28672 : i32
    %add3A_2194 = vector.broadcast %add3A_2193 : i32 to vector<16xi32>
    %add3A_2195 = arith.addi %get3A_2192, %add3A_2194 : vector<16xi32>
    %gather3A_2196 = tpu.vector_load_idx %arg9[%add3A_2195] : memref<32768xf32, #tpu.memory_space<vmem>>[vector<16xi32>], vector<16xf32>,
    %gather3A_2197 = tpu.vector_load_idx %arg10[%add3A_2195] : memref<32768xf32, #tpu.memory_space<vmem>>[vector<16xi32>], vector<16xf32>,
    %get3A_2198 = arith.constant 48 : index
    %get3A_2199 = tpu.vector_load %arg12[%get3A_2198] {strides = array<i32>} : memref<128xf32, #tpu.memory_space<vmem>>, vector<16xf32>,
    %sub3A_2200 = arith.subf %gather3A_2196, %get3A_2199 : vector<16xf32>
    %abs3A_2201 = math.absf %sub3A_2200 : vector<16xf32>
    %add3A_2202 = arith.addf %add3A_2190, %abs3A_2201 : vector<16xf32>
    %get3A_2203 = arith.constant 48 : index
    %get3A_2204 = tpu.vector_load %arg13[%get3A_2203] {strides = array<i32>} : memref<128xf32, #tpu.memory_space<vmem>>, vector<16xf32>,
    %sub3A_2205 = arith.subf %gather3A_2197, %get3A_2204 : vector<16xf32>
    %abs3A_2206 = math.absf %sub3A_2205 : vector<16xf32>
    %add3A_2207 = arith.addf %add3A_2202, %abs3A_2206 : vector<16xf32>
    %get3A_2208 = arith.constant 64 : index
    %get3A_2209 = tpu.vector_load %arg11[%get3A_2208] {strides = array<i32>} : memref<128xi32, #tpu.memory_space<vmem>>, vector<16xi32>,
    %add3A_2210 = arith.constant 28672 : i32
    %add3A_2211 = vector.broadcast %add3A_2210 : i32 to vector<16xi32>
    %add3A_2212 = arith.addi %get3A_2209, %add3A_2211 : vector<16xi32>
    %gather3A_2213 = tpu.vector_load_idx %arg9[%add3A_2212] : memref<32768xf32, #tpu.memory_space<vmem>>[vector<16xi32>], vector<16xf32>,
    %gather3A_2214 = tpu.vector_load_idx %arg10[%add3A_2212] : memref<32768xf32, #tpu.memory_space<vmem>>[vector<16xi32>], vector<16xf32>,
    %get3A_2215 = arith.constant 64 : index
    %get3A_2216 = tpu.vector_load %arg12[%get3A_2215] {strides = array<i32>} : memref<128xf32, #tpu.memory_space<vmem>>, vector<16xf32>,
    %sub3A_2217 = arith.subf %gather3A_2213, %get3A_2216 : vector<16xf32>
    %abs3A_2218 = math.absf %sub3A_2217 : vector<16xf32>
    %add3A_2219 = arith.addf %add3A_2207, %abs3A_2218 : vector<16xf32>
    %get3A_2220 = arith.constant 64 : index
    %get3A_2221 = tpu.vector_load %arg13[%get3A_2220] {strides = array<i32>} : memref<128xf32, #tpu.memory_space<vmem>>, vector<16xf32>,
    %sub3A_2222 = arith.subf %gather3A_2214, %get3A_2221 : vector<16xf32>
    %abs3A_2223 = math.absf %sub3A_2222 : vector<16xf32>
    %add3A_2224 = arith.addf %add3A_2219, %abs3A_2223 : vector<16xf32>
    %get3A_2225 = arith.constant 80 : index
    %get3A_2226 = tpu.vector_load %arg11[%get3A_2225] {strides = array<i32>} : memref<128xi32, #tpu.memory_space<vmem>>, vector<16xi32>,
    %add3A_2227 = arith.constant 28672 : i32
    %add3A_2228 = vector.broadcast %add3A_2227 : i32 to vector<16xi32>
    %add3A_2229 = arith.addi %get3A_2226, %add3A_2228 : vector<16xi32>
    %gather3A_2230 = tpu.vector_load_idx %arg9[%add3A_2229] : memref<32768xf32, #tpu.memory_space<vmem>>[vector<16xi32>], vector<16xf32>,
    %gather3A_2231 = tpu.vector_load_idx %arg10[%add3A_2229] : memref<32768xf32, #tpu.memory_space<vmem>>[vector<16xi32>], vector<16xf32>,
    %get3A_2232 = arith.constant 80 : index
    %get3A_2233 = tpu.vector_load %arg12[%get3A_2232] {strides = array<i32>} : memref<128xf32, #tpu.memory_space<vmem>>, vector<16xf32>,
    %sub3A_2234 = arith.subf %gather3A_2230, %get3A_2233 : vector<16xf32>
    %abs3A_2235 = math.absf %sub3A_2234 : vector<16xf32>
    %add3A_2236 = arith.addf %add3A_2224, %abs3A_2235 : vector<16xf32>
    %get3A_2237 = arith.constant 80 : index
    %get3A_2238 = tpu.vector_load %arg13[%get3A_2237] {strides = array<i32>} : memref<128xf32, #tpu.memory_space<vmem>>, vector<16xf32>,
    %sub3A_2239 = arith.subf %gather3A_2231, %get3A_2238 : vector<16xf32>
    %abs3A_2240 = math.absf %sub3A_2239 : vector<16xf32>
    %add3A_2241 = arith.addf %add3A_2236, %abs3A_2240 : vector<16xf32>
    %get3A_2242 = arith.constant 96 : index
    %get3A_2243 = tpu.vector_load %arg11[%get3A_2242] {strides = array<i32>} : memref<128xi32, #tpu.memory_space<vmem>>, vector<16xi32>,
    %add3A_2244 = arith.constant 28672 : i32
    %add3A_2245 = vector.broadcast %add3A_2244 : i32 to vector<16xi32>
    %add3A_2246 = arith.addi %get3A_2243, %add3A_2245 : vector<16xi32>
    %gather3A_2247 = tpu.vector_load_idx %arg9[%add3A_2246] : memref<32768xf32, #tpu.memory_space<vmem>>[vector<16xi32>], vector<16xf32>,
    %gather3A_2248 = tpu.vector_load_idx %arg10[%add3A_2246] : memref<32768xf32, #tpu.memory_space<vmem>>[vector<16xi32>], vector<16xf32>,
    %get3A_2249 = arith.constant 96 : index
    %get3A_2250 = tpu.vector_load %arg12[%get3A_2249] {strides = array<i32>} : memref<128xf32, #tpu.memory_space<vmem>>, vector<16xf32>,
    %sub3A_2251 = arith.subf %gather3A_2247, %get3A_2250 : vector<16xf32>
    %abs3A_2252 = math.absf %sub3A_2251 : vector<16xf32>
    %add3A_2253 = arith.addf %add3A_2241, %abs3A_2252 : vector<16xf32>
    %get3A_2254 = arith.constant 96 : index
    %get3A_2255 = tpu.vector_load %arg13[%get3A_2254] {strides = array<i32>} : memref<128xf32, #tpu.memory_space<vmem>>, vector<16xf32>,
    %sub3A_2256 = arith.subf %gather3A_2248, %get3A_2255 : vector<16xf32>
    %abs3A_2257 = math.absf %sub3A_2256 : vector<16xf32>
    %add3A_2258 = arith.addf %add3A_2253, %abs3A_2257 : vector<16xf32>
    %get3A_2259 = arith.constant 112 : index
    %get3A_2260 = tpu.vector_load %arg11[%get3A_2259] {strides = array<i32>} : memref<128xi32, #tpu.memory_space<vmem>>, vector<16xi32>,
    %add3A_2261 = arith.constant 28672 : i32
    %add3A_2262 = vector.broadcast %add3A_2261 : i32 to vector<16xi32>
    %add3A_2263 = arith.addi %get3A_2260, %add3A_2262 : vector<16xi32>
    %gather3A_2264 = tpu.vector_load_idx %arg9[%add3A_2263] : memref<32768xf32, #tpu.memory_space<vmem>>[vector<16xi32>], vector<16xf32>,
    %gather3A_2265 = tpu.vector_load_idx %arg10[%add3A_2263] : memref<32768xf32, #tpu.memory_space<vmem>>[vector<16xi32>], vector<16xf32>,
    %get3A_2266 = arith.constant 112 : index
    %get3A_2267 = tpu.vector_load %arg12[%get3A_2266] {strides = array<i32>} : memref<128xf32, #tpu.memory_space<vmem>>, vector<16xf32>,
    %sub3A_2268 = arith.subf %gather3A_2264, %get3A_2267 : vector<16xf32>
    %abs3A_2269 = math.absf %sub3A_2268 : vector<16xf32>
    %add3A_2270 = arith.addf %add3A_2258, %abs3A_2269 : vector<16xf32>
    %get3A_2271 = arith.constant 112 : index
    %get3A_2272 = tpu.vector_load %arg13[%get3A_2271] {strides = array<i32>} : memref<128xf32, #tpu.memory_space<vmem>>, vector<16xf32>,
    %sub3A_2273 = arith.subf %gather3A_2265, %get3A_2272 : vector<16xf32>
    %abs3A_2274 = math.absf %sub3A_2273 : vector<16xf32>
    %add3A_2275 = arith.addf %add3A_2270, %abs3A_2274 : vector<16xf32>
    %swap3A = arith.constant 0 : index
    %swap3A_2276 = tpu.vector_load %arg14[%swap3A] {strides = array<i32>} : memref<48xf32, #tpu.memory_space<vmem>>, vector<16xf32>,
    tpu.vector_store %arg14[%swap3A], %add3A_1134 {strides = array<i32>} : memref<48xf32, #tpu.memory_space<vmem>>, vector<16xf32>,
    %swap3A_2277 = arith.constant 16 : index
    %swap3A_2278 = tpu.vector_load %arg14[%swap3A_2277] {strides = array<i32>} : memref<48xf32, #tpu.memory_space<vmem>>, vector<16xf32>,
    tpu.vector_store %arg14[%swap3A_2277], %add3A_1139 {strides = array<i32>} : memref<48xf32, #tpu.memory_space<vmem>>, vector<16xf32>,
    %swap3A_2279 = arith.constant 32 : index
    %swap3A_2280 = tpu.vector_load %arg14[%swap3A_2279] {strides = array<i32>} : memref<48xf32, #tpu.memory_space<vmem>>, vector<16xf32>,
    tpu.vector_store %arg14[%swap3A_2279], %add3A_2275 {strides = array<i32>} : memref<48xf32, #tpu.memory_space<vmem>>, vector<16xf32>,
    %mul3A_2281 = arith.constant 48 : i32
    %mul3A_2282 = arith.muli %add3A, %mul3A_2281 : i32
    "tpu.region"() ({
      %run_scoped3A = tpu.sem_alloc : memref<!tpu.dma_semaphore, #tpu.memory_space<semaphore_mem>>
      %dma_start3A = tpu.memref_slice %arg8[%mul3A_2282] : memref<1536xf32, #tpu.memory_space<hbm>> -> memref<48xf32, #tpu.memory_space<hbm>>
      %dma_start3A_2283 = tpu.memref_slice %arg8[%mul3A_2282] : memref<1536xf32, #tpu.memory_space<hbm>> -> memref<48xf32, #tpu.memory_space<hbm>>
      tpu.enqueue_dma source(%arg14 : memref<48xf32, #tpu.memory_space<vmem>>) target(%dma_start3A_2283 : memref<48xf32, #tpu.memory_space<hbm>>) target_semaphore(%run_scoped3A : memref<!tpu.dma_semaphore, #tpu.memory_space<semaphore_mem>>)
      %dma_wait3A = tpu.memref_slice %arg8[%mul3A_2282] : memref<1536xf32, #tpu.memory_space<hbm>> -> memref<48xf32, #tpu.memory_space<hbm>>
      %dma_wait3A_2284 = tpu.memref_slice %arg8[%mul3A_2282] : memref<1536xf32, #tpu.memory_space<hbm>> -> memref<48xf32, #tpu.memory_space<hbm>>
      tpu.wait_dma2 semaphore(%run_scoped3A : memref<!tpu.dma_semaphore, #tpu.memory_space<semaphore_mem>>) src(%arg14 : memref<48xf32, #tpu.memory_space<vmem>>) dst(%dma_wait3A_2284 : memref<48xf32, #tpu.memory_space<hbm>>)
      tpu.yield
    }) : () -> ()
    return
  }
}

</mosaic_0001>

<sc_bundles>
// kernel: _sc_gather_l1.3.cloned.1.call-start
scs
__scs_entry_jumppad:
0x0: {  	(pc) =	sbr.rel $0x88, $3  }
0x1: {  	(tag) =	ssettag $0x0;
	lr =	simm.s32 $0x1  }
0x2: {  	[smem:$0x3F9B] =	sst lr;
	_ =	strace $0xD0000000  }
0x3: {  	_ = 	snop  }
0x4: {  	_ = 	snop  }
0x5: {  	_ = 	snop  }
0x6: {  	_ = 	snop  }
0x7: {  	_ = 	snop  }
__scs_overlays_trampoline_lowered:
0x8: {  	[smem:$0x3FAA] =	sst s0  }
0x9: {  	[smem:$0x3FAB] =	sst s1  }
0xa: {  	[smem:$0x3FAC] =	sst s2  }
0xb: {  	[smem:$0x3FAD] =	sst s3  }
0xc: {  	[smem:$0x3FAE] =	sst s4  }
0xd: {  	[smem:$0x3FAF] =	sst s5  }
0xe: {  	[smem:$0x3FB0] =	sst s6  }
0xf: {  	[smem:$0x3FB1] =	sst s7  }
0x10: {  	[smem:$0x3FB2] =	sst s8  }
0x11: {  	[smem:$0x3FB3] =	sst s9;
	s0 =	simm.s32 @!p0 $0x0  }
0x12: {  	s1 =	sld [smem:$0x3F99];
	s0 =	simm.s32 @p0 $0x1  }
0x13: {  	[smem:$0x3FB4] =	sst s0;
	s0 =	simm.s32 @!p1 $0x0  }
0x14: {  	s2 =	sld [smem:$0x3F98];
	s0 =	simm.s32 @p1 $0x1  }
0x15: {  	[smem:$0x3FB5] =	sst s0;
	s0 =	simm.s32 @!p2 $0x0  }
0x16: {  	s3 =	sld [smem:$0x3FDB];
	s0 =	simm.s32 @p2 $0x1  }
0x17: {  	s4 =	simm.s32 $0x1BF5;
	[smem:$0x3FB7] =	sst s0  }
0x18: {  	s0 =	sld [smem:$0x3F9A];
	_ =	swait.ge [sflag:s4], $0x0  }
0x19: {  	s7 =	sld [smem:$0x3F9B]  }
0x1a: {  	s8 =	sadd.s32 $0xFFFFE003, lr  }
0x1b: {  	s9 =	sadd.s32 $0xFFFFFEF7, lr;
	s5 =	simm.s32 $0xFFFFFFFF;
	p2 =	slt.u32 s8, $0xFFFFF086  }
0x1c: {  	p1 =	slt.u32 s9, $0xF7A;
	s5 =	simm.s32 @!p2 $0x0  }
0x1d: {  	s5 =	simm.s32 @p1 $0x1;
	p0 =	seq.s32 s7, s2  }
0x1e: {  	s7 =	smul.u32 @!p0 $0xF7A, s2;
	p2 =	seq.s32 @!p0 s5, $0x0  }
0x1f: {  	s9 =	smul.u32 $0xF7A, s1;
	s8 =	simm.s32 @!p0 $0x1BF5;
	p2 =	por !p2, p0  }
0x20: {  	[sflag:s8] =	ssyncset.s32 @!p0 $0xFFFFF086;
	s6 =	sadd.s32 @!p0 s3, s7;
	s7 =	simm.s32 @!p0 $0x108  }
0x21: {  	s3 =	sadd.s32 s3, s9;
	s6 =	sadd.s32 @!p0 $0x88, s6;
	s7 =	simm.s32 @p2 $0x1082  }
0x22: {  	[simem:s7], [sflag:s8] =	dma.local @!p0 [hbm:s6], $0xF7A  }
0x23: {  	s9 =	sor.u32 $0xD0000000, s2;
	s6 =	simm.s32 $0x108;
	_ =	swait.ge @!p0 [sflag:s8], $0x0  }
0x24: {  	s3 =	sadd.s32 $0x88, s3;
	s6 =	simm.s32 @!p1 $0x1082;
	[sflag:s4] =	ssyncset.s32 $0xFFFFF086  }
0x25: {  	[simem:s6], [sflag:s4] =	dma.local [hbm:s3], $0xF7A  }
0x26: {  	[smem:$0x3F9B] =	sst s1;
	(tag) =	ssettag s2;
	_ =	strace s9  }
0x27: {  	s1 =	sld [smem:$0x3FAB]  }
0x28: {  	s2 =	sld [smem:$0x3FAC]  }
0x29: {  	s4 =	sld [smem:$0x3FAE]  }
0x2a: {  	p0 =	seq.s32 s5, $0x0;
	s5 =	sld [smem:$0x3FAF]  }
0x2b: {  	s6 =	sld [smem:$0x3FB0]  }
0x2c: {  	s7 =	sld [smem:$0x3FB1]  }
0x2d: {  	s3 =	simm.s32 $0x108;
	s8 =	sld [smem:$0x3FB2]  }
0x2e: {  	s3 =	simm.s32 @!p0 $0x1082;
	s9 =	sld [smem:$0x3FB3]  }
0x2f: {  	lr =	sadd.s32 s0, s3;
	s0 =	sld [smem:$0x3FAA]  }
0x30: {  	s3 =	sld [smem:$0x3FAD]  }
0x31: {  	[smem:$0x3FB6] =	sst s10  }
0x32: {  	s10 =	sld [smem:$0x3FB4];
	_ =	sdelay $0x3  }
0x33: {  	p0 =	seq.s32 s10, $0x1;
	s10 =	sld [smem:$0x3FB6];
	_ =	sdelay $0x3  }
0x34: {  	[smem:$0x3FB6] =	sst s10  }
0x35: {  	s10 =	sld [smem:$0x3FB5];
	_ =	sdelay $0x3  }
0x36: {  	p1 =	seq.s32 s10, $0x1;
	s10 =	sld [smem:$0x3FB6];
	_ =	sdelay $0x3  }
0x37: {  	[smem:$0x3FB6] =	sst s10  }
0x38: {  	s10 =	sld [smem:$0x3FB7]  }
0x39: {  	_ = 	snop;
	(pc) =	sbr.ind lr, $3  }
0x3a: {  	_ = 	snop  }
0x3b: {  	_ = 	snop  }
0x3c: {  	p2 =	seq.s32 s10, $0x1;
	s10 =	sld [smem:$0x3FB6]  }
0x3d: {  	_ =	shalt  }
0x3e: {  	_ =	shalt  }
0x3f: {  	_ =	shalt  }
0x40: {  	_ =	shalt  }
0x41: {  	_ =	shalt  }
0x42: {  	_ =	shalt  }
0x43: {  	_ =	shalt  }
0x44: {  	_ =	shalt  }
0x45: {  	_ =	shalt  }
0x46: {  	_ =	shalt  }
0x47: {  	_ =	shalt  }
0x48: {  	_ =	shalt  }
0x49: {  	_ =	shalt  }
0x4a: {  	_ =	shalt  }
0x4b: {  	_ =	shalt  }
0x4c: {  	_ =	shalt  }
0x4d: {  	_ =	shalt  }
0x4e: {  	_ =	shalt  }
0x4f: {  	_ =	shalt  }
0x50: {  	_ =	shalt  }
0x51: {  	_ =	shalt  }
0x52: {  	_ =	shalt  }
0x53: {  	_ =	shalt  }
0x54: {  	_ =	shalt  }
0x55: {  	_ =	shalt  }
0x56: {  	_ =	shalt  }
0x57: {  	_ =	shalt  }
0x58: {  	_ =	shalt  }
0x59: {  	_ =	shalt  }
0x5a: {  	_ =	shalt  }
0x5b: {  	_ =	shalt  }
0x5c: {  	_ =	shalt  }
0x5d: {  	_ =	shalt  }
0x5e: {  	_ =	shalt  }
0x5f: {  	_ =	shalt  }
0x60: {  	_ =	shalt  }
0x61: {  	_ =	shalt  }
0x62: {  	_ =	shalt  }
0x63: {  	_ =	shalt  }
0x64: {  	_ =	shalt  }
0x65: {  	_ =	shalt  }
0x66: {  	_ =	shalt  }
0x67: {  	_ =	shalt  }
0x68: {  	_ =	shalt  }
0x69: {  	_ =	shalt  }
0x6a: {  	_ =	shalt  }
0x6b: {  	_ =	shalt  }
0x6c: {  	_ =	shalt  }
0x6d: {  	_ =	shalt  }
0x6e: {  	_ =	shalt  }
0x6f: {  	_ =	shalt  }
0x70: {  	_ =	shalt  }
0x71: {  	_ =	shalt  }
0x72: {  	_ =	shalt  }
0x73: {  	_ =	shalt  }
0x74: {  	_ =	shalt  }
0x75: {  	_ =	shalt  }
0x76: {  	_ =	shalt  }
0x77: {  	_ =	shalt  }
0x78: {  	_ =	shalt  }
0x79: {  	_ =	shalt  }
0x7a: {  	_ =	shalt  }
0x7b: {  	_ =	shalt  }
0x7c: {  	_ =	shalt  }
0x7d: {  	_ =	shalt  }
0x7e: {  	_ =	shalt  }
0x7f: {  	_ =	shalt  }
0x80: {  	_ =	shalt  }
0x81: {  	_ =	shalt  }
0x82: {  	_ =	shalt  }
0x83: {  	_ =	shalt  }
0x84: {  	_ =	shalt  }
0x85: {  	_ =	shalt  }
0x86: {  	_ =	shalt  }
0x87: {  	_ =	shalt  }
.Lfunc_end0:
.L_simem_size_0:
called_computation_lowered:
.L_overlay_start_0:
0x88: {  	s2 =	sld [smem:$0x3FD9]  }
0x89: {  	s3 =	sld [smem:$0x3FFE];
	_ =	sdelay $0x1  }
0x8a: {  	s1 =	srdreg.scid  }
0x8b: {  	s0 =	sand.u32 $0x1, s1  }
0x8c: {  	s18 =	sshll.u32 s0, $0xA;
	s2 =	sadd.s32 s3, s2  }
0x8d: {  	s2 =	sadd.s32 s2, s18  }
0x8e: {  	[smem:$0x3FC2] =	sst s2  }
0x8f: {  	_ = 	snop  }
0x90: {  	s2 =	sld [smem:$0x3FC9]  }
0x91: {  	s19 =	sld [smem:$0x3FC8]  }
0x92: {  	s4 =	sld [smem:$0x3FC7]  }
0x93: {  	s5 =	sld [smem:$0x3FC6]  }
0x94: {  	s6 =	sld [smem:$0x3FC5]  }
0x95: {  	s7 =	sld [smem:$0x3FC4]  }
0x96: {  	s8 =	sld [smem:$0x3FD0];
	(tm) =	ssettm $0x1  }
0x97: {  	s9 =	sld [smem:$0x3FFB];
	_ =	sdelay $0x3  }
0x98: {  	_ =	strace s9  }
0x99: {  	s9 =	sld [smem:$0x3FFC];
	_ =	sdelay $0x3  }
0x9a: {  	_ =	strace s9  }
0x9b: {  	s9 =	sld [smem:$0x3FFD];
	_ =	sdelay $0x3  }
0x9c: {  	_ =	strace s9  }
0x9d: {  	_ =	strace $0x8FFFFFFF  }
0x9e: {  	s20 =	sld [smem:$0x3FDB];
	_ =	sdelay $0x1  }
0x9f: {  	s10 =	simm.s32 $_scs_section_size  }
0xa0: {  	s11 =	simm.s32 $_size__tile_overlayer_lowered;
	s12 =	simm.s32 $_tile_overlayer_lowered  }
0xa1: {  	s23 =	simm.s32 $0x1BFF;
	s22 =	sshll.u32 s12, $0x1;
	s9 =	sadd.s32 s10, s20  }
0xa2: {  	s13 =	simm.s32 $0x0;
	s21 =	sshll.u32 s11, $0x1;
	s11 =	sadd.s32 s22, s9  }
0xa3: {  	[timem:s13], [sflag:s23] =	dma.local [hbm:s11], s21  }
0xa4: {  	_ =	swait.ge [sflag:s23], s21  }
0xa5: {  	s10 =	ssub.s32 $0x0, s21;
	[sflag:s23] =	ssyncset.done $0x0  }
0xa6: {  	[sflag:s23] =	ssyncadd.s32 s10;
	_ =	sdelay $0x1  }
0xa7: {  	s24 =	simm.s32 $0x1B8B  }
0xa8: {  	_ =	swait.ge [sflag:s24], $0x1  }
0xa9: {  	[sflag:s24] =	ssyncset.done $0x0  }
0xaa: {  	s25 =	simm.s32 $0x1B8E;
	[sflag:s24] =	ssyncadd.s32 $0xFFFFFFFF  }
0xab: {  	s26 =	simm.s32 $execute0_lowered;
	[smem:$0x3FD2] =	sst s25  }
0xac: {  	s10 =	sshll.u32 s26, $0x1;
	_ =	strace $0x80000046;
	[dreg:$0x1] =	wrdreg $0xFFFFFFFF  }
0xad: {  	s28 =	simm.s32 $_size_execute0_lowered;
	s9 =	sadd.s32 s9, s10;
	[dreg:$0x0] =	wrdreg $0x0  }
0xae: {  	s10 =	sshll.u32 s28, $0x1;
	[dreg:$0x2] =	wrdreg s9  }
0xaf: {  	[dreg:$0x3] =	wrdreg s10  }
0xb0: {  	[dreg:$0x4] =	wrdreg $0xC0  }
0xb1: {  	_ =	task [dreg:s13], $0x5FFFF  }
0xb2: {  	[dreg:$0x1] =	wrdreg $0xFFFFFFFF  }
0xb3: {  	[dreg:$0x0] =	wrdreg $0x60  }
0xb4: {  	[dreg:$0x2] =	wrdreg s2  }
0xb5: {  	[dreg:$0x3] =	wrdreg s19  }
0xb6: {  	[dreg:$0x4] =	wrdreg s4  }
0xb7: {  	[dreg:$0x5] =	wrdreg s5  }
0xb8: {  	[dreg:$0x6] =	wrdreg s6  }
0xb9: {  	[dreg:$0x7] =	wrdreg s7  }
0xba: {  	[dreg:$0x8] =	wrdreg s8  }
0xbb: {  	[dreg:$0x9] =	wrdreg $0x9  }
0xbc: {  	_ =	task.clear_ibuf [dreg:s13], $0xAFFFF;
	_ =	strace $0x90000046  }
0xbd: {  	s29 =	simm.s32 $0x9;
	_ =	strace $0x80000048  }
0xbe: {  	_ =	swait.ge [sflag:s29], $0x1  }
0xbf: {  	[sflag:s29] =	ssyncadd.s32 $0xFFFFFFFF  }
0xc0: {  	_ =	strace $0x90000048  }
0xc1: {  	_ =	sfence  }
0xc2: {  	s30 =	sld [smem:$0x0];
	_ =	sdelay $0x2  }
0xc3: {  	s31 =	sshll.u32 s1, $0xD;
	s1 =	sshrl.u32 s1, $0x2  }
0xc4: {  	s3 =	sand.u32 $0x4000, s31;
	s1 =	sadd.s32 s1, s30  }
0xc5: {  	s0 =	sor.u32 s3, s0;
	s1 =	sshll.u32 s1, $0x11  }
0xc6: {  	s0 =	sor.u32 s1, s0  }
0xc7: {  	s0 =	sadd.s32 $0x8F2B, s0  }
0xc8: {  	[sflag:s0] =	ssyncadd.remote.s32 $0x1  }
0xc9: {  	_ =	sfence.sel $0xFFFF  }
0xca: {  	[dreg:$0x0] =	wrdreg $0xFFFFFFFF;
	(pc) =	sbr.abs _section_cstart, $3  }
0xcb: {  	[dreg:$0x1] =	wrdreg $0xFFFFFFFF  }
0xcc: {  	_ =	task.clear_ibuf [dreg:s13], $0x2FFFF;
	_ =	strace $0x9FFFFFFF  }
0xcd: {  	(tm) =	ssettm $0x7FFFFFFF  }
tec
execute0_lowered:
.L_overlay_start_1:
0x0: {  	(tag) =	ssettag $0x1  }
0x1: {  	s0 =	rddreg [dreg:$0x0]  }
0x2: {  	s1 =	rddreg [dreg:$0x1]  }
0x3: {  	s2 =	rddreg [dreg:$0x2];
	s5 =	srdreg.scid  }
0x4: {  	s3 =	rddreg [dreg:$0x3];
	s7 =	sand.u32 $0x1, s5  }
0x5: {  	s8 =	rddreg [dreg:$0x4];
	s10 =	stileid.u32;
	s9 =	sshll.u32 s7, $0x4  }
0x6: {  	s4 =	rddreg [dreg:$0x5];
	s17 =	sor.u32 s10, s9  }
0x7: {  	s22 =	rddreg [dreg:$0x6];
	s6 =	simm.s32 $0x0;
	s9 =	sshll.u32 s17, $0x4  }
0x8: {  	[smem:$0x7FF] =	sst s6;
	s10 =	sadd.s32 s8, s9  }
0x9: {  	_ =	strace $0x80000047;
	s11 =	sadd.s32 s0, s9;
	[dreg:$0x8] =	wrdreg s10  }
0xa: {  	s12 =	sadd.s32 s1, s9;
	[dreg:$0x9] =	wrdreg s11  }
0xb: {  	s11 =	sor.u32 $0x200, s9;
	[dreg:$0xa] =	wrdreg s12;
	s10 =	sadd.s32 s2, s9  }
0xc: {  	s13 =	sadd.s32 s8, s11;
	[smem:$0x7F8] =	sst s10  }
0xd: {  	s14 =	sadd.s32 s0, s11;
	[dreg:$0xb] =	wrdreg s13  }
0xe: {  	s12 =	sor.u32 $0x400, s9;
	s15 =	sadd.s32 s1, s11;
	[dreg:$0xc] =	wrdreg s14  }
0xf: {  	s16 =	sadd.s32 s8, s12;
	[dreg:$0xd] =	wrdreg s15  }
0x10: {  	s18 =	sadd.s32 s0, s12;
	[dreg:$0xe] =	wrdreg s16  }
0x11: {  	s19 =	sadd.s32 s1, s12;
	[dreg:$0xf] =	wrdreg s18;
	s13 =	sor.u32 $0x600, s9  }
0x12: {  	[dreg:$0x10] =	wrdreg s19;
	s20 =	sadd.s32 s8, s13  }
0x13: {  	s21 =	sadd.s32 s0, s13;
	[dreg:$0x11] =	wrdreg s20  }
0x14: {  	s14 =	sor.u32 $0x800, s9;
	s23 =	sadd.s32 s1, s13;
	[dreg:$0x12] =	wrdreg s21  }
0x15: {  	s24 =	sadd.s32 s8, s14;
	[dreg:$0x13] =	wrdreg s23  }
0x16: {  	s25 =	sadd.s32 s0, s14;
	[dreg:$0x14] =	wrdreg s24  }
0x17: {  	s18 =	sor.u32 $0xA00, s9;
	s26 =	sadd.s32 s1, s14;
	[dreg:$0x15] =	wrdreg s25  }
0x18: {  	s5 =	sadd.s32 s8, s18;
	[dreg:$0x16] =	wrdreg s26  }
0x19: {  	s28 =	simm.s32 $0x8000;
	s15 =	sadd.s32 s0, s18;
	[dreg:$0x17] =	wrdreg s5  }
0x1a: {  	s29 =	simm.s32 $0x10000;
	s16 =	sadd.s32 s1, s18;
	[dreg:$0x18] =	wrdreg s15  }
0x1b: {  	s30 =	simm.s32 $0x10080;
	[dreg:$0x19] =	wrdreg s16;
	s5 =	sadd.s32 s4, s9  }
0x1c: {  	s31 =	simm.s32 $0x10100;
	s15 =	sadd.s32 s3, s9;
	[smem:$0x7F7] =	sst s5  }
0x1d: {  	s20 =	sor.u32 $0xC00, s9;
	s16 =	sadd.s32 s4, s11;
	[smem:$0x7F9] =	sst s15  }
0x1e: {  	s7 =	ssub.s32 $0x2, s7;
	s19 =	sadd.s32 s8, s20;
	[smem:$0x7FA] =	sst s16  }
0x1f: {  	s10 =	sadd.s32 s2, s13;
	s21 =	sadd.s32 s0, s20;
	[dreg:$0x1a] =	wrdreg s19  }
0x20: {  	s24 =	sor.u32 $0xE00, s9;
	s23 =	sadd.s32 s1, s20;
	[dreg:$0x1b] =	wrdreg s21  }
0x21: {  	s9 =	sadd.s32 s4, s13;
	s8 =	sadd.s32 s8, s24;
	[dreg:$0x1c] =	wrdreg s23  }
0x22: {  	s25 =	sadd.s32 s0, s24;
	s26 =	sadd.s32 s1, s24;
	[dreg:$0x1d] =	wrdreg s8  }
0x23: {  	s15 =	sadd.s32 s4, s18;
	s16 =	sadd.s32 s2, s18;
	[dreg:$0x1e] =	wrdreg s25  }
0x24: {  	[dreg:$0x1f] =	wrdreg s26;
	s19 =	sadd.s32 s2, s11;
	s21 =	sshrl.u32 s7, $0x1  }
0x25: {  	s23 =	sadd.s32 s3, s11;
	s26 =	sadd.s32 s4, s12;
	[smem:$0x7FB] =	sst s19  }
0x26: {  	s8 =	sadd.s32 s3, s12;
	s11 =	sadd.s32 s3, s13;
	[smem:$0x7FC] =	sst s23  }
0x27: {  	s13 =	sadd.s32 s2, s14;
	s25 =	ssub.s32 s7, s21;
	[smem:$0x7FD] =	sst s26  }
0x28: {  	s7 =	sadd.s32 s2, s12;
	s12 =	sadd.s32 s4, s14;
	s14 =	sadd.s32 s3, s14  }
0x29: {  	s23 =	smul.u32 $0x6, s17;
	s17 =	sadd.s32 s3, s18;
	s18 =	sadd.s32 s4, s20  }
0x2a: {  	s19 =	sadd.s32 s2, s20;
	s20 =	sadd.s32 s3, s20;
	s21 =	sadd.s32 s4, s24  }
0x2b: {  	s26 =	simm.s32 $0x1;
	s4 =	simm.s32 $0x10180;
	s25 =	smax.u32 s25, $0x1  }
0x2c: {  	s22 =	sadd.s32 s22, s23;
	s23 =	sadd.s32 s2, s24;
	s24 =	sadd.s32 s3, s24  }
.LBB2_1:
0x2d: {  	[tilespmem:s6], [sflag:$0x1] =	stream.linear.gather [hbm4b:s2+s6], $0x8000, $0x38;
	[tilespmem:$0x10200] =	vst v63  }
0x2e: {  	_ =	swait.ge [sflag:s26], $0x8000  }
0x2f: {  	[sflag:s26] =	ssyncset.done $0x0  }
0x30: {  	[sflag:s26] =	ssyncadd.s32 $0xFFFF8000  }
0x31: {  	[tilespmem:s28], [sflag:$0x1] =	stream.linear.gather [hbm4b:s3+s6], $0x8000, $0x38;
	[tilespmem:$0x10200] =	vst v63  }
0x32: {  	_ =	swait.ge [sflag:s26], $0x8000  }
0x33: {  	[sflag:s26] =	ssyncset.done $0x0  }
0x34: {  	s5 =	rddreg [dreg:$0x8];
	[sflag:s26] =	ssyncadd.s32 $0xFFFF8000  }
0x35: {  	[tilespmem:s29], [sflag:$0x1] =	stream.linear.gather [hbm4b:s5+s6], $0x80, $0x38;
	[tilespmem:$0x10200] =	vst v63  }
0x36: {  	_ =	swait.ge [sflag:s26], $0x80  }
0x37: {  	[sflag:s26] =	ssyncset.done $0x0  }
0x38: {  	s5 =	rddreg [dreg:$0x9];
	[sflag:s26] =	ssyncadd.s32 $0xFFFFFF80  }
0x39: {  	[tilespmem:s30], [sflag:$0x1] =	stream.linear.gather [hbm4b:s5+s6], $0x80, $0x38;
	[tilespmem:$0x10200] =	vst v63  }
0x3a: {  	_ =	swait.ge [sflag:s26], $0x80  }
0x3b: {  	[sflag:s26] =	ssyncset.done $0x0  }
0x3c: {  	s5 =	rddreg [dreg:$0xa];
	[sflag:s26] =	ssyncadd.s32 $0xFFFFFF80  }
0x3d: {  	[tilespmem:s31], [sflag:$0x1] =	stream.linear.gather [hbm4b:s5+s6], $0x80, $0x38;
	[tilespmem:$0x10200] =	vst v63  }
0x3e: {  	_ =	swait.ge [sflag:s26], $0x80  }
0x3f: {  	[sflag:s26] =	ssyncset.done $0x0  }
0x40: {  	[sflag:s26] =	ssyncadd.s32 $0xFFFFFF80  }
0x41: {  	v0 =	vld [tilespmem:$0x10000]  }
0x42: {  	v1 =	vld [tilespmem:$0x10010]  }
0x43: {  	v23 =	vld [tilespmem:$0x10020]  }
0x44: {  	v16 =	vld [tilespmem:$0x10080]  }
0x45: {  	v24 =	vld [tilespmem:$0x10100]  }
0x46: {  	v25 =	vld [tilespmem:$0x10030]  }
0x47: {  	v58 =	vld [tilespmem:$0x10090]  }
0x48: {  	v27 =	vld [tilespmem:$0x10040]  }
0x49: {  	v28 =	vld [tilespmem:$0x10120]  }
0x4a: {  	v30 =	vld [tilespmem:$0x10050]  }
0x4b: {  	v31 =	vld [tilespmem:$0x100B0]  }
0x4c: {  	v32 =	vld [tilespmem:$0x10130]  }
0x4d: {  	v34 =	vld [tilespmem:$0x10060]  }
0x4e: {  	v35 =	vld [tilespmem:$0x100C0]  }
0x4f: {  	v36 =	vld [tilespmem:$0x10140]  }
0x50: {  	v39 =	vld [tilespmem:$0x100D0]  }
0x51: {  	v40 =	vld [tilespmem:$0x10150];
	[tilespmem:$0x1EC80] =	vst v24  }
0x52: {  	v42 =	vld [tilespmem:$0x100E0];
	[tilespmem:$0x1ECC0] =	vst v28  }
0x53: {  	v43 =	vld [tilespmem:$0x10160];
	[tilespmem:$0x1ECE0] =	vst v31  }
0x54: {  	[tilespmem:$0x1ED00] =	vst v32;
	v2 =	vld.idx.msk [tilespmem:v0+s6+$0x0], $0xffff  }
0x55: {  	[tilespmem:$0x1ED20] =	vst v35;
	v0 =	vld.idx.msk [tilespmem:v0+s28+$0x0], $0xffff  }
0x56: {  	v44 =	vld [tilespmem:$0x100F0];
	[tilespmem:$0x1ED40] =	vst v36  }
0x57: {  	v45 =	vld [tilespmem:$0x10170];
	[tilespmem:$0x1ED60] =	vst v39  }
0x58: {  	[tilespmem:$0x1ED80] =	vst v40;
	v59 =	vld.idx.msk [tilespmem:v1+s6+$0x0], $0xffff  }
0x59: {  	[tilespmem:$0x1EDA0] =	vst v42;
	v1 =	vld.idx.msk [tilespmem:v1+s28+$0x0], $0xffff  }
0x5a: {  	[tilespmem:$0x1EC70] =	vst v0;
	v0 =	vld.idx.msk [tilespmem:v23+s28+$0x0], $0xffff  }
0x5b: {  	v38 =	vld [tilespmem:$0x10070];
	[tilespmem:$0x1EDC0] =	vst v43  }
0x5c: {  	[tilespmem:$0x1EDD0] =	vst v44;
	v26 =	vld.idx.msk [tilespmem:v23+s6+$0x0], $0xffff  }
0x5d: {  	[tilespmem:$0x1EDE0] =	vst v45;
	v29 =	vld.idx.msk [tilespmem:v25+s6+$0x0], $0xffff  }
0x5e: {  	[tilespmem:$0x1EC90] =	vst v1;
	v1 =	vld.idx.msk [tilespmem:v25+s28+$0x0], $0xffff  }
0x5f: {  	[tilespmem:$0x1ECB0] =	vst v0;
	v0 =	vld.idx.msk [tilespmem:v27+s28+$0x0], $0xffff  }
0x60: {  	v33 =	vld.idx.msk [tilespmem:v27+s6+$0x0], $0xffff;
	[tilespmem:$0x1EC60] =	vst v2  }
0x61: {  	v37 =	vld.idx.msk [tilespmem:v30+s6+$0x0], $0xffff;
	[tilespmem:$0x1ECA0] =	vst v26  }
0x62: {  	v41 =	vld.idx.msk [tilespmem:v34+s6+$0x0], $0xffff;
	[tilespmem:$0x1ECD0] =	vst v29  }
0x63: {  	[tilespmem:$0x1ECF0] =	vst v1;
	v1 =	vld.idx.msk [tilespmem:v30+s28+$0x0], $0xffff  }
0x64: {  	[tilespmem:$0x1ED30] =	vst v0;
	v0 =	vld.idx.msk [tilespmem:v34+s28+$0x0], $0xffff  }
0x65: {  	v57 =	vld [tilespmem:$0x10110];
	[tilespmem:$0x1ED10] =	vst v33  }
0x66: {  	v62 =	vld [tilespmem:$0x100A0];
	[tilespmem:$0x1ED50] =	vst v37  }
0x67: {  	s5 =	rddreg [dreg:$0xb];
	v7 =	vld.idx.msk [tilespmem:v38+s6+$0x0], $0xffff;
	[tilespmem:$0x1ED90] =	vst v41  }
0x68: {  	[tilespmem:$0x1ED70] =	vst v1;
	v6 =	vld.idx.msk [tilespmem:v38+s28+$0x0], $0xffff;
	[tilespmem:s29], [sflag:$0x1] =	stream.linear.gather [hbm4b:s5+s6], $0x80, $0x38  }
0x69: {  	[tilespmem:$0x1EDB0] =	vst v0  }
0x6a: {  	_ =	swait.ge [sflag:s26], $0x80  }
0x6b: {  	[sflag:s26] =	ssyncset.done $0x0  }
0x6c: {  	s5 =	rddreg [dreg:$0xc];
	[sflag:s26] =	ssyncadd.s32 $0xFFFFFF80  }
0x6d: {  	[tilespmem:s30], [sflag:$0x1] =	stream.linear.gather [hbm4b:s5+s6], $0x80, $0x38;
	[tilespmem:$0x10200] =	vst v63  }
0x6e: {  	_ =	swait.ge [sflag:s26], $0x80  }
0x6f: {  	[sflag:s26] =	ssyncset.done $0x0  }
0x70: {  	s5 =	rddreg [dreg:$0xd];
	[sflag:s26] =	ssyncadd.s32 $0xFFFFFF80  }
0x71: {  	[tilespmem:s31], [sflag:$0x1] =	stream.linear.gather [hbm4b:s5+s6], $0x80, $0x38;
	[tilespmem:$0x10200] =	vst v63  }
0x72: {  	_ =	swait.ge [sflag:s26], $0x80  }
0x73: {  	[sflag:s26] =	ssyncset.done $0x0  }
0x74: {  	[sflag:s26] =	ssyncadd.s32 $0xFFFFFF80  }
0x75: {  	v46 =	vld [tilespmem:$0x10000]  }
0x76: {  	v47 =	vld [tilespmem:$0x10010]  }
0x77: {  	v48 =	vld [tilespmem:$0x10020]  }
0x78: {  	v49 =	vld [tilespmem:$0x10080]  }
0x79: {  	v50 =	vld [tilespmem:$0x10100]  }
0x7a: {  	v52 =	vld [tilespmem:$0x10030]  }
0x7b: {  	v54 =	vld [tilespmem:$0x10090]  }
0x7c: {  	v55 =	vld [tilespmem:$0x10110]  }
0x7d: {  	v61 =	vld [tilespmem:$0x10040]  }
0x7e: {  	v63 =	vld [tilespmem:$0x100A0]  }
0x7f: {  	v4 =	vld [tilespmem:$0x10120]  }
0x80: {  	v9 =	vld [tilespmem:$0x10050]  }
0x81: {  	v10 =	vld [tilespmem:$0x100B0]  }
0x82: {  	v11 =	vld [tilespmem:$0x10130]  }
0x83: {  	v12 =	vld [tilespmem:$0x10060];
	v0 =	vadd.s32 $0x1000, v46  }
0x84: {  	v14 =	vld [tilespmem:$0x100C0];
	[tilespmem:$0x1EE00] =	vst v49  }
0x85: {  	v15 =	vld [tilespmem:$0x10070];
	[tilespmem:$0x1EE20] =	vst v50  }
0x86: {  	v17 =	vld [tilespmem:$0x10140];
	v1 =	vadd.s32 $0x1000, v47;
	[tilespmem:$0x1EE40] =	vst v54  }
0x87: {  	v19 =	vld [tilespmem:$0x100D0];
	[tilespmem:$0x1EE60] =	vst v55  }
0x88: {  	[tilespmem:$0x1EE80] =	vst v63;
	v3 =	vld.idx.msk [tilespmem:v0+s6+$0x0], $0xffff  }
0x89: {  	v51 =	vadd.s32 $0x1000, v48;
	[tilespmem:$0x1EEA0] =	vst v4;
	v0 =	vld.idx.msk [tilespmem:v0+s28+$0x0], $0xffff  }
0x8a: {  	v20 =	vld [tilespmem:$0x10150];
	[tilespmem:$0x1EEC0] =	vst v10  }
0x8b: {  	[tilespmem:$0x1EEE0] =	vst v11;
	v53 =	vld.idx.msk [tilespmem:v1+s6+$0x0], $0xffff  }
0x8c: {  	v60 =	vadd.s32 $0x1000, v52;
	[tilespmem:$0x1EF00] =	vst v14;
	v1 =	vld.idx.msk [tilespmem:v1+s28+$0x0], $0xffff  }
0x8d: {  	v22 =	vld [tilespmem:$0x100E0];
	[tilespmem:$0x1EF20] =	vst v17  }
0x8e: {  	v8 =	vadd.s32 $0x1000, v61;
	[tilespmem:$0x1EE10] =	vst v0;
	v0 =	vld.idx.msk [tilespmem:v51+s28+$0x0], $0xffff  }
0x8f: {  	v23 =	vld [tilespmem:$0x10160];
	[tilespmem:$0x1EF40] =	vst v19  }
0x90: {  	v25 =	vld [tilespmem:$0x100F0];
	[tilespmem:$0x1EF60] =	vst v20  }
0x91: {  	[tilespmem:$0x1EE50] =	vst v1;
	v1 =	vld.idx.msk [tilespmem:v60+s28+$0x0], $0xffff  }
0x92: {  	v26 =	vld [tilespmem:$0x10170];
	[tilespmem:$0x1EF80] =	vst v22  }
0x93: {  	[tilespmem:$0x1EE90] =	vst v0;
	v0 =	vld.idx.msk [tilespmem:v8+s28+$0x0], $0xffff  }
0x94: {  	v2 =	vadd.s32 $0x1000, v9;
	[tilespmem:$0x1EFA0] =	vst v23  }
0x95: {  	[tilespmem:$0x1EFC0] =	vst v25  }
0x96: {  	v56 =	vld.idx.msk [tilespmem:v51+s6+$0x0], $0xffff;
	[tilespmem:$0x1EED0] =	vst v1;
	v1 =	vadd.s32 $0x1000, v12  }
0x97: {  	[tilespmem:$0x1EFD0] =	vst v26;
	v5 =	vld.idx.msk [tilespmem:v60+s6+$0x0], $0xffff  }
0x98: {  	v13 =	vld.idx.msk [tilespmem:v8+s6+$0x0], $0xffff;
	[tilespmem:$0x1EF10] =	vst v0;
	v0 =	vadd.s32 $0x1000, v15  }
0x99: {  	v18 =	vld.idx.msk [tilespmem:v2+s6+$0x0], $0xffff;
	[tilespmem:$0x1EDF0] =	vst v3  }
0x9a: {  	v2 =	vld.idx.msk [tilespmem:v2+s28+$0x0], $0xffff;
	[tilespmem:$0x1EE30] =	vst v53  }
0x9b: {  	[tilespmem:$0x1EE70] =	vst v56;
	v21 =	vld.idx.msk [tilespmem:v1+s6+$0x0], $0xffff  }
0x9c: {  	[tilespmem:$0x1EEB0] =	vst v5;
	v1 =	vld.idx.msk [tilespmem:v1+s28+$0x0], $0xffff  }
0x9d: {  	[tilespmem:$0x1EEF0] =	vst v13;
	v24 =	vld.idx.msk [tilespmem:v0+s6+$0x0], $0xffff  }
0x9e: {  	[tilespmem:$0x1EF30] =	vst v18  }
0x9f: {  	[tilespmem:$0x1EF50] =	vst v2  }
0xa0: {  	s5 =	rddreg [dreg:$0xe];
	[tilespmem:$0x1EF70] =	vst v21  }
0xa1: {  	[tilespmem:$0x1EF90] =	vst v1;
	v9 =	vld.idx.msk [tilespmem:v0+s28+$0x0], $0xffff;
	[tilespmem:s29], [sflag:$0x1] =	stream.linear.gather [hbm4b:s5+s6], $0x80, $0x38  }
0xa2: {  	[tilespmem:$0x1EFB0] =	vst v24  }
0xa3: {  	_ =	swait.ge [sflag:s26], $0x80  }
0xa4: {  	[sflag:s26] =	ssyncset.done $0x0  }
0xa5: {  	s5 =	rddreg [dreg:$0xf];
	[sflag:s26] =	ssyncadd.s32 $0xFFFFFF80  }
0xa6: {  	[tilespmem:s30], [sflag:$0x1] =	stream.linear.gather [hbm4b:s5+s6], $0x80, $0x38;
	[tilespmem:$0x10200] =	vst v63  }
0xa7: {  	_ =	swait.ge [sflag:s26], $0x80  }
0xa8: {  	[sflag:s26] =	ssyncset.done $0x0  }
0xa9: {  	s5 =	rddreg [dreg:$0x10];
	[sflag:s26] =	ssyncadd.s32 $0xFFFFFF80  }
0xaa: {  	[tilespmem:s31], [sflag:$0x1] =	stream.linear.gather [hbm4b:s5+s6], $0x80, $0x38;
	[tilespmem:$0x10200] =	vst v63  }
0xab: {  	_ =	swait.ge [sflag:s26], $0x80  }
0xac: {  	[sflag:s26] =	ssyncset.done $0x0  }
0xad: {  	[sflag:s26] =	ssyncadd.s32 $0xFFFFFF80  }
0xae: {  	v27 =	vld [tilespmem:$0x10000]  }
0xaf: {  	v28 =	vld [tilespmem:$0x10010]  }
0xb0: {  	v29 =	vld [tilespmem:$0x10020]  }
0xb1: {  	v31 =	vld [tilespmem:$0x10030]  }
0xb2: {  	v33 =	vld [tilespmem:$0x10040]  }
0xb3: {  	v34 =	vld [tilespmem:$0x10050]  }
0xb4: {  	v36 =	vld [tilespmem:$0x10060]  }
0xb5: {  	v37 =	vld [tilespmem:$0x10070]  }
0xb6: {  	v48 =	vld [tilespmem:$0x10080]  }
0xb7: {  	v49 =	vld [tilespmem:$0x10100]  }
0xb8: {  	v50 =	vld [tilespmem:$0x10090]  }
0xb9: {  	v51 =	vld [tilespmem:$0x10110]  }
0xba: {  	v52 =	vld [tilespmem:$0x100A0]  }
0xbb: {  	v53 =	vld [tilespmem:$0x10120];
	[tilespmem:$0x1EFF0] =	vst v48  }
0xbc: {  	v54 =	vld [tilespmem:$0x100B0];
	[tilespmem:$0x1F010] =	vst v49  }
0xbd: {  	v55 =	vld [tilespmem:$0x10130];
	[tilespmem:$0x1F030] =	vst v50  }
0xbe: {  	v56 =	vld [tilespmem:$0x100C0];
	[tilespmem:$0x1F050] =	vst v51  }
0xbf: {  	v60 =	vld [tilespmem:$0x10140];
	v0 =	vadd.s32 $0x2000, v27;
	[tilespmem:$0x1F070] =	vst v52  }
0xc0: {  	v61 =	vld [tilespmem:$0x100D0];
	[tilespmem:$0x1F090] =	vst v53  }
0xc1: {  	v63 =	vld [tilespmem:$0x10150];
	v1 =	vadd.s32 $0x2000, v28;
	[tilespmem:$0x1F0B0] =	vst v54  }
0xc2: {  	v8 =	vld [tilespmem:$0x100F0];
	[tilespmem:$0x1F0D0] =	vst v55  }
0xc3: {  	v10 =	vld [tilespmem:$0x10170];
	v32 =	vadd.s32 $0x2000, v29;
	[tilespmem:$0x1F0F0] =	vst v56  }
0xc4: {  	v35 =	vadd.s32 $0x2000, v31;
	[tilespmem:$0x1F110] =	vst v60;
	v30 =	vld.idx.msk [tilespmem:v0+s6+$0x0], $0xffff  }
0xc5: {  	v2 =	vadd.s32 $0x2000, v33;
	[tilespmem:$0x1F130] =	vst v61;
	v0 =	vld.idx.msk [tilespmem:v0+s28+$0x0], $0xffff  }
0xc6: {  	[tilespmem:$0x1F150] =	vst v63;
	v4 =	vld.idx.msk [tilespmem:v1+s6+$0x0], $0xffff  }
0xc7: {  	v38 =	vadd.s32 $0x2000, v34;
	[tilespmem:$0x1F1B0] =	vst v8;
	v1 =	vld.idx.msk [tilespmem:v1+s28+$0x0], $0xffff  }
0xc8: {  	v40 =	vadd.s32 $0x2000, v36;
	[tilespmem:$0x1F1D0] =	vst v10;
	v5 =	vld.idx.msk [tilespmem:v32+s6+$0x0], $0xffff  }
0xc9: {  	v39 =	vld.idx.msk [tilespmem:v35+s6+$0x0], $0xffff;
	[tilespmem:$0x1EFE0] =	vst v30  }
0xca: {  	v42 =	vadd.s32 $0x2000, v37;
	v41 =	vld.idx.msk [tilespmem:v2+s6+$0x0], $0xffff;
	[tilespmem:$0x1F000] =	vst v0  }
0xcb: {  	v2 =	vld.idx.msk [tilespmem:v2+s28+$0x0], $0xffff;
	[tilespmem:$0x1F020] =	vst v4  }
0xcc: {  	v43 =	vld.idx.msk [tilespmem:v38+s6+$0x0], $0xffff;
	[tilespmem:$0x1F040] =	vst v1  }
0xcd: {  	v44 =	vld.idx.msk [tilespmem:v40+s6+$0x0], $0xffff;
	[tilespmem:$0x1F060] =	vst v5  }
0xce: {  	v45 =	vld.idx.msk [tilespmem:v40+s28+$0x0], $0xffff;
	[tilespmem:$0x1F0A0] =	vst v39  }
0xcf: {  	v46 =	vld.idx.msk [tilespmem:v42+s6+$0x0], $0xffff;
	[tilespmem:$0x1F0E0] =	vst v41  }
0xd0: {  	v47 =	vld.idx.msk [tilespmem:v42+s28+$0x0], $0xffff;
	[tilespmem:$0x1F100] =	vst v2  }
0xd1: {  	v0 =	vld.idx.msk [tilespmem:v32+s28+$0x0], $0xffff;
	[tilespmem:$0x1F120] =	vst v43  }
0xd2: {  	v1 =	vld.idx.msk [tilespmem:v35+s28+$0x0], $0xffff;
	[tilespmem:$0x1F160] =	vst v44  }
0xd3: {  	[tilespmem:$0x1F180] =	vst v45;
	v4 =	vld [tilespmem:$0x100E0]  }
0xd4: {  	[tilespmem:$0x1F1A0] =	vst v46;
	v5 =	vld [tilespmem:$0x10160]  }
0xd5: {  	[tilespmem:$0x1F1C0] =	vst v47  }
0xd6: {  	[tilespmem:$0x1F080] =	vst v0;
	v0 =	vld.idx.msk [tilespmem:v38+s28+$0x0], $0xffff  }
0xd7: {  	[tilespmem:$0x1F0C0] =	vst v1  }
0xd8: {  	[tilespmem:$0x1F170] =	vst v4  }
0xd9: {  	s5 =	rddreg [dreg:$0x11];
	[tilespmem:$0x1F190] =	vst v5  }
0xda: {  	[tilespmem:s29], [sflag:$0x1] =	stream.linear.gather [hbm4b:s5+s6], $0x80, $0x38;
	[tilespmem:$0x10200] =	vst v63  }
0xdb: {  	[tilespmem:$0x1F140] =	vst v0  }
0xdc: {  	_ =	swait.ge [sflag:s26], $0x80  }
0xdd: {  	[sflag:s26] =	ssyncset.done $0x0  }
0xde: {  	s5 =	rddreg [dreg:$0x12];
	[sflag:s26] =	ssyncadd.s32 $0xFFFFFF80  }
0xdf: {  	[tilespmem:s30], [sflag:$0x1] =	stream.linear.gather [hbm4b:s5+s6], $0x80, $0x38;
	[tilespmem:$0x10200] =	vst v63  }
0xe0: {  	_ =	swait.ge [sflag:s26], $0x80  }
0xe1: {  	[sflag:s26] =	ssyncset.done $0x0  }
0xe2: {  	s5 =	rddreg [dreg:$0x13];
	[sflag:s26] =	ssyncadd.s32 $0xFFFFFF80  }
0xe3: {  	[tilespmem:s31], [sflag:$0x1] =	stream.linear.gather [hbm4b:s5+s6], $0x80, $0x38;
	[tilespmem:$0x10200] =	vst v63  }
0xe4: {  	_ =	swait.ge [sflag:s26], $0x80  }
0xe5: {  	[sflag:s26] =	ssyncset.done $0x0  }
0xe6: {  	[sflag:s26] =	ssyncadd.s32 $0xFFFFFF80  }
0xe7: {  	v11 =	vld [tilespmem:$0x10000]  }
0xe8: {  	v12 =	vld [tilespmem:$0x10010]  }
0xe9: {  	v13 =	vld [tilespmem:$0x10020]  }
0xea: {  	v15 =	vld [tilespmem:$0x10030]  }
0xeb: {  	v18 =	vld [tilespmem:$0x10040]  }
0xec: {  	v20 =	vld [tilespmem:$0x10050]  }
0xed: {  	v22 =	vld [tilespmem:$0x10060]  }
0xee: {  	v24 =	vld [tilespmem:$0x10070]  }
0xef: {  	v35 =	vld [tilespmem:$0x10080]  }
0xf0: {  	v36 =	vld [tilespmem:$0x10100]  }
0xf1: {  	v37 =	vld [tilespmem:$0x10090]  }
0xf2: {  	v38 =	vld [tilespmem:$0x10110]  }
0xf3: {  	v39 =	vld [tilespmem:$0x100A0]  }
0xf4: {  	v40 =	vld [tilespmem:$0x10120];
	[tilespmem:$0x1F1F0] =	vst v35  }
0xf5: {  	v41 =	vld [tilespmem:$0x100B0];
	[tilespmem:$0x1F210] =	vst v36  }
0xf6: {  	v42 =	vld [tilespmem:$0x10130];
	[tilespmem:$0x1F230] =	vst v37  }
0xf7: {  	v43 =	vld [tilespmem:$0x100C0];
	[tilespmem:$0x1F250] =	vst v38  }
0xf8: {  	v44 =	vld [tilespmem:$0x10140];
	[tilespmem:$0x1F270] =	vst v39  }
0xf9: {  	v45 =	vld [tilespmem:$0x100D0];
	[tilespmem:$0x1F290] =	vst v40  }
0xfa: {  	v46 =	vld [tilespmem:$0x10150];
	v0 =	vadd.s32 $0x3000, v11;
	[tilespmem:$0x1F2B0] =	vst v41  }
0xfb: {  	v47 =	vld [tilespmem:$0x100E0];
	[tilespmem:$0x1F2D0] =	vst v42  }
0xfc: {  	v48 =	vld [tilespmem:$0x10160];
	v1 =	vadd.s32 $0x3000, v12;
	[tilespmem:$0x1F300] =	vst v43  }
0xfd: {  	v49 =	vld [tilespmem:$0x100F0];
	[tilespmem:$0x1F330] =	vst v44  }
0xfe: {  	v50 =	vld [tilespmem:$0x10170];
	v17 =	vadd.s32 $0x3000, v13;
	[tilespmem:$0x1F350] =	vst v45  }
0xff: {  	v21 =	vadd.s32 $0x3000, v15;
	[tilespmem:$0x1F370] =	vst v46;
	v14 =	vld.idx.msk [tilespmem:v0+s6+$0x0], $0xffff  }
0x100: {  	v2 =	vadd.s32 $0x3000, v18;
	[tilespmem:$0x1F390] =	vst v47;
	v0 =	vld.idx.msk [tilespmem:v0+s28+$0x0], $0xffff  }
0x101: {  	[tilespmem:$0x1F3D0] =	vst v48;
	v19 =	vld.idx.msk [tilespmem:v1+s6+$0x0], $0xffff  }
0x102: {  	v25 =	vadd.s32 $0x3000, v20;
	[tilespmem:$0x1F420] =	vst v49;
	v1 =	vld.idx.msk [tilespmem:v1+s28+$0x0], $0xffff  }
0x103: {  	v27 =	vadd.s32 $0x3000, v22;
	[tilespmem:$0x1F460] =	vst v50;
	v23 =	vld.idx.msk [tilespmem:v17+s6+$0x0], $0xffff  }
0x104: {  	v26 =	vld.idx.msk [tilespmem:v21+s6+$0x0], $0xffff;
	[tilespmem:$0x1F1E0] =	vst v14  }
0x105: {  	v28 =	vld.idx.msk [tilespmem:v2+s6+$0x0], $0xffff;
	[tilespmem:$0x1F200] =	vst v0  }
0x106: {  	v29 =	vadd.s32 $0x3000, v24;
	v2 =	vld.idx.msk [tilespmem:v2+s28+$0x0], $0xffff;
	[tilespmem:$0x1F220] =	vst v19  }
0x107: {  	v30 =	vld.idx.msk [tilespmem:v25+s6+$0x0], $0xffff;
	[tilespmem:$0x1F240] =	vst v1  }
0x108: {  	v31 =	vld.idx.msk [tilespmem:v27+s6+$0x0], $0xffff;
	[tilespmem:$0x1F260] =	vst v23  }
0x109: {  	v32 =	vld.idx.msk [tilespmem:v27+s28+$0x0], $0xffff;
	[tilespmem:$0x1F2A0] =	vst v26  }
0x10a: {  	v0 =	vld.idx.msk [tilespmem:v17+s28+$0x0], $0xffff;
	[tilespmem:$0x1F2F0] =	vst v28  }
0x10b: {  	v33 =	vld.idx.msk [tilespmem:v29+s6+$0x0], $0xffff;
	[tilespmem:$0x1F320] =	vst v2  }
0x10c: {  	v34 =	vld.idx.msk [tilespmem:v29+s28+$0x0], $0xffff;
	[tilespmem:$0x1F340] =	vst v30  }
0x10d: {  	v1 =	vld.idx.msk [tilespmem:v21+s28+$0x0], $0xffff;
	[tilespmem:$0x1F380] =	vst v31  }
0x10e: {  	[tilespmem:$0x1F3C0] =	vst v32  }
0x10f: {  	[tilespmem:$0x1F280] =	vst v0;
	v0 =	vld.idx.msk [tilespmem:v25+s28+$0x0], $0xffff  }
0x110: {  	[tilespmem:$0x1F410] =	vst v33  }
0x111: {  	[tilespmem:$0x1F450] =	vst v34  }
0x112: {  	s5 =	rddreg [dreg:$0x14];
	[tilespmem:$0x1F2C0] =	vst v1  }
0x113: {  	[tilespmem:s29], [sflag:$0x1] =	stream.linear.gather [hbm4b:s5+s6], $0x80, $0x38;
	[tilespmem:$0x10200] =	vst v63  }
0x114: {  	[tilespmem:$0x1F360] =	vst v0  }
0x115: {  	_ =	swait.ge [sflag:s26], $0x80  }
0x116: {  	[sflag:s26] =	ssyncset.done $0x0  }
0x117: {  	s5 =	rddreg [dreg:$0x15];
	[sflag:s26] =	ssyncadd.s32 $0xFFFFFF80  }
0x118: {  	[tilespmem:s30], [sflag:$0x1] =	stream.linear.gather [hbm4b:s5+s6], $0x80, $0x38;
	[tilespmem:$0x10200] =	vst v63  }
0x119: {  	_ =	swait.ge [sflag:s26], $0x80  }
0x11a: {  	[sflag:s26] =	ssyncset.done $0x0  }
0x11b: {  	s5 =	rddreg [dreg:$0x16];
	[sflag:s26] =	ssyncadd.s32 $0xFFFFFF80  }
0x11c: {  	[tilespmem:s31], [sflag:$0x1] =	stream.linear.gather [hbm4b:s5+s6], $0x80, $0x38;
	[tilespmem:$0x10200] =	vst v63  }
0x11d: {  	_ =	swait.ge [sflag:s26], $0x80  }
0x11e: {  	[sflag:s26] =	ssyncset.done $0x0  }
0x11f: {  	[sflag:s26] =	ssyncadd.s32 $0xFFFFFF80  }
0x120: {  	v51 =	vld [tilespmem:$0x10000]  }
0x121: {  	v52 =	vld [tilespmem:$0x10010]  }
0x122: {  	v53 =	vld [tilespmem:$0x10020]  }
0x123: {  	v55 =	vld [tilespmem:$0x10030]  }
0x124: {  	v60 =	vld [tilespmem:$0x10040]  }
0x125: {  	v63 =	vld [tilespmem:$0x10050]  }
0x126: {  	v10 =	vld [tilespmem:$0x10060]  }
0x127: {  	v12 =	vld [tilespmem:$0x10070]  }
0x128: {  	v24 =	vld [tilespmem:$0x10080]  }
0x129: {  	v25 =	vld [tilespmem:$0x10100]  }
0x12a: {  	v26 =	vld [tilespmem:$0x10090]  }
0x12b: {  	v27 =	vld [tilespmem:$0x10110]  }
0x12c: {  	v28 =	vld [tilespmem:$0x100A0]  }
0x12d: {  	v29 =	vld [tilespmem:$0x10120];
	[tilespmem:$0x1F4C0] =	vst v24  }
0x12e: {  	v30 =	vld [tilespmem:$0x100B0];
	[tilespmem:$0x1F500] =	vst v25  }
0x12f: {  	v31 =	vld [tilespmem:$0x10130];
	[tilespmem:$0x1F560] =	vst v26  }
0x130: {  	v32 =	vld [tilespmem:$0x100C0];
	[tilespmem:$0x1F590] =	vst v27  }
0x131: {  	v33 =	vld [tilespmem:$0x10140];
	[tilespmem:$0x1F5F0] =	vst v28  }
0x132: {  	v34 =	vld [tilespmem:$0x100D0];
	[tilespmem:$0x1F630] =	vst v29  }
0x133: {  	v35 =	vld [tilespmem:$0x10150];
	v0 =	vadd.s32 $0x4000, v51;
	[tilespmem:$0x1F690] =	vst v30  }
0x134: {  	v36 =	vld [tilespmem:$0x100E0];
	[tilespmem:$0x1F6D0] =	vst v31  }
0x135: {  	v37 =	vld [tilespmem:$0x10160];
	v1 =	vadd.s32 $0x4000, v52;
	[tilespmem:$0x1F730] =	vst v32  }
0x136: {  	v38 =	vld [tilespmem:$0x100F0];
	[tilespmem:$0x1F770] =	vst v33  }
0x137: {  	v39 =	vld [tilespmem:$0x10170];
	v56 =	vadd.s32 $0x4000, v53;
	[tilespmem:$0x1F7D0] =	vst v34  }
0x138: {  	v8 =	vadd.s32 $0x4000, v55;
	[tilespmem:$0x1F830] =	vst v35;
	v54 =	vld.idx.msk [tilespmem:v0+s6+$0x0], $0xffff  }
0x139: {  	v2 =	vadd.s32 $0x4000, v60;
	[tilespmem:$0x1F890] =	vst v36;
	v0 =	vld.idx.msk [tilespmem:v0+s28+$0x0], $0xffff  }
0x13a: {  	[tilespmem:$0x1F8B0] =	vst v37;
	v61 =	vld.idx.msk [tilespmem:v1+s6+$0x0], $0xffff  }
0x13b: {  	v13 =	vadd.s32 $0x4000, v63;
	[tilespmem:$0x1F8D0] =	vst v38;
	v1 =	vld.idx.msk [tilespmem:v1+s28+$0x0], $0xffff  }
0x13c: {  	v15 =	vadd.s32 $0x4000, v10;
	[tilespmem:$0x1F8F0] =	vst v39;
	v11 =	vld.idx.msk [tilespmem:v56+s6+$0x0], $0xffff  }
0x13d: {  	v14 =	vld.idx.msk [tilespmem:v8+s6+$0x0], $0xffff;
	[tilespmem:$0x1F4B0] =	vst v54  }
0x13e: {  	v17 =	vld.idx.msk [tilespmem:v2+s6+$0x0], $0xffff;
	[tilespmem:$0x1F4F0] =	vst v0  }
0x13f: {  	v18 =	vadd.s32 $0x4000, v12;
	v2 =	vld.idx.msk [tilespmem:v2+s28+$0x0], $0xffff;
	[tilespmem:$0x1F550] =	vst v61  }
0x140: {  	v19 =	vld.idx.msk [tilespmem:v13+s6+$0x0], $0xffff;
	[tilespmem:$0x1F580] =	vst v1  }
0x141: {  	v20 =	vld.idx.msk [tilespmem:v15+s6+$0x0], $0xffff;
	[tilespmem:$0x1F5E0] =	vst v11  }
0x142: {  	v21 =	vld.idx.msk [tilespmem:v15+s28+$0x0], $0xffff;
	[tilespmem:$0x1F680] =	vst v14  }
0x143: {  	v0 =	vld.idx.msk [tilespmem:v56+s28+$0x0], $0xffff;
	[tilespmem:$0x1F720] =	vst v17  }
0x144: {  	v22 =	vld.idx.msk [tilespmem:v18+s6+$0x0], $0xffff;
	[tilespmem:$0x1F760] =	vst v2  }
0x145: {  	v23 =	vld.idx.msk [tilespmem:v18+s28+$0x0], $0xffff;
	[tilespmem:$0x1F7C0] =	vst v19  }
0x146: {  	v1 =	vld.idx.msk [tilespmem:v8+s28+$0x0], $0xffff;
	[tilespmem:$0x1F880] =	vst v20  }
0x147: {  	[tilespmem:$0x1F8A0] =	vst v21  }
0x148: {  	[tilespmem:$0x1F620] =	vst v0;
	v0 =	vld.idx.msk [tilespmem:v13+s28+$0x0], $0xffff  }
0x149: {  	[tilespmem:$0x1F8C0] =	vst v22  }
0x14a: {  	[tilespmem:$0x1F8E0] =	vst v23  }
0x14b: {  	s5 =	rddreg [dreg:$0x17];
	[tilespmem:$0x1F6C0] =	vst v1  }
0x14c: {  	[tilespmem:s29], [sflag:$0x1] =	stream.linear.gather [hbm4b:s5+s6], $0x80, $0x38;
	[tilespmem:$0x10200] =	vst v63  }
0x14d: {  	[tilespmem:$0x1F820] =	vst v0  }
0x14e: {  	_ =	swait.ge [sflag:s26], $0x80  }
0x14f: {  	[sflag:s26] =	ssyncset.done $0x0  }
0x150: {  	s5 =	rddreg [dreg:$0x18];
	[sflag:s26] =	ssyncadd.s32 $0xFFFFFF80  }
0x151: {  	[tilespmem:s30], [sflag:$0x1] =	stream.linear.gather [hbm4b:s5+s6], $0x80, $0x38;
	[tilespmem:$0x10200] =	vst v63  }
0x152: {  	_ =	swait.ge [sflag:s26], $0x80  }
0x153: {  	[sflag:s26] =	ssyncset.done $0x0  }
0x154: {  	s5 =	rddreg [dreg:$0x19];
	[sflag:s26] =	ssyncadd.s32 $0xFFFFFF80  }
0x155: {  	[tilespmem:s31], [sflag:$0x1] =	stream.linear.gather [hbm4b:s5+s6], $0x80, $0x38;
	[tilespmem:$0x10200] =	vst v63  }
0x156: {  	_ =	swait.ge [sflag:s26], $0x80  }
0x157: {  	[sflag:s26] =	ssyncset.done $0x0  }
0x158: {  	[sflag:s26] =	ssyncadd.s32 $0xFFFFFF80  }
0x159: {  	v40 =	vld [tilespmem:$0x10000];
	_ =	sdelay $0x1  }
0x15a: {  	v41 =	vld [tilespmem:$0x10010];
	_ =	sdelay $0x1  }
0x15b: {  	v42 =	vld [tilespmem:$0x10020]  }
0x15c: {  	v44 =	vld [tilespmem:$0x10030];
	v0 =	vadd.s32 $0x5000, v40  }
0x15d: {  	v46 =	vld [tilespmem:$0x10040]  }
0x15e: {  	v48 =	vld [tilespmem:$0x10050];
	v1 =	vadd.s32 $0x5000, v41  }
0x15f: {  	v50 =	vld [tilespmem:$0x10060]  }
0x160: {  	v52 =	vld [tilespmem:$0x10070];
	v45 =	vadd.s32 $0x5000, v42  }
0x161: {  	v49 =	vadd.s32 $0x5000, v44;
	v43 =	vld.idx.msk [tilespmem:v0+s6+$0x0], $0xffff  }
0x162: {  	v0 =	vld.idx.msk [tilespmem:v0+s28+$0x0], $0xffff  }
0x163: {  	v2 =	vadd.s32 $0x5000, v46;
	v47 =	vld.idx.msk [tilespmem:v1+s6+$0x0], $0xffff  }
0x164: {  	v1 =	vld.idx.msk [tilespmem:v1+s28+$0x0], $0xffff  }
0x165: {  	v53 =	vadd.s32 $0x5000, v48;
	v51 =	vld.idx.msk [tilespmem:v45+s6+$0x0], $0xffff  }
0x166: {  	v54 =	vld.idx.msk [tilespmem:v49+s6+$0x0], $0xffff;
	[tilespmem:$0x1F910] =	vst v43  }
0x167: {  	[tilespmem:$0x1F950] =	vst v0;
	v0 =	vld.idx.msk [tilespmem:v45+s28+$0x0], $0xffff  }
0x168: {  	v56 =	vld.idx.msk [tilespmem:v2+s6+$0x0], $0xffff;
	[tilespmem:$0x1F980] =	vst v47  }
0x169: {  	v2 =	vld.idx.msk [tilespmem:v2+s28+$0x0], $0xffff;
	[tilespmem:$0x1F9C0] =	vst v1  }
0x16a: {  	v61 =	vld.idx.msk [tilespmem:v53+s6+$0x0], $0xffff;
	[tilespmem:$0x1F9F0] =	vst v51  }
0x16b: {  	[tilespmem:$0x1FA70] =	vst v54;
	v1 =	vld.idx.msk [tilespmem:v49+s28+$0x0], $0xffff  }
0x16c: {  	[tilespmem:$0x1FA30] =	vst v0;
	v0 =	vld.idx.msk [tilespmem:v53+s28+$0x0], $0xffff  }
0x16d: {  	v55 =	vadd.s32 $0x5000, v50;
	[tilespmem:$0x1FAD0] =	vst v56  }
0x16e: {  	[tilespmem:$0x1FAF0] =	vst v2  }
0x16f: {  	v60 =	vadd.s32 $0x5000, v52;
	[tilespmem:$0x1FB10] =	vst v61  }
0x170: {  	[tilespmem:$0x1FAB0] =	vst v1  }
0x171: {  	[tilespmem:$0x1FB30] =	vst v0  }
0x172: {  	v0 =	vld.idx.msk [tilespmem:v55+s6+$0x0], $0xffff  }
0x173: {  	v63 =	vld.idx.msk [tilespmem:v55+s28+$0x0], $0xffff  }
0x174: {  	v4 =	vld.idx.msk [tilespmem:v60+s6+$0x0], $0xffff  }
0x175: {  	v5 =	vld.idx.msk [tilespmem:v60+s28+$0x0], $0xffff  }
0x176: {  	v8 =	vld [tilespmem:$0x10080]  }
0x177: {  	v10 =	vld [tilespmem:$0x10100]  }
0x178: {  	v11 =	vld [tilespmem:$0x10090]  }
0x179: {  	v12 =	vld [tilespmem:$0x10110]  }
0x17a: {  	v13 =	vld [tilespmem:$0x100A0]  }
0x17b: {  	v14 =	vld [tilespmem:$0x10120]  }
0x17c: {  	v15 =	vld [tilespmem:$0x100B0]  }
0x17d: {  	v17 =	vld [tilespmem:$0x10130]  }
0x17e: {  	v18 =	vld [tilespmem:$0x100C0]  }
0x17f: {  	v19 =	vld [tilespmem:$0x10140]  }
0x180: {  	v20 =	vld [tilespmem:$0x100D0]  }
0x181: {  	v21 =	vld [tilespmem:$0x10150]  }
0x182: {  	v22 =	vld [tilespmem:$0x100E0]  }
0x183: {  	v23 =	vld [tilespmem:$0x10160]  }
0x184: {  	s5 =	rddreg [dreg:$0x1a];
	v24 =	vld [tilespmem:$0x100F0]  }
0x185: {  	v25 =	vld [tilespmem:$0x10170];
	[tilespmem:s29], [sflag:$0x1] =	stream.linear.gather [hbm4b:s5+s6], $0x80, $0x38  }
0x186: {  	[tilespmem:$0x1FB60] =	vst v0  }
0x187: {  	[tilespmem:$0x1FB90] =	vst v63  }
0x188: {  	[tilespmem:$0x1FBB0] =	vst v4  }
0x189: {  	[tilespmem:$0x1FBD0] =	vst v5  }
0x18a: {  	[tilespmem:$0x1F920] =	vst v8  }
0x18b: {  	[tilespmem:$0x1F960] =	vst v10  }
0x18c: {  	[tilespmem:$0x1F990] =	vst v11  }
0x18d: {  	[tilespmem:$0x1F9D0] =	vst v12  }
0x18e: {  	[tilespmem:$0x1FA00] =	vst v13  }
0x18f: {  	[tilespmem:$0x1FA40] =	vst v14  }
0x190: {  	[tilespmem:$0x1FA80] =	vst v15  }
0x191: {  	[tilespmem:$0x1FAC0] =	vst v17  }
0x192: {  	[tilespmem:$0x1FAE0] =	vst v18  }
0x193: {  	[tilespmem:$0x1FB00] =	vst v19  }
0x194: {  	[tilespmem:$0x1FB20] =	vst v20  }
0x195: {  	[tilespmem:$0x1FB40] =	vst v21  }
0x196: {  	[tilespmem:$0x1FB70] =	vst v22  }
0x197: {  	[tilespmem:$0x1FBA0] =	vst v23  }
0x198: {  	[tilespmem:$0x1FBC0] =	vst v24  }
0x199: {  	[tilespmem:$0x1FBE0] =	vst v25  }
0x19a: {  	_ =	swait.ge [sflag:s26], $0x80  }
0x19b: {  	[sflag:s26] =	ssyncset.done $0x0  }
0x19c: {  	s5 =	rddreg [dreg:$0x1b];
	[sflag:s26] =	ssyncadd.s32 $0xFFFFFF80  }
0x19d: {  	[tilespmem:s30], [sflag:$0x1] =	stream.linear.gather [hbm4b:s5+s6], $0x80, $0x38;
	[tilespmem:$0x10200] =	vst v63  }
0x19e: {  	_ =	swait.ge [sflag:s26], $0x80  }
0x19f: {  	[sflag:s26] =	ssyncset.done $0x0  }
0x1a0: {  	s5 =	rddreg [dreg:$0x1c];
	[sflag:s26] =	ssyncadd.s32 $0xFFFFFF80  }
0x1a1: {  	[tilespmem:s31], [sflag:$0x1] =	stream.linear.gather [hbm4b:s5+s6], $0x80, $0x38;
	[tilespmem:$0x10200] =	vst v63  }
0x1a2: {  	_ =	swait.ge [sflag:s26], $0x80  }
0x1a3: {  	[sflag:s26] =	ssyncset.done $0x0  }
0x1a4: {  	[sflag:s26] =	ssyncadd.s32 $0xFFFFFF80  }
0x1a5: {  	v26 =	vld [tilespmem:$0x10000]  }
0x1a6: {  	v28 =	vld [tilespmem:$0x10080]  }
0x1a7: {  	v29 =	vld [tilespmem:$0x10010]  }
0x1a8: {  	v30 =	vld [tilespmem:$0x10020]  }
0x1a9: {  	v31 =	vld [tilespmem:$0x10030]  }
0x1aa: {  	v32 =	vld [tilespmem:$0x10040]  }
0x1ab: {  	v34 =	vld [tilespmem:$0x10050]  }
0x1ac: {  	v36 =	vld [tilespmem:$0x10060]  }
0x1ad: {  	v38 =	vld [tilespmem:$0x10070]  }
0x1ae: {  	v49 =	vld [tilespmem:$0x10100]  }
0x1af: {  	v50 =	vld [tilespmem:$0x10090]  }
0x1b0: {  	v51 =	vld [tilespmem:$0x10110]  }
0x1b1: {  	v52 =	vld [tilespmem:$0x100A0]  }
0x1b2: {  	v53 =	vld [tilespmem:$0x10120]  }
0x1b3: {  	v54 =	vld [tilespmem:$0x100B0];
	v0 =	vadd.s32 $0x6000, v26;
	[tilespmem:$0x1FC00] =	vst v28  }
0x1b4: {  	v55 =	vld [tilespmem:$0x10130];
	[tilespmem:$0x1FC30] =	vst v49  }
0x1b5: {  	v56 =	vld [tilespmem:$0x100C0];
	[tilespmem:$0x1FC50] =	vst v50  }
0x1b6: {  	v60 =	vld [tilespmem:$0x10140];
	[tilespmem:$0x1FC70] =	vst v51  }
0x1b7: {  	v61 =	vld [tilespmem:$0x100D0];
	[tilespmem:$0x1FC90] =	vst v52  }
0x1b8: {  	[tilespmem:$0x1FCB0] =	vst v53;
	v27 =	vld.idx.msk [tilespmem:v0+s6+$0x0], $0xffff  }
0x1b9: {  	[tilespmem:$0x1FCD0] =	vst v54;
	v0 =	vld.idx.msk [tilespmem:v0+s28+$0x0], $0xffff  }
0x1ba: {  	v63 =	vld [tilespmem:$0x10150];
	v1 =	vadd.s32 $0x6000, v30;
	[tilespmem:$0x1FCF0] =	vst v55  }
0x1bb: {  	v4 =	vld [tilespmem:$0x100E0];
	[tilespmem:$0x1FD10] =	vst v56  }
0x1bc: {  	v5 =	vld [tilespmem:$0x10160];
	v35 =	vadd.s32 $0x6000, v31;
	[tilespmem:$0x1FD30] =	vst v60  }
0x1bd: {  	v8 =	vld [tilespmem:$0x100F0];
	v3 =	vadd.s32 $0x6000, v32;
	[tilespmem:$0x1FD50] =	vst v61  }
0x1be: {  	v10 =	vld [tilespmem:$0x10170];
	[tilespmem:$0x1FC20] =	vst v0;
	v0 =	vadd.s32 $0x6000, v29  }
0x1bf: {  	[tilespmem:$0x1FD70] =	vst v63;
	v37 =	vld.idx.msk [tilespmem:v1+s6+$0x0], $0xffff  }
0x1c0: {  	[tilespmem:$0x1FD90] =	vst v4;
	v1 =	vld.idx.msk [tilespmem:v1+s28+$0x0], $0xffff  }
0x1c1: {  	v39 =	vadd.s32 $0x6000, v34;
	[tilespmem:$0x1FDB0] =	vst v5;
	v40 =	vld.idx.msk [tilespmem:v35+s6+$0x0], $0xffff  }
0x1c2: {  	v41 =	vadd.s32 $0x6000, v36;
	[tilespmem:$0x1FDD0] =	vst v8;
	v42 =	vld.idx.msk [tilespmem:v3+s6+$0x0], $0xffff  }
0x1c3: {  	v44 =	vadd.s32 $0x6000, v38;
	[tilespmem:$0x1FDF0] =	vst v10;
	v33 =	vld.idx.msk [tilespmem:v0+s6+$0x0], $0xffff  }
0x1c4: {  	[tilespmem:$0x1FBF0] =	vst v27;
	v0 =	vld.idx.msk [tilespmem:v0+s28+$0x0], $0xffff  }
0x1c5: {  	v43 =	vld.idx.msk [tilespmem:v3+s28+$0x0], $0xffff;
	[tilespmem:$0x1FC80] =	vst v37  }
0x1c6: {  	v45 =	vld.idx.msk [tilespmem:v39+s6+$0x0], $0xffff;
	[tilespmem:$0x1FCA0] =	vst v1  }
0x1c7: {  	v46 =	vld.idx.msk [tilespmem:v41+s6+$0x0], $0xffff;
	[tilespmem:$0x1FCC0] =	vst v40  }
0x1c8: {  	v47 =	vld.idx.msk [tilespmem:v44+s6+$0x0], $0xffff;
	[tilespmem:$0x1FD00] =	vst v42  }
0x1c9: {  	[tilespmem:$0x1FC60] =	vst v0;
	v0 =	vld.idx.msk [tilespmem:v35+s28+$0x0], $0xffff  }
0x1ca: {  	v48 =	vld.idx.msk [tilespmem:v44+s28+$0x0], $0xffff;
	[tilespmem:$0x1FD20] =	vst v43  }
0x1cb: {  	[tilespmem:$0x1FD40] =	vst v45;
	v1 =	vld.idx.msk [tilespmem:v39+s28+$0x0], $0xffff  }
0x1cc: {  	[tilespmem:$0x1FD80] =	vst v46  }
0x1cd: {  	[tilespmem:$0x1FDC0] =	vst v47  }
0x1ce: {  	[tilespmem:$0x1FCE0] =	vst v0;
	v0 =	vld.idx.msk [tilespmem:v41+s28+$0x0], $0xffff  }
0x1cf: {  	[tilespmem:$0x1FDE0] =	vst v48  }
0x1d0: {  	[tilespmem:$0x1FD60] =	vst v1  }
0x1d1: {  	s5 =	rddreg [dreg:$0x1d];
	[tilespmem:$0x1FC40] =	vst v33  }
0x1d2: {  	[tilespmem:s29], [sflag:$0x1] =	stream.linear.gather [hbm4b:s5+s6], $0x80, $0x38;
	[tilespmem:$0x10200] =	vst v63  }
0x1d3: {  	[tilespmem:$0x1FDA0] =	vst v0  }
0x1d4: {  	_ =	swait.ge [sflag:s26], $0x80  }
0x1d5: {  	[sflag:s26] =	ssyncset.done $0x0  }
0x1d6: {  	s5 =	rddreg [dreg:$0x1e];
	[sflag:s26] =	ssyncadd.s32 $0xFFFFFF80  }
0x1d7: {  	[tilespmem:s30], [sflag:$0x1] =	stream.linear.gather [hbm4b:s5+s6], $0x80, $0x38;
	[tilespmem:$0x10200] =	vst v63  }
0x1d8: {  	_ =	swait.ge [sflag:s26], $0x80  }
0x1d9: {  	[sflag:s26] =	ssyncset.done $0x0  }
0x1da: {  	s5 =	rddreg [dreg:$0x1f];
	[sflag:s26] =	ssyncadd.s32 $0xFFFFFF80  }
0x1db: {  	[tilespmem:s31], [sflag:$0x1] =	stream.linear.gather [hbm4b:s5+s6], $0x80, $0x38;
	[tilespmem:$0x10200] =	vst v63  }
0x1dc: {  	_ =	swait.ge [sflag:s26], $0x80  }
0x1dd: {  	[sflag:s26] =	ssyncset.done $0x0  }
0x1de: {  	[sflag:s26] =	ssyncadd.s32 $0xFFFFFF80  }
0x1df: {  	v11 =	vld [tilespmem:$0x10000]  }
0x1e0: {  	v12 =	vld [tilespmem:$0x10010]  }
0x1e1: {  	v13 =	vld [tilespmem:$0x10020]  }
0x1e2: {  	v15 =	vld [tilespmem:$0x10030]  }
0x1e3: {  	v18 =	vld [tilespmem:$0x10040]  }
0x1e4: {  	v20 =	vld [tilespmem:$0x10050]  }
0x1e5: {  	v22 =	vld [tilespmem:$0x10060]  }
0x1e6: {  	v24 =	vld [tilespmem:$0x10070]  }
0x1e7: {  	v35 =	vld [tilespmem:$0x10080]  }
0x1e8: {  	v36 =	vld [tilespmem:$0x10100]  }
0x1e9: {  	v37 =	vld [tilespmem:$0x10090]  }
0x1ea: {  	v38 =	vld [tilespmem:$0x10110]  }
0x1eb: {  	v39 =	vld [tilespmem:$0x100A0]  }
0x1ec: {  	v40 =	vld [tilespmem:$0x10120];
	[tilespmem:$0x1FE10] =	vst v35  }
0x1ed: {  	v41 =	vld [tilespmem:$0x100B0];
	[tilespmem:$0x1FE30] =	vst v36  }
0x1ee: {  	v42 =	vld [tilespmem:$0x10130];
	[tilespmem:$0x1FE50] =	vst v37  }
0x1ef: {  	v43 =	vld [tilespmem:$0x100C0];
	[tilespmem:$0x1FE70] =	vst v38  }
0x1f0: {  	v44 =	vld [tilespmem:$0x10140];
	[tilespmem:$0x1FE90] =	vst v39  }
0x1f1: {  	v45 =	vld [tilespmem:$0x100D0];
	[tilespmem:$0x1FEB0] =	vst v40  }
0x1f2: {  	v46 =	vld [tilespmem:$0x10150];
	v0 =	vadd.s32 $0x7000, v11;
	[tilespmem:$0x1FED0] =	vst v41  }
0x1f3: {  	v47 =	vld [tilespmem:$0x100E0];
	[tilespmem:$0x1FEF0] =	vst v42  }
0x1f4: {  	v48 =	vld [tilespmem:$0x10160];
	v1 =	vadd.s32 $0x7000, v12;
	[tilespmem:$0x1FF10] =	vst v43  }
0x1f5: {  	v49 =	vld [tilespmem:$0x100F0];
	[tilespmem:$0x1FF30] =	vst v44  }
0x1f6: {  	v50 =	vld [tilespmem:$0x10170];
	v17 =	vadd.s32 $0x7000, v13;
	[tilespmem:$0x1FF50] =	vst v45  }
0x1f7: {  	v21 =	vadd.s32 $0x7000, v15;
	[tilespmem:$0x1FF70] =	vst v46;
	v14 =	vld.idx.msk [tilespmem:v0+s6+$0x0], $0xffff  }
0x1f8: {  	v2 =	vadd.s32 $0x7000, v18;
	[tilespmem:$0x1FF90] =	vst v47;
	v0 =	vld.idx.msk [tilespmem:v0+s28+$0x0], $0xffff  }
0x1f9: {  	[tilespmem:$0x1FFB0] =	vst v48;
	v19 =	vld.idx.msk [tilespmem:v1+s6+$0x0], $0xffff  }
0x1fa: {  	v25 =	vadd.s32 $0x7000, v20;
	[tilespmem:$0x1FFD0] =	vst v49;
	v1 =	vld.idx.msk [tilespmem:v1+s28+$0x0], $0xffff  }
0x1fb: {  	v27 =	vadd.s32 $0x7000, v22;
	[tilespmem:$0x1FFF0] =	vst v50;
	v23 =	vld.idx.msk [tilespmem:v17+s6+$0x0], $0xffff  }
0x1fc: {  	v26 =	vld.idx.msk [tilespmem:v21+s6+$0x0], $0xffff;
	[tilespmem:$0x1FE00] =	vst v14  }
0x1fd: {  	v28 =	vld.idx.msk [tilespmem:v2+s6+$0x0], $0xffff;
	[tilespmem:$0x1FE20] =	vst v0  }
0x1fe: {  	v29 =	vadd.s32 $0x7000, v24;
	v2 =	vld.idx.msk [tilespmem:v2+s28+$0x0], $0xffff;
	[tilespmem:$0x1FE40] =	vst v19  }
0x1ff: {  	v30 =	vld.idx.msk [tilespmem:v25+s6+$0x0], $0xffff;
	[tilespmem:$0x1FE60] =	vst v1  }
0x200: {  	v31 =	vld.idx.msk [tilespmem:v27+s6+$0x0], $0xffff;
	[tilespmem:$0x1FE80] =	vst v23  }
0x201: {  	v32 =	vld.idx.msk [tilespmem:v27+s28+$0x0], $0xffff;
	[tilespmem:$0x1FEC0] =	vst v26  }
0x202: {  	v0 =	vld.idx.msk [tilespmem:v17+s28+$0x0], $0xffff;
	[tilespmem:$0x1FF00] =	vst v28  }
0x203: {  	v33 =	vld.idx.msk [tilespmem:v29+s6+$0x0], $0xffff;
	[tilespmem:$0x1FF20] =	vst v2  }
0x204: {  	v34 =	vld.idx.msk [tilespmem:v29+s28+$0x0], $0xffff;
	[tilespmem:$0x1FF40] =	vst v30  }
0x205: {  	v1 =	vld.idx.msk [tilespmem:v21+s28+$0x0], $0xffff;
	[tilespmem:$0x1FF80] =	vst v31  }
0x206: {  	[tilespmem:$0x1FFA0] =	vst v32  }
0x207: {  	[tilespmem:$0x1FEA0] =	vst v0;
	v0 =	vld.idx.msk [tilespmem:v25+s28+$0x0], $0xffff  }
0x208: {  	[tilespmem:$0x1FFC0] =	vst v33  }
0x209: {  	[tilespmem:$0x1FFE0] =	vst v34  }
0x20a: {  	[tilespmem:$0x1FEE0] =	vst v1  }
0x20b: {  	[tilespmem:s6], [sflag:$0x1] =	stream.linear.gather [hbm4b:s0+s6], $0x8000, $0x38;
	[tilespmem:$0x10200] =	vst v63  }
0x20c: {  	[tilespmem:$0x1FF60] =	vst v0  }
0x20d: {  	_ =	swait.ge [sflag:s26], $0x8000  }
0x20e: {  	[sflag:s26] =	ssyncset.done $0x0  }
0x20f: {  	[sflag:s26] =	ssyncadd.s32 $0xFFFF8000  }
0x210: {  	[tilespmem:s28], [sflag:$0x1] =	stream.linear.gather [hbm4b:s1+s6], $0x8000, $0x38;
	[tilespmem:$0x10200] =	vst v63  }
0x211: {  	_ =	swait.ge [sflag:s26], $0x8000  }
0x212: {  	s5 =	sld [smem:$0x7F7]  }
0x213: {  	[sflag:s26] =	ssyncset.done $0x0  }
0x214: {  	[sflag:s26] =	ssyncadd.s32 $0xFFFF8000  }
0x215: {  	[tilespmem:s29], [sflag:$0x1] =	stream.linear.gather [hbm4b:s5+s6], $0x80, $0x38;
	[tilespmem:$0x10200] =	vst v63  }
0x216: {  	_ =	swait.ge [sflag:s26], $0x80  }
0x217: {  	s5 =	sld [smem:$0x7F8]  }
0x218: {  	[sflag:s26] =	ssyncset.done $0x0  }
0x219: {  	[sflag:s26] =	ssyncadd.s32 $0xFFFFFF80  }
0x21a: {  	[tilespmem:s30], [sflag:$0x1] =	stream.linear.gather [hbm4b:s5+s6], $0x80, $0x38;
	[tilespmem:$0x10200] =	vst v63  }
0x21b: {  	_ =	swait.ge [sflag:s26], $0x80  }
0x21c: {  	s5 =	sld [smem:$0x7F9]  }
0x21d: {  	[sflag:s26] =	ssyncset.done $0x0  }
0x21e: {  	[sflag:s26] =	ssyncadd.s32 $0xFFFFFF80  }
0x21f: {  	[tilespmem:s31], [sflag:$0x1] =	stream.linear.gather [hbm4b:s5+s6], $0x80, $0x38;
	[tilespmem:$0x10200] =	vst v63  }
0x220: {  	_ =	swait.ge [sflag:s26], $0x80  }
0x221: {  	[sflag:s26] =	ssyncset.done $0x0  }
0x222: {  	[sflag:s26] =	ssyncadd.s32 $0xFFFFFF80  }
0x223: {  	v51 =	vld [tilespmem:$0x10000]  }
0x224: {  	v52 =	vld [tilespmem:$0x10010]  }
0x225: {  	v53 =	vld [tilespmem:$0x10020]  }
0x226: {  	v54 =	vld [tilespmem:$0x10030]  }
0x227: {  	v55 =	vld [tilespmem:$0x10040]  }
0x228: {  	v56 =	vld [tilespmem:$0x10050]  }
0x229: {  	v60 =	vld [tilespmem:$0x10060]  }
0x22a: {  	v61 =	vld [tilespmem:$0x10070]  }
0x22b: {  	v26 =	vld [tilespmem:$0x10080]  }
0x22c: {  	v10 =	vld [tilespmem:$0x10100]  }
0x22d: {  	v12 =	vld [tilespmem:$0x10090]  }
0x22e: {  	v13 =	vld [tilespmem:$0x10110]  }
0x22f: {  	v14 =	vld [tilespmem:$0x100A0]  }
0x230: {  	v27 =	vld [tilespmem:$0x10120]  }
0x231: {  	v32 =	vld [tilespmem:$0x100B0]  }
0x232: {  	v19 =	vld [tilespmem:$0x10130]  }
0x233: {  	v23 =	vld [tilespmem:$0x100C0]  }
0x234: {  	v28 =	vld [tilespmem:$0x10140]  }
0x235: {  	v33 =	vld [tilespmem:$0x100D0]  }
0x236: {  	v36 =	vld [tilespmem:$0x10150]  }
0x237: {  	v38 =	vld [tilespmem:$0x100E0]  }
0x238: {  	v42 =	vld [tilespmem:$0x10160]  }
0x239: {  	v47 =	vld [tilespmem:$0x100F0]  }
0x23a: {  	v15 =	vld.idx.msk [tilespmem:v51+s6+$0x0], $0xffff  }
0x23b: {  	v18 =	vld.idx.msk [tilespmem:v51+s28+$0x0], $0xffff  }
0x23c: {  	v20 =	vld.idx.msk [tilespmem:v52+s6+$0x0], $0xffff  }
0x23d: {  	v22 =	vld.idx.msk [tilespmem:v52+s28+$0x0], $0xffff  }
0x23e: {  	v31 =	vld.idx.msk [tilespmem:v53+s6+$0x0], $0xffff  }
0x23f: {  	v21 =	vld.idx.msk [tilespmem:v53+s28+$0x0], $0xffff  }
0x240: {  	v24 =	vld.idx.msk [tilespmem:v54+s6+$0x0], $0xffff  }
0x241: {  	v29 =	vld.idx.msk [tilespmem:v54+s28+$0x0], $0xffff  }
0x242: {  	v34 =	vld.idx.msk [tilespmem:v55+s6+$0x0], $0xffff  }
0x243: {  	v37 =	vld.idx.msk [tilespmem:v55+s28+$0x0], $0xffff  }
0x244: {  	v39 =	vld.idx.msk [tilespmem:v56+s6+$0x0], $0xffff  }
0x245: {  	v44 =	vld.idx.msk [tilespmem:v56+s28+$0x0], $0xffff  }
0x246: {  	v63 =	vld.idx.msk [tilespmem:v61+s6+$0x0], $0xffff  }
0x247: {  	s5 =	sld [smem:$0x7FA];
	v4 =	vld.idx.msk [tilespmem:v61+s28+$0x0], $0xffff  }
0x248: {  	v48 =	vld.idx.msk [tilespmem:v60+s6+$0x0], $0xffff  }
0x249: {  	v55 =	vld.idx.msk [tilespmem:v60+s28+$0x0], $0xffff  }
0x24a: {  	v51 =	vld [tilespmem:$0x10170];
	[tilespmem:s29], [sflag:$0x1] =	stream.linear.gather [hbm4b:s5+s6], $0x80, $0x38  }
0x24b: {  	[tilespmem:$0x1F2E0] =	vst v63  }
0x24c: {  	[tilespmem:$0x1F310] =	vst v4  }
0x24d: {  	_ =	swait.ge [sflag:s26], $0x80  }
0x24e: {  	s5 =	sld [smem:$0x7FB]  }
0x24f: {  	[sflag:s26] =	ssyncset.done $0x0  }
0x250: {  	[sflag:s26] =	ssyncadd.s32 $0xFFFFFF80  }
0x251: {  	[tilespmem:s30], [sflag:$0x1] =	stream.linear.gather [hbm4b:s5+s6], $0x80, $0x38;
	[tilespmem:$0x10200] =	vst v63  }
0x252: {  	_ =	swait.ge [sflag:s26], $0x80  }
0x253: {  	s5 =	sld [smem:$0x7FC]  }
0x254: {  	[sflag:s26] =	ssyncset.done $0x0  }
0x255: {  	[sflag:s26] =	ssyncadd.s32 $0xFFFFFF80  }
0x256: {  	[tilespmem:s31], [sflag:$0x1] =	stream.linear.gather [hbm4b:s5+s6], $0x80, $0x38;
	[tilespmem:$0x10200] =	vst v63  }
0x257: {  	_ =	swait.ge [sflag:s26], $0x80  }
0x258: {  	[sflag:s26] =	ssyncset.done $0x0  }
0x259: {  	[sflag:s26] =	ssyncadd.s32 $0xFFFFFF80  }
0x25a: {  	v8 =	vld [tilespmem:$0x10000]  }
0x25b: {  	v11 =	vld [tilespmem:$0x10010]  }
0x25c: {  	v17 =	vld [tilespmem:$0x10020]  }
0x25d: {  	v25 =	vld [tilespmem:$0x10030]  }
0x25e: {  	v35 =	vld [tilespmem:$0x10070]  }
0x25f: {  	v41 =	vld [tilespmem:$0x10040];
	v8 =	vadd.s32 $0x1000, v8  }
0x260: {  	v30 =	vld [tilespmem:$0x10050]  }
0x261: {  	v56 =	vld [tilespmem:$0x10060];
	v11 =	vadd.s32 $0x1000, v11  }
0x262: {  	v50 =	vadd.s32 $0x1000, v25;
	v25 =	vld [tilespmem:$0x10090]  }
0x263: {  	v5 =	vadd.s32 $0x1000, v17;
	v52 =	vadd.s32 $0x1000, v35;
	v35 =	vld [tilespmem:$0x100A0]  }
0x264: {  	v40 =	vld.idx.msk [tilespmem:v8+s6+$0x0], $0xffff  }
0x265: {  	v43 =	vld.idx.msk [tilespmem:v8+s28+$0x0], $0xffff  }
0x266: {  	v46 =	vld.idx.msk [tilespmem:v11+s6+$0x0], $0xffff  }
0x267: {  	v17 =	vadd.s32 $0x1000, v41;
	v49 =	vld.idx.msk [tilespmem:v11+s28+$0x0], $0xffff  }
0x268: {  	v53 =	vld.idx.msk [tilespmem:v5+s6+$0x0], $0xffff  }
0x269: {  	v4 =	vadd.s32 $0x1000, v30;
	v63 =	vld.idx.msk [tilespmem:v5+s28+$0x0], $0xffff  }
0x26a: {  	v5 =	vld.idx.msk [tilespmem:v50+s6+$0x0], $0xffff  }
0x26b: {  	v41 =	vadd.s32 $0x1000, v56;
	v30 =	vld.idx.msk [tilespmem:v50+s28+$0x0], $0xffff  }
0x26c: {  	v45 =	vld.idx.msk [tilespmem:v17+s6+$0x0], $0xffff  }
0x26d: {  	v50 =	vld.idx.msk [tilespmem:v17+s28+$0x0], $0xffff  }
0x26e: {  	v54 =	vld.idx.msk [tilespmem:v4+s6+$0x0], $0xffff  }
0x26f: {  	v56 =	vld.idx.msk [tilespmem:v4+s28+$0x0], $0xffff  }
0x270: {  	v60 =	vld.idx.msk [tilespmem:v41+s6+$0x0], $0xffff  }
0x271: {  	v61 =	vld.idx.msk [tilespmem:v41+s28+$0x0], $0xffff  }
0x272: {  	v4 =	vld.idx.msk [tilespmem:v52+s6+$0x0], $0xffff;
	[tilespmem:$0x1F3A0] =	vst v5  }
0x273: {  	v11 =	vld [tilespmem:$0x10080];
	[tilespmem:$0x1F3B0] =	vst v30  }
0x274: {  	v17 =	vld [tilespmem:$0x10100];
	[tilespmem:$0x1F3E0] =	vst v45  }
0x275: {  	v41 =	vld [tilespmem:$0x10120];
	[tilespmem:$0x1F3F0] =	vst v50  }
0x276: {  	v8 =	vld [tilespmem:$0x10140];
	[tilespmem:$0x1F430] =	vst v54  }
0x277: {  	[tilespmem:$0x1F470] =	vst v56;
	v5 =	vld.idx.msk [tilespmem:v52+s28+$0x0], $0xffff  }
0x278: {  	[tilespmem:$0x1F490] =	vst v60;
	v50 =	vld [tilespmem:$0x100D0]  }
0x279: {  	[tilespmem:$0x1F4D0] =	vst v61;
	v54 =	vld [tilespmem:$0x10150]  }
0x27a: {  	[tilespmem:$0x1F510] =	vst v4;
	v56 =	vld [tilespmem:$0x100E0]  }
0x27b: {  	[tilespmem:$0x1F400] =	vst v8;
	v60 =	vld [tilespmem:$0x10160]  }
0x27c: {  	v4 =	vld [tilespmem:$0x100F0];
	[tilespmem:$0x1F530] =	vst v5  }
0x27d: {  	[tilespmem:$0x1F440] =	vst v50;
	v5 =	vld [tilespmem:$0x10170]  }
0x27e: {  	s5 =	sld [smem:$0x7FD];
	v30 =	vld [tilespmem:$0x10110];
	[tilespmem:$0x1F480] =	vst v54  }
0x27f: {  	v45 =	vld [tilespmem:$0x100B0];
	[tilespmem:$0x1F4A0] =	vst v56  }
0x280: {  	v52 =	vld [tilespmem:$0x10130];
	[tilespmem:$0x1F4E0] =	vst v60  }
0x281: {  	[tilespmem:$0x1F520] =	vst v4;
	v61 =	vld [tilespmem:$0x100C0];
	[tilespmem:s29], [sflag:$0x1] =	stream.linear.gather [hbm4b:s5+s6], $0x80, $0x38  }
0x282: {  	[tilespmem:$0x1F540] =	vst v5  }
0x283: {  	_ =	swait.ge [sflag:s26], $0x80  }
0x284: {  	[sflag:s26] =	ssyncset.done $0x0  }
0x285: {  	[sflag:s26] =	ssyncadd.s32 $0xFFFFFF80  }
0x286: {  	[tilespmem:s30], [sflag:$0x1] =	stream.linear.gather [hbm4b:s7+s6], $0x80, $0x38;
	[tilespmem:$0x10200] =	vst v63  }
0x287: {  	_ =	swait.ge [sflag:s26], $0x80  }
0x288: {  	[sflag:s26] =	ssyncset.done $0x0  }
0x289: {  	[sflag:s26] =	ssyncadd.s32 $0xFFFFFF80  }
0x28a: {  	[tilespmem:s31], [sflag:$0x1] =	stream.linear.gather [hbm4b:s8+s6], $0x80, $0x38;
	[tilespmem:$0x10200] =	vst v63  }
0x28b: {  	_ =	swait.ge [sflag:s26], $0x80  }
0x28c: {  	[sflag:s26] =	ssyncset.done $0x0  }
0x28d: {  	[sflag:s26] =	ssyncadd.s32 $0xFFFFFF80  }
0x28e: {  	v50 =	vld [tilespmem:$0x10000];
	_ =	sdelay $0x3  }
0x28f: {  	v54 =	vld [tilespmem:$0x10010]  }
0x290: {  	v50 =	vadd.s32 $0x2000, v50;
	_ =	sdelay $0x3  }
0x291: {  	v8 =	vld [tilespmem:$0x10020];
	v54 =	vadd.s32 $0x2000, v54  }
0x292: {  	v60 =	vld.idx.msk [tilespmem:v50+s6+$0x0], $0xffff;
	_ =	sdelay $0x2  }
0x293: {  	v4 =	vld.idx.msk [tilespmem:v50+s28+$0x0], $0xffff  }
0x294: {  	v0 =	vadd.s32 $0x2000, v8;
	v5 =	vld.idx.msk [tilespmem:v54+s6+$0x0], $0xffff  }
0x295: {  	[tilespmem:$0x1F570] =	vst v60;
	v60 =	vld [tilespmem:$0x10030]  }
0x296: {  	v8 =	vld [tilespmem:$0x10050]  }
0x297: {  	v56 =	vld.idx.msk [tilespmem:v54+s28+$0x0], $0xffff  }
0x298: {  	v50 =	vld [tilespmem:$0x10040]  }
0x299: {  	[tilespmem:$0x1F5C0] =	vst v5;
	v5 =	vld.idx.msk [tilespmem:v0+s6+$0x0], $0xffff  }
0x29a: {  	[tilespmem:$0x1F5A0] =	vst v4;
	v0 =	vld.idx.msk [tilespmem:v0+s28+$0x0], $0xffff;
	v4 =	vadd.s32 $0x2000, v60;
	_ =	sdelay $0x1  }
0x29b: {  	[tilespmem:$0x1F600] =	vst v56;
	v56 =	vld [tilespmem:$0x10060];
	_ =	sdelay $0x1  }
0x29c: {  	v60 =	vld [tilespmem:$0x10070]  }
0x29d: {  	v50 =	vadd.s32 $0x2000, v50;
	[tilespmem:$0x1F660] =	vst v0;
	v0 =	vadd.s32 $0x2000, v8;
	v8 =	vld.idx.msk [tilespmem:v4+s6+$0x0], $0xffff;
	_ =	sdelay $0x1  }
0x29e: {  	v1 =	vadd.s32 $0x2000, v56  }
0x29f: {  	v54 =	vld.idx.msk [tilespmem:v4+s28+$0x0], $0xffff;
	_ =	sdelay $0x1  }
0x2a0: {  	v4 =	vld.idx.msk [tilespmem:v50+s6+$0x0], $0xffff;
	[tilespmem:$0x1F6A0] =	vst v8;
	v8 =	vadd.s32 $0x2000, v60  }
0x2a1: {  	[tilespmem:$0x1F640] =	vst v5;
	v5 =	vld.idx.msk [tilespmem:v50+s28+$0x0], $0xffff  }
0x2a2: {  	v56 =	vld.idx.msk [tilespmem:v1+s6+$0x0], $0xffff  }
0x2a3: {  	[tilespmem:$0x1F6E0] =	vst v54;
	v54 =	vld.idx.msk [tilespmem:v0+s6+$0x0], $0xffff  }
0x2a4: {  	v60 =	vld.idx.msk [tilespmem:v1+s28+$0x0], $0xffff  }
0x2a5: {  	[tilespmem:$0x1F700] =	vst v4;
	v4 =	vld.idx.msk [tilespmem:v8+s6+$0x0], $0xffff  }
0x2a6: {  	[tilespmem:$0x1F740] =	vst v5;
	v5 =	vld.idx.msk [tilespmem:v8+s28+$0x0], $0xffff  }
0x2a7: {  	v8 =	vld [tilespmem:$0x10100]  }
0x2a8: {  	[tilespmem:$0x1F7E0] =	vst v56;
	v56 =	vld [tilespmem:$0x10110]  }
0x2a9: {  	v0 =	vld.idx.msk [tilespmem:v0+s28+$0x0], $0xffff  }
0x2aa: {  	[tilespmem:$0x1F780] =	vst v54;
	v54 =	vld [tilespmem:$0x10090]  }
0x2ab: {  	[tilespmem:$0x1F800] =	vst v60;
	v60 =	vld [tilespmem:$0x100A0]  }
0x2ac: {  	[tilespmem:$0x1F5B0] =	vst v8;
	v8 =	vld [tilespmem:$0x10130]  }
0x2ad: {  	[tilespmem:$0x1F610] =	vst v56;
	v56 =	vld [tilespmem:$0x10140]  }
0x2ae: {  	[tilespmem:$0x1F860] =	vst v5;
	v5 =	vld [tilespmem:$0x100B0]  }
0x2af: {  	[tilespmem:$0x1F840] =	vst v4;
	v4 =	vld [tilespmem:$0x10120]  }
0x2b0: {  	[tilespmem:$0x1F650] =	vst v60;
	v60 =	vld [tilespmem:$0x100D0]  }
0x2b1: {  	[tilespmem:$0x1F6F0] =	vst v8;
	v8 =	vld [tilespmem:$0x1EC60]  }
0x2b2: {  	[tilespmem:$0x1F5D0] =	vst v54;
	v54 =	vld [tilespmem:$0x100C0]  }
0x2b3: {  	[tilespmem:$0x1F6B0] =	vst v5;
	v5 =	vld [tilespmem:$0x100E0]  }
0x2b4: {  	[tilespmem:$0x1F670] =	vst v4;
	v4 =	vld [tilespmem:$0x10150]  }
0x2b5: {  	[tilespmem:$0x1F790] =	vst v60;
	v60 =	vld [tilespmem:$0x1EC80]  }
0x2b6: {  	[tilespmem:$0x1F7A0] =	vst v0;
	v0 =	vsub.f32 v16, v8;
	v16 =	vsub.f32 v58, v59;
	v58 =	vld [tilespmem:$0x10160]  }
0x2b7: {  	[tilespmem:$0x1F750] =	vst v56;
	v59 =	vld [tilespmem:$0x1EC70]  }
0x2b8: {  	[tilespmem:$0x1F7F0] =	vst v5;
	v5 =	vld [tilespmem:$0x100F0]  }
0x2b9: {  	[tilespmem:$0x1F710] =	vst v54;
	v1 =	vand.u32 $0x7FFFFFFF, v16;
	v16 =	vld [tilespmem:$0x10170]  }
0x2ba: {  	v50 =	vld [tilespmem:$0x10080];
	[tilespmem:$0x1F7B0] =	vst v4  }
0x2bb: {  	v54 =	vld [tilespmem:$0x1ECA0];
	[tilespmem:s29], [sflag:$0x1] =	stream.linear.gather [hbm4b:s9+s6], $0x80, $0x38  }
0x2bc: {  	v8 =	vld [tilespmem:$0x1EC90];
	[tilespmem:$0x1F810] =	vst v58  }
0x2bd: {  	[tilespmem:$0x1F850] =	vst v5;
	v58 =	vld [tilespmem:$0x1ECB0]  }
0x2be: {  	v56 =	vsub.f32 v60, v59;
	v59 =	vld [tilespmem:$0x1ECC0];
	[tilespmem:$0x1F870] =	vst v16  }
0x2bf: {  	v0 =	vand.u32 $0x7FFFFFFF, v0;
	_ =	swait.ge [sflag:s26], $0x80  }
0x2c0: {  	v0 =	vadd.f32 v1, v0;
	v1 =	vsub.f32 v62, v54;
	v62 =	vld [tilespmem:$0x1ECD0]  }
0x2c1: {  	v57 =	vsub.f32 v57, v8;
	v8 =	vld [tilespmem:$0x1ECE0]  }
0x2c2: {  	v54 =	vld [tilespmem:$0x1ECF0]  }
0x2c3: {  	v60 =	vsub.f32 v59, v58;
	v59 =	vld [tilespmem:$0x1ED00];
	_ =	sdelay $0x2  }
0x2c4: {  	v56 =	vand.u32 $0x7FFFFFFF, v56;
	v57 =	vand.u32 $0x7FFFFFFF, v57;
	[sflag:s26] =	ssyncset.done $0x0;
	v58 =	vand.u32 $0x7FFFFFFF, v60;
	v60 =	vld [tilespmem:$0x1ED10]  }
0x2c5: {  	v1 =	vand.u32 $0x7FFFFFFF, v1;
	v56 =	vadd.f32 v57, v56;
	[sflag:s26] =	ssyncadd.s32 $0xFFFFFF80;
	v16 =	vsub.f32 v8, v62;
	v62 =	vld [tilespmem:$0x1ED20]  }
0x2c6: {  	v0 =	vadd.f32 v1, v0;
	[tilespmem:s30], [sflag:$0x1] =	stream.linear.gather [hbm4b:s10+s6], $0x80, $0x38;
	v1 =	vsub.f32 v59, v54;
	v54 =	vld [tilespmem:$0x1ED40]  }
0x2c7: {  	v56 =	vadd.f32 v58, v56;
	v57 =	vand.u32 $0x7FFFFFFF, v16;
	v16 =	vld [tilespmem:$0x1ED30];
	_ =	swait.ge [sflag:s26], $0x80  }
0x2c8: {  	v1 =	vand.u32 $0x7FFFFFFF, v1;
	v59 =	vld [tilespmem:$0x1ED60]  }
0x2c9: {  	v1 =	vadd.f32 v1, v56;
	v56 =	vld [tilespmem:$0x1ED50]  }
0x2ca: {  	v8 =	vsub.f32 v62, v60  }
0x2cb: {  	v62 =	vld [tilespmem:$0x1ED70]  }
0x2cc: {  	v0 =	vadd.f32 v57, v0;
	v57 =	vsub.f32 v54, v16;
	v58 =	vand.u32 $0x7FFFFFFF, v8;
	v8 =	vld [tilespmem:$0x1ED80];
	_ =	sdelay $0x1  }
0x2cd: {  	v60 =	vsub.f32 v59, v56;
	v57 =	vand.u32 $0x7FFFFFFF, v57;
	v59 =	vld [tilespmem:$0x1EDA0]  }
0x2ce: {  	[sflag:s26] =	ssyncset.done $0x0;
	v1 =	vadd.f32 v57, v1;
	v57 =	vld [tilespmem:$0x1ED90]  }
0x2cf: {  	[sflag:s26] =	ssyncadd.s32 $0xFFFFFF80;
	v56 =	vand.u32 $0x7FFFFFFF, v60;
	v60 =	vld [tilespmem:$0x1EDB0]  }
0x2d0: {  	[tilespmem:s31], [sflag:$0x1] =	stream.linear.gather [hbm4b:s11+s6], $0x80, $0x38;
	v16 =	vsub.f32 v8, v62;
	v62 =	vld [tilespmem:$0x1EDC0]  }
0x2d1: {  	_ =	swait.ge [sflag:s26], $0x80  }
0x2d2: {  	v8 =	vld [tilespmem:$0x1EDD0];
	_ =	sdelay $0x1  }
0x2d3: {  	v57 =	vsub.f32 v59, v57;
	v59 =	vld [tilespmem:$0x1EDE0]  }
0x2d4: {  	v5 =	vsub.f32 v62, v60;
	v60 =	vld [tilespmem:$0x1EDF0]  }
0x2d5: {  	v0 =	vadd.f32 v58, v0;
	v62 =	vld [tilespmem:$0x1EE00]  }
0x2d6: {  	v58 =	vand.u32 $0x7FFFFFFF, v16;
	v16 =	vsub.f32 v8, v7;
	v7 =	vld [tilespmem:$0x1EE10]  }
0x2d7: {  	v0 =	vadd.f32 v56, v0;
	[sflag:s26] =	ssyncset.done $0x0;
	v8 =	vld [tilespmem:$0x1EE20]  }
0x2d8: {  	v54 =	vld [tilespmem:$0x1EE80];
	[sflag:s26] =	ssyncadd.s32 $0xFFFFFF80;
	v57 =	vand.u32 $0x7FFFFFFF, v57  }
0x2d9: {  	v0 =	vadd.f32 v57, v0;
	v57 =	vsub.f32 v59, v6;
	v59 =	vld [tilespmem:$0x10000]  }
0x2da: {  	v6 =	vsub.f32 v62, v60;
	v60 =	vld [tilespmem:$0x1EE30]  }
0x2db: {  	v1 =	vadd.f32 v58, v1;
	v62 =	vld [tilespmem:$0x1EE40]  }
0x2dc: {  	v56 =	vand.u32 $0x7FFFFFFF, v5;
	v58 =	vand.u32 $0x7FFFFFFF, v16;
	v16 =	vsub.f32 v8, v7;
	v7 =	vld [tilespmem:$0x1EE50]  }
0x2dd: {  	v1 =	vadd.f32 v56, v1;
	v8 =	vld [tilespmem:$0x1EE60]  }
0x2de: {  	v0 =	vadd.f32 v58, v0;
	v56 =	vand.u32 $0x7FFFFFFF, v6;
	v6 =	vand.u32 $0x7FFFFFFF, v16;
	v16 =	vld [tilespmem:$0x1EE70];
	_ =	sdelay $0x1  }
0x2df: {  	v58 =	vld [tilespmem:$0x10010];
	v0 =	vadd.f32 v56, v0;
	v56 =	vsub.f32 v62, v60  }
0x2e0: {  	v57 =	vand.u32 $0x7FFFFFFF, v57;
	v62 =	vadd.s32 $0x3000, v59;
	v59 =	vld [tilespmem:$0x1EEA0]  }
0x2e1: {  	v1 =	vadd.f32 v57, v1;
	v57 =	vsub.f32 v8, v7;
	v7 =	vld [tilespmem:$0x1EEB0];
	v56 =	vand.u32 $0x7FFFFFFF, v56  }
0x2e2: {  	v60 =	vsub.f32 v54, v16;
	v0 =	vadd.f32 v56, v0;
	v56 =	vld [tilespmem:$0x1EE90]  }
0x2e3: {  	v8 =	vld [tilespmem:$0x1EEC0]  }
0x2e4: {  	v4 =	vld [tilespmem:$0x1EEE0];
	v60 =	vand.u32 $0x7FFFFFFF, v60  }
0x2e5: {  	v1 =	vadd.f32 v6, v1;
	v0 =	vadd.f32 v60, v0;
	v60 =	vadd.s32 $0x3000, v58;
	v58 =	vld [tilespmem:$0x1EED0]  }
0x2e6: {  	v5 =	vld [tilespmem:$0x1EEF0];
	v57 =	vand.u32 $0x7FFFFFFF, v57  }
0x2e7: {  	v1 =	vadd.f32 v57, v1;
	v57 =	vld [tilespmem:$0x10020];
	v6 =	vsub.f32 v59, v56  }
0x2e8: {  	v16 =	vsub.f32 v8, v7;
	v7 =	vld [tilespmem:$0x1EF10]  }
0x2e9: {  	v56 =	vand.u32 $0x7FFFFFFF, v6;
	v6 =	vld [tilespmem:$0x1EF00]  }
0x2ea: {  	v8 =	vld [tilespmem:$0x1EF20];
	v3 =	vadd.f32 v56, v1;
	v56 =	vsub.f32 v4, v58;
	_ =	sdelay $0x1  }
0x2eb: {  	v4 =	vld [tilespmem:$0x10030];
	v56 =	vand.u32 $0x7FFFFFFF, v56  }
0x2ec: {  	v3 =	vadd.f32 v56, v3;
	v56 =	vld [tilespmem:$0x1EF60]  }
0x2ed: {  	v58 =	vsub.f32 v6, v5;
	v5 =	vadd.s32 $0x3000, v57;
	v57 =	vld [tilespmem:$0x1EF50]  }
0x2ee: {  	v54 =	vld [tilespmem:$0x1EF40];
	v1 =	vsub.f32 v8, v7  }
0x2ef: {  	v59 =	vand.u32 $0x7FFFFFFF, v16;
	v16 =	vld [tilespmem:$0x1EF30]  }
0x2f0: {  	v1 =	vand.u32 $0x7FFFFFFF, v1  }
0x2f1: {  	v1 =	vadd.f32 v1, v3;
	v3 =	vadd.s32 $0x3000, v4;
	v4 =	vld [tilespmem:$0x1EF80]  }
0x2f2: {  	v56 =	vsub.f32 v56, v57;
	v57 =	vld [tilespmem:$0x1EF70]  }
0x2f3: {  	v2 =	vadd.f32 v59, v0;
	v59 =	vld.idx.msk [tilespmem:v62+s6+$0x0], $0xffff  }
0x2f4: {  	v16 =	vsub.f32 v54, v16;
	v54 =	vld.idx.msk [tilespmem:v62+s28+$0x0], $0xffff  }
0x2f5: {  	v62 =	vld [tilespmem:$0x10040];
	v56 =	vand.u32 $0x7FFFFFFF, v56  }
0x2f6: {  	v1 =	vadd.f32 v56, v1;
	v56 =	vld [tilespmem:$0x1EFC0]  }
0x2f7: {  	v58 =	vand.u32 $0x7FFFFFFF, v58;
	v4 =	vsub.f32 v4, v57;
	v57 =	vld [tilespmem:$0x1EFB0]  }
0x2f8: {  	v7 =	vld [tilespmem:$0x10050];
	v2 =	vadd.f32 v58, v2  }
0x2f9: {  	v8 =	vld [tilespmem:$0x1EF90];
	v16 =	vand.u32 $0x7FFFFFFF, v16  }
0x2fa: {  	v6 =	vadd.f32 v16, v2;
	v16 =	vld [tilespmem:$0x1EFA0]  }
0x2fb: {  	v0 =	vadd.s32 $0x3000, v62;
	v62 =	vld.idx.msk [tilespmem:v5+s6+$0x0], $0xffff  }
0x2fc: {  	v56 =	vsub.f32 v56, v57;
	v57 =	vld [tilespmem:$0x1EFD0]  }
0x2fd: {  	v5 =	vld.idx.msk [tilespmem:v5+s28+$0x0], $0xffff  }
0x2fe: {  	v58 =	vld.idx.msk [tilespmem:v60+s6+$0x0], $0xffff  }
0x2ff: {  	v60 =	vld.idx.msk [tilespmem:v60+s28+$0x0], $0xffff  }
0x300: {  	v16 =	vsub.f32 v16, v8;
	v8 =	vld [tilespmem:$0x10060]  }
0x301: {  	v2 =	vsub.f32 v57, v9;
	v9 =	vld [tilespmem:$0x10070]  }
0x302: {  	[tilespmem:$0x1F900] =	vst v5;
	v16 =	vand.u32 $0x7FFFFFFF, v16;
	v57 =	vld [tilespmem:$0x1EFE0]  }
0x303: {  	v1 =	vadd.f32 v16, v1;
	v16 =	vld [tilespmem:$0x1EFF0]  }
0x304: {  	v4 =	vand.u32 $0x7FFFFFFF, v4  }
0x305: {  	v4 =	vadd.f32 v4, v6  }
0x306: {  	v56 =	vand.u32 $0x7FFFFFFF, v56  }
0x307: {  	v4 =	vadd.f32 v56, v4;
	v56 =	vld [tilespmem:$0x1F010]  }
0x308: {  	v6 =	vsub.f32 v16, v57;
	v57 =	vld.idx.msk [tilespmem:v3+s6+$0x0], $0xffff  }
0x309: {  	v16 =	vld [tilespmem:$0x1F000];
	_ =	sdelay $0x2  }
0x30a: {  	v5 =	vadd.s32 $0x3000, v7;
	v7 =	vld.idx.msk [tilespmem:v3+s28+$0x0], $0xffff  }
0x30b: {  	[tilespmem:$0x1F930] =	vst v57;
	v57 =	vld [tilespmem:$0x1F020]  }
0x30c: {  	v3 =	vsub.f32 v56, v16;
	v16 =	vld [tilespmem:$0x1F030];
	_ =	sdelay $0x3  }
0x30d: {  	v56 =	vld.idx.msk [tilespmem:v0+s6+$0x0], $0xffff  }
0x30e: {  	[tilespmem:$0x1F940] =	vst v7;
	v7 =	vsub.f32 v16, v57;
	v57 =	vld [tilespmem:$0x1F040]  }
0x30f: {  	v16 =	vld [tilespmem:$0x1F050];
	_ =	sdelay $0x2  }
0x310: {  	v0 =	vld.idx.msk [tilespmem:v0+s28+$0x0], $0xffff  }
0x311: {  	v6 =	vand.u32 $0x7FFFFFFF, v6;
	[tilespmem:$0x1F970] =	vst v56;
	v56 =	vld [tilespmem:$0x1F060]  }
0x312: {  	v4 =	vadd.f32 v6, v4;
	v6 =	vsub.f32 v16, v57;
	v57 =	vld [tilespmem:$0x1F070];
	_ =	sdelay $0x3  }
0x313: {  	v2 =	vand.u32 $0x7FFFFFFF, v2;
	[tilespmem:$0x1F9A0] =	vst v0;
	v0 =	vadd.s32 $0x3000, v9;
	v9 =	vld [tilespmem:$0x1F090]  }
0x314: {  	v1 =	vadd.f32 v2, v1;
	v2 =	vadd.s32 $0x3000, v8;
	v8 =	vsub.f32 v57, v56;
	v57 =	vld [tilespmem:$0x1F080];
	_ =	sdelay $0x1  }
0x315: {  	v16 =	vld.idx.msk [tilespmem:v5+s6+$0x0], $0xffff  }
0x316: {  	v3 =	vand.u32 $0x7FFFFFFF, v3;
	v56 =	vld.idx.msk [tilespmem:v5+s28+$0x0], $0xffff  }
0x317: {  	v1 =	vadd.f32 v3, v1;
	v7 =	vand.u32 $0x7FFFFFFF, v7  }
0x318: {  	v3 =	vadd.f32 v7, v4;
	v4 =	vsub.f32 v9, v57;
	v57 =	vld.idx.msk [tilespmem:v2+s6+$0x0], $0xffff;
	_ =	sdelay $0x1  }
0x319: {  	[tilespmem:$0x1F9B0] =	vst v16;
	v16 =	vand.u32 $0x7FFFFFFF, v6  }
0x31a: {  	v1 =	vadd.f32 v16, v1;
	v16 =	vld [tilespmem:$0x1F0C0];
	[tilespmem:$0x1F9E0] =	vst v56;
	v56 =	vand.u32 $0x7FFFFFFF, v8  }
0x31b: {  	v3 =	vadd.f32 v56, v3;
	v56 =	vld [tilespmem:$0x1F0D0]  }
0x31c: {  	[tilespmem:$0x1FA10] =	vst v57;
	v57 =	vld.idx.msk [tilespmem:v0+s6+$0x0], $0xffff  }
0x31d: {  	v2 =	vld.idx.msk [tilespmem:v2+s28+$0x0], $0xffff  }
0x31e: {  	v8 =	vld [tilespmem:$0x1F0A0]  }
0x31f: {  	v9 =	vld [tilespmem:$0x1F0B0]  }
0x320: {  	v5 =	vsub.f32 v56, v16;
	v56 =	vld [tilespmem:$0x1F100]  }
0x321: {  	[tilespmem:$0x1FA50] =	vst v57;
	v57 =	vld [tilespmem:$0x1F110];
	_ =	sdelay $0x2  }
0x322: {  	[tilespmem:$0x1FA20] =	vst v2;
	v2 =	vsub.f32 v9, v8;
	v9 =	vld [tilespmem:$0x1F0E0]  }
0x323: {  	v16 =	vld [tilespmem:$0x1F0F0]  }
0x324: {  	v6 =	vsub.f32 v57, v56;
	v56 =	vld [tilespmem:$0x1F120]  }
0x325: {  	v57 =	vld [tilespmem:$0x1F130];
	_ =	sdelay $0x2  }
0x326: {  	v4 =	vand.u32 $0x7FFFFFFF, v4  }
0x327: {  	v1 =	vadd.f32 v4, v1;
	v4 =	vsub.f32 v16, v9  }
0x328: {  	v0 =	vld.idx.msk [tilespmem:v0+s28+$0x0], $0xffff;
	v16 =	vand.u32 $0x7FFFFFFF, v5;
	v5 =	vsub.f32 v57, v56;
	v56 =	vsub.f32 v15, v26  }
0x329: {  	v57 =	vsub.f32 v18, v10  }
0x32a: {  	v9 =	vand.u32 $0x7FFFFFFF, v2;
	v8 =	vand.u32 $0x7FFFFFFF, v4;
	v4 =	vand.u32 $0x7FFFFFFF, v56;
	v56 =	vld [tilespmem:$0x1F160]  }
0x32b: {  	v3 =	vadd.f32 v9, v3;
	v9 =	vand.u32 $0x7FFFFFFF, v6;
	v6 =	vand.u32 $0x7FFFFFFF, v57;
	v57 =	vld [tilespmem:$0x1F170]  }
0x32c: {  	v7 =	vld [tilespmem:$0x10080]  }
0x32d: {  	[tilespmem:$0x1FA90] =	vst v0;
	v0 =	vld [tilespmem:$0x10100]  }
0x32e: {  	v18 =	vld [tilespmem:$0x1F140]  }
0x32f: {  	v26 =	vld [tilespmem:$0x1F150]  }
0x330: {  	v10 =	vsub.f32 v57, v56;
	v56 =	vld [tilespmem:$0x1F180]  }
0x331: {  	v57 =	vld [tilespmem:$0x1F190]  }
0x332: {  	v2 =	vld [tilespmem:$0x10110];
	v1 =	vadd.f32 v16, v1  }
0x333: {  	v16 =	vld [tilespmem:$0x10090];
	v3 =	vadd.f32 v8, v3  }
0x334: {  	v8 =	vsub.f32 v20, v12;
	v20 =	vld [tilespmem:$0x100B0];
	v1 =	vadd.f32 v9, v1;
	v5 =	vand.u32 $0x7FFFFFFF, v5  }
0x335: {  	v9 =	vld [tilespmem:$0x10120];
	v3 =	vadd.f32 v5, v3;
	v5 =	vsub.f32 v26, v18  }
0x336: {  	v18 =	vand.u32 $0x7FFFFFFF, v8;
	v8 =	vsub.f32 v57, v56;
	v56 =	vld [tilespmem:$0x1F1A0]  }
0x337: {  	v4 =	vadd.f32 v6, v4;
	v5 =	vand.u32 $0x7FFFFFFF, v5;
	v57 =	vld [tilespmem:$0x1F1B0]  }
0x338: {  	v15 =	vld [tilespmem:$0x100A0];
	v1 =	vadd.f32 v5, v1;
	v5 =	vsub.f32 v22, v13  }
0x339: {  	v6 =	vld [tilespmem:$0x10140];
	v4 =	vadd.f32 v18, v4  }
0x33a: {  	v26 =	vld [tilespmem:$0x10130];
	v5 =	vand.u32 $0x7FFFFFFF, v5  }
0x33b: {  	v4 =	vadd.f32 v5, v4;
	v5 =	vsub.f32 v21, v27;
	v21 =	vld [tilespmem:$0x1F1C0]  }
0x33c: {  	v12 =	vsub.f32 v57, v56;
	v57 =	vld [tilespmem:$0x1F1D0]  }
0x33d: {  	v18 =	vsub.f32 v31, v14;
	v31 =	vld [tilespmem:$0x100D0]  }
0x33e: {  	v22 =	vld [tilespmem:$0x100C0]  }
0x33f: {  	v27 =	vld [tilespmem:$0x100E0]  }
0x340: {  	v10 =	vand.u32 $0x7FFFFFFF, v10;
	v14 =	vand.u32 $0x7FFFFFFF, v8;
	v8 =	vsub.f32 v24, v32;
	v24 =	vld [tilespmem:$0x1F1E0]  }
0x341: {  	v3 =	vadd.f32 v10, v3;
	v10 =	vsub.f32 v57, v21;
	v21 =	vld [tilespmem:$0x100F0]  }
0x342: {  	v1 =	vadd.f32 v14, v1;
	v14 =	vld [tilespmem:$0x10170]  }
0x343: {  	v18 =	vand.u32 $0x7FFFFFFF, v18;
	v32 =	vld [tilespmem:$0x1F1F0]  }
0x344: {  	v4 =	vadd.f32 v18, v4;
	v56 =	vld [tilespmem:$0x10150];
	v18 =	vand.u32 $0x7FFFFFFF, v12  }
0x345: {  	v3 =	vadd.f32 v18, v3;
	v18 =	vsub.f32 v29, v19;
	v19 =	vld [tilespmem:$0x1F200]  }
0x346: {  	[tilespmem:$0x1FA60] =	vst v21;
	v21 =	vld [tilespmem:$0x1F210]  }
0x347: {  	[tilespmem:$0x1FAA0] =	vst v14;
	v57 =	vld [tilespmem:$0x10160];
	[tilespmem:s29], [sflag:$0x1] =	stream.linear.gather [hbm4b:s12+s6], $0x80, $0x38  }
0x348: {  	_ =	swait.ge [sflag:s26], $0x80  }
0x349: {  	v5 =	vand.u32 $0x7FFFFFFF, v5;
	v12 =	vsub.f32 v32, v24;
	[sflag:s26] =	ssyncset.done $0x0;
	v32 =	vld [tilespmem:$0x1F220]  }
0x34a: {  	v4 =	vadd.f32 v5, v4;
	v29 =	vsub.f32 v34, v23;
	v34 =	vld [tilespmem:$0x1F230];
	[sflag:s26] =	ssyncadd.s32 $0xFFFFFF80  }
0x34b: {  	v8 =	vand.u32 $0x7FFFFFFF, v8;
	v13 =	vand.u32 $0x7FFFFFFF, v10;
	[tilespmem:s30], [sflag:$0x1] =	stream.linear.gather [hbm4b:s13+s6], $0x80, $0x38;
	v10 =	vsub.f32 v21, v19;
	v19 =	vld [tilespmem:$0x1F240]  }
0x34c: {  	v4 =	vadd.f32 v8, v4;
	v21 =	vld [tilespmem:$0x1F250];
	_ =	swait.ge [sflag:s26], $0x80  }
0x34d: {  	v24 =	vand.u32 $0x7FFFFFFF, v12;
	v5 =	vand.u32 $0x7FFFFFFF, v18;
	v18 =	vsub.f32 v37, v28;
	[sflag:s26] =	ssyncset.done $0x0;
	v28 =	vld [tilespmem:$0x1F260]  }
0x34e: {  	v3 =	vadd.f32 v24, v3;
	v8 =	vand.u32 $0x7FFFFFFF, v29;
	v4 =	vadd.f32 v5, v4;
	v29 =	vld [tilespmem:$0x1F270];
	[sflag:s26] =	ssyncadd.s32 $0xFFFFFF80  }
0x34f: {  	v24 =	vsub.f32 v39, v33;
	v33 =	vsub.f32 v44, v36;
	v36 =	vld [tilespmem:$0x1F290];
	[tilespmem:s31], [sflag:$0x1] =	stream.linear.gather [hbm4b:s14+s6], $0x80, $0x38  }
0x350: {  	v4 =	vadd.f32 v8, v4;
	v12 =	vsub.f32 v34, v32;
	v34 =	vld [tilespmem:$0x1F280];
	_ =	swait.ge [sflag:s26], $0x80  }
0x351: {  	v5 =	vand.u32 $0x7FFFFFFF, v18;
	v44 =	vld [tilespmem:$0x1F2A0]  }
0x352: {  	v39 =	vsub.f32 v48, v38;
	v4 =	vadd.f32 v5, v4;
	v48 =	vld [tilespmem:$0x1F2B0]  }
0x353: {  	v14 =	vand.u32 $0x7FFFFFFF, v10;
	v23 =	vand.u32 $0x7FFFFFFF, v12;
	v10 =	vsub.f32 v21, v19;
	v21 =	vld [tilespmem:$0x1F2C0]  }
0x354: {  	v8 =	vand.u32 $0x7FFFFFFF, v24;
	v3 =	vadd.f32 v23, v3;
	v23 =	vld [tilespmem:$0x1F2D0]  }
0x355: {  	v4 =	vadd.f32 v8, v4;
	v8 =	vand.u32 $0x7FFFFFFF, v39;
	v39 =	vld [tilespmem:$0x1F320]  }
0x356: {  	v38 =	vsub.f32 v40, v11;
	v40 =	vld [tilespmem:$0x1F330]  }
0x357: {  	v18 =	vsub.f32 v55, v42;
	v42 =	vld [tilespmem:$0x1F340]  }
0x358: {  	[sflag:s26] =	ssyncset.done $0x0;
	v12 =	vsub.f32 v29, v28;
	v28 =	vld [tilespmem:$0x1F2E0]  }
0x359: {  	v1 =	vadd.f32 v13, v1;
	[sflag:s26] =	ssyncadd.s32 $0xFFFFFF80;
	v29 =	vld [tilespmem:$0x1F2F0]  }
0x35a: {  	v19 =	vld [tilespmem:$0x10000]  }
0x35b: {  	v1 =	vadd.f32 v14, v1;
	v32 =	vand.u32 $0x7FFFFFFF, v10;
	v10 =	vsub.f32 v36, v34;
	v34 =	vld [tilespmem:$0x1F310]  }
0x35c: {  	v5 =	vand.u32 $0x7FFFFFFF, v33;
	v36 =	vld [tilespmem:$0x10010]  }
0x35d: {  	v4 =	vadd.f32 v5, v4;
	v1 =	vadd.f32 v32, v1;
	v32 =	vld [tilespmem:$0x1F300]  }
0x35e: {  	v37 =	vand.u32 $0x7FFFFFFF, v12;
	v12 =	vsub.f32 v48, v44;
	v44 =	vld [tilespmem:$0x1F350]  }
0x35f: {  	v4 =	vadd.f32 v8, v4;
	v48 =	vld [tilespmem:$0x10020]  }
0x360: {  	v5 =	vand.u32 $0x7FFFFFFF, v18;
	v11 =	vsub.f32 v40, v39;
	v39 =	vld [tilespmem:$0x1F380]  }
0x361: {  	v4 =	vadd.f32 v5, v4;
	v3 =	vadd.f32 v37, v3;
	v40 =	vld [tilespmem:$0x1F390]  }
0x362: {  	v14 =	vand.u32 $0x7FFFFFFF, v10;
	v13 =	vsub.f32 v23, v21;
	v23 =	vsub.f32 v46, v25;
	v46 =	vld [tilespmem:$0x1F3A0]  }
0x363: {  	v1 =	vadd.f32 v14, v1;
	v8 =	vsub.f32 v28, v47;
	v28 =	vld [tilespmem:$0x1F360]  }
0x364: {  	v47 =	vsub.f32 v43, v17;
	v24 =	vand.u32 $0x7FFFFFFF, v12;
	v12 =	vsub.f32 v32, v29;
	v29 =	vld [tilespmem:$0x1F370]  }
0x365: {  	v33 =	vand.u32 $0x7FFFFFFF, v13;
	v5 =	vsub.f32 v34, v51;
	v10 =	vadd.s32 $0x4000, v19;
	v32 =	vld [tilespmem:$0x10030]  }
0x366: {  	v1 =	vadd.f32 v33, v1;
	v8 =	vand.u32 $0x7FFFFFFF, v8;
	v33 =	vsub.f32 v49, v30;
	v49 =	vld [tilespmem:$0x1F3B0]  }
0x367: {  	v4 =	vadd.f32 v8, v4;
	v8 =	vand.u32 $0x7FFFFFFF, v38;
	v38 =	vsub.f32 v53, v35;
	v53 =	vld [tilespmem:$0x1F3D0]  }
0x368: {  	v3 =	vadd.f32 v24, v3;
	v37 =	vand.u32 $0x7FFFFFFF, v12;
	v12 =	vand.u32 $0x7FFFFFFF, v47;
	v47 =	vld [tilespmem:$0x10060]  }
0x369: {  	v55 =	vadd.s32 $0x4000, v36;
	v36 =	vadd.s32 $0x4000, v48;
	v48 =	vld [tilespmem:$0x10070]  }
0x36a: {  	v5 =	vand.u32 $0x7FFFFFFF, v5;
	v3 =	vadd.f32 v37, v3;
	v37 =	vld [tilespmem:$0x10040]  }
0x36b: {  	v4 =	vadd.f32 v5, v4;
	v5 =	vsub.f32 v44, v42;
	v42 =	vld [tilespmem:$0x10050]  }
0x36c: {  	v24 =	vld.idx.msk [tilespmem:v10+s6+$0x0], $0xffff  }
0x36d: {  	v25 =	vld.idx.msk [tilespmem:v10+s28+$0x0], $0xffff  }
0x36e: {  	v14 =	vsub.f32 v40, v39;
	v21 =	vld.idx.msk [tilespmem:v55+s6+$0x0], $0xffff  }
0x36f: {  	v51 =	vand.u32 $0x7FFFFFFF, v11;
	v13 =	vsub.f32 v29, v28;
	v5 =	vand.u32 $0x7FFFFFFF, v5;
	v28 =	vld.idx.msk [tilespmem:v36+s6+$0x0], $0xffff  }
0x370: {  	v1 =	vadd.f32 v51, v1;
	v14 =	vand.u32 $0x7FFFFFFF, v14;
	v3 =	vadd.f32 v5, v3;
	v29 =	vld.idx.msk [tilespmem:v36+s28+$0x0], $0xffff  }
0x371: {  	v4 =	vadd.f32 v8, v4;
	v44 =	vadd.s32 $0x4000, v32;
	v36 =	vadd.s32 $0x4000, v47;
	v47 =	vld [tilespmem:$0x1F440]  }
0x372: {  	v3 =	vadd.f32 v14, v3;
	v14 =	vsub.f32 v49, v52;
	v52 =	vld [tilespmem:$0x1F3C0]  }
0x373: {  	v4 =	vadd.f32 v12, v4;
	v34 =	vand.u32 $0x7FFFFFFF, v13;
	v13 =	vadd.s32 $0x4000, v37;
	v37 =	vld [tilespmem:$0x1F3F0]  }
0x374: {  	v8 =	vand.u32 $0x7FFFFFFF, v23;
	v49 =	vld [tilespmem:$0x1F450]  }
0x375: {  	v4 =	vadd.f32 v8, v4;
	v8 =	vadd.f32 v34, v1;
	v1 =	vand.u32 $0x7FFFFFFF, v38;
	v38 =	vld [tilespmem:$0x1F400]  }
0x376: {  	v17 =	vld.idx.msk [tilespmem:v44+s6+$0x0], $0xffff  }
0x377: {  	v35 =	vld.idx.msk [tilespmem:v44+s28+$0x0], $0xffff  }
0x378: {  	v5 =	vand.u32 $0x7FFFFFFF, v33;
	v51 =	vadd.s32 $0x4000, v42;
	v44 =	vld [tilespmem:$0x1F410]  }
0x379: {  	v5 =	vadd.f32 v5, v4;
	v4 =	vld.idx.msk [tilespmem:v55+s28+$0x0], $0xffff  }
0x37a: {  	v55 =	vld [tilespmem:$0x1F3E0]  }
0x37b: {  	v10 =	vld.idx.msk [tilespmem:v36+s6+$0x0], $0xffff  }
0x37c: {  	v43 =	vsub.f32 v63, v41;
	v42 =	vadd.s32 $0x4000, v48;
	v41 =	vld.idx.msk [tilespmem:v13+s28+$0x0], $0xffff  }
0x37d: {  	v12 =	vld.idx.msk [tilespmem:v51+s6+$0x0], $0xffff  }
0x37e: {  	v1 =	vadd.f32 v1, v5;
	v5 =	vsub.f32 v46, v45;
	v45 =	vld [tilespmem:$0x1F420]  }
0x37f: {  	v46 =	vld [tilespmem:$0x1F430]  }
0x380: {  	v19 =	vsub.f32 v53, v52;
	v53 =	vld [tilespmem:$0x1F470]  }
0x381: {  	v32 =	vld.idx.msk [tilespmem:v42+s6+$0x0], $0xffff  }
0x382: {  	v11 =	vsub.f32 v37, v38;
	v38 =	vld [tilespmem:$0x1F4B0]  }
0x383: {  	[tilespmem:$0x1FB50] =	vst v35;
	v35 =	vld [tilespmem:$0x100E0]  }
0x384: {  	v48 =	vand.u32 $0x7FFFFFFF, v11;
	v11 =	vld.idx.msk [tilespmem:v51+s28+$0x0], $0xffff  }
0x385: {  	v51 =	vld [tilespmem:$0x1F460]  }
0x386: {  	v39 =	vand.u32 $0x7FFFFFFF, v19;
	v63 =	vsub.f32 v55, v61;
	v55 =	vld [tilespmem:$0x1F480]  }
0x387: {  	v18 =	vand.u32 $0x7FFFFFFF, v43;
	v43 =	vadd.f32 v39, v8;
	v39 =	vld [tilespmem:$0x1F4C0]  }
0x388: {  	v40 =	vand.u32 $0x7FFFFFFF, v63;
	v63 =	vld [tilespmem:$0x1F490]  }
0x389: {  	v19 =	vsub.f32 v46, v47;
	v47 =	vld [tilespmem:$0x10080]  }
0x38a: {  	v1 =	vadd.f32 v18, v1;
	[tilespmem:$0x1FB80] =	vst v41;
	v41 =	vld [tilespmem:$0x1F4D0]  }
0x38b: {  	v5 =	vand.u32 $0x7FFFFFFF, v5;
	v46 =	vld [tilespmem:$0x10100]  }
0x38c: {  	v5 =	vadd.f32 v5, v1;
	v8 =	vsub.f32 v45, v44;
	v44 =	vld [tilespmem:$0x1F4F0]  }
0x38d: {  	v14 =	vand.u32 $0x7FFFFFFF, v14;
	v45 =	vld [tilespmem:$0x1F500]  }
0x38e: {  	v5 =	vadd.f32 v14, v5;
	v14 =	vld.idx.msk [tilespmem:v13+s6+$0x0], $0xffff  }
0x38f: {  	v61 =	vand.u32 $0x7FFFFFFF, v8;
	v8 =	vld.idx.msk [tilespmem:v36+s28+$0x0], $0xffff  }
0x390: {  	v36 =	vld.idx.msk [tilespmem:v42+s28+$0x0], $0xffff  }
0x391: {  	v42 =	vld [tilespmem:$0x1F4E0]  }
0x392: {  	v52 =	vsub.f32 v51, v49;
	v49 =	vld [tilespmem:$0x1F510]  }
0x393: {  	v51 =	vld [tilespmem:$0x1F520]  }
0x394: {  	v5 =	vadd.f32 v40, v5;
	v23 =	vsub.f32 v53, v55;
	v53 =	vld [tilespmem:$0x1F530]  }
0x395: {  	v55 =	vld [tilespmem:$0x1F540]  }
0x396: {  	v40 =	vsub.f32 v39, v38;
	v39 =	vld [tilespmem:$0x100C0];
	v5 =	vadd.f32 v48, v5  }
0x397: {  	v19 =	vand.u32 $0x7FFFFFFF, v19;
	v38 =	vld [tilespmem:$0x10140]  }
0x398: {  	v5 =	vadd.f32 v19, v5;
	v19 =	vld [tilespmem:$0x1F4A0]  }
0x399: {  	v48 =	vsub.f32 v45, v44;
	v45 =	vld [tilespmem:$0x10090]  }
0x39a: {  	v34 =	vadd.f32 v61, v3;
	v44 =	vld [tilespmem:$0x10110]  }
0x39b: {  	v33 =	vand.u32 $0x7FFFFFFF, v52;
	v18 =	vand.u32 $0x7FFFFFFF, v40;
	v40 =	vld [tilespmem:$0x10130]  }
0x39c: {  	v37 =	vadd.f32 v33, v43;
	v18 =	vadd.f32 v18, v34;
	v34 =	vld [tilespmem:$0x10160]  }
0x39d: {  	v23 =	vand.u32 $0x7FFFFFFF, v23;
	v43 =	vsub.f32 v41, v42;
	v42 =	vld [tilespmem:$0x10120];
	v30 =	vsub.f32 v63, v19  }
0x39e: {  	v33 =	vand.u32 $0x7FFFFFFF, v48;
	v48 =	vld [tilespmem:$0x1F570];
	v5 =	vadd.f32 v23, v5  }
0x39f: {  	v41 =	vld [tilespmem:$0x100B0];
	v19 =	vand.u32 $0x7FFFFFFF, v30  }
0x3a0: {  	v52 =	vsub.f32 v49, v51;
	v51 =	vld [tilespmem:$0x1F590];
	v5 =	vadd.f32 v19, v5  }
0x3a1: {  	v61 =	vsub.f32 v53, v55;
	v53 =	vld [tilespmem:$0x1F5A0];
	v23 =	vand.u32 $0x7FFFFFFF, v43  }
0x3a2: {  	v63 =	vld [tilespmem:$0x1F550];
	v5 =	vadd.f32 v23, v5  }
0x3a3: {  	v49 =	vsub.f32 v48, v50;
	v50 =	vld [tilespmem:$0x1F580];
	v19 =	vand.u32 $0x7FFFFFFF, v52  }
0x3a4: {  	v5 =	vadd.f32 v19, v5;
	v19 =	vld [tilespmem:$0x1F560]  }
0x3a5: {  	v55 =	vld [tilespmem:$0x1F5B0]  }
0x3a6: {  	[tilespmem:$0x1FC10] =	vst v36;
	v36 =	vld [tilespmem:$0x10150]  }
0x3a7: {  	v13 =	vadd.f32 v33, v37;
	v37 =	vld [tilespmem:$0x100D0]  }
0x3a8: {  	v43 =	vld [tilespmem:$0x100A0]  }
0x3a9: {  	v52 =	vsub.f32 v51, v50;
	v50 =	vld [tilespmem:$0x1F5E0];
	v30 =	vsub.f32 v19, v63  }
0x3aa: {  	v23 =	vand.u32 $0x7FFFFFFF, v61;
	v61 =	vsub.f32 v53, v55;
	v53 =	vld [tilespmem:$0x1F610]  }
0x3ab: {  	v63 =	vld [tilespmem:$0x1F5C0];
	v19 =	vand.u32 $0x7FFFFFFF, v30  }
0x3ac: {  	v18 =	vadd.f32 v19, v18;
	v19 =	vld [tilespmem:$0x1F5D0]  }
0x3ad: {  	v33 =	vand.u32 $0x7FFFFFFF, v49;
	v49 =	vand.u32 $0x7FFFFFFF, v52;
	v52 =	vld [tilespmem:$0x1F600]  }
0x3ae: {  	v51 =	vld [tilespmem:$0x1F5F0];
	v5 =	vadd.f32 v23, v5  }
0x3af: {  	v23 =	vand.u32 $0x7FFFFFFF, v61;
	v61 =	vld [tilespmem:$0x1F620]  }
0x3b0: {  	v5 =	vadd.f32 v33, v5;
	v33 =	vld [tilespmem:$0x100F0]  }
0x3b1: {  	v30 =	vsub.f32 v63, v19;
	v63 =	vld [tilespmem:$0x1F630]  }
0x3b2: {  	v55 =	vsub.f32 v52, v53;
	v52 =	vld [tilespmem:$0x1F650]  }
0x3b3: {  	v5 =	vadd.f32 v23, v5;
	v23 =	vsub.f32 v51, v50;
	v51 =	vld [tilespmem:$0x1F640]  }
0x3b4: {  	v48 =	vand.u32 $0x7FFFFFFF, v55;
	v55 =	vld [tilespmem:$0x1F660];
	v19 =	vand.u32 $0x7FFFFFFF, v30  }
0x3b5: {  	v19 =	vadd.f32 v19, v5;
	v5 =	vld [tilespmem:$0x10170];
	[tilespmem:s29], [sflag:$0x1] =	stream.linear.gather [hbm4b:s15+s6], $0x80, $0x38  }
0x3b6: {  	v30 =	vsub.f32 v63, v61;
	v61 =	vld [tilespmem:$0x1F670];
	_ =	swait.ge [sflag:s26], $0x80  }
0x3b7: {  	v50 =	vld [tilespmem:$0x1F680]  }
0x3b8: {  	v53 =	vsub.f32 v51, v52;
	v51 =	vld [tilespmem:$0x1F690]  }
0x3b9: {  	v52 =	vld [tilespmem:$0x1F6A0]  }
0x3ba: {  	v3 =	vand.u32 $0x7FFFFFFF, v30;
	v30 =	vand.u32 $0x7FFFFFFF, v53;
	v53 =	vld [tilespmem:$0x1F6B0]  }
0x3bb: {  	v63 =	vsub.f32 v55, v61  }
0x3bc: {  	v23 =	vand.u32 $0x7FFFFFFF, v23;
	[sflag:s26] =	ssyncset.done $0x0;
	v61 =	vld [tilespmem:$0x1F6C0]  }
0x3bd: {  	v18 =	vadd.f32 v23, v18;
	v19 =	vadd.f32 v48, v19;
	[sflag:s26] =	ssyncadd.s32 $0xFFFFFF80;
	v23 =	vand.u32 $0x7FFFFFFF, v63;
	v63 =	vld [tilespmem:$0x1F6D0]  }
0x3be: {  	[tilespmem:s30], [sflag:$0x1] =	stream.linear.gather [hbm4b:s16+s6], $0x80, $0x38;
	v48 =	vsub.f32 v51, v50;
	v51 =	vld [tilespmem:$0x1F6E0]  }
0x3bf: {  	v19 =	vadd.f32 v30, v19;
	v55 =	vsub.f32 v52, v53;
	v52 =	vld [tilespmem:$0x1F6F0];
	_ =	swait.ge [sflag:s26], $0x80  }
0x3c0: {  	v50 =	vld [tilespmem:$0x1F740]  }
0x3c1: {  	v13 =	vadd.f32 v49, v13;
	v19 =	vadd.f32 v23, v19;
	v49 =	vand.u32 $0x7FFFFFFF, v55;
	v55 =	vld [tilespmem:$0x1F700]  }
0x3c2: {  	[sflag:s26] =	ssyncset.done $0x0;
	v30 =	vsub.f32 v63, v61;
	v61 =	vld [tilespmem:$0x1F710]  }
0x3c3: {  	[sflag:s26] =	ssyncadd.s32 $0xFFFFFF80;
	v19 =	vadd.f32 v49, v19;
	v49 =	vld [tilespmem:$0x1F730]  }
0x3c4: {  	[tilespmem:s31], [sflag:$0x1] =	stream.linear.gather [hbm4b:s17+s6], $0x80, $0x38;
	v53 =	vsub.f32 v51, v52;
	v51 =	vld [tilespmem:$0x1F750]  }
0x3c5: {  	v13 =	vadd.f32 v3, v13;
	v3 =	vand.u32 $0x7FFFFFFF, v30;
	v30 =	vld [tilespmem:$0x1F720];
	_ =	swait.ge [sflag:s26], $0x80  }
0x3c6: {  	v52 =	vld [tilespmem:$0x1F760]  }
0x3c7: {  	v23 =	vand.u32 $0x7FFFFFFF, v53;
	v53 =	vld [tilespmem:$0x1F770];
	v63 =	vsub.f32 v55, v61  }
0x3c8: {  	v48 =	vand.u32 $0x7FFFFFFF, v48;
	v61 =	vld [tilespmem:$0x1F780]  }
0x3c9: {  	v18 =	vadd.f32 v48, v18;
	v48 =	vand.u32 $0x7FFFFFFF, v63;
	v63 =	vld [tilespmem:$0x1F790]  }
0x3ca: {  	v7 =	vsub.f32 v59, v7;
	v59 =	vld [tilespmem:$0x1F8C0]  }
0x3cb: {  	v2 =	vsub.f32 v60, v2;
	v60 =	vld [tilespmem:$0x1F900]  }
0x3cc: {  	v55 =	vsub.f32 v53, v52;
	v52 =	vld [tilespmem:$0x1F7C0]  }
0x3cd: {  	v19 =	vadd.f32 v23, v19;
	v53 =	vld [tilespmem:$0x1F7D0]  }
0x3ce: {  	v23 =	vsub.f32 v49, v30;
	v30 =	vsub.f32 v61, v63;
	v61 =	vld [tilespmem:$0x1F7E0]  }
0x3cf: {  	[sflag:s26] =	ssyncset.done $0x0;
	v49 =	vsub.f32 v50, v51;
	v63 =	vld [tilespmem:$0x1F7F0]  }
0x3d0: {  	[sflag:s26] =	ssyncadd.s32 $0xFFFFFF80;
	v51 =	vld [tilespmem:$0x1F7B0];
	v19 =	vadd.f32 v48, v19;
	v23 =	vand.u32 $0x7FFFFFFF, v23  }
0x3d1: {  	v49 =	vand.u32 $0x7FFFFFFF, v49;
	v18 =	vadd.f32 v23, v18;
	v23 =	vld [tilespmem:$0x10000]  }
0x3d2: {  	v19 =	vadd.f32 v49, v19;
	v49 =	vld [tilespmem:$0x1F7A0]  }
0x3d3: {  	v50 =	vand.u32 $0x7FFFFFFF, v55;
	v55 =	vsub.f32 v53, v52;
	v52 =	vld [tilespmem:$0x1F810]  }
0x3d4: {  	v48 =	vand.u32 $0x7FFFFFFF, v30;
	v30 =	vsub.f32 v61, v63;
	v61 =	vld [tilespmem:$0x1F840]  }
0x3d5: {  	v63 =	vld [tilespmem:$0x1F850]  }
0x3d6: {  	v53 =	vld [tilespmem:$0x1F820]  }
0x3d7: {  	v13 =	vadd.f32 v3, v13;
	v49 =	vsub.f32 v49, v51;
	v51 =	vld [tilespmem:$0x1F800]  }
0x3d8: {  	v19 =	vadd.f32 v48, v19;
	v48 =	vand.u32 $0x7FFFFFFF, v55;
	v55 =	vld [tilespmem:$0x1F830]  }
0x3d9: {  	v15 =	vsub.f32 v62, v15;
	v62 =	vld [tilespmem:$0x1F920];
	v13 =	vadd.f32 v50, v13  }
0x3da: {  	v49 =	vand.u32 $0x7FFFFFFF, v49;
	v50 =	vand.u32 $0x7FFFFFFF, v30;
	v30 =	vsub.f32 v61, v63;
	v61 =	vld [tilespmem:$0x1F860]  }
0x3db: {  	v0 =	vsub.f32 v54, v0;
	v23 =	vadd.s32 $0x5000, v23;
	v19 =	vadd.f32 v49, v19;
	v63 =	vld [tilespmem:$0x1F870]  }
0x3dc: {  	v54 =	vld [tilespmem:$0x10040];
	v18 =	vadd.f32 v48, v18;
	v49 =	vsub.f32 v51, v52  }
0x3dd: {  	v19 =	vadd.f32 v50, v19;
	v48 =	vsub.f32 v55, v53;
	v53 =	vld [tilespmem:$0x10020]  }
0x3de: {  	v16 =	vsub.f32 v58, v16;
	v58 =	vld [tilespmem:$0x10060];
	v49 =	vand.u32 $0x7FFFFFFF, v49  }
0x3df: {  	v55 =	vld [tilespmem:$0x1F880];
	v19 =	vadd.f32 v49, v19  }
0x3e0: {  	v50 =	vld.idx.msk [tilespmem:v23+s28+$0x0], $0xffff;
	v30 =	vand.u32 $0x7FFFFFFF, v30;
	v52 =	vsub.f32 v61, v63  }
0x3e1: {  	v48 =	vand.u32 $0x7FFFFFFF, v48;
	v19 =	vadd.f32 v30, v19;
	v61 =	vld [tilespmem:$0x1F890]  }
0x3e2: {  	v13 =	vadd.f32 v48, v13;
	v49 =	vld.idx.msk [tilespmem:v23+s6+$0x0], $0xffff;
	v48 =	vadd.s32 $0x5000, v53;
	v1 =	vand.u32 $0x7FFFFFFF, v52  }
0x3e3: {  	v52 =	vld [tilespmem:$0x10030];
	v19 =	vadd.f32 v1, v19  }
0x3e4: {  	v7 =	vand.u32 $0x7FFFFFFF, v7;
	v23 =	vld [tilespmem:$0x1F8B0]  }
0x3e5: {  	v7 =	vadd.f32 v7, v19;
	v19 =	vld [tilespmem:$0x1F8A0]  }
0x3e6: {  	v0 =	vand.u32 $0x7FFFFFFF, v0;
	v63 =	vsub.f32 v61, v55;
	v61 =	vld [tilespmem:$0x1F8D0]  }
0x3e7: {  	v55 =	vld.idx.msk [tilespmem:v48+s28+$0x0], $0xffff;
	v0 =	vadd.f32 v0, v7  }
0x3e8: {  	v16 =	vand.u32 $0x7FFFFFFF, v16;
	v7 =	vadd.s32 $0x5000, v52;
	v52 =	vld [tilespmem:$0x1F8F0]  }
0x3e9: {  	v0 =	vadd.f32 v16, v0;
	v16 =	vadd.s32 $0x5000, v54;
	v54 =	vld.idx.msk [tilespmem:v48+s6+$0x0], $0xffff  }
0x3ea: {  	v48 =	vld [tilespmem:$0x1F8E0]  }
0x3eb: {  	v2 =	vand.u32 $0x7FFFFFFF, v2;
	v30 =	vsub.f32 v23, v19;
	v23 =	vld [tilespmem:$0x10050]  }
0x3ec: {  	v3 =	vand.u32 $0x7FFFFFFF, v63;
	v63 =	vsub.f32 v61, v59;
	v59 =	vld [tilespmem:$0x10070];
	v0 =	vadd.f32 v2, v0  }
0x3ed: {  	v15 =	vand.u32 $0x7FFFFFFF, v15;
	v18 =	vadd.f32 v3, v18;
	v61 =	vld [tilespmem:$0x1F910];
	v19 =	vand.u32 $0x7FFFFFFF, v30  }
0x3ee: {  	v30 =	vand.u32 $0x7FFFFFFF, v63;
	v13 =	vadd.f32 v19, v13;
	v0 =	vadd.f32 v15, v0;
	v15 =	vld [tilespmem:$0x1F930]  }
0x3ef: {  	v19 =	vadd.f32 v30, v18;
	v18 =	vsub.f32 v52, v48;
	v52 =	vld.idx.msk [tilespmem:v7+s6+$0x0], $0xffff  }
0x3f0: {  	v48 =	vld.idx.msk [tilespmem:v7+s28+$0x0], $0xffff  }
0x3f1: {  	v2 =	vadd.s32 $0x5000, v23;
	v23 =	vld [tilespmem:$0x1F960];
	v18 =	vand.u32 $0x7FFFFFFF, v18  }
0x3f2: {  	v9 =	vsub.f32 v60, v9;
	v7 =	vadd.s32 $0x5000, v58;
	v58 =	vadd.f32 v18, v13;
	v18 =	vld.idx.msk [tilespmem:v16+s28+$0x0], $0xffff  }
0x3f3: {  	v63 =	vsub.f32 v62, v61;
	v30 =	vsub.f32 v15, v20;
	v20 =	vld.idx.msk [tilespmem:v16+s6+$0x0], $0xffff  }
0x3f4: {  	v16 =	vadd.s32 $0x5000, v59;
	v59 =	vld [tilespmem:$0x1F940]  }
0x3f5: {  	v9 =	vand.u32 $0x7FFFFFFF, v9;
	v61 =	vand.u32 $0x7FFFFFFF, v63;
	v63 =	vld [tilespmem:$0x1F950]  }
0x3f6: {  	v0 =	vadd.f32 v9, v0;
	v15 =	vld.idx.msk [tilespmem:v2+s6+$0x0], $0xffff  }
0x3f7: {  	v62 =	vand.u32 $0x7FFFFFFF, v30;
	v13 =	vld.idx.msk [tilespmem:v2+s28+$0x0], $0xffff  }
0x3f8: {  	v0 =	vadd.f32 v62, v0;
	v62 =	vld [tilespmem:$0x1F9A0]  }
0x3f9: {  	v60 =	vsub.f32 v59, v26;
	v26 =	vld [tilespmem:$0x1F970]  }
0x3fa: {  	v59 =	vld [tilespmem:$0x1F980]  }
0x3fb: {  	v30 =	vand.u32 $0x7FFFFFFF, v60;
	v60 =	vld [tilespmem:$0x1F990]  }
0x3fc: {  	v0 =	vadd.f32 v30, v0;
	v30 =	vld.idx.msk [tilespmem:v16+s6+$0x0], $0xffff  }
0x3fd: {  	v2 =	vsub.f32 v23, v63;
	v63 =	vsub.f32 v62, v6;
	v6 =	vld.idx.msk [tilespmem:v16+s28+$0x0], $0xffff  }
0x3fe: {  	v16 =	vld [tilespmem:$0x1F9B0];
	_ =	sdelay $0x2  }
0x3ff: {  	v22 =	vsub.f32 v26, v22  }
0x400: {  	v51 =	vld [tilespmem:$0x10010];
	v19 =	vadd.f32 v61, v19  }
0x401: {  	v61 =	vsub.f32 v60, v59;
	v22 =	vand.u32 $0x7FFFFFFF, v22;
	v16 =	vsub.f32 v16, v31;
	v31 =	vld [tilespmem:$0x1F9E0]  }
0x402: {  	v22 =	vadd.f32 v22, v0  }
0x403: {  	v23 =	vand.u32 $0x7FFFFFFF, v63;
	v26 =	vand.u32 $0x7FFFFFFF, v61;
	v61 =	vld [tilespmem:$0x1F9F0]  }
0x404: {  	v22 =	vadd.f32 v23, v22;
	v23 =	vld [tilespmem:$0x1F9C0]  }
0x405: {  	v19 =	vadd.f32 v26, v19;
	v26 =	vld [tilespmem:$0x1F9D0]  }
0x406: {  	v51 =	vadd.s32 $0x5000, v51;
	v59 =	vsub.f32 v31, v56;
	v31 =	vld [tilespmem:$0x1FA00]  }
0x407: {  	v56 =	vld [tilespmem:$0x1FA10];
	_ =	sdelay $0x1  }
0x408: {  	v25 =	vsub.f32 v25, v46;
	v46 =	vld [tilespmem:$0x1FAE0];
	v3 =	vand.u32 $0x7FFFFFFF, v2  }
0x409: {  	v24 =	vsub.f32 v24, v47;
	v47 =	vld [tilespmem:$0x10160];
	v58 =	vadd.f32 v3, v58  }
0x40a: {  	v53 =	vld.idx.msk [tilespmem:v51+s6+$0x0], $0xffff;
	v16 =	vand.u32 $0x7FFFFFFF, v16;
	v23 =	vsub.f32 v26, v23;
	v31 =	vsub.f32 v31, v61  }
0x40b: {  	v16 =	vadd.f32 v16, v22;
	v22 =	vsub.f32 v56, v27;
	v27 =	vld [tilespmem:$0x1FA30]  }
0x40c: {  	v23 =	vand.u32 $0x7FFFFFFF, v23;
	v2 =	vand.u32 $0x7FFFFFFF, v31;
	v31 =	vld [tilespmem:$0x1FA40]  }
0x40d: {  	v23 =	vadd.f32 v23, v58;
	v58 =	vld [tilespmem:$0x1FA20]  }
0x40e: {  	v51 =	vld.idx.msk [tilespmem:v51+s28+$0x0], $0xffff;
	v26 =	vand.u32 $0x7FFFFFFF, v59  }
0x40f: {  	v9 =	vld.idx.msk [tilespmem:v7+s6+$0x0], $0xffff;
	v16 =	vadd.f32 v26, v16  }
0x410: {  	v0 =	vld [tilespmem:$0x1FA70];
	v22 =	vand.u32 $0x7FFFFFFF, v22  }
0x411: {  	v16 =	vadd.f32 v22, v16;
	v22 =	vsub.f32 v31, v27;
	v31 =	vld [tilespmem:$0x1FA80]  }
0x412: {  	v7 =	vld.idx.msk [tilespmem:v7+s28+$0x0], $0xffff;
	v26 =	vsub.f32 v58, v57  }
0x413: {  	v56 =	vld [tilespmem:$0x1FA50]  }
0x414: {  	v27 =	vld [tilespmem:$0x1FA60];
	v26 =	vand.u32 $0x7FFFFFFF, v26  }
0x415: {  	v16 =	vadd.f32 v26, v16;
	v26 =	vld [tilespmem:$0x1FAA0]  }
0x416: {  	v1 =	vsub.f32 v31, v0;
	v0 =	vld [tilespmem:$0x1FA90]  }
0x417: {  	v3 =	vld [tilespmem:$0x10080]  }
0x418: {  	v62 =	vld [tilespmem:$0x10090]  }
0x419: {  	v63 =	vld [tilespmem:$0x10100];
	v27 =	vsub.f32 v56, v27  }
0x41a: {  	v60 =	vld [tilespmem:$0x100A0]  }
0x41b: {  	v59 =	vld [tilespmem:$0x10120];
	v19 =	vadd.f32 v2, v19;
	v2 =	vand.u32 $0x7FFFFFFF, v27;
	v0 =	vsub.f32 v0, v26  }
0x41c: {  	v61 =	vld [tilespmem:$0x10110];
	v1 =	vand.u32 $0x7FFFFFFF, v1;
	v16 =	vadd.f32 v2, v16  }
0x41d: {  	v2 =	vadd.f32 v1, v19;
	v1 =	vld [tilespmem:$0x1FAB0];
	v0 =	vand.u32 $0x7FFFFFFF, v0  }
0x41e: {  	v0 =	vadd.f32 v0, v16;
	v16 =	vld [tilespmem:$0x1FAC0]  }
0x41f: {  	v58 =	vld [tilespmem:$0x100B0]  }
0x420: {  	v57 =	vld [tilespmem:$0x10130];
	v22 =	vand.u32 $0x7FFFFFFF, v22  }
0x421: {  	v22 =	vadd.f32 v22, v23;
	v23 =	vld [tilespmem:$0x100E0]  }
0x422: {  	v56 =	vld [tilespmem:$0x100C0]  }
0x423: {  	v16 =	vsub.f32 v16, v1;
	v1 =	vld [tilespmem:$0x1FAD0]  }
0x424: {  	v31 =	vld [tilespmem:$0x10140]  }
0x425: {  	v27 =	vld [tilespmem:$0x100D0]  }
0x426: {  	v19 =	vld [tilespmem:$0x100F0]  }
0x427: {  	v26 =	vld [tilespmem:$0x10150]  }
0x428: {  	v1 =	vsub.f32 v46, v1;
	v46 =	vld [tilespmem:$0x10170];
	[tilespmem:s29], [sflag:$0x1] =	stream.linear.gather [hbm4b:s18+s6], $0x80, $0x38  }
0x429: {  	v24 =	vand.u32 $0x7FFFFFFF, v24;
	_ =	swait.ge [sflag:s26], $0x80  }
0x42a: {  	v0 =	vadd.f32 v24, v0;
	[sflag:s26] =	ssyncset.done $0x0;
	v24 =	vld [tilespmem:$0x1FAF0]  }
0x42b: {  	v21 =	vsub.f32 v21, v45;
	v45 =	vand.u32 $0x7FFFFFFF, v25;
	v25 =	vld [tilespmem:$0x1FB00];
	[sflag:s26] =	ssyncadd.s32 $0xFFFFFF80  }
0x42c: {  	v28 =	vsub.f32 v28, v43;
	v43 =	vld [tilespmem:$0x1FB10];
	[tilespmem:s30], [sflag:$0x1] =	stream.linear.gather [hbm4b:s19+s6], $0x80, $0x38  }
0x42d: {  	v4 =	vsub.f32 v4, v44;
	v44 =	vld [tilespmem:$0x1FB20];
	_ =	swait.ge [sflag:s26], $0x80  }
0x42e: {  	[sflag:s26] =	ssyncset.done $0x0  }
0x42f: {  	[sflag:s26] =	ssyncadd.s32 $0xFFFFFF80  }
0x430: {  	v0 =	vadd.f32 v45, v0;
	[tilespmem:s31], [sflag:$0x1] =	stream.linear.gather [hbm4b:s20+s6], $0x80, $0x38;
	[tilespmem:$0x10200] =	vst v63  }
0x431: {  	v21 =	vand.u32 $0x7FFFFFFF, v21;
	_ =	swait.ge [sflag:s26], $0x80  }
0x432: {  	v0 =	vadd.f32 v21, v0;
	v21 =	vand.u32 $0x7FFFFFFF, v28;
	v1 =	vand.u32 $0x7FFFFFFF, v1;
	v28 =	vld [tilespmem:$0x1FB30]  }
0x433: {  	v45 =	vsub.f32 v29, v42;
	v1 =	vadd.f32 v1, v2;
	v29 =	vld [tilespmem:$0x1FB40]  }
0x434: {  	v16 =	vand.u32 $0x7FFFFFFF, v16;
	v2 =	vsub.f32 v25, v24;
	v24 =	vsub.f32 v17, v41;
	v41 =	vld [tilespmem:$0x1FB50]  }
0x435: {  	v16 =	vadd.f32 v16, v22;
	v22 =	vsub.f32 v44, v43;
	v42 =	vld [tilespmem:$0x1FB60]  }
0x436: {  	v43 =	vld [tilespmem:$0x1FB70]  }
0x437: {  	v4 =	vand.u32 $0x7FFFFFFF, v4;
	v2 =	vand.u32 $0x7FFFFFFF, v2;
	v25 =	vand.u32 $0x7FFFFFFF, v22;
	v22 =	vld [tilespmem:$0x1FB90]  }
0x438: {  	v0 =	vadd.f32 v4, v0;
	v2 =	vadd.f32 v2, v16;
	v16 =	vand.u32 $0x7FFFFFFF, v24;
	v24 =	vld [tilespmem:$0x1FBA0]  }
0x439: {  	v10 =	vsub.f32 v10, v35;
	v3 =	vsub.f32 v49, v3;
	v35 =	vld [tilespmem:$0x1FC10]  }
0x43a: {  	v49 =	vsub.f32 v51, v61;
	v0 =	vadd.f32 v21, v0;
	v51 =	vld [tilespmem:$0x1FC40]  }
0x43b: {  	v54 =	vsub.f32 v54, v60;
	v4 =	vand.u32 $0x7FFFFFFF, v45;
	v60 =	vld [tilespmem:$0x1FC60]  }
0x43c: {  	v0 =	vadd.f32 v4, v0;
	v61 =	vld [tilespmem:$0x1FC70]  }
0x43d: {  	v20 =	vsub.f32 v20, v56;
	[sflag:s26] =	ssyncset.done $0x0;
	v56 =	vld [tilespmem:$0x1FCD0]  }
0x43e: {  	v0 =	vadd.f32 v16, v0;
	[sflag:s26] =	ssyncadd.s32 $0xFFFFFF80;
	v16 =	vld [tilespmem:$0x1FB80]  }
0x43f: {  	v45 =	vld [tilespmem:$0x10000]  }
0x440: {  	v1 =	vadd.f32 v25, v1;
	v25 =	vld [tilespmem:$0x10010]  }
0x441: {  	v14 =	vsub.f32 v14, v39;
	v39 =	vld [tilespmem:$0x10020]  }
0x442: {  	v8 =	vsub.f32 v8, v34;
	v34 =	vld [tilespmem:$0x10040]  }
0x443: {  	v13 =	vsub.f32 v13, v26;
	v26 =	vld [tilespmem:$0x10130]  }
0x444: {  	v19 =	vsub.f32 v30, v19;
	v30 =	vld [tilespmem:$0x10160]  }
0x445: {  	v4 =	vsub.f32 v29, v28;
	v28 =	vld [tilespmem:$0x1FBB0]  }
0x446: {  	v29 =	vld [tilespmem:$0x1FBC0]  }
0x447: {  	v17 =	vsub.f32 v41, v40;
	v41 =	vld [tilespmem:$0x1FBD0]  }
0x448: {  	v21 =	vsub.f32 v43, v42;
	v42 =	vld [tilespmem:$0x1FBE0]  }
0x449: {  	v12 =	vsub.f32 v12, v37;
	v43 =	vld [tilespmem:$0x1FBF0];
	v37 =	vadd.s32 $0x6000, v45  }
0x44a: {  	v32 =	vsub.f32 v32, v33;
	v44 =	vand.u32 $0x7FFFFFFF, v17;
	v45 =	vld [tilespmem:$0x10030]  }
0x44b: {  	v40 =	vadd.s32 $0x6000, v25;
	v33 =	vadd.s32 $0x6000, v39;
	v39 =	vld [tilespmem:$0x1FC20];
	v0 =	vadd.f32 v44, v0  }
0x44c: {  	v14 =	vand.u32 $0x7FFFFFFF, v14;
	v44 =	vld [tilespmem:$0x1FC00]  }
0x44d: {  	v0 =	vadd.f32 v14, v0;
	v14 =	vsub.f32 v24, v22;
	v22 =	vand.u32 $0x7FFFFFFF, v49;
	v49 =	vld [tilespmem:$0x10080]  }
0x44e: {  	v21 =	vand.u32 $0x7FFFFFFF, v21;
	v17 =	vld.idx.msk [tilespmem:v37+s6+$0x0], $0xffff  }
0x44f: {  	v4 =	vand.u32 $0x7FFFFFFF, v4;
	v1 =	vadd.f32 v21, v1;
	v21 =	vsub.f32 v29, v28;
	v24 =	vld.idx.msk [tilespmem:v37+s28+$0x0], $0xffff  }
0x450: {  	v2 =	vadd.f32 v4, v2;
	v4 =	vsub.f32 v16, v38;
	v28 =	vld.idx.msk [tilespmem:v40+s6+$0x0], $0xffff  }
0x451: {  	v38 =	vand.u32 $0x7FFFFFFF, v21;
	v21 =	vld.idx.msk [tilespmem:v40+s28+$0x0], $0xffff  }
0x452: {  	v4 =	vand.u32 $0x7FFFFFFF, v4;
	v40 =	vld [tilespmem:$0x1FC30]  }
0x453: {  	v0 =	vadd.f32 v4, v0;
	v29 =	vld.idx.msk [tilespmem:v33+s6+$0x0], $0xffff  }
0x454: {  	v11 =	vsub.f32 v11, v36;
	v12 =	vand.u32 $0x7FFFFFFF, v12;
	v25 =	vld.idx.msk [tilespmem:v33+s28+$0x0], $0xffff  }
0x455: {  	v33 =	vsub.f32 v61, v60;
	v61 =	vld [tilespmem:$0x1FD00];
	v0 =	vadd.f32 v12, v0  }
0x456: {  	v11 =	vand.u32 $0x7FFFFFFF, v11;
	v5 =	vsub.f32 v35, v5;
	v1 =	vadd.f32 v38, v1;
	v38 =	vld [tilespmem:$0x10050]  }
0x457: {  	v16 =	vsub.f32 v44, v43;
	v44 =	vld [tilespmem:$0x10070];
	v0 =	vadd.f32 v11, v0  }
0x458: {  	v10 =	vand.u32 $0x7FFFFFFF, v10;
	v8 =	vand.u32 $0x7FFFFFFF, v8;
	v43 =	vsub.f32 v53, v62;
	v53 =	vld [tilespmem:$0x1FC50]  }
0x459: {  	v5 =	vand.u32 $0x7FFFFFFF, v5;
	v62 =	vsub.f32 v55, v59;
	v55 =	vld [tilespmem:$0x1FCC0];
	v0 =	vadd.f32 v10, v0  }
0x45a: {  	v14 =	vand.u32 $0x7FFFFFFF, v14;
	v12 =	vsub.f32 v42, v41;
	v41 =	vld [tilespmem:$0x10060];
	v42 =	vsub.f32 v50, v63  }
0x45b: {  	v37 =	vand.u32 $0x7FFFFFFF, v32;
	v2 =	vadd.f32 v14, v2;
	v59 =	vld [tilespmem:$0x1FCF0];
	v0 =	vadd.f32 v8, v0  }
0x45c: {  	v36 =	vand.u32 $0x7FFFFFFF, v16;
	v14 =	vand.u32 $0x7FFFFFFF, v42;
	v42 =	vld [tilespmem:$0x1FC80];
	v11 =	vsub.f32 v40, v39  }
0x45d: {  	v40 =	vand.u32 $0x7FFFFFFF, v62;
	v62 =	vld [tilespmem:$0x1FD10];
	v10 =	vadd.s32 $0x6000, v45;
	v0 =	vadd.f32 v37, v0  }
0x45e: {  	v45 =	vadd.s32 $0x6000, v38;
	v16 =	vadd.s32 $0x6000, v44;
	v44 =	vsub.f32 v48, v57;
	v48 =	vld [tilespmem:$0x1FCB0]  }
0x45f: {  	v38 =	vsub.f32 v52, v58;
	v52 =	vld [tilespmem:$0x10110];
	v50 =	vadd.s32 $0x6000, v41;
	v0 =	vadd.f32 v5, v0  }
0x460: {  	v3 =	vand.u32 $0x7FFFFFFF, v3;
	v57 =	vld [tilespmem:$0x10120];
	v8 =	vadd.s32 $0x6000, v34  }
0x461: {  	v58 =	vld [tilespmem:$0x1FCE0];
	v0 =	vadd.f32 v3, v0  }
0x462: {  	v12 =	vand.u32 $0x7FFFFFFF, v12;
	v34 =	vand.u32 $0x7FFFFFFF, v44;
	v44 =	vld [tilespmem:$0x1FD50]  }
0x463: {  	v2 =	vadd.f32 v12, v2;
	v12 =	vld.idx.msk [tilespmem:v10+s28+$0x0], $0xffff;
	v0 =	vadd.f32 v14, v0  }
0x464: {  	v11 =	vand.u32 $0x7FFFFFFF, v11;
	v4 =	vld.idx.msk [tilespmem:v50+s28+$0x0], $0xffff;
	v3 =	vand.u32 $0x7FFFFFFF, v43  }
0x465: {  	v2 =	vadd.f32 v11, v2;
	v11 =	vld.idx.msk [tilespmem:v8+s6+$0x0], $0xffff;
	v0 =	vadd.f32 v3, v0  }
0x466: {  	v43 =	vld [tilespmem:$0x1FC90]  }
0x467: {  	v14 =	vld.idx.msk [tilespmem:v10+s6+$0x0], $0xffff;
	v22 =	vadd.f32 v22, v0  }
0x468: {  	v10 =	vld.idx.msk [tilespmem:v8+s28+$0x0], $0xffff;
	v3 =	vand.u32 $0x7FFFFFFF, v54  }
0x469: {  	v5 =	vsub.f32 v53, v51;
	v8 =	vld.idx.msk [tilespmem:v45+s6+$0x0], $0xffff;
	v37 =	vadd.f32 v3, v22  }
0x46a: {  	v1 =	vadd.f32 v36, v1;
	v39 =	vand.u32 $0x7FFFFFFF, v33;
	v0 =	vld.idx.msk [tilespmem:v45+s28+$0x0], $0xffff  }
0x46b: {  	v5 =	vand.u32 $0x7FFFFFFF, v5;
	v33 =	vsub.f32 v43, v42;
	v45 =	vld [tilespmem:$0x1FCA0];
	v41 =	vadd.f32 v40, v37  }
0x46c: {  	v51 =	vld [tilespmem:$0x10090];
	v63 =	vadd.f32 v5, v1;
	v22 =	vand.u32 $0x7FFFFFFF, v38  }
0x46d: {  	v1 =	vld.idx.msk [tilespmem:v16+s28+$0x0], $0xffff;
	v33 =	vand.u32 $0x7FFFFFFF, v33;
	v22 =	vadd.f32 v22, v41  }
0x46e: {  	v33 =	vadd.f32 v33, v63;
	v63 =	vld [tilespmem:$0x1FD20]  }
0x46f: {  	v35 =	vsub.f32 v59, v58;
	v40 =	vld [tilespmem:$0x1FD30];
	v22 =	vadd.f32 v34, v22  }
0x470: {  	v18 =	vsub.f32 v18, v31;
	v20 =	vand.u32 $0x7FFFFFFF, v20;
	v3 =	vld.idx.msk [tilespmem:v16+s6+$0x0], $0xffff;
	v16 =	vsub.f32 v48, v45  }
0x471: {  	v2 =	vadd.f32 v39, v2;
	v60 =	vand.u32 $0x7FFFFFFF, v35;
	v35 =	vld [tilespmem:$0x10150];
	v53 =	vadd.f32 v20, v22  }
0x472: {  	v15 =	vsub.f32 v15, v27;
	v18 =	vand.u32 $0x7FFFFFFF, v18;
	v5 =	vld.idx.msk [tilespmem:v50+s6+$0x0], $0xffff;
	v16 =	vand.u32 $0x7FFFFFFF, v16  }
0x473: {  	v50 =	vld [tilespmem:$0x10100];
	v2 =	vadd.f32 v16, v2;
	v16 =	vadd.f32 v18, v53  }
0x474: {  	v15 =	vand.u32 $0x7FFFFFFF, v15;
	v54 =	vld [tilespmem:$0x100A0];
	v37 =	vsub.f32 v40, v63  }
0x475: {  	v41 =	vld [tilespmem:$0x100E0];
	v22 =	vsub.f32 v56, v55;
	v15 =	vadd.f32 v15, v16  }
0x476: {  	v9 =	vsub.f32 v9, v23;
	v13 =	vand.u32 $0x7FFFFFFF, v13;
	v42 =	vand.u32 $0x7FFFFFFF, v37;
	v37 =	vld [tilespmem:$0x10170]  }
0x477: {  	v18 =	vld [tilespmem:$0x100B0];
	v22 =	vand.u32 $0x7FFFFFFF, v22;
	v13 =	vadd.f32 v13, v15  }
0x478: {  	v7 =	vsub.f32 v7, v47;
	v9 =	vand.u32 $0x7FFFFFFF, v9;
	v22 =	vadd.f32 v22, v33;
	v33 =	vld [tilespmem:$0x10140]  }
0x479: {  	v16 =	vld [tilespmem:$0x100C0];
	v9 =	vadd.f32 v9, v13  }
0x47a: {  	v7 =	vand.u32 $0x7FFFFFFF, v7;
	v15 =	vld [tilespmem:$0x100D0]  }
0x47b: {  	v7 =	vadd.f32 v7, v9;
	v9 =	vld [tilespmem:$0x100F0];
	[tilespmem:s29], [sflag:$0x1] =	stream.linear.gather [hbm4b:s21+s6], $0x80, $0x38  }
0x47c: {  	v43 =	vld [tilespmem:$0x1FD40];
	_ =	swait.ge [sflag:s26], $0x80  }
0x47d: {  	[sflag:s26] =	ssyncset.done $0x0  }
0x47e: {  	[sflag:s26] =	ssyncadd.s32 $0xFFFFFF80  }
0x47f: {  	v45 =	vld [tilespmem:$0x1FD60];
	[tilespmem:s30], [sflag:$0x1] =	stream.linear.gather [hbm4b:s23+s6], $0x80, $0x38  }
0x480: {  	v6 =	vsub.f32 v6, v46;
	v46 =	vld [tilespmem:$0x1FD70];
	_ =	swait.ge [sflag:s26], $0x80  }
0x481: {  	v47 =	vsub.f32 v24, v50;
	[sflag:s26] =	ssyncset.done $0x0;
	v50 =	vld [tilespmem:$0x1FD80]  }
0x482: {  	v48 =	vsub.f32 v28, v51;
	v51 =	vld [tilespmem:$0x1FD90];
	[sflag:s26] =	ssyncadd.s32 $0xFFFFFF80  }
0x483: {  	v21 =	vsub.f32 v21, v52;
	v52 =	vld [tilespmem:$0x1FDA0];
	[tilespmem:s31], [sflag:$0x1] =	stream.linear.gather [hbm4b:s24+s6], $0x80, $0x38  }
0x484: {  	v53 =	vld [tilespmem:$0x1FDB0];
	_ =	swait.ge [sflag:s26], $0x80  }
0x485: {  	v59 =	vld [tilespmem:$0x1FDC0]  }
0x486: {  	v2 =	vadd.f32 v60, v2;
	v60 =	vld [tilespmem:$0x1FDD0]  }
0x487: {  	v23 =	vsub.f32 v62, v61;
	v62 =	vld [tilespmem:$0x1FDE0]  }
0x488: {  	v63 =	vld [tilespmem:$0x1FDF0]  }
0x489: {  	v56 =	vsub.f32 v25, v57;
	v25 =	vld [tilespmem:$0x1FE00]  }
0x48a: {  	v12 =	vsub.f32 v12, v26;
	v26 =	vld [tilespmem:$0x1FE10]  }
0x48b: {  	v27 =	vld [tilespmem:$0x1FE20]  }
0x48c: {  	v19 =	vand.u32 $0x7FFFFFFF, v19;
	v28 =	vld [tilespmem:$0x1FE30]  }
0x48d: {  	v7 =	vadd.f32 v19, v7;
	v36 =	vld [tilespmem:$0x1FE40]  }
0x48e: {  	v6 =	vand.u32 $0x7FFFFFFF, v6;
	v17 =	vsub.f32 v17, v49;
	v38 =	vld [tilespmem:$0x1FE50]  }
0x48f: {  	v6 =	vadd.f32 v6, v7;
	v40 =	vld [tilespmem:$0x1FE60]  }
0x490: {  	v17 =	vand.u32 $0x7FFFFFFF, v17;
	v23 =	vand.u32 $0x7FFFFFFF, v23;
	v5 =	vsub.f32 v5, v41;
	v41 =	vld [tilespmem:$0x1FE70]  }
0x491: {  	v19 =	vsub.f32 v44, v43;
	v7 =	vand.u32 $0x7FFFFFFF, v47;
	v6 =	vadd.f32 v17, v6;
	v47 =	vld [tilespmem:$0x1FE80]  }
0x492: {  	v22 =	vadd.f32 v23, v22;
	v17 =	vand.u32 $0x7FFFFFFF, v48;
	v48 =	vld [tilespmem:$0x1FE90]  }
0x493: {  	v19 =	vand.u32 $0x7FFFFFFF, v19;
	v6 =	vadd.f32 v7, v6;
	[sflag:s26] =	ssyncset.done $0x0;
	v7 =	vsub.f32 v51, v50;
	v51 =	vld [tilespmem:$0x1FEA0]  }
0x494: {  	v19 =	vadd.f32 v19, v22;
	v22 =	vsub.f32 v53, v52;
	[sflag:s26] =	ssyncadd.s32 $0xFFFFFF80;
	v52 =	vld [tilespmem:$0x1FEB0]  }
0x495: {  	v58 =	vld [tilespmem:$0x10000]  }
0x496: {  	v24 =	vld [tilespmem:$0x10010]  }
0x497: {  	v31 =	vld [tilespmem:$0x10020]  }
0x498: {  	v0 =	vsub.f32 v0, v35;
	v35 =	vld [tilespmem:$0x10080]  }
0x499: {  	v23 =	vsub.f32 v46, v45;
	v39 =	vld [tilespmem:$0x10100]  }
0x49a: {  	v2 =	vadd.f32 v42, v2;
	v43 =	vld [tilespmem:$0x10030]  }
0x49b: {  	v49 =	vand.u32 $0x7FFFFFFF, v23;
	v46 =	vld [tilespmem:$0x10090]  }
0x49c: {  	v2 =	vadd.f32 v49, v2;
	v6 =	vadd.f32 v17, v6;
	v49 =	vld [tilespmem:$0x10110]  }
0x49d: {  	v55 =	vand.u32 $0x7FFFFFFF, v21;
	v53 =	vld [tilespmem:$0x10040]  }
0x49e: {  	v6 =	vadd.f32 v55, v6;
	v55 =	vld [tilespmem:$0x100A0]  }
0x49f: {  	v4 =	vsub.f32 v4, v30;
	v54 =	vsub.f32 v29, v54;
	v30 =	vld [tilespmem:$0x100C0];
	v57 =	vand.u32 $0x7FFFFFFF, v22  }
0x4a0: {  	v7 =	vand.u32 $0x7FFFFFFF, v7;
	v2 =	vadd.f32 v57, v2;
	v57 =	vld [tilespmem:$0x10120]  }
0x4a1: {  	v17 =	vand.u32 $0x7FFFFFFF, v54;
	v7 =	vadd.f32 v7, v19;
	v20 =	vsub.f32 v60, v59;
	v59 =	vld [tilespmem:$0x1FED0]  }
0x4a2: {  	v6 =	vadd.f32 v17, v6;
	v19 =	vsub.f32 v63, v62;
	v62 =	vld [tilespmem:$0x1FEE0]  }
0x4a3: {  	v61 =	vand.u32 $0x7FFFFFFF, v56;
	v14 =	vsub.f32 v14, v18;
	v11 =	vsub.f32 v11, v16;
	v63 =	vld [tilespmem:$0x1FEF0]  }
0x4a4: {  	v16 =	vsub.f32 v41, v40;
	v40 =	vld [tilespmem:$0x1FF70];
	v6 =	vadd.f32 v61, v6  }
0x4a5: {  	v14 =	vand.u32 $0x7FFFFFFF, v14;
	v3 =	vsub.f32 v3, v9;
	v41 =	vld [tilespmem:$0x10150]  }
0x4a6: {  	v9 =	vsub.f32 v48, v47;
	v47 =	vld [tilespmem:$0x1FF80];
	v6 =	vadd.f32 v14, v6  }
0x4a7: {  	v12 =	vand.u32 $0x7FFFFFFF, v12;
	v48 =	vld [tilespmem:$0x1FF90]  }
0x4a8: {  	v61 =	vld [tilespmem:$0x10050];
	v6 =	vadd.f32 v12, v6  }
0x4a9: {  	v10 =	vsub.f32 v10, v33;
	v11 =	vand.u32 $0x7FFFFFFF, v11;
	v23 =	vadd.s32 $0x7000, v58;
	v58 =	vld [tilespmem:$0x1FEC0]  }
0x4aa: {  	v21 =	vand.u32 $0x7FFFFFFF, v20;
	v20 =	vld [tilespmem:$0x100B0];
	v6 =	vadd.f32 v11, v6  }
0x4ab: {  	v10 =	vand.u32 $0x7FFFFFFF, v10;
	v8 =	vsub.f32 v8, v15;
	v42 =	vadd.s32 $0x7000, v31;
	v31 =	vld [tilespmem:$0x10070]  }
0x4ac: {  	v45 =	vand.u32 $0x7FFFFFFF, v16;
	v16 =	vsub.f32 v52, v51;
	v51 =	vld [tilespmem:$0x1FFB0];
	v6 =	vadd.f32 v10, v6  }
0x4ad: {  	v8 =	vand.u32 $0x7FFFFFFF, v8;
	v52 =	vld [tilespmem:$0x100F0]  }
0x4ae: {  	v7 =	vadd.f32 v21, v7;
	v21 =	vld [tilespmem:$0x10130];
	v6 =	vadd.f32 v8, v6  }
0x4af: {  	v0 =	vand.u32 $0x7FFFFFFF, v0;
	v14 =	vsub.f32 v28, v27;
	v27 =	vld [tilespmem:$0x1FF10]  }
0x4b0: {  	v22 =	vand.u32 $0x7FFFFFFF, v19;
	v33 =	vadd.s32 $0x7000, v24;
	v28 =	vld [tilespmem:$0x1FF20];
	v0 =	vadd.f32 v0, v6  }
0x4b1: {  	v5 =	vand.u32 $0x7FFFFFFF, v5;
	v2 =	vadd.f32 v22, v2;
	v12 =	vsub.f32 v26, v25;
	v26 =	vld [tilespmem:$0x1FF00]  }
0x4b2: {  	v14 =	vand.u32 $0x7FFFFFFF, v14;
	v32 =	vld.idx.msk [tilespmem:v23+s6+$0x0], $0xffff;
	v0 =	vadd.f32 v5, v0  }
0x4b3: {  	v4 =	vand.u32 $0x7FFFFFFF, v4;
	v2 =	vadd.f32 v14, v2;
	v14 =	vsub.f32 v38, v36;
	v36 =	vld [tilespmem:$0x1FF50]  }
0x4b4: {  	v1 =	vsub.f32 v1, v37;
	v34 =	vld.idx.msk [tilespmem:v23+s28+$0x0], $0xffff;
	v0 =	vadd.f32 v4, v0  }
0x4b5: {  	v3 =	vand.u32 $0x7FFFFFFF, v3;
	v44 =	vld.idx.msk [tilespmem:v33+s6+$0x0], $0xffff  }
0x4b6: {  	v1 =	vand.u32 $0x7FFFFFFF, v1;
	v29 =	vand.u32 $0x7FFFFFFF, v12;
	v11 =	vld.idx.msk [tilespmem:v33+s28+$0x0], $0xffff;
	v0 =	vadd.f32 v3, v0  }
0x4b7: {  	v9 =	vand.u32 $0x7FFFFFFF, v9;
	v50 =	vld.idx.msk [tilespmem:v42+s6+$0x0], $0xffff;
	v7 =	vadd.f32 v29, v7;
	v8 =	vsub.f32 v32, v35  }
0x4b8: {  	v12 =	vadd.s32 $0x7000, v43;
	v23 =	vld [tilespmem:$0x10060];
	v14 =	vand.u32 $0x7FFFFFFF, v14;
	v0 =	vadd.f32 v1, v0  }
0x4b9: {  	v43 =	vld [tilespmem:$0x100E0];
	v7 =	vadd.f32 v14, v7;
	v56 =	vsub.f32 v34, v39;
	v8 =	vand.u32 $0x7FFFFFFF, v8  }
0x4ba: {  	v25 =	vadd.s32 $0x7000, v61;
	v13 =	vsub.f32 v59, v58;
	v58 =	vld [tilespmem:$0x1FFD0];
	v0 =	vadd.f32 v8, v0  }
0x4bb: {  	v59 =	vld [tilespmem:$0x1FFE0];
	v7 =	vadd.f32 v9, v7;
	v9 =	vand.u32 $0x7FFFFFFF, v56;
	v5 =	vsub.f32 v44, v46  }
0x4bc: {  	v6 =	vld.idx.msk [tilespmem:v42+s28+$0x0], $0xffff;
	v0 =	vadd.f32 v9, v0  }
0x4bd: {  	v29 =	vld [tilespmem:$0x1FF30];
	v5 =	vand.u32 $0x7FFFFFFF, v5;
	v4 =	vsub.f32 v11, v49;
	v3 =	vadd.s32 $0x7000, v53  }
0x4be: {  	v54 =	vand.u32 $0x7FFFFFFF, v16;
	v60 =	vld.idx.msk [tilespmem:v12+s6+$0x0], $0xffff;
	v0 =	vadd.f32 v5, v0  }
0x4bf: {  	v16 =	vsub.f32 v63, v62;
	v33 =	vld.idx.msk [tilespmem:v25+s6+$0x0], $0xffff;
	v4 =	vand.u32 $0x7FFFFFFF, v4;
	v1 =	vsub.f32 v50, v55  }
0x4c0: {  	v2 =	vadd.f32 v45, v2;
	v18 =	vld.idx.msk [tilespmem:v12+s28+$0x0], $0xffff;
	v0 =	vadd.f32 v4, v0  }
0x4c1: {  	v38 =	vld.idx.msk [tilespmem:v25+s28+$0x0], $0xffff;
	v6 =	vsub.f32 v6, v57;
	v1 =	vand.u32 $0x7FFFFFFF, v1  }
0x4c2: {  	v22 =	vand.u32 $0x7FFFFFFF, v16;
	v2 =	vadd.f32 v54, v2;
	v24 =	vld.idx.msk [tilespmem:v3+s6+$0x0], $0xffff;
	v0 =	vadd.f32 v1, v0  }
0x4c3: {  	v14 =	vsub.f32 v27, v26;
	v32 =	vld [tilespmem:$0x10140];
	v6 =	vand.u32 $0x7FFFFFFF, v6;
	v8 =	vsub.f32 v60, v20  }
0x4c4: {  	v19 =	vand.u32 $0x7FFFFFFF, v13;
	v2 =	vadd.f32 v22, v2;
	v3 =	vld.idx.msk [tilespmem:v3+s28+$0x0], $0xffff;
	v0 =	vadd.f32 v6, v0  }
0x4c5: {  	v13 =	vadd.s32 $0x7000, v23;
	v35 =	vld [tilespmem:$0x1FF40];
	v8 =	vand.u32 $0x7FFFFFFF, v8;
	v5 =	vsub.f32 v18, v21  }
0x4c6: {  	v34 =	vld [tilespmem:$0x100D0];
	v10 =	vsub.f32 v29, v28;
	v0 =	vadd.f32 v8, v0  }
0x4c7: {  	v39 =	vld [tilespmem:$0x1FF60];
	v7 =	vadd.f32 v19, v7;
	v37 =	vand.u32 $0x7FFFFFFF, v5;
	v1 =	vsub.f32 v24, v30  }
0x4c8: {  	v10 =	vand.u32 $0x7FFFFFFF, v10;
	v46 =	vld [tilespmem:$0x10160];
	v11 =	vadd.s32 $0x7000, v31;
	v0 =	vadd.f32 v37, v0  }
0x4c9: {  	v2 =	vadd.f32 v10, v2;
	v50 =	vld [tilespmem:$0x1FFA0];
	v3 =	vsub.f32 v3, v32;
	v1 =	vand.u32 $0x7FFFFFFF, v1  }
0x4ca: {  	v14 =	vand.u32 $0x7FFFFFFF, v14;
	v10 =	vsub.f32 v36, v35;
	v42 =	vld.idx.msk [tilespmem:v13+s6+$0x0], $0xffff;
	v0 =	vadd.f32 v1, v0  }
0x4cb: {  	v7 =	vadd.f32 v14, v7;
	v45 =	vld.idx.msk [tilespmem:v13+s28+$0x0], $0xffff;
	v3 =	vand.u32 $0x7FFFFFFF, v3;
	v8 =	vsub.f32 v33, v34  }
0x4cc: {  	v12 =	vsub.f32 v40, v39;
	v57 =	vld [tilespmem:$0x1FFC0];
	v10 =	vand.u32 $0x7FFFFFFF, v10;
	v0 =	vadd.f32 v3, v0  }
0x4cd: {  	v7 =	vadd.f32 v10, v7;
	v49 =	vld.idx.msk [tilespmem:v11+s6+$0x0], $0xffff;
	v4 =	vsub.f32 v38, v41;
	v8 =	vand.u32 $0x7FFFFFFF, v8  }
0x4ce: {  	v44 =	vand.u32 $0x7FFFFFFF, v12;
	v60 =	vld [tilespmem:$0x1FFF0];
	v12 =	vsub.f32 v51, v50;
	v0 =	vadd.f32 v8, v0  }
0x4cf: {  	v2 =	vadd.f32 v44, v2;
	v55 =	vld [tilespmem:$0x10170];
	v4 =	vand.u32 $0x7FFFFFFF, v4;
	v1 =	vsub.f32 v42, v43  }
0x4d0: {  	v54 =	vld.idx.msk [tilespmem:v11+s28+$0x0], $0xffff;
	v9 =	vsub.f32 v48, v47;
	v56 =	vand.u32 $0x7FFFFFFF, v12;
	v0 =	vadd.f32 v4, v0  }
0x4d1: {  	v2 =	vadd.f32 v56, v2;
	v3 =	vsub.f32 v45, v46;
	v1 =	vand.u32 $0x7FFFFFFF, v1  }
0x4d2: {  	v53 =	vand.u32 $0x7FFFFFFF, v9;
	v5 =	vsub.f32 v49, v52;
	v0 =	vadd.f32 v1, v0  }
0x4d3: {  	v6 =	vadd.f32 v53, v7;
	v7 =	vsub.f32 v60, v59;
	v3 =	vand.u32 $0x7FFFFFFF, v3  }
0x4d4: {  	v1 =	vsub.f32 v58, v57;
	v0 =	vadd.f32 v3, v0  }
0x4d5: {  	v61 =	vsub.f32 v54, v55;
	v62 =	vand.u32 $0x7FFFFFFF, v5;
	v63 =	vand.u32 $0x7FFFFFFF, v7  }
0x4d6: {  	v2 =	vadd.f32 v63, v2;
	v1 =	vand.u32 $0x7FFFFFFF, v1;
	v0 =	vadd.f32 v62, v0  }
0x4d7: {  	v3 =	vand.u32 $0x7FFFFFFF, v61;
	v1 =	vadd.f32 v1, v6  }
0x4d8: {  	[tilespmem:$0x10190] =	vst v2;
	v0 =	vadd.f32 v3, v0  }
0x4d9: {  	p0 =	sne.s32 s25, $0x1;
	[tilespmem:$0x10180] =	vst v1  }
.Ltmp0:
0x4da: {  	[tilespmem:$0x101A0] =	vst v0;
	(pc) =	sbr.rel @p0 .LBB2_1-.Ltmp0, $4  }
0x4db: {  	[hbm4b:s22+s6] =	stream.linear.scatter [tilespmem:s4], [sflag:$0x1], $0x30, $0x38;
	[tilespmem:$0x10200] =	vst v63  }
0x4dc: {  	_ =	swait.ge [sflag:s26], $0x30  }
0x4dd: {  	[sflag:s26] =	ssyncset.done $0x0  }
0x4de: {  	s25 =	sadd.s32 $0xFFFFFFFF, s25;
	[sflag:s26] =	ssyncadd.s32 $0xFFFFFFD0  }
0x4df: {  	_ =	sfence.sel $0x180000  }
0x4e0: {  	[bflag:$0x0] =	sbarrier.arrive $0xFFFF  }
0x4e1: {  	_ =	strace $0x90000047  }
0x4e2: {  	s0 =	stileid.u32;
	[bflag:$0x2] =	sbarrier.arrive $0xFFFF  }
0x4e3: {  	p0 =	sne.s32 s0, $0x0;
	s0 =	rddreg [dreg:$0x7]  }
0x4e4: {  	s0 =	sadd.s32 @!p0 $0x100000, s0  }
0x4e5: {  	[sflag:s0] =	ssyncadd.tile.s32 @!p0 $0x1;
	_ =	shalt  }
.Lfunc_end2:
_tile_overlayer_lowered:
.L_overlay_start_2:
0x4e6: {  	(tag) =	ssettag $0x2  }
0x4e7: {  	s0 =	rddreg [dreg:$0x0];
	s2 =	stileid.u32  }
0x4e8: {  	s1 =	rddreg [dreg:$0x1];
	p0 =	sne.s32 s2, $0x0  }
0x4e9: {  	s3 =	rddreg [dreg:$0x2];
	[bflag:$0x3] =	sbarrier.arrive $0xFFFF;
	s2 =	simm.s32 @!p0 $0x1C01  }
0x4ea: {  	[timem:s3], [sflag:s2] =	dma.local @!p0 [hbm:s0], s1  }
0x4eb: {  	s0 =	simm.s32 @!p0 $0x1  }
0x4ec: {  	_ =	swait.ge @!p0 [sflag:s0], s1  }
0x4ed: {  	s1 =	ssub.s32 @!p0 $0x0, s1;
	[sflag:s0] =	ssyncset.done @!p0 $0x0  }
0x4ee: {  	[sflag:s0] =	ssyncadd.s32 @!p0 s1  }
0x4ef: {  	[bflag:$0x3] =	sbarrier.arrive $0xFFFF  }
0x4f0: {  	_ =	shalt  }

</sc_bundles>
